<compile_context>
chip_gen: v7x
topology: tpu7x:2x2x1
jax: 0.10.2.dev20260603
libtpu: 0.0.44.dev20260713+nightly
codegen_flags: <defaults>
</compile_context>

<pallas_src>
import functools
import math

import jax
import jax.numpy as jnp
from jax import lax
from jax.experimental import pallas as pl
from jax.experimental.pallas import tpu as pltpu
from jax.experimental.pallas import tpu_sc as plsc

_S, _H = 2048, 1024
_NH, _NL, _MS, _TK = 16, 64, 512, 32
_HD = _H // _NH
_BLK = 512
_NBLK = _S // _BLK
_NEG = float("-inf")
_RPW = _S // 32


def _landmark_kv_body(hs3_ref, wk_ref, bk_ref, wv_ref, bv_ref,
                      k_ref, v_ref, p_ref):
    hs3 = hs3_ref[...]
    imp = jnp.sqrt(jnp.sum(hs3 * hs3, axis=2))
    r_io = lax.broadcasted_iota(jnp.int32, (16, 128), 0)
    c_io = lax.broadcasted_iota(jnp.int32, (16, 128), 1)
    flat = r_io * 128 + c_io
    work = imp
    for i in range(_NL):
        m = jnp.max(work, axis=(0, 1), keepdims=True)
        idx = jnp.min(jnp.where(work >= m, flat, _S),
                      axis=(0, 1), keepdims=True)
        hit = flat == idx
        p_ref[i, :, :] = hit.astype(jnp.bfloat16)
        work = jnp.where(hit, _NEG, work)
    hs3b = hs3.astype(jnp.bfloat16)
    lm = jnp.zeros((_NL, _H), dtype=jnp.float32)
    for r in range(16):
        lm = lm + jnp.dot(p_ref[:, r, :], hs3b[r],
                          preferred_element_type=jnp.float32)
    lmb = lm.astype(jnp.bfloat16)
    k_ref[...] = jnp.dot(lmb, wk_ref[...].T,
                         preferred_element_type=jnp.float32) + bk_ref[...]
    v_ref[...] = jnp.dot(lmb, wv_ref[...].T,
                         preferred_element_type=jnp.float32) + bv_ref[...]


def _attn_ms_body(hs_ref, wq_ref, bq_ref, wo_ref, bo_ref, mk_ref,
                  wg_ref, bg_ref, k_ref, v_ref, part_ref, gate_ref, ms_ref):
    hs = hs_ref[...]
    hsb = hs.astype(jnp.bfloat16)
    q = jnp.dot(hsb, wq_ref[...].T,
                preferred_element_type=jnp.float32) + bq_ref[...]
    k = k_ref[...].astype(jnp.bfloat16)
    v = v_ref[...].astype(jnp.bfloat16)
    scale = 1.0 / math.sqrt(_HD)
    ctx_parts = []
    for h in range(_NH):
        sl = slice(h * _HD, (h + 1) * _HD)
        qh = q[:, sl].astype(jnp.bfloat16)
        s = jnp.dot(qh, k[:, sl].T, preferred_element_type=jnp.float32) * scale
        s = s - jnp.max(s, axis=1, keepdims=True)
        e = jnp.exp(s)
        a = (e / jnp.sum(e, axis=1, keepdims=True)).astype(jnp.bfloat16)
        ctx_parts.append(jnp.dot(a, v[:, sl], preferred_element_type=jnp.float32))
    ctx = jnp.concatenate(ctx_parts, axis=1).astype(jnp.bfloat16)
    att = jnp.dot(ctx, wo_ref[...].T,
                  preferred_element_type=jnp.float32) + bo_ref[...]
    part_ref[...] = hs + att
    gate_ref[...] = jax.nn.sigmoid(
        jnp.sum(att * wg_ref[...], axis=1, keepdims=True) + bg_ref[0, 0])
    ms_ref[...] = jnp.dot(att.astype(jnp.bfloat16), mk_ref[...].T,
                          preferred_element_type=jnp.float32) * (1.0 / math.sqrt(_H))


def _sorta(x):
    r = plsc.sort_key_val(x, x)
    return r[0] if isinstance(r, (tuple, list)) else r


def _sc_topk_body(ms_hbm, th_hbm, msv, thv):
    cid = lax.axis_index("c")
    sid = lax.axis_index("s")
    wid = sid * 2 + cid
    base = wid * _RPW
    pltpu.sync_copy(ms_hbm.at[pl.ds(base, _RPW), :], msv)
    lane = lax.iota(jnp.int32, 16)

    def row_body(r, accs):
        xs = [_sorta(msv[r, pl.ds(16 * j, 16)]) for j in range(32)]
        runs = []
        for p in range(16):
            a, b = xs[2 * p], xs[2 * p + 1]
            br = lax.rev(b, (0,))
            runs.append((_sorta(jnp.minimum(a, br)),
                         _sorta(jnp.maximum(a, br))))
        while len(runs) > 1:
            nxt = []
            for p in range(len(runs) // 2):
                (a0, a1), (b0, b1) = runs[2 * p], runs[2 * p + 1]
                c0 = jnp.maximum(a0, lax.rev(b1, (0,)))
                c1 = jnp.maximum(a1, lax.rev(b0, (0,)))
                d0 = jnp.minimum(c0, c1)
                d1 = jnp.maximum(c0, c1)
                nxt.append((_sorta(d0), _sorta(d1)))
            runs = nxt
        lo, _ = runs[0]
        th = jnp.min(lo)
        g = r // 16
        l = jnp.remainder(r, 16)
        return tuple(
            jnp.where(jnp.logical_and(g == gi, lane == l), th, accs[gi])
            for gi in range(_RPW // 16))

    zero = jnp.zeros((16,), jnp.float32)
    accs = lax.fori_loop(0, _RPW, row_body,
                         tuple(zero for _ in range(_RPW // 16)))
    for gi in range(_RPW // 16):
        thv[pl.ds(16 * gi, 16)] = accs[gi]
    pltpu.sync_copy(thv, th_hbm.at[pl.ds(base, _RPW)])


def _finish_body(part_ref, gate_ref, ms_ref, th_ref, mv_ref, out_ref):
    ms = ms_ref[...]
    thc = th_ref[0]
    sel = ms >= thc
    masked = jnp.where(sel, ms, _NEG)
    mx = jnp.max(masked, axis=1, keepdims=True)
    e = jnp.exp(masked - mx)
    w = (e / jnp.sum(e, axis=1, keepdims=True)).astype(jnp.bfloat16)
    mo = jnp.dot(w, mv_ref[...], preferred_element_type=jnp.float32)
    out_ref[...] = part_ref[...] + gate_ref[...] * mo


def kernel(hidden_states, Wq, bq, Wk, bk, Wv, bv, Wo, bo,
           mem_keys, mem_values, Wg, bg):
    f32, bf16 = jnp.float32, jnp.bfloat16
    hs = hidden_states.reshape(_S, _H)
    hs3 = hidden_states.reshape(16, 128, _H)
    bk2 = bk.reshape(1, _H)
    bv2 = bv.reshape(1, _H)
    bq2 = bq.reshape(1, _H)
    bo2 = bo.reshape(1, _H)
    wg2 = Wg.reshape(1, _H)
    bg2 = bg.reshape(1, 1)

    k, v = pl.pallas_call(
        _landmark_kv_body,
        out_shape=(
            jax.ShapeDtypeStruct((_NL, _H), f32),
            jax.ShapeDtypeStruct((_NL, _H), f32),
        ),
        scratch_shapes=[pltpu.VMEM((_NL, 16, 128), bf16)],
    )(hs3, Wk.astype(bf16), bk2, Wv.astype(bf16), bv2)

    full = lambda shape: pl.BlockSpec(shape, lambda i: tuple(0 for _ in shape))
    blk = pl.BlockSpec((_BLK, _H), lambda i: (i, 0))
    part, gate, ms = pl.pallas_call(
        _attn_ms_body,
        grid=(_NBLK,),
        in_specs=[
            blk,
            full((_H, _H)),
            full((1, _H)),
            full((_H, _H)),
            full((1, _H)),
            full((_MS, _H)),
            full((1, _H)),
            full((1, 1)),
            full((_NL, _H)),
            full((_NL, _H)),
        ],
        out_specs=(blk,
                   pl.BlockSpec((_BLK, 1), lambda i: (i, 0)),
                   pl.BlockSpec((_BLK, _MS), lambda i: (i, 0))),
        out_shape=(
            jax.ShapeDtypeStruct((_S, _H), f32),
            jax.ShapeDtypeStruct((_S, 1), f32),
            jax.ShapeDtypeStruct((_S, _MS), f32),
        ),
    )(hs, Wq.astype(bf16), bq2, Wo.astype(bf16), bo2, mem_keys.astype(bf16),
      wg2, bg2, k, v)

    mesh = plsc.VectorSubcoreMesh(core_axis_name="c", subcore_axis_name="s")
    th = pl.kernel(
        _sc_topk_body,
        mesh=mesh,
        compiler_params=pltpu.CompilerParams(needs_layout_passes=False),
        out_type=jax.ShapeDtypeStruct((_S,), f32),
        scratch_types=[
            pltpu.VMEM((_RPW, _MS), f32),
            pltpu.VMEM((_RPW,), f32),
        ],
    )(ms)

    th3 = th.reshape(_NBLK, _BLK, 1)
    out = pl.pallas_call(
        _finish_body,
        grid=(_NBLK,),
        in_specs=[
            blk,
            pl.BlockSpec((_BLK, 1), lambda i: (i, 0)),
            pl.BlockSpec((_BLK, _MS), lambda i: (i, 0)),
            pl.BlockSpec((1, _BLK, 1), lambda i: (i, 0, 0)),
            full((_MS, _H)),
        ],
        out_specs=blk,
        out_shape=jax.ShapeDtypeStruct((_S, _H), f32),
    )(part, gate, ms, th3, mem_values.astype(bf16))
    return out.reshape(1, _S, _H)

# --- scband reference (transcript-rebuilt; emitter-appended) ---
"""Pipeline reference for scband-infinite-context-model-6992206758354 (READ-ONLY COPY).

The authoritative reference and input builder live on the scoring server;
editing this copy changes nothing except your own understanding.
"""

import math
import jax, jax.numpy as jnp
import numpy as np

B, S, H = 1, 2048, 1024
NH, NL, MS, TK = 16, 64, 512, 32


def setup_inputs(seed: int = 0) -> dict:
    key = jax.random.key(seed)
    ks = jax.random.split(key, 14)
    s = 0.02
    return {
        "hidden_states": jax.random.normal(ks[0], (B, S, H), dtype=jnp.float32),
        "Wq": jax.random.normal(ks[1], (H, H), dtype=jnp.float32) * s,
        "bq": jnp.zeros((H,), dtype=jnp.float32),
        "Wk": jax.random.normal(ks[2], (H, H), dtype=jnp.float32) * s,
        "bk": jnp.zeros((H,), dtype=jnp.float32),
        "Wv": jax.random.normal(ks[3], (H, H), dtype=jnp.float32) * s,
        "bv": jnp.zeros((H,), dtype=jnp.float32),
        "Wo": jax.random.normal(ks[4], (H, H), dtype=jnp.float32) * s,
        "bo": jnp.zeros((H,), dtype=jnp.float32),
        "mem_keys": jax.random.normal(ks[5], (MS, H), dtype=jnp.float32) * s,
        "mem_values": jax.random.normal(ks[6], (MS, H), dtype=jnp.float32) * s,
        "Wg": jax.random.normal(ks[7], (1, H), dtype=jnp.float32) * s,
        "bg": jnp.zeros((1,), dtype=jnp.float32),
    }


def reference(hidden_states, Wq, bq, Wk, bk, Wv, bv, Wo, bo, mem_keys, mem_values, Wg, bg):
    b, s, h = hidden_states.shape
    # --- LandmarkAttention.select_landmarks (selection_method='attention', no attn weights) ---
    importance = jnp.linalg.norm(hidden_states, axis=-1)  # [B, S]
    _, lidx = jax.lax.top_k(importance, NL)               # [B, NL]
    lidx = jnp.sort(lidx, axis=-1)
    landmark_hidden = jnp.take_along_axis(hidden_states, lidx[:, :, None], axis=1)  # [B, NL, H]
    # --- LandmarkAttention.forward ---
    q = hidden_states @ Wq.T + bq
    k = landmark_hidden @ Wk.T + bk
    v = landmark_hidden @ Wv.T + bv
    hd = h // NH
    q = q.reshape(b, s, NH, hd).transpose(0, 2, 1, 3)
    k = k.reshape(b, NL, NH, hd).transpose(0, 2, 1, 3)
    v = v.reshape(b, NL, NH, hd).transpose(0, 2, 1, 3)
    scale = math.sqrt(hd)
    scores = jnp.matmul(q, jnp.swapaxes(k, -2, -1)) / scale
    attn = jax.nn.softmax(scores, axis=-1)
    ctx = jnp.matmul(attn, v)
    ctx = ctx.transpose(0, 2, 1, 3).reshape(b, s, h)
    attended = ctx @ Wo.T + bo
    # --- MemoryBank.read(query=attended, top_k=TK) ---
    mscale = math.sqrt(h)
    mscores = attended @ mem_keys.T / mscale              # [B, S, MS]
    top_scores, top_idx = jax.lax.top_k(mscores, TK)      # [B, S, TK]
    top_values = mem_values[top_idx]                      # [B, S, TK, H] gather
    mattn = jax.nn.softmax(top_scores, axis=-1)
    memory_output = jnp.einsum('bsk,bskh->bsh', mattn, top_values)
    gate = jax.nn.sigmoid(attended @ Wg.T + bg)           # [B, S, 1]
    memory_output = gate * memory_output
    # --- combine (residual) ---
    return hidden_states + attended + memory_output


if False:  # reference __main__ guard neutralized (emitter)
    out = reference(**setup_inputs())
    print(out.shape, out.dtype)

if __name__ == "__main__":
    import jax
    _d = setup_inputs()
    print(jax.jit(kernel)(*tuple(_d.values())))

</pallas_src>

<mosaic_0001>
#map = affine_map<(d0, d1) -> (0, 0)>
#map1 = affine_map<(d0, d1) -> (0)>
module attributes {stable_mosaic.version = 14 : i64} {
  func.func @_sc_topk_body(%arg0: i32, %arg1: i32, %arg2: memref<2048x512xf32, #tpu.memory_space<hbm>>, %arg3: memref<2048xf32, #tpu.memory_space<hbm>>, %arg4: memref<64x512xf32, #tpu.memory_space<vmem>>, %arg5: memref<64xf32, #tpu.memory_space<vmem>>) attributes {dimension_semantics = [#tpu.dimension_semantics<core_parallel>, #tpu.dimension_semantics<subcore_parallel>], iteration_bounds = array<i64: 2, 16>, scalar_prefetch = 0 : i64, scratch_operands = 2 : i64, tpu.core_type = #tpu.core_type<sc_vector_subcore>, window_params = [{transform_indices = #map}, {transform_indices = #map1}]} {
    %mul3A = arith.constant 2 : i32
    %mul3A_0 = arith.muli %arg1, %mul3A : i32
    %add3A = arith.addi %mul3A_0, %arg0 : i32
    %mul3A_1 = arith.constant 64 : i32
    %mul3A_2 = arith.muli %add3A, %mul3A_1 : i32
    "tpu.region"() ({
      %run_scoped3A = tpu.sem_alloc : memref<!tpu.dma_semaphore, #tpu.memory_space<semaphore_mem>>
      %dma_start3A = arith.constant 0 : i32
      %dma_start3A_16 = tpu.memref_slice %arg2[%mul3A_2, %dma_start3A] : memref<2048x512xf32, #tpu.memory_space<hbm>> -> memref<64x512xf32, #tpu.memory_space<hbm>>
      %dma_start3A_17 = arith.constant 0 : i32
      %dma_start3A_18 = tpu.memref_slice %arg2[%mul3A_2, %dma_start3A_17] : memref<2048x512xf32, #tpu.memory_space<hbm>> -> memref<64x512xf32, #tpu.memory_space<hbm>>
      tpu.enqueue_dma source(%dma_start3A_18 : memref<64x512xf32, #tpu.memory_space<hbm>>) target(%arg4 : memref<64x512xf32, #tpu.memory_space<vmem>>) target_semaphore(%run_scoped3A : memref<!tpu.dma_semaphore, #tpu.memory_space<semaphore_mem>>)
      %dma_wait3A = arith.constant 0 : i32
      %dma_wait3A_19 = tpu.memref_slice %arg2[%mul3A_2, %dma_wait3A] : memref<2048x512xf32, #tpu.memory_space<hbm>> -> memref<64x512xf32, #tpu.memory_space<hbm>>
      %dma_wait3A_20 = arith.constant 0 : i32
      %dma_wait3A_21 = tpu.memref_slice %arg2[%mul3A_2, %dma_wait3A_20] : memref<2048x512xf32, #tpu.memory_space<hbm>> -> memref<64x512xf32, #tpu.memory_space<hbm>>
      tpu.wait_dma2 semaphore(%run_scoped3A : memref<!tpu.dma_semaphore, #tpu.memory_space<semaphore_mem>>) src(%dma_wait3A_21 : memref<64x512xf32, #tpu.memory_space<hbm>>) dst(%arg4 : memref<64x512xf32, #tpu.memory_space<vmem>>)
      tpu.yield
    }) : () -> ()
    %iota3A = tpu.iota {dimensions = array<i32: 0>} : vector<16xi32>
    %broadcast_in_dim3A = arith.constant 0.000000e+00 : f32
    %broadcast_in_dim3A_3 = vector.broadcast %broadcast_in_dim3A : f32 to vector<16xf32>
    %scan3A = arith.constant 0 : i32
    %scan3A_4 = arith.constant 64 : i32
    %scan3A_5 = arith.addi %scan3A, %scan3A_4 : i32
    %scan3A_6 = arith.constant 1 : i32
    %scan3A_7:4 = scf.for %scan3A_16 = %scan3A to %scan3A_5 step %scan3A_6 iter_args(%scan3A_17 = %broadcast_in_dim3A_3, %scan3A_18 = %broadcast_in_dim3A_3, %scan3A_19 = %broadcast_in_dim3A_3, %scan3A_20 = %broadcast_in_dim3A_3) -> (vector<16xf32>, vector<16xf32>, vector<16xf32>, vector<16xf32>)  : i32 {
      %get3A = arith.index_cast %scan3A_16 : i32 to index
      %get3A_21 = arith.constant 0 : index
      %get3A_22 = tpu.vector_load %arg4[%get3A, %get3A_21] {strides = array<i32>} : memref<64x512xf32, #tpu.memory_space<vmem>>, vector<16xf32>,
      %masked_sort3A = arith.constant dense<true> : vector<16xi1>
      %masked_sort3A_23, %masked_sort3A_24, %masked_sort3A_25 = tpu.sort %get3A_22, %get3A_22 masked %masked_sort3A : (vector<16xf32>, vector<16xf32>, vector<16xi1>) -> (vector<16xi1>, vector<16xf32>, vector<16xf32>)
      %get3A_26 = arith.index_cast %scan3A_16 : i32 to index
      %get3A_27 = arith.constant 16 : index
      %get3A_28 = tpu.vector_load %arg4[%get3A_26, %get3A_27] {strides = array<i32>} : memref<64x512xf32, #tpu.memory_space<vmem>>, vector<16xf32>,
      %masked_sort3A_29 = arith.constant dense<true> : vector<16xi1>
      %masked_sort3A_30, %masked_sort3A_31, %masked_sort3A_32 = tpu.sort %get3A_28, %get3A_28 masked %masked_sort3A_29 : (vector<16xf32>, vector<16xf32>, vector<16xi1>) -> (vector<16xi1>, vector<16xf32>, vector<16xf32>)
      %get3A_33 = arith.index_cast %scan3A_16 : i32 to index
      %get3A_34 = arith.constant 32 : index
      %get3A_35 = tpu.vector_load %arg4[%get3A_33, %get3A_34] {strides = array<i32>} : memref<64x512xf32, #tpu.memory_space<vmem>>, vector<16xf32>,
      %masked_sort3A_36 = arith.constant dense<true> : vector<16xi1>
      %masked_sort3A_37, %masked_sort3A_38, %masked_sort3A_39 = tpu.sort %get3A_35, %get3A_35 masked %masked_sort3A_36 : (vector<16xf32>, vector<16xf32>, vector<16xi1>) -> (vector<16xi1>, vector<16xf32>, vector<16xf32>)
      %get3A_40 = arith.index_cast %scan3A_16 : i32 to index
      %get3A_41 = arith.constant 48 : index
      %get3A_42 = tpu.vector_load %arg4[%get3A_40, %get3A_41] {strides = array<i32>} : memref<64x512xf32, #tpu.memory_space<vmem>>, vector<16xf32>,
      %masked_sort3A_43 = arith.constant dense<true> : vector<16xi1>
      %masked_sort3A_44, %masked_sort3A_45, %masked_sort3A_46 = tpu.sort %get3A_42, %get3A_42 masked %masked_sort3A_43 : (vector<16xf32>, vector<16xf32>, vector<16xi1>) -> (vector<16xi1>, vector<16xf32>, vector<16xf32>)
      %get3A_47 = arith.index_cast %scan3A_16 : i32 to index
      %get3A_48 = arith.constant 64 : index
      %get3A_49 = tpu.vector_load %arg4[%get3A_47, %get3A_48] {strides = array<i32>} : memref<64x512xf32, #tpu.memory_space<vmem>>, vector<16xf32>,
      %masked_sort3A_50 = arith.constant dense<true> : vector<16xi1>
      %masked_sort3A_51, %masked_sort3A_52, %masked_sort3A_53 = tpu.sort %get3A_49, %get3A_49 masked %masked_sort3A_50 : (vector<16xf32>, vector<16xf32>, vector<16xi1>) -> (vector<16xi1>, vector<16xf32>, vector<16xf32>)
      %get3A_54 = arith.index_cast %scan3A_16 : i32 to index
      %get3A_55 = arith.constant 80 : index
      %get3A_56 = tpu.vector_load %arg4[%get3A_54, %get3A_55] {strides = array<i32>} : memref<64x512xf32, #tpu.memory_space<vmem>>, vector<16xf32>,
      %masked_sort3A_57 = arith.constant dense<true> : vector<16xi1>
      %masked_sort3A_58, %masked_sort3A_59, %masked_sort3A_60 = tpu.sort %get3A_56, %get3A_56 masked %masked_sort3A_57 : (vector<16xf32>, vector<16xf32>, vector<16xi1>) -> (vector<16xi1>, vector<16xf32>, vector<16xf32>)
      %get3A_61 = arith.index_cast %scan3A_16 : i32 to index
      %get3A_62 = arith.constant 96 : index
      %get3A_63 = tpu.vector_load %arg4[%get3A_61, %get3A_62] {strides = array<i32>} : memref<64x512xf32, #tpu.memory_space<vmem>>, vector<16xf32>,
      %masked_sort3A_64 = arith.constant dense<true> : vector<16xi1>
      %masked_sort3A_65, %masked_sort3A_66, %masked_sort3A_67 = tpu.sort %get3A_63, %get3A_63 masked %masked_sort3A_64 : (vector<16xf32>, vector<16xf32>, vector<16xi1>) -> (vector<16xi1>, vector<16xf32>, vector<16xf32>)
      %get3A_68 = arith.index_cast %scan3A_16 : i32 to index
      %get3A_69 = arith.constant 112 : index
      %get3A_70 = tpu.vector_load %arg4[%get3A_68, %get3A_69] {strides = array<i32>} : memref<64x512xf32, #tpu.memory_space<vmem>>, vector<16xf32>,
      %masked_sort3A_71 = arith.constant dense<true> : vector<16xi1>
      %masked_sort3A_72, %masked_sort3A_73, %masked_sort3A_74 = tpu.sort %get3A_70, %get3A_70 masked %masked_sort3A_71 : (vector<16xf32>, vector<16xf32>, vector<16xi1>) -> (vector<16xi1>, vector<16xf32>, vector<16xf32>)
      %get3A_75 = arith.index_cast %scan3A_16 : i32 to index
      %get3A_76 = arith.constant 128 : index
      %get3A_77 = tpu.vector_load %arg4[%get3A_75, %get3A_76] {strides = array<i32>} : memref<64x512xf32, #tpu.memory_space<vmem>>, vector<16xf32>,
      %masked_sort3A_78 = arith.constant dense<true> : vector<16xi1>
      %masked_sort3A_79, %masked_sort3A_80, %masked_sort3A_81 = tpu.sort %get3A_77, %get3A_77 masked %masked_sort3A_78 : (vector<16xf32>, vector<16xf32>, vector<16xi1>) -> (vector<16xi1>, vector<16xf32>, vector<16xf32>)
      %get3A_82 = arith.index_cast %scan3A_16 : i32 to index
      %get3A_83 = arith.constant 144 : index
      %get3A_84 = tpu.vector_load %arg4[%get3A_82, %get3A_83] {strides = array<i32>} : memref<64x512xf32, #tpu.memory_space<vmem>>, vector<16xf32>,
      %masked_sort3A_85 = arith.constant dense<true> : vector<16xi1>
      %masked_sort3A_86, %masked_sort3A_87, %masked_sort3A_88 = tpu.sort %get3A_84, %get3A_84 masked %masked_sort3A_85 : (vector<16xf32>, vector<16xf32>, vector<16xi1>) -> (vector<16xi1>, vector<16xf32>, vector<16xf32>)
      %get3A_89 = arith.index_cast %scan3A_16 : i32 to index
      %get3A_90 = arith.constant 160 : index
      %get3A_91 = tpu.vector_load %arg4[%get3A_89, %get3A_90] {strides = array<i32>} : memref<64x512xf32, #tpu.memory_space<vmem>>, vector<16xf32>,
      %masked_sort3A_92 = arith.constant dense<true> : vector<16xi1>
      %masked_sort3A_93, %masked_sort3A_94, %masked_sort3A_95 = tpu.sort %get3A_91, %get3A_91 masked %masked_sort3A_92 : (vector<16xf32>, vector<16xf32>, vector<16xi1>) -> (vector<16xi1>, vector<16xf32>, vector<16xf32>)
      %get3A_96 = arith.index_cast %scan3A_16 : i32 to index
      %get3A_97 = arith.constant 176 : index
      %get3A_98 = tpu.vector_load %arg4[%get3A_96, %get3A_97] {strides = array<i32>} : memref<64x512xf32, #tpu.memory_space<vmem>>, vector<16xf32>,
      %masked_sort3A_99 = arith.constant dense<true> : vector<16xi1>
      %masked_sort3A_100, %masked_sort3A_101, %masked_sort3A_102 = tpu.sort %get3A_98, %get3A_98 masked %masked_sort3A_99 : (vector<16xf32>, vector<16xf32>, vector<16xi1>) -> (vector<16xi1>, vector<16xf32>, vector<16xf32>)
      %get3A_103 = arith.index_cast %scan3A_16 : i32 to index
      %get3A_104 = arith.constant 192 : index
      %get3A_105 = tpu.vector_load %arg4[%get3A_103, %get3A_104] {strides = array<i32>} : memref<64x512xf32, #tpu.memory_space<vmem>>, vector<16xf32>,
      %masked_sort3A_106 = arith.constant dense<true> : vector<16xi1>
      %masked_sort3A_107, %masked_sort3A_108, %masked_sort3A_109 = tpu.sort %get3A_105, %get3A_105 masked %masked_sort3A_106 : (vector<16xf32>, vector<16xf32>, vector<16xi1>) -> (vector<16xi1>, vector<16xf32>, vector<16xf32>)
      %get3A_110 = arith.index_cast %scan3A_16 : i32 to index
      %get3A_111 = arith.constant 208 : index
      %get3A_112 = tpu.vector_load %arg4[%get3A_110, %get3A_111] {strides = array<i32>} : memref<64x512xf32, #tpu.memory_space<vmem>>, vector<16xf32>,
      %masked_sort3A_113 = arith.constant dense<true> : vector<16xi1>
      %masked_sort3A_114, %masked_sort3A_115, %masked_sort3A_116 = tpu.sort %get3A_112, %get3A_112 masked %masked_sort3A_113 : (vector<16xf32>, vector<16xf32>, vector<16xi1>) -> (vector<16xi1>, vector<16xf32>, vector<16xf32>)
      %get3A_117 = arith.index_cast %scan3A_16 : i32 to index
      %get3A_118 = arith.constant 224 : index
      %get3A_119 = tpu.vector_load %arg4[%get3A_117, %get3A_118] {strides = array<i32>} : memref<64x512xf32, #tpu.memory_space<vmem>>, vector<16xf32>,
      %masked_sort3A_120 = arith.constant dense<true> : vector<16xi1>
      %masked_sort3A_121, %masked_sort3A_122, %masked_sort3A_123 = tpu.sort %get3A_119, %get3A_119 masked %masked_sort3A_120 : (vector<16xf32>, vector<16xf32>, vector<16xi1>) -> (vector<16xi1>, vector<16xf32>, vector<16xf32>)
      %get3A_124 = arith.index_cast %scan3A_16 : i32 to index
      %get3A_125 = arith.constant 240 : index
      %get3A_126 = tpu.vector_load %arg4[%get3A_124, %get3A_125] {strides = array<i32>} : memref<64x512xf32, #tpu.memory_space<vmem>>, vector<16xf32>,
      %masked_sort3A_127 = arith.constant dense<true> : vector<16xi1>
      %masked_sort3A_128, %masked_sort3A_129, %masked_sort3A_130 = tpu.sort %get3A_126, %get3A_126 masked %masked_sort3A_127 : (vector<16xf32>, vector<16xf32>, vector<16xi1>) -> (vector<16xi1>, vector<16xf32>, vector<16xf32>)
      %get3A_131 = arith.index_cast %scan3A_16 : i32 to index
      %get3A_132 = arith.constant 256 : index
      %get3A_133 = tpu.vector_load %arg4[%get3A_131, %get3A_132] {strides = array<i32>} : memref<64x512xf32, #tpu.memory_space<vmem>>, vector<16xf32>,
      %masked_sort3A_134 = arith.constant dense<true> : vector<16xi1>
      %masked_sort3A_135, %masked_sort3A_136, %masked_sort3A_137 = tpu.sort %get3A_133, %get3A_133 masked %masked_sort3A_134 : (vector<16xf32>, vector<16xf32>, vector<16xi1>) -> (vector<16xi1>, vector<16xf32>, vector<16xf32>)
      %get3A_138 = arith.index_cast %scan3A_16 : i32 to index
      %get3A_139 = arith.constant 272 : index
      %get3A_140 = tpu.vector_load %arg4[%get3A_138, %get3A_139] {strides = array<i32>} : memref<64x512xf32, #tpu.memory_space<vmem>>, vector<16xf32>,
      %masked_sort3A_141 = arith.constant dense<true> : vector<16xi1>
      %masked_sort3A_142, %masked_sort3A_143, %masked_sort3A_144 = tpu.sort %get3A_140, %get3A_140 masked %masked_sort3A_141 : (vector<16xf32>, vector<16xf32>, vector<16xi1>) -> (vector<16xi1>, vector<16xf32>, vector<16xf32>)
      %get3A_145 = arith.index_cast %scan3A_16 : i32 to index
      %get3A_146 = arith.constant 288 : index
      %get3A_147 = tpu.vector_load %arg4[%get3A_145, %get3A_146] {strides = array<i32>} : memref<64x512xf32, #tpu.memory_space<vmem>>, vector<16xf32>,
      %masked_sort3A_148 = arith.constant dense<true> : vector<16xi1>
      %masked_sort3A_149, %masked_sort3A_150, %masked_sort3A_151 = tpu.sort %get3A_147, %get3A_147 masked %masked_sort3A_148 : (vector<16xf32>, vector<16xf32>, vector<16xi1>) -> (vector<16xi1>, vector<16xf32>, vector<16xf32>)
      %get3A_152 = arith.index_cast %scan3A_16 : i32 to index
      %get3A_153 = arith.constant 304 : index
      %get3A_154 = tpu.vector_load %arg4[%get3A_152, %get3A_153] {strides = array<i32>} : memref<64x512xf32, #tpu.memory_space<vmem>>, vector<16xf32>,
      %masked_sort3A_155 = arith.constant dense<true> : vector<16xi1>
      %masked_sort3A_156, %masked_sort3A_157, %masked_sort3A_158 = tpu.sort %get3A_154, %get3A_154 masked %masked_sort3A_155 : (vector<16xf32>, vector<16xf32>, vector<16xi1>) -> (vector<16xi1>, vector<16xf32>, vector<16xf32>)
      %get3A_159 = arith.index_cast %scan3A_16 : i32 to index
      %get3A_160 = arith.constant 320 : index
      %get3A_161 = tpu.vector_load %arg4[%get3A_159, %get3A_160] {strides = array<i32>} : memref<64x512xf32, #tpu.memory_space<vmem>>, vector<16xf32>,
      %masked_sort3A_162 = arith.constant dense<true> : vector<16xi1>
      %masked_sort3A_163, %masked_sort3A_164, %masked_sort3A_165 = tpu.sort %get3A_161, %get3A_161 masked %masked_sort3A_162 : (vector<16xf32>, vector<16xf32>, vector<16xi1>) -> (vector<16xi1>, vector<16xf32>, vector<16xf32>)
      %get3A_166 = arith.index_cast %scan3A_16 : i32 to index
      %get3A_167 = arith.constant 336 : index
      %get3A_168 = tpu.vector_load %arg4[%get3A_166, %get3A_167] {strides = array<i32>} : memref<64x512xf32, #tpu.memory_space<vmem>>, vector<16xf32>,
      %masked_sort3A_169 = arith.constant dense<true> : vector<16xi1>
      %masked_sort3A_170, %masked_sort3A_171, %masked_sort3A_172 = tpu.sort %get3A_168, %get3A_168 masked %masked_sort3A_169 : (vector<16xf32>, vector<16xf32>, vector<16xi1>) -> (vector<16xi1>, vector<16xf32>, vector<16xf32>)
      %get3A_173 = arith.index_cast %scan3A_16 : i32 to index
      %get3A_174 = arith.constant 352 : index
      %get3A_175 = tpu.vector_load %arg4[%get3A_173, %get3A_174] {strides = array<i32>} : memref<64x512xf32, #tpu.memory_space<vmem>>, vector<16xf32>,
      %masked_sort3A_176 = arith.constant dense<true> : vector<16xi1>
      %masked_sort3A_177, %masked_sort3A_178, %masked_sort3A_179 = tpu.sort %get3A_175, %get3A_175 masked %masked_sort3A_176 : (vector<16xf32>, vector<16xf32>, vector<16xi1>) -> (vector<16xi1>, vector<16xf32>, vector<16xf32>)
      %get3A_180 = arith.index_cast %scan3A_16 : i32 to index
      %get3A_181 = arith.constant 368 : index
      %get3A_182 = tpu.vector_load %arg4[%get3A_180, %get3A_181] {strides = array<i32>} : memref<64x512xf32, #tpu.memory_space<vmem>>, vector<16xf32>,
      %masked_sort3A_183 = arith.constant dense<true> : vector<16xi1>
      %masked_sort3A_184, %masked_sort3A_185, %masked_sort3A_186 = tpu.sort %get3A_182, %get3A_182 masked %masked_sort3A_183 : (vector<16xf32>, vector<16xf32>, vector<16xi1>) -> (vector<16xi1>, vector<16xf32>, vector<16xf32>)
      %get3A_187 = arith.index_cast %scan3A_16 : i32 to index
      %get3A_188 = arith.constant 384 : index
      %get3A_189 = tpu.vector_load %arg4[%get3A_187, %get3A_188] {strides = array<i32>} : memref<64x512xf32, #tpu.memory_space<vmem>>, vector<16xf32>,
      %masked_sort3A_190 = arith.constant dense<true> : vector<16xi1>
      %masked_sort3A_191, %masked_sort3A_192, %masked_sort3A_193 = tpu.sort %get3A_189, %get3A_189 masked %masked_sort3A_190 : (vector<16xf32>, vector<16xf32>, vector<16xi1>) -> (vector<16xi1>, vector<16xf32>, vector<16xf32>)
      %get3A_194 = arith.index_cast %scan3A_16 : i32 to index
      %get3A_195 = arith.constant 400 : index
      %get3A_196 = tpu.vector_load %arg4[%get3A_194, %get3A_195] {strides = array<i32>} : memref<64x512xf32, #tpu.memory_space<vmem>>, vector<16xf32>,
      %masked_sort3A_197 = arith.constant dense<true> : vector<16xi1>
      %masked_sort3A_198, %masked_sort3A_199, %masked_sort3A_200 = tpu.sort %get3A_196, %get3A_196 masked %masked_sort3A_197 : (vector<16xf32>, vector<16xf32>, vector<16xi1>) -> (vector<16xi1>, vector<16xf32>, vector<16xf32>)
      %get3A_201 = arith.index_cast %scan3A_16 : i32 to index
      %get3A_202 = arith.constant 416 : index
      %get3A_203 = tpu.vector_load %arg4[%get3A_201, %get3A_202] {strides = array<i32>} : memref<64x512xf32, #tpu.memory_space<vmem>>, vector<16xf32>,
      %masked_sort3A_204 = arith.constant dense<true> : vector<16xi1>
      %masked_sort3A_205, %masked_sort3A_206, %masked_sort3A_207 = tpu.sort %get3A_203, %get3A_203 masked %masked_sort3A_204 : (vector<16xf32>, vector<16xf32>, vector<16xi1>) -> (vector<16xi1>, vector<16xf32>, vector<16xf32>)
      %get3A_208 = arith.index_cast %scan3A_16 : i32 to index
      %get3A_209 = arith.constant 432 : index
      %get3A_210 = tpu.vector_load %arg4[%get3A_208, %get3A_209] {strides = array<i32>} : memref<64x512xf32, #tpu.memory_space<vmem>>, vector<16xf32>,
      %masked_sort3A_211 = arith.constant dense<true> : vector<16xi1>
      %masked_sort3A_212, %masked_sort3A_213, %masked_sort3A_214 = tpu.sort %get3A_210, %get3A_210 masked %masked_sort3A_211 : (vector<16xf32>, vector<16xf32>, vector<16xi1>) -> (vector<16xi1>, vector<16xf32>, vector<16xf32>)
      %get3A_215 = arith.index_cast %scan3A_16 : i32 to index
      %get3A_216 = arith.constant 448 : index
      %get3A_217 = tpu.vector_load %arg4[%get3A_215, %get3A_216] {strides = array<i32>} : memref<64x512xf32, #tpu.memory_space<vmem>>, vector<16xf32>,
      %masked_sort3A_218 = arith.constant dense<true> : vector<16xi1>
      %masked_sort3A_219, %masked_sort3A_220, %masked_sort3A_221 = tpu.sort %get3A_217, %get3A_217 masked %masked_sort3A_218 : (vector<16xf32>, vector<16xf32>, vector<16xi1>) -> (vector<16xi1>, vector<16xf32>, vector<16xf32>)
      %get3A_222 = arith.index_cast %scan3A_16 : i32 to index
      %get3A_223 = arith.constant 464 : index
      %get3A_224 = tpu.vector_load %arg4[%get3A_222, %get3A_223] {strides = array<i32>} : memref<64x512xf32, #tpu.memory_space<vmem>>, vector<16xf32>,
      %masked_sort3A_225 = arith.constant dense<true> : vector<16xi1>
      %masked_sort3A_226, %masked_sort3A_227, %masked_sort3A_228 = tpu.sort %get3A_224, %get3A_224 masked %masked_sort3A_225 : (vector<16xf32>, vector<16xf32>, vector<16xi1>) -> (vector<16xi1>, vector<16xf32>, vector<16xf32>)
      %get3A_229 = arith.index_cast %scan3A_16 : i32 to index
      %get3A_230 = arith.constant 480 : index
      %get3A_231 = tpu.vector_load %arg4[%get3A_229, %get3A_230] {strides = array<i32>} : memref<64x512xf32, #tpu.memory_space<vmem>>, vector<16xf32>,
      %masked_sort3A_232 = arith.constant dense<true> : vector<16xi1>
      %masked_sort3A_233, %masked_sort3A_234, %masked_sort3A_235 = tpu.sort %get3A_231, %get3A_231 masked %masked_sort3A_232 : (vector<16xf32>, vector<16xf32>, vector<16xi1>) -> (vector<16xi1>, vector<16xf32>, vector<16xf32>)
      %get3A_236 = arith.index_cast %scan3A_16 : i32 to index
      %get3A_237 = arith.constant 496 : index
      %get3A_238 = tpu.vector_load %arg4[%get3A_236, %get3A_237] {strides = array<i32>} : memref<64x512xf32, #tpu.memory_space<vmem>>, vector<16xf32>,
      %masked_sort3A_239 = arith.constant dense<true> : vector<16xi1>
      %masked_sort3A_240, %masked_sort3A_241, %masked_sort3A_242 = tpu.sort %get3A_238, %get3A_238 masked %masked_sort3A_239 : (vector<16xf32>, vector<16xf32>, vector<16xi1>) -> (vector<16xi1>, vector<16xf32>, vector<16xf32>)
      %rev3A = arith.constant 15 : i32
      %rev3A_243 = vector.broadcast %rev3A : i32 to vector<16xi32>
      %rev3A_244 = tpu.iota {dimensions = array<i32: 0>} : vector<16xi32>
      %rev3A_245 = arith.subi %rev3A_243, %rev3A_244 : vector<16xi32>
      %rev3A_246 = tpu.dynamic_gather %masked_sort3A_31[%rev3A_245] in [0] : vector<16xf32>, vector<16xi32> -> vector<16xf32>
      %min3A = arith.minimumf %masked_sort3A_24, %rev3A_246 : vector<16xf32>
      %masked_sort3A_247 = arith.constant dense<true> : vector<16xi1>
      %masked_sort3A_248, %masked_sort3A_249, %masked_sort3A_250 = tpu.sort %min3A, %min3A masked %masked_sort3A_247 : (vector<16xf32>, vector<16xf32>, vector<16xi1>) -> (vector<16xi1>, vector<16xf32>, vector<16xf32>)
      %max3A = arith.maximumf %masked_sort3A_24, %rev3A_246 : vector<16xf32>
      %masked_sort3A_251 = arith.constant dense<true> : vector<16xi1>
      %masked_sort3A_252, %masked_sort3A_253, %masked_sort3A_254 = tpu.sort %max3A, %max3A masked %masked_sort3A_251 : (vector<16xf32>, vector<16xf32>, vector<16xi1>) -> (vector<16xi1>, vector<16xf32>, vector<16xf32>)
      %rev3A_255 = arith.constant 15 : i32
      %rev3A_256 = vector.broadcast %rev3A_255 : i32 to vector<16xi32>
      %rev3A_257 = tpu.iota {dimensions = array<i32: 0>} : vector<16xi32>
      %rev3A_258 = arith.subi %rev3A_256, %rev3A_257 : vector<16xi32>
      %rev3A_259 = tpu.dynamic_gather %masked_sort3A_45[%rev3A_258] in [0] : vector<16xf32>, vector<16xi32> -> vector<16xf32>
      %min3A_260 = arith.minimumf %masked_sort3A_38, %rev3A_259 : vector<16xf32>
      %masked_sort3A_261 = arith.constant dense<true> : vector<16xi1>
      %masked_sort3A_262, %masked_sort3A_263, %masked_sort3A_264 = tpu.sort %min3A_260, %min3A_260 masked %masked_sort3A_261 : (vector<16xf32>, vector<16xf32>, vector<16xi1>) -> (vector<16xi1>, vector<16xf32>, vector<16xf32>)
      %max3A_265 = arith.maximumf %masked_sort3A_38, %rev3A_259 : vector<16xf32>
      %masked_sort3A_266 = arith.constant dense<true> : vector<16xi1>
      %masked_sort3A_267, %masked_sort3A_268, %masked_sort3A_269 = tpu.sort %max3A_265, %max3A_265 masked %masked_sort3A_266 : (vector<16xf32>, vector<16xf32>, vector<16xi1>) -> (vector<16xi1>, vector<16xf32>, vector<16xf32>)
      %rev3A_270 = arith.constant 15 : i32
      %rev3A_271 = vector.broadcast %rev3A_270 : i32 to vector<16xi32>
      %rev3A_272 = tpu.iota {dimensions = array<i32: 0>} : vector<16xi32>
      %rev3A_273 = arith.subi %rev3A_271, %rev3A_272 : vector<16xi32>
      %rev3A_274 = tpu.dynamic_gather %masked_sort3A_59[%rev3A_273] in [0] : vector<16xf32>, vector<16xi32> -> vector<16xf32>
      %min3A_275 = arith.minimumf %masked_sort3A_52, %rev3A_274 : vector<16xf32>
      %masked_sort3A_276 = arith.constant dense<true> : vector<16xi1>
      %masked_sort3A_277, %masked_sort3A_278, %masked_sort3A_279 = tpu.sort %min3A_275, %min3A_275 masked %masked_sort3A_276 : (vector<16xf32>, vector<16xf32>, vector<16xi1>) -> (vector<16xi1>, vector<16xf32>, vector<16xf32>)
      %max3A_280 = arith.maximumf %masked_sort3A_52, %rev3A_274 : vector<16xf32>
      %masked_sort3A_281 = arith.constant dense<true> : vector<16xi1>
      %masked_sort3A_282, %masked_sort3A_283, %masked_sort3A_284 = tpu.sort %max3A_280, %max3A_280 masked %masked_sort3A_281 : (vector<16xf32>, vector<16xf32>, vector<16xi1>) -> (vector<16xi1>, vector<16xf32>, vector<16xf32>)
      %rev3A_285 = arith.constant 15 : i32
      %rev3A_286 = vector.broadcast %rev3A_285 : i32 to vector<16xi32>
      %rev3A_287 = tpu.iota {dimensions = array<i32: 0>} : vector<16xi32>
      %rev3A_288 = arith.subi %rev3A_286, %rev3A_287 : vector<16xi32>
      %rev3A_289 = tpu.dynamic_gather %masked_sort3A_73[%rev3A_288] in [0] : vector<16xf32>, vector<16xi32> -> vector<16xf32>
      %min3A_290 = arith.minimumf %masked_sort3A_66, %rev3A_289 : vector<16xf32>
      %masked_sort3A_291 = arith.constant dense<true> : vector<16xi1>
      %masked_sort3A_292, %masked_sort3A_293, %masked_sort3A_294 = tpu.sort %min3A_290, %min3A_290 masked %masked_sort3A_291 : (vector<16xf32>, vector<16xf32>, vector<16xi1>) -> (vector<16xi1>, vector<16xf32>, vector<16xf32>)
      %max3A_295 = arith.maximumf %masked_sort3A_66, %rev3A_289 : vector<16xf32>
      %masked_sort3A_296 = arith.constant dense<true> : vector<16xi1>
      %masked_sort3A_297, %masked_sort3A_298, %masked_sort3A_299 = tpu.sort %max3A_295, %max3A_295 masked %masked_sort3A_296 : (vector<16xf32>, vector<16xf32>, vector<16xi1>) -> (vector<16xi1>, vector<16xf32>, vector<16xf32>)
      %rev3A_300 = arith.constant 15 : i32
      %rev3A_301 = vector.broadcast %rev3A_300 : i32 to vector<16xi32>
      %rev3A_302 = tpu.iota {dimensions = array<i32: 0>} : vector<16xi32>
      %rev3A_303 = arith.subi %rev3A_301, %rev3A_302 : vector<16xi32>
      %rev3A_304 = tpu.dynamic_gather %masked_sort3A_87[%rev3A_303] in [0] : vector<16xf32>, vector<16xi32> -> vector<16xf32>
      %min3A_305 = arith.minimumf %masked_sort3A_80, %rev3A_304 : vector<16xf32>
      %masked_sort3A_306 = arith.constant dense<true> : vector<16xi1>
      %masked_sort3A_307, %masked_sort3A_308, %masked_sort3A_309 = tpu.sort %min3A_305, %min3A_305 masked %masked_sort3A_306 : (vector<16xf32>, vector<16xf32>, vector<16xi1>) -> (vector<16xi1>, vector<16xf32>, vector<16xf32>)
      %max3A_310 = arith.maximumf %masked_sort3A_80, %rev3A_304 : vector<16xf32>
      %masked_sort3A_311 = arith.constant dense<true> : vector<16xi1>
      %masked_sort3A_312, %masked_sort3A_313, %masked_sort3A_314 = tpu.sort %max3A_310, %max3A_310 masked %masked_sort3A_311 : (vector<16xf32>, vector<16xf32>, vector<16xi1>) -> (vector<16xi1>, vector<16xf32>, vector<16xf32>)
      %rev3A_315 = arith.constant 15 : i32
      %rev3A_316 = vector.broadcast %rev3A_315 : i32 to vector<16xi32>
      %rev3A_317 = tpu.iota {dimensions = array<i32: 0>} : vector<16xi32>
      %rev3A_318 = arith.subi %rev3A_316, %rev3A_317 : vector<16xi32>
      %rev3A_319 = tpu.dynamic_gather %masked_sort3A_101[%rev3A_318] in [0] : vector<16xf32>, vector<16xi32> -> vector<16xf32>
      %min3A_320 = arith.minimumf %masked_sort3A_94, %rev3A_319 : vector<16xf32>
      %masked_sort3A_321 = arith.constant dense<true> : vector<16xi1>
      %masked_sort3A_322, %masked_sort3A_323, %masked_sort3A_324 = tpu.sort %min3A_320, %min3A_320 masked %masked_sort3A_321 : (vector<16xf32>, vector<16xf32>, vector<16xi1>) -> (vector<16xi1>, vector<16xf32>, vector<16xf32>)
      %max3A_325 = arith.maximumf %masked_sort3A_94, %rev3A_319 : vector<16xf32>
      %masked_sort3A_326 = arith.constant dense<true> : vector<16xi1>
      %masked_sort3A_327, %masked_sort3A_328, %masked_sort3A_329 = tpu.sort %max3A_325, %max3A_325 masked %masked_sort3A_326 : (vector<16xf32>, vector<16xf32>, vector<16xi1>) -> (vector<16xi1>, vector<16xf32>, vector<16xf32>)
      %rev3A_330 = arith.constant 15 : i32
      %rev3A_331 = vector.broadcast %rev3A_330 : i32 to vector<16xi32>
      %rev3A_332 = tpu.iota {dimensions = array<i32: 0>} : vector<16xi32>
      %rev3A_333 = arith.subi %rev3A_331, %rev3A_332 : vector<16xi32>
      %rev3A_334 = tpu.dynamic_gather %masked_sort3A_115[%rev3A_333] in [0] : vector<16xf32>, vector<16xi32> -> vector<16xf32>
      %min3A_335 = arith.minimumf %masked_sort3A_108, %rev3A_334 : vector<16xf32>
      %masked_sort3A_336 = arith.constant dense<true> : vector<16xi1>
      %masked_sort3A_337, %masked_sort3A_338, %masked_sort3A_339 = tpu.sort %min3A_335, %min3A_335 masked %masked_sort3A_336 : (vector<16xf32>, vector<16xf32>, vector<16xi1>) -> (vector<16xi1>, vector<16xf32>, vector<16xf32>)
      %max3A_340 = arith.maximumf %masked_sort3A_108, %rev3A_334 : vector<16xf32>
      %masked_sort3A_341 = arith.constant dense<true> : vector<16xi1>
      %masked_sort3A_342, %masked_sort3A_343, %masked_sort3A_344 = tpu.sort %max3A_340, %max3A_340 masked %masked_sort3A_341 : (vector<16xf32>, vector<16xf32>, vector<16xi1>) -> (vector<16xi1>, vector<16xf32>, vector<16xf32>)
      %rev3A_345 = arith.constant 15 : i32
      %rev3A_346 = vector.broadcast %rev3A_345 : i32 to vector<16xi32>
      %rev3A_347 = tpu.iota {dimensions = array<i32: 0>} : vector<16xi32>
      %rev3A_348 = arith.subi %rev3A_346, %rev3A_347 : vector<16xi32>
      %rev3A_349 = tpu.dynamic_gather %masked_sort3A_129[%rev3A_348] in [0] : vector<16xf32>, vector<16xi32> -> vector<16xf32>
      %min3A_350 = arith.minimumf %masked_sort3A_122, %rev3A_349 : vector<16xf32>
      %masked_sort3A_351 = arith.constant dense<true> : vector<16xi1>
      %masked_sort3A_352, %masked_sort3A_353, %masked_sort3A_354 = tpu.sort %min3A_350, %min3A_350 masked %masked_sort3A_351 : (vector<16xf32>, vector<16xf32>, vector<16xi1>) -> (vector<16xi1>, vector<16xf32>, vector<16xf32>)
      %max3A_355 = arith.maximumf %masked_sort3A_122, %rev3A_349 : vector<16xf32>
      %masked_sort3A_356 = arith.constant dense<true> : vector<16xi1>
      %masked_sort3A_357, %masked_sort3A_358, %masked_sort3A_359 = tpu.sort %max3A_355, %max3A_355 masked %masked_sort3A_356 : (vector<16xf32>, vector<16xf32>, vector<16xi1>) -> (vector<16xi1>, vector<16xf32>, vector<16xf32>)
      %rev3A_360 = arith.constant 15 : i32
      %rev3A_361 = vector.broadcast %rev3A_360 : i32 to vector<16xi32>
      %rev3A_362 = tpu.iota {dimensions = array<i32: 0>} : vector<16xi32>
      %rev3A_363 = arith.subi %rev3A_361, %rev3A_362 : vector<16xi32>
      %rev3A_364 = tpu.dynamic_gather %masked_sort3A_143[%rev3A_363] in [0] : vector<16xf32>, vector<16xi32> -> vector<16xf32>
      %min3A_365 = arith.minimumf %masked_sort3A_136, %rev3A_364 : vector<16xf32>
      %masked_sort3A_366 = arith.constant dense<true> : vector<16xi1>
      %masked_sort3A_367, %masked_sort3A_368, %masked_sort3A_369 = tpu.sort %min3A_365, %min3A_365 masked %masked_sort3A_366 : (vector<16xf32>, vector<16xf32>, vector<16xi1>) -> (vector<16xi1>, vector<16xf32>, vector<16xf32>)
      %max3A_370 = arith.maximumf %masked_sort3A_136, %rev3A_364 : vector<16xf32>
      %masked_sort3A_371 = arith.constant dense<true> : vector<16xi1>
      %masked_sort3A_372, %masked_sort3A_373, %masked_sort3A_374 = tpu.sort %max3A_370, %max3A_370 masked %masked_sort3A_371 : (vector<16xf32>, vector<16xf32>, vector<16xi1>) -> (vector<16xi1>, vector<16xf32>, vector<16xf32>)
      %rev3A_375 = arith.constant 15 : i32
      %rev3A_376 = vector.broadcast %rev3A_375 : i32 to vector<16xi32>
      %rev3A_377 = tpu.iota {dimensions = array<i32: 0>} : vector<16xi32>
      %rev3A_378 = arith.subi %rev3A_376, %rev3A_377 : vector<16xi32>
      %rev3A_379 = tpu.dynamic_gather %masked_sort3A_157[%rev3A_378] in [0] : vector<16xf32>, vector<16xi32> -> vector<16xf32>
      %min3A_380 = arith.minimumf %masked_sort3A_150, %rev3A_379 : vector<16xf32>
      %masked_sort3A_381 = arith.constant dense<true> : vector<16xi1>
      %masked_sort3A_382, %masked_sort3A_383, %masked_sort3A_384 = tpu.sort %min3A_380, %min3A_380 masked %masked_sort3A_381 : (vector<16xf32>, vector<16xf32>, vector<16xi1>) -> (vector<16xi1>, vector<16xf32>, vector<16xf32>)
      %max3A_385 = arith.maximumf %masked_sort3A_150, %rev3A_379 : vector<16xf32>
      %masked_sort3A_386 = arith.constant dense<true> : vector<16xi1>
      %masked_sort3A_387, %masked_sort3A_388, %masked_sort3A_389 = tpu.sort %max3A_385, %max3A_385 masked %masked_sort3A_386 : (vector<16xf32>, vector<16xf32>, vector<16xi1>) -> (vector<16xi1>, vector<16xf32>, vector<16xf32>)
      %rev3A_390 = arith.constant 15 : i32
      %rev3A_391 = vector.broadcast %rev3A_390 : i32 to vector<16xi32>
      %rev3A_392 = tpu.iota {dimensions = array<i32: 0>} : vector<16xi32>
      %rev3A_393 = arith.subi %rev3A_391, %rev3A_392 : vector<16xi32>
      %rev3A_394 = tpu.dynamic_gather %masked_sort3A_171[%rev3A_393] in [0] : vector<16xf32>, vector<16xi32> -> vector<16xf32>
      %min3A_395 = arith.minimumf %masked_sort3A_164, %rev3A_394 : vector<16xf32>
      %masked_sort3A_396 = arith.constant dense<true> : vector<16xi1>
      %masked_sort3A_397, %masked_sort3A_398, %masked_sort3A_399 = tpu.sort %min3A_395, %min3A_395 masked %masked_sort3A_396 : (vector<16xf32>, vector<16xf32>, vector<16xi1>) -> (vector<16xi1>, vector<16xf32>, vector<16xf32>)
      %max3A_400 = arith.maximumf %masked_sort3A_164, %rev3A_394 : vector<16xf32>
      %masked_sort3A_401 = arith.constant dense<true> : vector<16xi1>
      %masked_sort3A_402, %masked_sort3A_403, %masked_sort3A_404 = tpu.sort %max3A_400, %max3A_400 masked %masked_sort3A_401 : (vector<16xf32>, vector<16xf32>, vector<16xi1>) -> (vector<16xi1>, vector<16xf32>, vector<16xf32>)
      %rev3A_405 = arith.constant 15 : i32
      %rev3A_406 = vector.broadcast %rev3A_405 : i32 to vector<16xi32>
      %rev3A_407 = tpu.iota {dimensions = array<i32: 0>} : vector<16xi32>
      %rev3A_408 = arith.subi %rev3A_406, %rev3A_407 : vector<16xi32>
      %rev3A_409 = tpu.dynamic_gather %masked_sort3A_185[%rev3A_408] in [0] : vector<16xf32>, vector<16xi32> -> vector<16xf32>
      %min3A_410 = arith.minimumf %masked_sort3A_178, %rev3A_409 : vector<16xf32>
      %masked_sort3A_411 = arith.constant dense<true> : vector<16xi1>
      %masked_sort3A_412, %masked_sort3A_413, %masked_sort3A_414 = tpu.sort %min3A_410, %min3A_410 masked %masked_sort3A_411 : (vector<16xf32>, vector<16xf32>, vector<16xi1>) -> (vector<16xi1>, vector<16xf32>, vector<16xf32>)
      %max3A_415 = arith.maximumf %masked_sort3A_178, %rev3A_409 : vector<16xf32>
      %masked_sort3A_416 = arith.constant dense<true> : vector<16xi1>
      %masked_sort3A_417, %masked_sort3A_418, %masked_sort3A_419 = tpu.sort %max3A_415, %max3A_415 masked %masked_sort3A_416 : (vector<16xf32>, vector<16xf32>, vector<16xi1>) -> (vector<16xi1>, vector<16xf32>, vector<16xf32>)
      %rev3A_420 = arith.constant 15 : i32
      %rev3A_421 = vector.broadcast %rev3A_420 : i32 to vector<16xi32>
      %rev3A_422 = tpu.iota {dimensions = array<i32: 0>} : vector<16xi32>
      %rev3A_423 = arith.subi %rev3A_421, %rev3A_422 : vector<16xi32>
      %rev3A_424 = tpu.dynamic_gather %masked_sort3A_199[%rev3A_423] in [0] : vector<16xf32>, vector<16xi32> -> vector<16xf32>
      %min3A_425 = arith.minimumf %masked_sort3A_192, %rev3A_424 : vector<16xf32>
      %masked_sort3A_426 = arith.constant dense<true> : vector<16xi1>
      %masked_sort3A_427, %masked_sort3A_428, %masked_sort3A_429 = tpu.sort %min3A_425, %min3A_425 masked %masked_sort3A_426 : (vector<16xf32>, vector<16xf32>, vector<16xi1>) -> (vector<16xi1>, vector<16xf32>, vector<16xf32>)
      %max3A_430 = arith.maximumf %masked_sort3A_192, %rev3A_424 : vector<16xf32>
      %masked_sort3A_431 = arith.constant dense<true> : vector<16xi1>
      %masked_sort3A_432, %masked_sort3A_433, %masked_sort3A_434 = tpu.sort %max3A_430, %max3A_430 masked %masked_sort3A_431 : (vector<16xf32>, vector<16xf32>, vector<16xi1>) -> (vector<16xi1>, vector<16xf32>, vector<16xf32>)
      %rev3A_435 = arith.constant 15 : i32
      %rev3A_436 = vector.broadcast %rev3A_435 : i32 to vector<16xi32>
      %rev3A_437 = tpu.iota {dimensions = array<i32: 0>} : vector<16xi32>
      %rev3A_438 = arith.subi %rev3A_436, %rev3A_437 : vector<16xi32>
      %rev3A_439 = tpu.dynamic_gather %masked_sort3A_213[%rev3A_438] in [0] : vector<16xf32>, vector<16xi32> -> vector<16xf32>
      %min3A_440 = arith.minimumf %masked_sort3A_206, %rev3A_439 : vector<16xf32>
      %masked_sort3A_441 = arith.constant dense<true> : vector<16xi1>
      %masked_sort3A_442, %masked_sort3A_443, %masked_sort3A_444 = tpu.sort %min3A_440, %min3A_440 masked %masked_sort3A_441 : (vector<16xf32>, vector<16xf32>, vector<16xi1>) -> (vector<16xi1>, vector<16xf32>, vector<16xf32>)
      %max3A_445 = arith.maximumf %masked_sort3A_206, %rev3A_439 : vector<16xf32>
      %masked_sort3A_446 = arith.constant dense<true> : vector<16xi1>
      %masked_sort3A_447, %masked_sort3A_448, %masked_sort3A_449 = tpu.sort %max3A_445, %max3A_445 masked %masked_sort3A_446 : (vector<16xf32>, vector<16xf32>, vector<16xi1>) -> (vector<16xi1>, vector<16xf32>, vector<16xf32>)
      %rev3A_450 = arith.constant 15 : i32
      %rev3A_451 = vector.broadcast %rev3A_450 : i32 to vector<16xi32>
      %rev3A_452 = tpu.iota {dimensions = array<i32: 0>} : vector<16xi32>
      %rev3A_453 = arith.subi %rev3A_451, %rev3A_452 : vector<16xi32>
      %rev3A_454 = tpu.dynamic_gather %masked_sort3A_227[%rev3A_453] in [0] : vector<16xf32>, vector<16xi32> -> vector<16xf32>
      %min3A_455 = arith.minimumf %masked_sort3A_220, %rev3A_454 : vector<16xf32>
      %masked_sort3A_456 = arith.constant dense<true> : vector<16xi1>
      %masked_sort3A_457, %masked_sort3A_458, %masked_sort3A_459 = tpu.sort %min3A_455, %min3A_455 masked %masked_sort3A_456 : (vector<16xf32>, vector<16xf32>, vector<16xi1>) -> (vector<16xi1>, vector<16xf32>, vector<16xf32>)
      %max3A_460 = arith.maximumf %masked_sort3A_220, %rev3A_454 : vector<16xf32>
      %masked_sort3A_461 = arith.constant dense<true> : vector<16xi1>
      %masked_sort3A_462, %masked_sort3A_463, %masked_sort3A_464 = tpu.sort %max3A_460, %max3A_460 masked %masked_sort3A_461 : (vector<16xf32>, vector<16xf32>, vector<16xi1>) -> (vector<16xi1>, vector<16xf32>, vector<16xf32>)
      %rev3A_465 = arith.constant 15 : i32
      %rev3A_466 = vector.broadcast %rev3A_465 : i32 to vector<16xi32>
      %rev3A_467 = tpu.iota {dimensions = array<i32: 0>} : vector<16xi32>
      %rev3A_468 = arith.subi %rev3A_466, %rev3A_467 : vector<16xi32>
      %rev3A_469 = tpu.dynamic_gather %masked_sort3A_241[%rev3A_468] in [0] : vector<16xf32>, vector<16xi32> -> vector<16xf32>
      %min3A_470 = arith.minimumf %masked_sort3A_234, %rev3A_469 : vector<16xf32>
      %masked_sort3A_471 = arith.constant dense<true> : vector<16xi1>
      %masked_sort3A_472, %masked_sort3A_473, %masked_sort3A_474 = tpu.sort %min3A_470, %min3A_470 masked %masked_sort3A_471 : (vector<16xf32>, vector<16xf32>, vector<16xi1>) -> (vector<16xi1>, vector<16xf32>, vector<16xf32>)
      %max3A_475 = arith.maximumf %masked_sort3A_234, %rev3A_469 : vector<16xf32>
      %masked_sort3A_476 = arith.constant dense<true> : vector<16xi1>
      %masked_sort3A_477, %masked_sort3A_478, %masked_sort3A_479 = tpu.sort %max3A_475, %max3A_475 masked %masked_sort3A_476 : (vector<16xf32>, vector<16xf32>, vector<16xi1>) -> (vector<16xi1>, vector<16xf32>, vector<16xf32>)
      %rev3A_480 = arith.constant 15 : i32
      %rev3A_481 = vector.broadcast %rev3A_480 : i32 to vector<16xi32>
      %rev3A_482 = tpu.iota {dimensions = array<i32: 0>} : vector<16xi32>
      %rev3A_483 = arith.subi %rev3A_481, %rev3A_482 : vector<16xi32>
      %rev3A_484 = tpu.dynamic_gather %masked_sort3A_268[%rev3A_483] in [0] : vector<16xf32>, vector<16xi32> -> vector<16xf32>
      %max3A_485 = arith.maximumf %masked_sort3A_249, %rev3A_484 : vector<16xf32>
      %rev3A_486 = arith.constant 15 : i32
      %rev3A_487 = vector.broadcast %rev3A_486 : i32 to vector<16xi32>
      %rev3A_488 = tpu.iota {dimensions = array<i32: 0>} : vector<16xi32>
      %rev3A_489 = arith.subi %rev3A_487, %rev3A_488 : vector<16xi32>
      %rev3A_490 = tpu.dynamic_gather %masked_sort3A_263[%rev3A_489] in [0] : vector<16xf32>, vector<16xi32> -> vector<16xf32>
      %max3A_491 = arith.maximumf %masked_sort3A_253, %rev3A_490 : vector<16xf32>
      %min3A_492 = arith.minimumf %max3A_485, %max3A_491 : vector<16xf32>
      %max3A_493 = arith.maximumf %max3A_485, %max3A_491 : vector<16xf32>
      %masked_sort3A_494 = arith.constant dense<true> : vector<16xi1>
      %masked_sort3A_495, %masked_sort3A_496, %masked_sort3A_497 = tpu.sort %min3A_492, %min3A_492 masked %masked_sort3A_494 : (vector<16xf32>, vector<16xf32>, vector<16xi1>) -> (vector<16xi1>, vector<16xf32>, vector<16xf32>)
      %masked_sort3A_498 = arith.constant dense<true> : vector<16xi1>
      %masked_sort3A_499, %masked_sort3A_500, %masked_sort3A_501 = tpu.sort %max3A_493, %max3A_493 masked %masked_sort3A_498 : (vector<16xf32>, vector<16xf32>, vector<16xi1>) -> (vector<16xi1>, vector<16xf32>, vector<16xf32>)
      %rev3A_502 = arith.constant 15 : i32
      %rev3A_503 = vector.broadcast %rev3A_502 : i32 to vector<16xi32>
      %rev3A_504 = tpu.iota {dimensions = array<i32: 0>} : vector<16xi32>
      %rev3A_505 = arith.subi %rev3A_503, %rev3A_504 : vector<16xi32>
      %rev3A_506 = tpu.dynamic_gather %masked_sort3A_298[%rev3A_505] in [0] : vector<16xf32>, vector<16xi32> -> vector<16xf32>
      %max3A_507 = arith.maximumf %masked_sort3A_278, %rev3A_506 : vector<16xf32>
      %rev3A_508 = arith.constant 15 : i32
      %rev3A_509 = vector.broadcast %rev3A_508 : i32 to vector<16xi32>
      %rev3A_510 = tpu.iota {dimensions = array<i32: 0>} : vector<16xi32>
      %rev3A_511 = arith.subi %rev3A_509, %rev3A_510 : vector<16xi32>
      %rev3A_512 = tpu.dynamic_gather %masked_sort3A_293[%rev3A_511] in [0] : vector<16xf32>, vector<16xi32> -> vector<16xf32>
      %max3A_513 = arith.maximumf %masked_sort3A_283, %rev3A_512 : vector<16xf32>
      %min3A_514 = arith.minimumf %max3A_507, %max3A_513 : vector<16xf32>
      %max3A_515 = arith.maximumf %max3A_507, %max3A_513 : vector<16xf32>
      %masked_sort3A_516 = arith.constant dense<true> : vector<16xi1>
      %masked_sort3A_517, %masked_sort3A_518, %masked_sort3A_519 = tpu.sort %min3A_514, %min3A_514 masked %masked_sort3A_516 : (vector<16xf32>, vector<16xf32>, vector<16xi1>) -> (vector<16xi1>, vector<16xf32>, vector<16xf32>)
      %masked_sort3A_520 = arith.constant dense<true> : vector<16xi1>
      %masked_sort3A_521, %masked_sort3A_522, %masked_sort3A_523 = tpu.sort %max3A_515, %max3A_515 masked %masked_sort3A_520 : (vector<16xf32>, vector<16xf32>, vector<16xi1>) -> (vector<16xi1>, vector<16xf32>, vector<16xf32>)
      %rev3A_524 = arith.constant 15 : i32
      %rev3A_525 = vector.broadcast %rev3A_524 : i32 to vector<16xi32>
      %rev3A_526 = tpu.iota {dimensions = array<i32: 0>} : vector<16xi32>
      %rev3A_527 = arith.subi %rev3A_525, %rev3A_526 : vector<16xi32>
      %rev3A_528 = tpu.dynamic_gather %masked_sort3A_328[%rev3A_527] in [0] : vector<16xf32>, vector<16xi32> -> vector<16xf32>
      %max3A_529 = arith.maximumf %masked_sort3A_308, %rev3A_528 : vector<16xf32>
      %rev3A_530 = arith.constant 15 : i32
      %rev3A_531 = vector.broadcast %rev3A_530 : i32 to vector<16xi32>
      %rev3A_532 = tpu.iota {dimensions = array<i32: 0>} : vector<16xi32>
      %rev3A_533 = arith.subi %rev3A_531, %rev3A_532 : vector<16xi32>
      %rev3A_534 = tpu.dynamic_gather %masked_sort3A_323[%rev3A_533] in [0] : vector<16xf32>, vector<16xi32> -> vector<16xf32>
      %max3A_535 = arith.maximumf %masked_sort3A_313, %rev3A_534 : vector<16xf32>
      %min3A_536 = arith.minimumf %max3A_529, %max3A_535 : vector<16xf32>
      %max3A_537 = arith.maximumf %max3A_529, %max3A_535 : vector<16xf32>
      %masked_sort3A_538 = arith.constant dense<true> : vector<16xi1>
      %masked_sort3A_539, %masked_sort3A_540, %masked_sort3A_541 = tpu.sort %min3A_536, %min3A_536 masked %masked_sort3A_538 : (vector<16xf32>, vector<16xf32>, vector<16xi1>) -> (vector<16xi1>, vector<16xf32>, vector<16xf32>)
      %masked_sort3A_542 = arith.constant dense<true> : vector<16xi1>
      %masked_sort3A_543, %masked_sort3A_544, %masked_sort3A_545 = tpu.sort %max3A_537, %max3A_537 masked %masked_sort3A_542 : (vector<16xf32>, vector<16xf32>, vector<16xi1>) -> (vector<16xi1>, vector<16xf32>, vector<16xf32>)
      %rev3A_546 = arith.constant 15 : i32
      %rev3A_547 = vector.broadcast %rev3A_546 : i32 to vector<16xi32>
      %rev3A_548 = tpu.iota {dimensions = array<i32: 0>} : vector<16xi32>
      %rev3A_549 = arith.subi %rev3A_547, %rev3A_548 : vector<16xi32>
      %rev3A_550 = tpu.dynamic_gather %masked_sort3A_358[%rev3A_549] in [0] : vector<16xf32>, vector<16xi32> -> vector<16xf32>
      %max3A_551 = arith.maximumf %masked_sort3A_338, %rev3A_550 : vector<16xf32>
      %rev3A_552 = arith.constant 15 : i32
      %rev3A_553 = vector.broadcast %rev3A_552 : i32 to vector<16xi32>
      %rev3A_554 = tpu.iota {dimensions = array<i32: 0>} : vector<16xi32>
      %rev3A_555 = arith.subi %rev3A_553, %rev3A_554 : vector<16xi32>
      %rev3A_556 = tpu.dynamic_gather %masked_sort3A_353[%rev3A_555] in [0] : vector<16xf32>, vector<16xi32> -> vector<16xf32>
      %max3A_557 = arith.maximumf %masked_sort3A_343, %rev3A_556 : vector<16xf32>
      %min3A_558 = arith.minimumf %max3A_551, %max3A_557 : vector<16xf32>
      %max3A_559 = arith.maximumf %max3A_551, %max3A_557 : vector<16xf32>
      %masked_sort3A_560 = arith.constant dense<true> : vector<16xi1>
      %masked_sort3A_561, %masked_sort3A_562, %masked_sort3A_563 = tpu.sort %min3A_558, %min3A_558 masked %masked_sort3A_560 : (vector<16xf32>, vector<16xf32>, vector<16xi1>) -> (vector<16xi1>, vector<16xf32>, vector<16xf32>)
      %masked_sort3A_564 = arith.constant dense<true> : vector<16xi1>
      %masked_sort3A_565, %masked_sort3A_566, %masked_sort3A_567 = tpu.sort %max3A_559, %max3A_559 masked %masked_sort3A_564 : (vector<16xf32>, vector<16xf32>, vector<16xi1>) -> (vector<16xi1>, vector<16xf32>, vector<16xf32>)
      %rev3A_568 = arith.constant 15 : i32
      %rev3A_569 = vector.broadcast %rev3A_568 : i32 to vector<16xi32>
      %rev3A_570 = tpu.iota {dimensions = array<i32: 0>} : vector<16xi32>
      %rev3A_571 = arith.subi %rev3A_569, %rev3A_570 : vector<16xi32>
      %rev3A_572 = tpu.dynamic_gather %masked_sort3A_388[%rev3A_571] in [0] : vector<16xf32>, vector<16xi32> -> vector<16xf32>
      %max3A_573 = arith.maximumf %masked_sort3A_368, %rev3A_572 : vector<16xf32>
      %rev3A_574 = arith.constant 15 : i32
      %rev3A_575 = vector.broadcast %rev3A_574 : i32 to vector<16xi32>
      %rev3A_576 = tpu.iota {dimensions = array<i32: 0>} : vector<16xi32>
      %rev3A_577 = arith.subi %rev3A_575, %rev3A_576 : vector<16xi32>
      %rev3A_578 = tpu.dynamic_gather %masked_sort3A_383[%rev3A_577] in [0] : vector<16xf32>, vector<16xi32> -> vector<16xf32>
      %max3A_579 = arith.maximumf %masked_sort3A_373, %rev3A_578 : vector<16xf32>
      %min3A_580 = arith.minimumf %max3A_573, %max3A_579 : vector<16xf32>
      %max3A_581 = arith.maximumf %max3A_573, %max3A_579 : vector<16xf32>
      %masked_sort3A_582 = arith.constant dense<true> : vector<16xi1>
      %masked_sort3A_583, %masked_sort3A_584, %masked_sort3A_585 = tpu.sort %min3A_580, %min3A_580 masked %masked_sort3A_582 : (vector<16xf32>, vector<16xf32>, vector<16xi1>) -> (vector<16xi1>, vector<16xf32>, vector<16xf32>)
      %masked_sort3A_586 = arith.constant dense<true> : vector<16xi1>
      %masked_sort3A_587, %masked_sort3A_588, %masked_sort3A_589 = tpu.sort %max3A_581, %max3A_581 masked %masked_sort3A_586 : (vector<16xf32>, vector<16xf32>, vector<16xi1>) -> (vector<16xi1>, vector<16xf32>, vector<16xf32>)
      %rev3A_590 = arith.constant 15 : i32
      %rev3A_591 = vector.broadcast %rev3A_590 : i32 to vector<16xi32>
      %rev3A_592 = tpu.iota {dimensions = array<i32: 0>} : vector<16xi32>
      %rev3A_593 = arith.subi %rev3A_591, %rev3A_592 : vector<16xi32>
      %rev3A_594 = tpu.dynamic_gather %masked_sort3A_418[%rev3A_593] in [0] : vector<16xf32>, vector<16xi32> -> vector<16xf32>
      %max3A_595 = arith.maximumf %masked_sort3A_398, %rev3A_594 : vector<16xf32>
      %rev3A_596 = arith.constant 15 : i32
      %rev3A_597 = vector.broadcast %rev3A_596 : i32 to vector<16xi32>
      %rev3A_598 = tpu.iota {dimensions = array<i32: 0>} : vector<16xi32>
      %rev3A_599 = arith.subi %rev3A_597, %rev3A_598 : vector<16xi32>
      %rev3A_600 = tpu.dynamic_gather %masked_sort3A_413[%rev3A_599] in [0] : vector<16xf32>, vector<16xi32> -> vector<16xf32>
      %max3A_601 = arith.maximumf %masked_sort3A_403, %rev3A_600 : vector<16xf32>
      %min3A_602 = arith.minimumf %max3A_595, %max3A_601 : vector<16xf32>
      %max3A_603 = arith.maximumf %max3A_595, %max3A_601 : vector<16xf32>
      %masked_sort3A_604 = arith.constant dense<true> : vector<16xi1>
      %masked_sort3A_605, %masked_sort3A_606, %masked_sort3A_607 = tpu.sort %min3A_602, %min3A_602 masked %masked_sort3A_604 : (vector<16xf32>, vector<16xf32>, vector<16xi1>) -> (vector<16xi1>, vector<16xf32>, vector<16xf32>)
      %masked_sort3A_608 = arith.constant dense<true> : vector<16xi1>
      %masked_sort3A_609, %masked_sort3A_610, %masked_sort3A_611 = tpu.sort %max3A_603, %max3A_603 masked %masked_sort3A_608 : (vector<16xf32>, vector<16xf32>, vector<16xi1>) -> (vector<16xi1>, vector<16xf32>, vector<16xf32>)
      %rev3A_612 = arith.constant 15 : i32
      %rev3A_613 = vector.broadcast %rev3A_612 : i32 to vector<16xi32>
      %rev3A_614 = tpu.iota {dimensions = array<i32: 0>} : vector<16xi32>
      %rev3A_615 = arith.subi %rev3A_613, %rev3A_614 : vector<16xi32>
      %rev3A_616 = tpu.dynamic_gather %masked_sort3A_448[%rev3A_615] in [0] : vector<16xf32>, vector<16xi32> -> vector<16xf32>
      %max3A_617 = arith.maximumf %masked_sort3A_428, %rev3A_616 : vector<16xf32>
      %rev3A_618 = arith.constant 15 : i32
      %rev3A_619 = vector.broadcast %rev3A_618 : i32 to vector<16xi32>
      %rev3A_620 = tpu.iota {dimensions = array<i32: 0>} : vector<16xi32>
      %rev3A_621 = arith.subi %rev3A_619, %rev3A_620 : vector<16xi32>
      %rev3A_622 = tpu.dynamic_gather %masked_sort3A_443[%rev3A_621] in [0] : vector<16xf32>, vector<16xi32> -> vector<16xf32>
      %max3A_623 = arith.maximumf %masked_sort3A_433, %rev3A_622 : vector<16xf32>
      %min3A_624 = arith.minimumf %max3A_617, %max3A_623 : vector<16xf32>
      %max3A_625 = arith.maximumf %max3A_617, %max3A_623 : vector<16xf32>
      %masked_sort3A_626 = arith.constant dense<true> : vector<16xi1>
      %masked_sort3A_627, %masked_sort3A_628, %masked_sort3A_629 = tpu.sort %min3A_624, %min3A_624 masked %masked_sort3A_626 : (vector<16xf32>, vector<16xf32>, vector<16xi1>) -> (vector<16xi1>, vector<16xf32>, vector<16xf32>)
      %masked_sort3A_630 = arith.constant dense<true> : vector<16xi1>
      %masked_sort3A_631, %masked_sort3A_632, %masked_sort3A_633 = tpu.sort %max3A_625, %max3A_625 masked %masked_sort3A_630 : (vector<16xf32>, vector<16xf32>, vector<16xi1>) -> (vector<16xi1>, vector<16xf32>, vector<16xf32>)
      %rev3A_634 = arith.constant 15 : i32
      %rev3A_635 = vector.broadcast %rev3A_634 : i32 to vector<16xi32>
      %rev3A_636 = tpu.iota {dimensions = array<i32: 0>} : vector<16xi32>
      %rev3A_637 = arith.subi %rev3A_635, %rev3A_636 : vector<16xi32>
      %rev3A_638 = tpu.dynamic_gather %masked_sort3A_478[%rev3A_637] in [0] : vector<16xf32>, vector<16xi32> -> vector<16xf32>
      %max3A_639 = arith.maximumf %masked_sort3A_458, %rev3A_638 : vector<16xf32>
      %rev3A_640 = arith.constant 15 : i32
      %rev3A_641 = vector.broadcast %rev3A_640 : i32 to vector<16xi32>
      %rev3A_642 = tpu.iota {dimensions = array<i32: 0>} : vector<16xi32>
      %rev3A_643 = arith.subi %rev3A_641, %rev3A_642 : vector<16xi32>
      %rev3A_644 = tpu.dynamic_gather %masked_sort3A_473[%rev3A_643] in [0] : vector<16xf32>, vector<16xi32> -> vector<16xf32>
      %max3A_645 = arith.maximumf %masked_sort3A_463, %rev3A_644 : vector<16xf32>
      %min3A_646 = arith.minimumf %max3A_639, %max3A_645 : vector<16xf32>
      %max3A_647 = arith.maximumf %max3A_639, %max3A_645 : vector<16xf32>
      %masked_sort3A_648 = arith.constant dense<true> : vector<16xi1>
      %masked_sort3A_649, %masked_sort3A_650, %masked_sort3A_651 = tpu.sort %min3A_646, %min3A_646 masked %masked_sort3A_648 : (vector<16xf32>, vector<16xf32>, vector<16xi1>) -> (vector<16xi1>, vector<16xf32>, vector<16xf32>)
      %masked_sort3A_652 = arith.constant dense<true> : vector<16xi1>
      %masked_sort3A_653, %masked_sort3A_654, %masked_sort3A_655 = tpu.sort %max3A_647, %max3A_647 masked %masked_sort3A_652 : (vector<16xf32>, vector<16xf32>, vector<16xi1>) -> (vector<16xi1>, vector<16xf32>, vector<16xf32>)
      %rev3A_656 = arith.constant 15 : i32
      %rev3A_657 = vector.broadcast %rev3A_656 : i32 to vector<16xi32>
      %rev3A_658 = tpu.iota {dimensions = array<i32: 0>} : vector<16xi32>
      %rev3A_659 = arith.subi %rev3A_657, %rev3A_658 : vector<16xi32>
      %rev3A_660 = tpu.dynamic_gather %masked_sort3A_522[%rev3A_659] in [0] : vector<16xf32>, vector<16xi32> -> vector<16xf32>
      %max3A_661 = arith.maximumf %masked_sort3A_496, %rev3A_660 : vector<16xf32>
      %rev3A_662 = arith.constant 15 : i32
      %rev3A_663 = vector.broadcast %rev3A_662 : i32 to vector<16xi32>
      %rev3A_664 = tpu.iota {dimensions = array<i32: 0>} : vector<16xi32>
      %rev3A_665 = arith.subi %rev3A_663, %rev3A_664 : vector<16xi32>
      %rev3A_666 = tpu.dynamic_gather %masked_sort3A_518[%rev3A_665] in [0] : vector<16xf32>, vector<16xi32> -> vector<16xf32>
      %max3A_667 = arith.maximumf %masked_sort3A_500, %rev3A_666 : vector<16xf32>
      %min3A_668 = arith.minimumf %max3A_661, %max3A_667 : vector<16xf32>
      %max3A_669 = arith.maximumf %max3A_661, %max3A_667 : vector<16xf32>
      %masked_sort3A_670 = arith.constant dense<true> : vector<16xi1>
      %masked_sort3A_671, %masked_sort3A_672, %masked_sort3A_673 = tpu.sort %min3A_668, %min3A_668 masked %masked_sort3A_670 : (vector<16xf32>, vector<16xf32>, vector<16xi1>) -> (vector<16xi1>, vector<16xf32>, vector<16xf32>)
      %masked_sort3A_674 = arith.constant dense<true> : vector<16xi1>
      %masked_sort3A_675, %masked_sort3A_676, %masked_sort3A_677 = tpu.sort %max3A_669, %max3A_669 masked %masked_sort3A_674 : (vector<16xf32>, vector<16xf32>, vector<16xi1>) -> (vector<16xi1>, vector<16xf32>, vector<16xf32>)
      %rev3A_678 = arith.constant 15 : i32
      %rev3A_679 = vector.broadcast %rev3A_678 : i32 to vector<16xi32>
      %rev3A_680 = tpu.iota {dimensions = array<i32: 0>} : vector<16xi32>
      %rev3A_681 = arith.subi %rev3A_679, %rev3A_680 : vector<16xi32>
      %rev3A_682 = tpu.dynamic_gather %masked_sort3A_566[%rev3A_681] in [0] : vector<16xf32>, vector<16xi32> -> vector<16xf32>
      %max3A_683 = arith.maximumf %masked_sort3A_540, %rev3A_682 : vector<16xf32>
      %rev3A_684 = arith.constant 15 : i32
      %rev3A_685 = vector.broadcast %rev3A_684 : i32 to vector<16xi32>
      %rev3A_686 = tpu.iota {dimensions = array<i32: 0>} : vector<16xi32>
      %rev3A_687 = arith.subi %rev3A_685, %rev3A_686 : vector<16xi32>
      %rev3A_688 = tpu.dynamic_gather %masked_sort3A_562[%rev3A_687] in [0] : vector<16xf32>, vector<16xi32> -> vector<16xf32>
      %max3A_689 = arith.maximumf %masked_sort3A_544, %rev3A_688 : vector<16xf32>
      %min3A_690 = arith.minimumf %max3A_683, %max3A_689 : vector<16xf32>
      %max3A_691 = arith.maximumf %max3A_683, %max3A_689 : vector<16xf32>
      %masked_sort3A_692 = arith.constant dense<true> : vector<16xi1>
      %masked_sort3A_693, %masked_sort3A_694, %masked_sort3A_695 = tpu.sort %min3A_690, %min3A_690 masked %masked_sort3A_692 : (vector<16xf32>, vector<16xf32>, vector<16xi1>) -> (vector<16xi1>, vector<16xf32>, vector<16xf32>)
      %masked_sort3A_696 = arith.constant dense<true> : vector<16xi1>
      %masked_sort3A_697, %masked_sort3A_698, %masked_sort3A_699 = tpu.sort %max3A_691, %max3A_691 masked %masked_sort3A_696 : (vector<16xf32>, vector<16xf32>, vector<16xi1>) -> (vector<16xi1>, vector<16xf32>, vector<16xf32>)
      %rev3A_700 = arith.constant 15 : i32
      %rev3A_701 = vector.broadcast %rev3A_700 : i32 to vector<16xi32>
      %rev3A_702 = tpu.iota {dimensions = array<i32: 0>} : vector<16xi32>
      %rev3A_703 = arith.subi %rev3A_701, %rev3A_702 : vector<16xi32>
      %rev3A_704 = tpu.dynamic_gather %masked_sort3A_610[%rev3A_703] in [0] : vector<16xf32>, vector<16xi32> -> vector<16xf32>
      %max3A_705 = arith.maximumf %masked_sort3A_584, %rev3A_704 : vector<16xf32>
      %rev3A_706 = arith.constant 15 : i32
      %rev3A_707 = vector.broadcast %rev3A_706 : i32 to vector<16xi32>
      %rev3A_708 = tpu.iota {dimensions = array<i32: 0>} : vector<16xi32>
      %rev3A_709 = arith.subi %rev3A_707, %rev3A_708 : vector<16xi32>
      %rev3A_710 = tpu.dynamic_gather %masked_sort3A_606[%rev3A_709] in [0] : vector<16xf32>, vector<16xi32> -> vector<16xf32>
      %max3A_711 = arith.maximumf %masked_sort3A_588, %rev3A_710 : vector<16xf32>
      %min3A_712 = arith.minimumf %max3A_705, %max3A_711 : vector<16xf32>
      %max3A_713 = arith.maximumf %max3A_705, %max3A_711 : vector<16xf32>
      %masked_sort3A_714 = arith.constant dense<true> : vector<16xi1>
      %masked_sort3A_715, %masked_sort3A_716, %masked_sort3A_717 = tpu.sort %min3A_712, %min3A_712 masked %masked_sort3A_714 : (vector<16xf32>, vector<16xf32>, vector<16xi1>) -> (vector<16xi1>, vector<16xf32>, vector<16xf32>)
      %masked_sort3A_718 = arith.constant dense<true> : vector<16xi1>
      %masked_sort3A_719, %masked_sort3A_720, %masked_sort3A_721 = tpu.sort %max3A_713, %max3A_713 masked %masked_sort3A_718 : (vector<16xf32>, vector<16xf32>, vector<16xi1>) -> (vector<16xi1>, vector<16xf32>, vector<16xf32>)
      %rev3A_722 = arith.constant 15 : i32
      %rev3A_723 = vector.broadcast %rev3A_722 : i32 to vector<16xi32>
      %rev3A_724 = tpu.iota {dimensions = array<i32: 0>} : vector<16xi32>
      %rev3A_725 = arith.subi %rev3A_723, %rev3A_724 : vector<16xi32>
      %rev3A_726 = tpu.dynamic_gather %masked_sort3A_654[%rev3A_725] in [0] : vector<16xf32>, vector<16xi32> -> vector<16xf32>
      %max3A_727 = arith.maximumf %masked_sort3A_628, %rev3A_726 : vector<16xf32>
      %rev3A_728 = arith.constant 15 : i32
      %rev3A_729 = vector.broadcast %rev3A_728 : i32 to vector<16xi32>
      %rev3A_730 = tpu.iota {dimensions = array<i32: 0>} : vector<16xi32>
      %rev3A_731 = arith.subi %rev3A_729, %rev3A_730 : vector<16xi32>
      %rev3A_732 = tpu.dynamic_gather %masked_sort3A_650[%rev3A_731] in [0] : vector<16xf32>, vector<16xi32> -> vector<16xf32>
      %max3A_733 = arith.maximumf %masked_sort3A_632, %rev3A_732 : vector<16xf32>
      %min3A_734 = arith.minimumf %max3A_727, %max3A_733 : vector<16xf32>
      %max3A_735 = arith.maximumf %max3A_727, %max3A_733 : vector<16xf32>
      %masked_sort3A_736 = arith.constant dense<true> : vector<16xi1>
      %masked_sort3A_737, %masked_sort3A_738, %masked_sort3A_739 = tpu.sort %min3A_734, %min3A_734 masked %masked_sort3A_736 : (vector<16xf32>, vector<16xf32>, vector<16xi1>) -> (vector<16xi1>, vector<16xf32>, vector<16xf32>)
      %masked_sort3A_740 = arith.constant dense<true> : vector<16xi1>
      %masked_sort3A_741, %masked_sort3A_742, %masked_sort3A_743 = tpu.sort %max3A_735, %max3A_735 masked %masked_sort3A_740 : (vector<16xf32>, vector<16xf32>, vector<16xi1>) -> (vector<16xi1>, vector<16xf32>, vector<16xf32>)
      %rev3A_744 = arith.constant 15 : i32
      %rev3A_745 = vector.broadcast %rev3A_744 : i32 to vector<16xi32>
      %rev3A_746 = tpu.iota {dimensions = array<i32: 0>} : vector<16xi32>
      %rev3A_747 = arith.subi %rev3A_745, %rev3A_746 : vector<16xi32>
      %rev3A_748 = tpu.dynamic_gather %masked_sort3A_698[%rev3A_747] in [0] : vector<16xf32>, vector<16xi32> -> vector<16xf32>
      %max3A_749 = arith.maximumf %masked_sort3A_672, %rev3A_748 : vector<16xf32>
      %rev3A_750 = arith.constant 15 : i32
      %rev3A_751 = vector.broadcast %rev3A_750 : i32 to vector<16xi32>
      %rev3A_752 = tpu.iota {dimensions = array<i32: 0>} : vector<16xi32>
      %rev3A_753 = arith.subi %rev3A_751, %rev3A_752 : vector<16xi32>
      %rev3A_754 = tpu.dynamic_gather %masked_sort3A_694[%rev3A_753] in [0] : vector<16xf32>, vector<16xi32> -> vector<16xf32>
      %max3A_755 = arith.maximumf %masked_sort3A_676, %rev3A_754 : vector<16xf32>
      %min3A_756 = arith.minimumf %max3A_749, %max3A_755 : vector<16xf32>
      %max3A_757 = arith.maximumf %max3A_749, %max3A_755 : vector<16xf32>
      %masked_sort3A_758 = arith.constant dense<true> : vector<16xi1>
      %masked_sort3A_759, %masked_sort3A_760, %masked_sort3A_761 = tpu.sort %min3A_756, %min3A_756 masked %masked_sort3A_758 : (vector<16xf32>, vector<16xf32>, vector<16xi1>) -> (vector<16xi1>, vector<16xf32>, vector<16xf32>)
      %masked_sort3A_762 = arith.constant dense<true> : vector<16xi1>
      %masked_sort3A_763, %masked_sort3A_764, %masked_sort3A_765 = tpu.sort %max3A_757, %max3A_757 masked %masked_sort3A_762 : (vector<16xf32>, vector<16xf32>, vector<16xi1>) -> (vector<16xi1>, vector<16xf32>, vector<16xf32>)
      %rev3A_766 = arith.constant 15 : i32
      %rev3A_767 = vector.broadcast %rev3A_766 : i32 to vector<16xi32>
      %rev3A_768 = tpu.iota {dimensions = array<i32: 0>} : vector<16xi32>
      %rev3A_769 = arith.subi %rev3A_767, %rev3A_768 : vector<16xi32>
      %rev3A_770 = tpu.dynamic_gather %masked_sort3A_742[%rev3A_769] in [0] : vector<16xf32>, vector<16xi32> -> vector<16xf32>
      %max3A_771 = arith.maximumf %masked_sort3A_716, %rev3A_770 : vector<16xf32>
      %rev3A_772 = arith.constant 15 : i32
      %rev3A_773 = vector.broadcast %rev3A_772 : i32 to vector<16xi32>
      %rev3A_774 = tpu.iota {dimensions = array<i32: 0>} : vector<16xi32>
      %rev3A_775 = arith.subi %rev3A_773, %rev3A_774 : vector<16xi32>
      %rev3A_776 = tpu.dynamic_gather %masked_sort3A_738[%rev3A_775] in [0] : vector<16xf32>, vector<16xi32> -> vector<16xf32>
      %max3A_777 = arith.maximumf %masked_sort3A_720, %rev3A_776 : vector<16xf32>
      %min3A_778 = arith.minimumf %max3A_771, %max3A_777 : vector<16xf32>
      %max3A_779 = arith.maximumf %max3A_771, %max3A_777 : vector<16xf32>
      %masked_sort3A_780 = arith.constant dense<true> : vector<16xi1>
      %masked_sort3A_781, %masked_sort3A_782, %masked_sort3A_783 = tpu.sort %min3A_778, %min3A_778 masked %masked_sort3A_780 : (vector<16xf32>, vector<16xf32>, vector<16xi1>) -> (vector<16xi1>, vector<16xf32>, vector<16xf32>)
      %masked_sort3A_784 = arith.constant dense<true> : vector<16xi1>
      %masked_sort3A_785, %masked_sort3A_786, %masked_sort3A_787 = tpu.sort %max3A_779, %max3A_779 masked %masked_sort3A_784 : (vector<16xf32>, vector<16xf32>, vector<16xi1>) -> (vector<16xi1>, vector<16xf32>, vector<16xf32>)
      %rev3A_788 = arith.constant 15 : i32
      %rev3A_789 = vector.broadcast %rev3A_788 : i32 to vector<16xi32>
      %rev3A_790 = tpu.iota {dimensions = array<i32: 0>} : vector<16xi32>
      %rev3A_791 = arith.subi %rev3A_789, %rev3A_790 : vector<16xi32>
      %rev3A_792 = tpu.dynamic_gather %masked_sort3A_786[%rev3A_791] in [0] : vector<16xf32>, vector<16xi32> -> vector<16xf32>
      %max3A_793 = arith.maximumf %masked_sort3A_760, %rev3A_792 : vector<16xf32>
      %rev3A_794 = arith.constant 15 : i32
      %rev3A_795 = vector.broadcast %rev3A_794 : i32 to vector<16xi32>
      %rev3A_796 = tpu.iota {dimensions = array<i32: 0>} : vector<16xi32>
      %rev3A_797 = arith.subi %rev3A_795, %rev3A_796 : vector<16xi32>
      %rev3A_798 = tpu.dynamic_gather %masked_sort3A_782[%rev3A_797] in [0] : vector<16xf32>, vector<16xi32> -> vector<16xf32>
      %max3A_799 = arith.maximumf %masked_sort3A_764, %rev3A_798 : vector<16xf32>
      %min3A_800 = arith.minimumf %max3A_793, %max3A_799 : vector<16xf32>
      %max3A_801 = arith.maximumf %max3A_793, %max3A_799 : vector<16xf32>
      %masked_sort3A_802 = arith.constant dense<true> : vector<16xi1>
      %masked_sort3A_803, %masked_sort3A_804, %masked_sort3A_805 = tpu.sort %min3A_800, %min3A_800 masked %masked_sort3A_802 : (vector<16xf32>, vector<16xf32>, vector<16xi1>) -> (vector<16xi1>, vector<16xf32>, vector<16xf32>)
      %masked_sort3A_806 = arith.constant dense<true> : vector<16xi1>
      %masked_sort3A_807, %masked_sort3A_808, %masked_sort3A_809 = tpu.sort %max3A_801, %max3A_801 masked %masked_sort3A_806 : (vector<16xf32>, vector<16xf32>, vector<16xi1>) -> (vector<16xi1>, vector<16xf32>, vector<16xf32>)
      %reduce_min3A = arith.constant true
      %reduce_min3A_810 = vector.broadcast %reduce_min3A : i1 to vector<16xi1>
      %reduce_min3A_811 = tpu.scan <min>, %masked_sort3A_804 masked %reduce_min3A_810 : vector<16xf32>, vector<16xi1> -> vector<16xf32>
      %reduce_min3A_812 = vector.extract %reduce_min3A_811[15] : f32 from vector<16xf32>
      %jit3A = arith.constant 16 : i32
      %div3A = arith.divsi %scan3A_16, %jit3A : i32
      %sign3A = arith.constant 0 : i32
      %sign3A_813 = arith.cmpi sgt, %scan3A_16, %sign3A : i32
      %sign3A_814 = arith.extui %sign3A_813 : i1 to i32
      %sign3A_815 = arith.constant 0 : i32
      %sign3A_816 = arith.cmpi slt, %scan3A_16, %sign3A_815 : i32
      %sign3A_817 = arith.extui %sign3A_816 : i1 to i32
      %sign3A_818 = arith.subi %sign3A_814, %sign3A_817 : i32
      %sign3A_819 = arith.constant 0 : i32
      %sign3A_820 = arith.cmpi sgt, %jit3A, %sign3A_819 : i32
      %sign3A_821 = arith.extui %sign3A_820 : i1 to i32
      %sign3A_822 = arith.constant 0 : i32
      %sign3A_823 = arith.cmpi slt, %jit3A, %sign3A_822 : i32
      %sign3A_824 = arith.extui %sign3A_823 : i1 to i32
      %sign3A_825 = arith.subi %sign3A_821, %sign3A_824 : i32
      %ne3A = arith.cmpi ne, %sign3A_818, %sign3A_825 : i32
      %rem3A = arith.remsi %scan3A_16, %jit3A : i32
      %ne3A_826 = arith.constant 0 : i32
      %ne3A_827 = arith.cmpi ne, %rem3A, %ne3A_826 : i32
      %and3A = arith.andi %ne3A, %ne3A_827 : i1
      %sub3A = arith.constant 1 : i32
      %sub3A_828 = arith.subi %div3A, %sub3A : i32
      %select_n3A = arith.select %and3A, %sub3A_828, %div3A : i32
      %jit3A_829 = arith.constant 16 : i32
      %eq3A = arith.constant 0 : i32
      %eq3A_830 = arith.cmpi eq, %jit3A_829, %eq3A : i32
      %jit3A_831 = arith.constant 1 : i32
      %select_n3A_832 = arith.select %eq3A_830, %jit3A_831, %jit3A_829 : i32
      %rem3A_833 = arith.remsi %scan3A_16, %select_n3A_832 : i32
      %ne3A_834 = arith.constant 0 : i32
      %ne3A_835 = arith.cmpi ne, %rem3A_833, %ne3A_834 : i32
      %lt3A = arith.constant 0 : i32
      %lt3A_836 = arith.cmpi slt, %rem3A_833, %lt3A : i32
      %lt3A_837 = arith.constant 0 : i32
      %lt3A_838 = arith.cmpi slt, %select_n3A_832, %lt3A_837 : i32
      %ne3A_839 = arith.xori %lt3A_836, %lt3A_838 : i1
      %and3A_840 = arith.andi %ne3A_839, %ne3A_835 : i1
      %add3A_841 = arith.addi %rem3A_833, %select_n3A_832 : i32
      %select_n3A_842 = arith.select %and3A_840, %add3A_841, %rem3A_833 : i32
      %eq3A_843 = arith.constant 0 : i32
      %eq3A_844 = arith.cmpi eq, %select_n3A, %eq3A_843 : i32
      %eq3A_845 = vector.broadcast %select_n3A_842 : i32 to vector<16xi32>
      %eq3A_846 = arith.cmpi eq, %iota3A, %eq3A_845 : vector<16xi32>
      %and3A_847 = vector.broadcast %eq3A_844 : i1 to vector<16xi1>
      %and3A_848 = arith.andi %and3A_847, %eq3A_846 : vector<16xi1>
      %broadcast_in_dim3A_849 = vector.broadcast %reduce_min3A_812 : f32 to vector<16xf32>
      %select_n3A_850 = arith.select %and3A_848, %broadcast_in_dim3A_849, %scan3A_17 : vector<16xi1>, vector<16xf32>
      %eq3A_851 = arith.constant 1 : i32
      %eq3A_852 = arith.cmpi eq, %select_n3A, %eq3A_851 : i32
      %eq3A_853 = vector.broadcast %select_n3A_842 : i32 to vector<16xi32>
      %eq3A_854 = arith.cmpi eq, %iota3A, %eq3A_853 : vector<16xi32>
      %and3A_855 = vector.broadcast %eq3A_852 : i1 to vector<16xi1>
      %and3A_856 = arith.andi %and3A_855, %eq3A_854 : vector<16xi1>
      %broadcast_in_dim3A_857 = vector.broadcast %reduce_min3A_812 : f32 to vector<16xf32>
      %select_n3A_858 = arith.select %and3A_856, %broadcast_in_dim3A_857, %scan3A_18 : vector<16xi1>, vector<16xf32>
      %eq3A_859 = arith.constant 2 : i32
      %eq3A_860 = arith.cmpi eq, %select_n3A, %eq3A_859 : i32
      %eq3A_861 = vector.broadcast %select_n3A_842 : i32 to vector<16xi32>
      %eq3A_862 = arith.cmpi eq, %iota3A, %eq3A_861 : vector<16xi32>
      %and3A_863 = vector.broadcast %eq3A_860 : i1 to vector<16xi1>
      %and3A_864 = arith.andi %and3A_863, %eq3A_862 : vector<16xi1>
      %broadcast_in_dim3A_865 = vector.broadcast %reduce_min3A_812 : f32 to vector<16xf32>
      %select_n3A_866 = arith.select %and3A_864, %broadcast_in_dim3A_865, %scan3A_19 : vector<16xi1>, vector<16xf32>
      %eq3A_867 = arith.constant 3 : i32
      %eq3A_868 = arith.cmpi eq, %select_n3A, %eq3A_867 : i32
      %eq3A_869 = vector.broadcast %select_n3A_842 : i32 to vector<16xi32>
      %eq3A_870 = arith.cmpi eq, %iota3A, %eq3A_869 : vector<16xi32>
      %and3A_871 = vector.broadcast %eq3A_868 : i1 to vector<16xi1>
      %and3A_872 = arith.andi %and3A_871, %eq3A_870 : vector<16xi1>
      %broadcast_in_dim3A_873 = vector.broadcast %reduce_min3A_812 : f32 to vector<16xf32>
      %select_n3A_874 = arith.select %and3A_872, %broadcast_in_dim3A_873, %scan3A_20 : vector<16xi1>, vector<16xf32>
      scf.yield %select_n3A_850, %select_n3A_858, %select_n3A_866, %select_n3A_874 : vector<16xf32>, vector<16xf32>, vector<16xf32>, vector<16xf32>
    }
    %scan3A_8 = arith.constant 64 : i32
    %swap3A = arith.constant 0 : index
    %swap3A_9 = tpu.vector_load %arg5[%swap3A] {strides = array<i32>} : memref<64xf32, #tpu.memory_space<vmem>>, vector<16xf32>,
    tpu.vector_store %arg5[%swap3A], %scan3A_7#0 {strides = array<i32>} : memref<64xf32, #tpu.memory_space<vmem>>, vector<16xf32>,
    %swap3A_10 = arith.constant 16 : index
    %swap3A_11 = tpu.vector_load %arg5[%swap3A_10] {strides = array<i32>} : memref<64xf32, #tpu.memory_space<vmem>>, vector<16xf32>,
    tpu.vector_store %arg5[%swap3A_10], %scan3A_7#1 {strides = array<i32>} : memref<64xf32, #tpu.memory_space<vmem>>, vector<16xf32>,
    %swap3A_12 = arith.constant 32 : index
    %swap3A_13 = tpu.vector_load %arg5[%swap3A_12] {strides = array<i32>} : memref<64xf32, #tpu.memory_space<vmem>>, vector<16xf32>,
    tpu.vector_store %arg5[%swap3A_12], %scan3A_7#2 {strides = array<i32>} : memref<64xf32, #tpu.memory_space<vmem>>, vector<16xf32>,
    %swap3A_14 = arith.constant 48 : index
    %swap3A_15 = tpu.vector_load %arg5[%swap3A_14] {strides = array<i32>} : memref<64xf32, #tpu.memory_space<vmem>>, vector<16xf32>,
    tpu.vector_store %arg5[%swap3A_14], %scan3A_7#3 {strides = array<i32>} : memref<64xf32, #tpu.memory_space<vmem>>, vector<16xf32>,
    "tpu.region"() ({
      %run_scoped3A = tpu.sem_alloc : memref<!tpu.dma_semaphore, #tpu.memory_space<semaphore_mem>>
      %dma_start3A = tpu.memref_slice %arg3[%mul3A_2] : memref<2048xf32, #tpu.memory_space<hbm>> -> memref<64xf32, #tpu.memory_space<hbm>>
      %dma_start3A_16 = tpu.memref_slice %arg3[%mul3A_2] : memref<2048xf32, #tpu.memory_space<hbm>> -> memref<64xf32, #tpu.memory_space<hbm>>
      tpu.enqueue_dma source(%arg5 : memref<64xf32, #tpu.memory_space<vmem>>) target(%dma_start3A_16 : memref<64xf32, #tpu.memory_space<hbm>>) target_semaphore(%run_scoped3A : memref<!tpu.dma_semaphore, #tpu.memory_space<semaphore_mem>>)
      %dma_wait3A = tpu.memref_slice %arg3[%mul3A_2] : memref<2048xf32, #tpu.memory_space<hbm>> -> memref<64xf32, #tpu.memory_space<hbm>>
      %dma_wait3A_17 = tpu.memref_slice %arg3[%mul3A_2] : memref<2048xf32, #tpu.memory_space<hbm>> -> memref<64xf32, #tpu.memory_space<hbm>>
      tpu.wait_dma2 semaphore(%run_scoped3A : memref<!tpu.dma_semaphore, #tpu.memory_space<semaphore_mem>>) src(%arg5 : memref<64xf32, #tpu.memory_space<vmem>>) dst(%dma_wait3A_17 : memref<64xf32, #tpu.memory_space<hbm>>)
      tpu.yield
    }) : () -> ()
    return
  }
}

module attributes {stable_mosaic.version = 14 : i64} {
  func.func @_landmark_kv_body(%arg0: memref<16x128x1024xf32, #tpu.memory_space<vmem>>, %arg1: memref<1024x1024xbf16, #tpu.memory_space<vmem>>, %arg2: memref<1x1024xf32, #tpu.memory_space<vmem>>, %arg3: memref<1024x1024xbf16, #tpu.memory_space<vmem>>, %arg4: memref<1x1024xf32, #tpu.memory_space<vmem>>, %arg5: memref<64x1024xf32, #tpu.memory_space<vmem>>, %arg6: memref<64x1024xf32, #tpu.memory_space<vmem>>, %arg7: memref<64x16x128xbf16, #tpu.memory_space<vmem>>) attributes {dimension_semantics = [], scalar_prefetch = 0 : i64, scratch_operands = 1 : i64, tpu.core_type = #tpu.core_type<tc>} {
    %get3A = arith.constant 0 : index
    %get3A_0 = arith.constant 0 : index
    %get3A_1 = arith.constant 0 : index
    %get3A_2 = vector.load %arg0[%get3A, %get3A_0, %get3A_1] : memref<16x128x1024xf32, #tpu.memory_space<vmem>>, vector<16x128x1024xf32>
    %mul3A = arith.mulf %get3A_2, %get3A_2 : vector<16x128x1024xf32>
    %reduce_sum3A = arith.constant dense<0.000000e+00> : vector<16x128xf32>
    %reduce_sum3A_3 = vector.multi_reduction <add>, %mul3A, %reduce_sum3A [2] : vector<16x128x1024xf32> to vector<16x128xf32>
    %sqrt3A = math.sqrt %reduce_sum3A_3 : vector<16x128xf32>
    %iota3A = tpu.iota {dimensions = array<i32: 0>} : vector<16x128xi32>
    %iota3A_4 = tpu.iota {dimensions = array<i32: 1>} : vector<16x128xi32>
    %mul3A_5 = arith.constant 128 : i32
    %mul3A_6 = vector.broadcast %mul3A_5 : i32 to vector<16x128xi32>
    %mul3A_7 = arith.muli %iota3A, %mul3A_6 : vector<16x128xi32>
    %add3A = arith.addi %mul3A_7, %iota3A_4 : vector<16x128xi32>
    %reduce_max3A = vector.shape_cast %sqrt3A : vector<16x128xf32> to vector<1x16x128xf32>
    %reduce_max3A_8 = arith.constant dense<0xFF800000> : vector<1xf32>
    %reduce_max3A_9 = vector.multi_reduction <maximumf>, %reduce_max3A, %reduce_max3A_8 [1, 2] : vector<1x16x128xf32> to vector<1xf32>
    %reduce_max3A_10 = vector.shape_cast %reduce_max3A_9 : vector<1xf32> to vector<1x1x1xf32>
    %reduce_max3A_11 = vector.extract %reduce_max3A_10[0, 0, 0] : f32 from vector<1x1x1xf32>
    %broadcast_in_dim3A = vector.broadcast %reduce_max3A_11 : f32 to vector<1x1xf32>
    %ge3A = vector.broadcast %broadcast_in_dim3A : vector<1x1xf32> to vector<16x128xf32>
    %ge3A_12 = arith.cmpf oge, %sqrt3A, %ge3A : vector<16x128xf32>
    %jit3A = arith.constant 2048 : i32
    %broadcast_in_dim3A_13 = vector.broadcast %jit3A : i32 to vector<16x128xi32>
    %select_n3A = arith.select %ge3A_12, %add3A, %broadcast_in_dim3A_13 : vector<16x128xi1>, vector<16x128xi32>
    %reduce_min3A = vector.shape_cast %select_n3A : vector<16x128xi32> to vector<1x16x128xi32>
    %reduce_min3A_14 = arith.constant dense<2147483647> : vector<1xi32>
    %reduce_min3A_15 = vector.multi_reduction <minsi>, %reduce_min3A, %reduce_min3A_14 [1, 2] : vector<1x16x128xi32> to vector<1xi32>
    %reduce_min3A_16 = vector.shape_cast %reduce_min3A_15 : vector<1xi32> to vector<1x1x1xi32>
    %reduce_min3A_17 = vector.extract %reduce_min3A_16[0, 0, 0] : i32 from vector<1x1x1xi32>
    %broadcast_in_dim3A_18 = vector.broadcast %reduce_min3A_17 : i32 to vector<1x1xi32>
    %eq3A = vector.broadcast %broadcast_in_dim3A_18 : vector<1x1xi32> to vector<16x128xi32>
    %eq3A_19 = arith.cmpi eq, %add3A, %eq3A : vector<16x128xi32>
    %convert_element_type3A = arith.extui %eq3A_19 : vector<16x128xi1> to vector<16x128xi32>
    %convert_element_type3A_20 = arith.sitofp %convert_element_type3A : vector<16x128xi32> to vector<16x128xf32>
    %convert_element_type3A_21 = arith.truncf %convert_element_type3A_20 : vector<16x128xf32> to vector<16x128xbf16>
    %swap3A = arith.constant 0 : index
    %swap3A_22 = arith.constant 0 : index
    %swap3A_23 = arith.constant 0 : index
    %swap3A_24 = vector.load %arg7[%swap3A, %swap3A_22, %swap3A_23] : memref<64x16x128xbf16, #tpu.memory_space<vmem>>, vector<1x16x128xbf16>
    %swap3A_25 = vector.shape_cast %swap3A_24 : vector<1x16x128xbf16> to vector<16x128xbf16>
    %swap3A_26 = vector.shape_cast %convert_element_type3A_21 : vector<16x128xbf16> to vector<1x16x128xbf16>
    tpu.vector_store %arg7[%swap3A, %swap3A_22, %swap3A_23], %swap3A_26 {strides = array<i32>} : memref<64x16x128xbf16, #tpu.memory_space<vmem>>, vector<1x16x128xbf16>,
    %jit3A_27 = arith.constant 0xFF800000 : f32
    %broadcast_in_dim3A_28 = vector.broadcast %jit3A_27 : f32 to vector<16x128xf32>
    %select_n3A_29 = arith.select %eq3A_19, %broadcast_in_dim3A_28, %sqrt3A : vector<16x128xi1>, vector<16x128xf32>
    %reduce_max3A_30 = vector.shape_cast %select_n3A_29 : vector<16x128xf32> to vector<1x16x128xf32>
    %reduce_max3A_31 = arith.constant dense<0xFF800000> : vector<1xf32>
    %reduce_max3A_32 = vector.multi_reduction <maximumf>, %reduce_max3A_30, %reduce_max3A_31 [1, 2] : vector<1x16x128xf32> to vector<1xf32>
    %reduce_max3A_33 = vector.shape_cast %reduce_max3A_32 : vector<1xf32> to vector<1x1x1xf32>
    %reduce_max3A_34 = vector.extract %reduce_max3A_33[0, 0, 0] : f32 from vector<1x1x1xf32>
    %broadcast_in_dim3A_35 = vector.broadcast %reduce_max3A_34 : f32 to vector<1x1xf32>
    %ge3A_36 = vector.broadcast %broadcast_in_dim3A_35 : vector<1x1xf32> to vector<16x128xf32>
    %ge3A_37 = arith.cmpf oge, %select_n3A_29, %ge3A_36 : vector<16x128xf32>
    %jit3A_38 = arith.constant 2048 : i32
    %broadcast_in_dim3A_39 = vector.broadcast %jit3A_38 : i32 to vector<16x128xi32>
    %select_n3A_40 = arith.select %ge3A_37, %add3A, %broadcast_in_dim3A_39 : vector<16x128xi1>, vector<16x128xi32>
    %reduce_min3A_41 = vector.shape_cast %select_n3A_40 : vector<16x128xi32> to vector<1x16x128xi32>
    %reduce_min3A_42 = arith.constant dense<2147483647> : vector<1xi32>
    %reduce_min3A_43 = vector.multi_reduction <minsi>, %reduce_min3A_41, %reduce_min3A_42 [1, 2] : vector<1x16x128xi32> to vector<1xi32>
    %reduce_min3A_44 = vector.shape_cast %reduce_min3A_43 : vector<1xi32> to vector<1x1x1xi32>
    %reduce_min3A_45 = vector.extract %reduce_min3A_44[0, 0, 0] : i32 from vector<1x1x1xi32>
    %broadcast_in_dim3A_46 = vector.broadcast %reduce_min3A_45 : i32 to vector<1x1xi32>
    %eq3A_47 = vector.broadcast %broadcast_in_dim3A_46 : vector<1x1xi32> to vector<16x128xi32>
    %eq3A_48 = arith.cmpi eq, %add3A, %eq3A_47 : vector<16x128xi32>
    %convert_element_type3A_49 = arith.extui %eq3A_48 : vector<16x128xi1> to vector<16x128xi32>
    %convert_element_type3A_50 = arith.sitofp %convert_element_type3A_49 : vector<16x128xi32> to vector<16x128xf32>
    %convert_element_type3A_51 = arith.truncf %convert_element_type3A_50 : vector<16x128xf32> to vector<16x128xbf16>
    %swap3A_52 = arith.constant 1 : index
    %swap3A_53 = arith.constant 0 : index
    %swap3A_54 = arith.constant 0 : index
    %swap3A_55 = vector.load %arg7[%swap3A_52, %swap3A_53, %swap3A_54] : memref<64x16x128xbf16, #tpu.memory_space<vmem>>, vector<1x16x128xbf16>
    %swap3A_56 = vector.shape_cast %swap3A_55 : vector<1x16x128xbf16> to vector<16x128xbf16>
    %swap3A_57 = vector.shape_cast %convert_element_type3A_51 : vector<16x128xbf16> to vector<1x16x128xbf16>
    tpu.vector_store %arg7[%swap3A_52, %swap3A_53, %swap3A_54], %swap3A_57 {strides = array<i32>} : memref<64x16x128xbf16, #tpu.memory_space<vmem>>, vector<1x16x128xbf16>,
    %jit3A_58 = arith.constant 0xFF800000 : f32
    %broadcast_in_dim3A_59 = vector.broadcast %jit3A_58 : f32 to vector<16x128xf32>
    %select_n3A_60 = arith.select %eq3A_48, %broadcast_in_dim3A_59, %select_n3A_29 : vector<16x128xi1>, vector<16x128xf32>
    %reduce_max3A_61 = vector.shape_cast %select_n3A_60 : vector<16x128xf32> to vector<1x16x128xf32>
    %reduce_max3A_62 = arith.constant dense<0xFF800000> : vector<1xf32>
    %reduce_max3A_63 = vector.multi_reduction <maximumf>, %reduce_max3A_61, %reduce_max3A_62 [1, 2] : vector<1x16x128xf32> to vector<1xf32>
    %reduce_max3A_64 = vector.shape_cast %reduce_max3A_63 : vector<1xf32> to vector<1x1x1xf32>
    %reduce_max3A_65 = vector.extract %reduce_max3A_64[0, 0, 0] : f32 from vector<1x1x1xf32>
    %broadcast_in_dim3A_66 = vector.broadcast %reduce_max3A_65 : f32 to vector<1x1xf32>
    %ge3A_67 = vector.broadcast %broadcast_in_dim3A_66 : vector<1x1xf32> to vector<16x128xf32>
    %ge3A_68 = arith.cmpf oge, %select_n3A_60, %ge3A_67 : vector<16x128xf32>
    %jit3A_69 = arith.constant 2048 : i32
    %broadcast_in_dim3A_70 = vector.broadcast %jit3A_69 : i32 to vector<16x128xi32>
    %select_n3A_71 = arith.select %ge3A_68, %add3A, %broadcast_in_dim3A_70 : vector<16x128xi1>, vector<16x128xi32>
    %reduce_min3A_72 = vector.shape_cast %select_n3A_71 : vector<16x128xi32> to vector<1x16x128xi32>
    %reduce_min3A_73 = arith.constant dense<2147483647> : vector<1xi32>
    %reduce_min3A_74 = vector.multi_reduction <minsi>, %reduce_min3A_72, %reduce_min3A_73 [1, 2] : vector<1x16x128xi32> to vector<1xi32>
    %reduce_min3A_75 = vector.shape_cast %reduce_min3A_74 : vector<1xi32> to vector<1x1x1xi32>
    %reduce_min3A_76 = vector.extract %reduce_min3A_75[0, 0, 0] : i32 from vector<1x1x1xi32>
    %broadcast_in_dim3A_77 = vector.broadcast %reduce_min3A_76 : i32 to vector<1x1xi32>
    %eq3A_78 = vector.broadcast %broadcast_in_dim3A_77 : vector<1x1xi32> to vector<16x128xi32>
    %eq3A_79 = arith.cmpi eq, %add3A, %eq3A_78 : vector<16x128xi32>
    %convert_element_type3A_80 = arith.extui %eq3A_79 : vector<16x128xi1> to vector<16x128xi32>
    %convert_element_type3A_81 = arith.sitofp %convert_element_type3A_80 : vector<16x128xi32> to vector<16x128xf32>
    %convert_element_type3A_82 = arith.truncf %convert_element_type3A_81 : vector<16x128xf32> to vector<16x128xbf16>
    %swap3A_83 = arith.constant 2 : index
    %swap3A_84 = arith.constant 0 : index
    %swap3A_85 = arith.constant 0 : index
    %swap3A_86 = vector.load %arg7[%swap3A_83, %swap3A_84, %swap3A_85] : memref<64x16x128xbf16, #tpu.memory_space<vmem>>, vector<1x16x128xbf16>
    %swap3A_87 = vector.shape_cast %swap3A_86 : vector<1x16x128xbf16> to vector<16x128xbf16>
    %swap3A_88 = vector.shape_cast %convert_element_type3A_82 : vector<16x128xbf16> to vector<1x16x128xbf16>
    tpu.vector_store %arg7[%swap3A_83, %swap3A_84, %swap3A_85], %swap3A_88 {strides = array<i32>} : memref<64x16x128xbf16, #tpu.memory_space<vmem>>, vector<1x16x128xbf16>,
    %jit3A_89 = arith.constant 0xFF800000 : f32
    %broadcast_in_dim3A_90 = vector.broadcast %jit3A_89 : f32 to vector<16x128xf32>
    %select_n3A_91 = arith.select %eq3A_79, %broadcast_in_dim3A_90, %select_n3A_60 : vector<16x128xi1>, vector<16x128xf32>
    %reduce_max3A_92 = vector.shape_cast %select_n3A_91 : vector<16x128xf32> to vector<1x16x128xf32>
    %reduce_max3A_93 = arith.constant dense<0xFF800000> : vector<1xf32>
    %reduce_max3A_94 = vector.multi_reduction <maximumf>, %reduce_max3A_92, %reduce_max3A_93 [1, 2] : vector<1x16x128xf32> to vector<1xf32>
    %reduce_max3A_95 = vector.shape_cast %reduce_max3A_94 : vector<1xf32> to vector<1x1x1xf32>
    %reduce_max3A_96 = vector.extract %reduce_max3A_95[0, 0, 0] : f32 from vector<1x1x1xf32>
    %broadcast_in_dim3A_97 = vector.broadcast %reduce_max3A_96 : f32 to vector<1x1xf32>
    %ge3A_98 = vector.broadcast %broadcast_in_dim3A_97 : vector<1x1xf32> to vector<16x128xf32>
    %ge3A_99 = arith.cmpf oge, %select_n3A_91, %ge3A_98 : vector<16x128xf32>
    %jit3A_100 = arith.constant 2048 : i32
    %broadcast_in_dim3A_101 = vector.broadcast %jit3A_100 : i32 to vector<16x128xi32>
    %select_n3A_102 = arith.select %ge3A_99, %add3A, %broadcast_in_dim3A_101 : vector<16x128xi1>, vector<16x128xi32>
    %reduce_min3A_103 = vector.shape_cast %select_n3A_102 : vector<16x128xi32> to vector<1x16x128xi32>
    %reduce_min3A_104 = arith.constant dense<2147483647> : vector<1xi32>
    %reduce_min3A_105 = vector.multi_reduction <minsi>, %reduce_min3A_103, %reduce_min3A_104 [1, 2] : vector<1x16x128xi32> to vector<1xi32>
    %reduce_min3A_106 = vector.shape_cast %reduce_min3A_105 : vector<1xi32> to vector<1x1x1xi32>
    %reduce_min3A_107 = vector.extract %reduce_min3A_106[0, 0, 0] : i32 from vector<1x1x1xi32>
    %broadcast_in_dim3A_108 = vector.broadcast %reduce_min3A_107 : i32 to vector<1x1xi32>
    %eq3A_109 = vector.broadcast %broadcast_in_dim3A_108 : vector<1x1xi32> to vector<16x128xi32>
    %eq3A_110 = arith.cmpi eq, %add3A, %eq3A_109 : vector<16x128xi32>
    %convert_element_type3A_111 = arith.extui %eq3A_110 : vector<16x128xi1> to vector<16x128xi32>
    %convert_element_type3A_112 = arith.sitofp %convert_element_type3A_111 : vector<16x128xi32> to vector<16x128xf32>
    %convert_element_type3A_113 = arith.truncf %convert_element_type3A_112 : vector<16x128xf32> to vector<16x128xbf16>
    %swap3A_114 = arith.constant 3 : index
    %swap3A_115 = arith.constant 0 : index
    %swap3A_116 = arith.constant 0 : index
    %swap3A_117 = vector.load %arg7[%swap3A_114, %swap3A_115, %swap3A_116] : memref<64x16x128xbf16, #tpu.memory_space<vmem>>, vector<1x16x128xbf16>
    %swap3A_118 = vector.shape_cast %swap3A_117 : vector<1x16x128xbf16> to vector<16x128xbf16>
    %swap3A_119 = vector.shape_cast %convert_element_type3A_113 : vector<16x128xbf16> to vector<1x16x128xbf16>
    tpu.vector_store %arg7[%swap3A_114, %swap3A_115, %swap3A_116], %swap3A_119 {strides = array<i32>} : memref<64x16x128xbf16, #tpu.memory_space<vmem>>, vector<1x16x128xbf16>,
    %jit3A_120 = arith.constant 0xFF800000 : f32
    %broadcast_in_dim3A_121 = vector.broadcast %jit3A_120 : f32 to vector<16x128xf32>
    %select_n3A_122 = arith.select %eq3A_110, %broadcast_in_dim3A_121, %select_n3A_91 : vector<16x128xi1>, vector<16x128xf32>
    %reduce_max3A_123 = vector.shape_cast %select_n3A_122 : vector<16x128xf32> to vector<1x16x128xf32>
    %reduce_max3A_124 = arith.constant dense<0xFF800000> : vector<1xf32>
    %reduce_max3A_125 = vector.multi_reduction <maximumf>, %reduce_max3A_123, %reduce_max3A_124 [1, 2] : vector<1x16x128xf32> to vector<1xf32>
    %reduce_max3A_126 = vector.shape_cast %reduce_max3A_125 : vector<1xf32> to vector<1x1x1xf32>
    %reduce_max3A_127 = vector.extract %reduce_max3A_126[0, 0, 0] : f32 from vector<1x1x1xf32>
    %broadcast_in_dim3A_128 = vector.broadcast %reduce_max3A_127 : f32 to vector<1x1xf32>
    %ge3A_129 = vector.broadcast %broadcast_in_dim3A_128 : vector<1x1xf32> to vector<16x128xf32>
    %ge3A_130 = arith.cmpf oge, %select_n3A_122, %ge3A_129 : vector<16x128xf32>
    %jit3A_131 = arith.constant 2048 : i32
    %broadcast_in_dim3A_132 = vector.broadcast %jit3A_131 : i32 to vector<16x128xi32>
    %select_n3A_133 = arith.select %ge3A_130, %add3A, %broadcast_in_dim3A_132 : vector<16x128xi1>, vector<16x128xi32>
    %reduce_min3A_134 = vector.shape_cast %select_n3A_133 : vector<16x128xi32> to vector<1x16x128xi32>
    %reduce_min3A_135 = arith.constant dense<2147483647> : vector<1xi32>
    %reduce_min3A_136 = vector.multi_reduction <minsi>, %reduce_min3A_134, %reduce_min3A_135 [1, 2] : vector<1x16x128xi32> to vector<1xi32>
    %reduce_min3A_137 = vector.shape_cast %reduce_min3A_136 : vector<1xi32> to vector<1x1x1xi32>
    %reduce_min3A_138 = vector.extract %reduce_min3A_137[0, 0, 0] : i32 from vector<1x1x1xi32>
    %broadcast_in_dim3A_139 = vector.broadcast %reduce_min3A_138 : i32 to vector<1x1xi32>
    %eq3A_140 = vector.broadcast %broadcast_in_dim3A_139 : vector<1x1xi32> to vector<16x128xi32>
    %eq3A_141 = arith.cmpi eq, %add3A, %eq3A_140 : vector<16x128xi32>
    %convert_element_type3A_142 = arith.extui %eq3A_141 : vector<16x128xi1> to vector<16x128xi32>
    %convert_element_type3A_143 = arith.sitofp %convert_element_type3A_142 : vector<16x128xi32> to vector<16x128xf32>
    %convert_element_type3A_144 = arith.truncf %convert_element_type3A_143 : vector<16x128xf32> to vector<16x128xbf16>
    %swap3A_145 = arith.constant 4 : index
    %swap3A_146 = arith.constant 0 : index
    %swap3A_147 = arith.constant 0 : index
    %swap3A_148 = vector.load %arg7[%swap3A_145, %swap3A_146, %swap3A_147] : memref<64x16x128xbf16, #tpu.memory_space<vmem>>, vector<1x16x128xbf16>
    %swap3A_149 = vector.shape_cast %swap3A_148 : vector<1x16x128xbf16> to vector<16x128xbf16>
    %swap3A_150 = vector.shape_cast %convert_element_type3A_144 : vector<16x128xbf16> to vector<1x16x128xbf16>
    tpu.vector_store %arg7[%swap3A_145, %swap3A_146, %swap3A_147], %swap3A_150 {strides = array<i32>} : memref<64x16x128xbf16, #tpu.memory_space<vmem>>, vector<1x16x128xbf16>,
    %jit3A_151 = arith.constant 0xFF800000 : f32
    %broadcast_in_dim3A_152 = vector.broadcast %jit3A_151 : f32 to vector<16x128xf32>
    %select_n3A_153 = arith.select %eq3A_141, %broadcast_in_dim3A_152, %select_n3A_122 : vector<16x128xi1>, vector<16x128xf32>
    %reduce_max3A_154 = vector.shape_cast %select_n3A_153 : vector<16x128xf32> to vector<1x16x128xf32>
    %reduce_max3A_155 = arith.constant dense<0xFF800000> : vector<1xf32>
    %reduce_max3A_156 = vector.multi_reduction <maximumf>, %reduce_max3A_154, %reduce_max3A_155 [1, 2] : vector<1x16x128xf32> to vector<1xf32>
    %reduce_max3A_157 = vector.shape_cast %reduce_max3A_156 : vector<1xf32> to vector<1x1x1xf32>
    %reduce_max3A_158 = vector.extract %reduce_max3A_157[0, 0, 0] : f32 from vector<1x1x1xf32>
    %broadcast_in_dim3A_159 = vector.broadcast %reduce_max3A_158 : f32 to vector<1x1xf32>
    %ge3A_160 = vector.broadcast %broadcast_in_dim3A_159 : vector<1x1xf32> to vector<16x128xf32>
    %ge3A_161 = arith.cmpf oge, %select_n3A_153, %ge3A_160 : vector<16x128xf32>
    %jit3A_162 = arith.constant 2048 : i32
    %broadcast_in_dim3A_163 = vector.broadcast %jit3A_162 : i32 to vector<16x128xi32>
    %select_n3A_164 = arith.select %ge3A_161, %add3A, %broadcast_in_dim3A_163 : vector<16x128xi1>, vector<16x128xi32>
    %reduce_min3A_165 = vector.shape_cast %select_n3A_164 : vector<16x128xi32> to vector<1x16x128xi32>
    %reduce_min3A_166 = arith.constant dense<2147483647> : vector<1xi32>
    %reduce_min3A_167 = vector.multi_reduction <minsi>, %reduce_min3A_165, %reduce_min3A_166 [1, 2] : vector<1x16x128xi32> to vector<1xi32>
    %reduce_min3A_168 = vector.shape_cast %reduce_min3A_167 : vector<1xi32> to vector<1x1x1xi32>
    %reduce_min3A_169 = vector.extract %reduce_min3A_168[0, 0, 0] : i32 from vector<1x1x1xi32>
    %broadcast_in_dim3A_170 = vector.broadcast %reduce_min3A_169 : i32 to vector<1x1xi32>
    %eq3A_171 = vector.broadcast %broadcast_in_dim3A_170 : vector<1x1xi32> to vector<16x128xi32>
    %eq3A_172 = arith.cmpi eq, %add3A, %eq3A_171 : vector<16x128xi32>
    %convert_element_type3A_173 = arith.extui %eq3A_172 : vector<16x128xi1> to vector<16x128xi32>
    %convert_element_type3A_174 = arith.sitofp %convert_element_type3A_173 : vector<16x128xi32> to vector<16x128xf32>
    %convert_element_type3A_175 = arith.truncf %convert_element_type3A_174 : vector<16x128xf32> to vector<16x128xbf16>
    %swap3A_176 = arith.constant 5 : index
    %swap3A_177 = arith.constant 0 : index
    %swap3A_178 = arith.constant 0 : index
    %swap3A_179 = vector.load %arg7[%swap3A_176, %swap3A_177, %swap3A_178] : memref<64x16x128xbf16, #tpu.memory_space<vmem>>, vector<1x16x128xbf16>
    %swap3A_180 = vector.shape_cast %swap3A_179 : vector<1x16x128xbf16> to vector<16x128xbf16>
    %swap3A_181 = vector.shape_cast %convert_element_type3A_175 : vector<16x128xbf16> to vector<1x16x128xbf16>
    tpu.vector_store %arg7[%swap3A_176, %swap3A_177, %swap3A_178], %swap3A_181 {strides = array<i32>} : memref<64x16x128xbf16, #tpu.memory_space<vmem>>, vector<1x16x128xbf16>,
    %jit3A_182 = arith.constant 0xFF800000 : f32
    %broadcast_in_dim3A_183 = vector.broadcast %jit3A_182 : f32 to vector<16x128xf32>
    %select_n3A_184 = arith.select %eq3A_172, %broadcast_in_dim3A_183, %select_n3A_153 : vector<16x128xi1>, vector<16x128xf32>
    %reduce_max3A_185 = vector.shape_cast %select_n3A_184 : vector<16x128xf32> to vector<1x16x128xf32>
    %reduce_max3A_186 = arith.constant dense<0xFF800000> : vector<1xf32>
    %reduce_max3A_187 = vector.multi_reduction <maximumf>, %reduce_max3A_185, %reduce_max3A_186 [1, 2] : vector<1x16x128xf32> to vector<1xf32>
    %reduce_max3A_188 = vector.shape_cast %reduce_max3A_187 : vector<1xf32> to vector<1x1x1xf32>
    %reduce_max3A_189 = vector.extract %reduce_max3A_188[0, 0, 0] : f32 from vector<1x1x1xf32>
    %broadcast_in_dim3A_190 = vector.broadcast %reduce_max3A_189 : f32 to vector<1x1xf32>
    %ge3A_191 = vector.broadcast %broadcast_in_dim3A_190 : vector<1x1xf32> to vector<16x128xf32>
    %ge3A_192 = arith.cmpf oge, %select_n3A_184, %ge3A_191 : vector<16x128xf32>
    %jit3A_193 = arith.constant 2048 : i32
    %broadcast_in_dim3A_194 = vector.broadcast %jit3A_193 : i32 to vector<16x128xi32>
    %select_n3A_195 = arith.select %ge3A_192, %add3A, %broadcast_in_dim3A_194 : vector<16x128xi1>, vector<16x128xi32>
    %reduce_min3A_196 = vector.shape_cast %select_n3A_195 : vector<16x128xi32> to vector<1x16x128xi32>
    %reduce_min3A_197 = arith.constant dense<2147483647> : vector<1xi32>
    %reduce_min3A_198 = vector.multi_reduction <minsi>, %reduce_min3A_196, %reduce_min3A_197 [1, 2] : vector<1x16x128xi32> to vector<1xi32>
    %reduce_min3A_199 = vector.shape_cast %reduce_min3A_198 : vector<1xi32> to vector<1x1x1xi32>
    %reduce_min3A_200 = vector.extract %reduce_min3A_199[0, 0, 0] : i32 from vector<1x1x1xi32>
    %broadcast_in_dim3A_201 = vector.broadcast %reduce_min3A_200 : i32 to vector<1x1xi32>
    %eq3A_202 = vector.broadcast %broadcast_in_dim3A_201 : vector<1x1xi32> to vector<16x128xi32>
    %eq3A_203 = arith.cmpi eq, %add3A, %eq3A_202 : vector<16x128xi32>
    %convert_element_type3A_204 = arith.extui %eq3A_203 : vector<16x128xi1> to vector<16x128xi32>
    %convert_element_type3A_205 = arith.sitofp %convert_element_type3A_204 : vector<16x128xi32> to vector<16x128xf32>
    %convert_element_type3A_206 = arith.truncf %convert_element_type3A_205 : vector<16x128xf32> to vector<16x128xbf16>
    %swap3A_207 = arith.constant 6 : index
    %swap3A_208 = arith.constant 0 : index
    %swap3A_209 = arith.constant 0 : index
    %swap3A_210 = vector.load %arg7[%swap3A_207, %swap3A_208, %swap3A_209] : memref<64x16x128xbf16, #tpu.memory_space<vmem>>, vector<1x16x128xbf16>
    %swap3A_211 = vector.shape_cast %swap3A_210 : vector<1x16x128xbf16> to vector<16x128xbf16>
    %swap3A_212 = vector.shape_cast %convert_element_type3A_206 : vector<16x128xbf16> to vector<1x16x128xbf16>
    tpu.vector_store %arg7[%swap3A_207, %swap3A_208, %swap3A_209], %swap3A_212 {strides = array<i32>} : memref<64x16x128xbf16, #tpu.memory_space<vmem>>, vector<1x16x128xbf16>,
    %jit3A_213 = arith.constant 0xFF800000 : f32
    %broadcast_in_dim3A_214 = vector.broadcast %jit3A_213 : f32 to vector<16x128xf32>
    %select_n3A_215 = arith.select %eq3A_203, %broadcast_in_dim3A_214, %select_n3A_184 : vector<16x128xi1>, vector<16x128xf32>
    %reduce_max3A_216 = vector.shape_cast %select_n3A_215 : vector<16x128xf32> to vector<1x16x128xf32>
    %reduce_max3A_217 = arith.constant dense<0xFF800000> : vector<1xf32>
    %reduce_max3A_218 = vector.multi_reduction <maximumf>, %reduce_max3A_216, %reduce_max3A_217 [1, 2] : vector<1x16x128xf32> to vector<1xf32>
    %reduce_max3A_219 = vector.shape_cast %reduce_max3A_218 : vector<1xf32> to vector<1x1x1xf32>
    %reduce_max3A_220 = vector.extract %reduce_max3A_219[0, 0, 0] : f32 from vector<1x1x1xf32>
    %broadcast_in_dim3A_221 = vector.broadcast %reduce_max3A_220 : f32 to vector<1x1xf32>
    %ge3A_222 = vector.broadcast %broadcast_in_dim3A_221 : vector<1x1xf32> to vector<16x128xf32>
    %ge3A_223 = arith.cmpf oge, %select_n3A_215, %ge3A_222 : vector<16x128xf32>
    %jit3A_224 = arith.constant 2048 : i32
    %broadcast_in_dim3A_225 = vector.broadcast %jit3A_224 : i32 to vector<16x128xi32>
    %select_n3A_226 = arith.select %ge3A_223, %add3A, %broadcast_in_dim3A_225 : vector<16x128xi1>, vector<16x128xi32>
    %reduce_min3A_227 = vector.shape_cast %select_n3A_226 : vector<16x128xi32> to vector<1x16x128xi32>
    %reduce_min3A_228 = arith.constant dense<2147483647> : vector<1xi32>
    %reduce_min3A_229 = vector.multi_reduction <minsi>, %reduce_min3A_227, %reduce_min3A_228 [1, 2] : vector<1x16x128xi32> to vector<1xi32>
    %reduce_min3A_230 = vector.shape_cast %reduce_min3A_229 : vector<1xi32> to vector<1x1x1xi32>
    %reduce_min3A_231 = vector.extract %reduce_min3A_230[0, 0, 0] : i32 from vector<1x1x1xi32>
    %broadcast_in_dim3A_232 = vector.broadcast %reduce_min3A_231 : i32 to vector<1x1xi32>
    %eq3A_233 = vector.broadcast %broadcast_in_dim3A_232 : vector<1x1xi32> to vector<16x128xi32>
    %eq3A_234 = arith.cmpi eq, %add3A, %eq3A_233 : vector<16x128xi32>
    %convert_element_type3A_235 = arith.extui %eq3A_234 : vector<16x128xi1> to vector<16x128xi32>
    %convert_element_type3A_236 = arith.sitofp %convert_element_type3A_235 : vector<16x128xi32> to vector<16x128xf32>
    %convert_element_type3A_237 = arith.truncf %convert_element_type3A_236 : vector<16x128xf32> to vector<16x128xbf16>
    %swap3A_238 = arith.constant 7 : index
    %swap3A_239 = arith.constant 0 : index
    %swap3A_240 = arith.constant 0 : index
    %swap3A_241 = vector.load %arg7[%swap3A_238, %swap3A_239, %swap3A_240] : memref<64x16x128xbf16, #tpu.memory_space<vmem>>, vector<1x16x128xbf16>
    %swap3A_242 = vector.shape_cast %swap3A_241 : vector<1x16x128xbf16> to vector<16x128xbf16>
    %swap3A_243 = vector.shape_cast %convert_element_type3A_237 : vector<16x128xbf16> to vector<1x16x128xbf16>
    tpu.vector_store %arg7[%swap3A_238, %swap3A_239, %swap3A_240], %swap3A_243 {strides = array<i32>} : memref<64x16x128xbf16, #tpu.memory_space<vmem>>, vector<1x16x128xbf16>,
    %jit3A_244 = arith.constant 0xFF800000 : f32
    %broadcast_in_dim3A_245 = vector.broadcast %jit3A_244 : f32 to vector<16x128xf32>
    %select_n3A_246 = arith.select %eq3A_234, %broadcast_in_dim3A_245, %select_n3A_215 : vector<16x128xi1>, vector<16x128xf32>
    %reduce_max3A_247 = vector.shape_cast %select_n3A_246 : vector<16x128xf32> to vector<1x16x128xf32>
    %reduce_max3A_248 = arith.constant dense<0xFF800000> : vector<1xf32>
    %reduce_max3A_249 = vector.multi_reduction <maximumf>, %reduce_max3A_247, %reduce_max3A_248 [1, 2] : vector<1x16x128xf32> to vector<1xf32>
    %reduce_max3A_250 = vector.shape_cast %reduce_max3A_249 : vector<1xf32> to vector<1x1x1xf32>
    %reduce_max3A_251 = vector.extract %reduce_max3A_250[0, 0, 0] : f32 from vector<1x1x1xf32>
    %broadcast_in_dim3A_252 = vector.broadcast %reduce_max3A_251 : f32 to vector<1x1xf32>
    %ge3A_253 = vector.broadcast %broadcast_in_dim3A_252 : vector<1x1xf32> to vector<16x128xf32>
    %ge3A_254 = arith.cmpf oge, %select_n3A_246, %ge3A_253 : vector<16x128xf32>
    %jit3A_255 = arith.constant 2048 : i32
    %broadcast_in_dim3A_256 = vector.broadcast %jit3A_255 : i32 to vector<16x128xi32>
    %select_n3A_257 = arith.select %ge3A_254, %add3A, %broadcast_in_dim3A_256 : vector<16x128xi1>, vector<16x128xi32>
    %reduce_min3A_258 = vector.shape_cast %select_n3A_257 : vector<16x128xi32> to vector<1x16x128xi32>
    %reduce_min3A_259 = arith.constant dense<2147483647> : vector<1xi32>
    %reduce_min3A_260 = vector.multi_reduction <minsi>, %reduce_min3A_258, %reduce_min3A_259 [1, 2] : vector<1x16x128xi32> to vector<1xi32>
    %reduce_min3A_261 = vector.shape_cast %reduce_min3A_260 : vector<1xi32> to vector<1x1x1xi32>
    %reduce_min3A_262 = vector.extract %reduce_min3A_261[0, 0, 0] : i32 from vector<1x1x1xi32>
    %broadcast_in_dim3A_263 = vector.broadcast %reduce_min3A_262 : i32 to vector<1x1xi32>
    %eq3A_264 = vector.broadcast %broadcast_in_dim3A_263 : vector<1x1xi32> to vector<16x128xi32>
    %eq3A_265 = arith.cmpi eq, %add3A, %eq3A_264 : vector<16x128xi32>
    %convert_element_type3A_266 = arith.extui %eq3A_265 : vector<16x128xi1> to vector<16x128xi32>
    %convert_element_type3A_267 = arith.sitofp %convert_element_type3A_266 : vector<16x128xi32> to vector<16x128xf32>
    %convert_element_type3A_268 = arith.truncf %convert_element_type3A_267 : vector<16x128xf32> to vector<16x128xbf16>
    %swap3A_269 = arith.constant 8 : index
    %swap3A_270 = arith.constant 0 : index
    %swap3A_271 = arith.constant 0 : index
    %swap3A_272 = vector.load %arg7[%swap3A_269, %swap3A_270, %swap3A_271] : memref<64x16x128xbf16, #tpu.memory_space<vmem>>, vector<1x16x128xbf16>
    %swap3A_273 = vector.shape_cast %swap3A_272 : vector<1x16x128xbf16> to vector<16x128xbf16>
    %swap3A_274 = vector.shape_cast %convert_element_type3A_268 : vector<16x128xbf16> to vector<1x16x128xbf16>
    tpu.vector_store %arg7[%swap3A_269, %swap3A_270, %swap3A_271], %swap3A_274 {strides = array<i32>} : memref<64x16x128xbf16, #tpu.memory_space<vmem>>, vector<1x16x128xbf16>,
    %jit3A_275 = arith.constant 0xFF800000 : f32
    %broadcast_in_dim3A_276 = vector.broadcast %jit3A_275 : f32 to vector<16x128xf32>
    %select_n3A_277 = arith.select %eq3A_265, %broadcast_in_dim3A_276, %select_n3A_246 : vector<16x128xi1>, vector<16x128xf32>
    %reduce_max3A_278 = vector.shape_cast %select_n3A_277 : vector<16x128xf32> to vector<1x16x128xf32>
    %reduce_max3A_279 = arith.constant dense<0xFF800000> : vector<1xf32>
    %reduce_max3A_280 = vector.multi_reduction <maximumf>, %reduce_max3A_278, %reduce_max3A_279 [1, 2] : vector<1x16x128xf32> to vector<1xf32>
    %reduce_max3A_281 = vector.shape_cast %reduce_max3A_280 : vector<1xf32> to vector<1x1x1xf32>
    %reduce_max3A_282 = vector.extract %reduce_max3A_281[0, 0, 0] : f32 from vector<1x1x1xf32>
    %broadcast_in_dim3A_283 = vector.broadcast %reduce_max3A_282 : f32 to vector<1x1xf32>
    %ge3A_284 = vector.broadcast %broadcast_in_dim3A_283 : vector<1x1xf32> to vector<16x128xf32>
    %ge3A_285 = arith.cmpf oge, %select_n3A_277, %ge3A_284 : vector<16x128xf32>
    %jit3A_286 = arith.constant 2048 : i32
    %broadcast_in_dim3A_287 = vector.broadcast %jit3A_286 : i32 to vector<16x128xi32>
    %select_n3A_288 = arith.select %ge3A_285, %add3A, %broadcast_in_dim3A_287 : vector<16x128xi1>, vector<16x128xi32>
    %reduce_min3A_289 = vector.shape_cast %select_n3A_288 : vector<16x128xi32> to vector<1x16x128xi32>
    %reduce_min3A_290 = arith.constant dense<2147483647> : vector<1xi32>
    %reduce_min3A_291 = vector.multi_reduction <minsi>, %reduce_min3A_289, %reduce_min3A_290 [1, 2] : vector<1x16x128xi32> to vector<1xi32>
    %reduce_min3A_292 = vector.shape_cast %reduce_min3A_291 : vector<1xi32> to vector<1x1x1xi32>
    %reduce_min3A_293 = vector.extract %reduce_min3A_292[0, 0, 0] : i32 from vector<1x1x1xi32>
    %broadcast_in_dim3A_294 = vector.broadcast %reduce_min3A_293 : i32 to vector<1x1xi32>
    %eq3A_295 = vector.broadcast %broadcast_in_dim3A_294 : vector<1x1xi32> to vector<16x128xi32>
    %eq3A_296 = arith.cmpi eq, %add3A, %eq3A_295 : vector<16x128xi32>
    %convert_element_type3A_297 = arith.extui %eq3A_296 : vector<16x128xi1> to vector<16x128xi32>
    %convert_element_type3A_298 = arith.sitofp %convert_element_type3A_297 : vector<16x128xi32> to vector<16x128xf32>
    %convert_element_type3A_299 = arith.truncf %convert_element_type3A_298 : vector<16x128xf32> to vector<16x128xbf16>
    %swap3A_300 = arith.constant 9 : index
    %swap3A_301 = arith.constant 0 : index
    %swap3A_302 = arith.constant 0 : index
    %swap3A_303 = vector.load %arg7[%swap3A_300, %swap3A_301, %swap3A_302] : memref<64x16x128xbf16, #tpu.memory_space<vmem>>, vector<1x16x128xbf16>
    %swap3A_304 = vector.shape_cast %swap3A_303 : vector<1x16x128xbf16> to vector<16x128xbf16>
    %swap3A_305 = vector.shape_cast %convert_element_type3A_299 : vector<16x128xbf16> to vector<1x16x128xbf16>
    tpu.vector_store %arg7[%swap3A_300, %swap3A_301, %swap3A_302], %swap3A_305 {strides = array<i32>} : memref<64x16x128xbf16, #tpu.memory_space<vmem>>, vector<1x16x128xbf16>,
    %jit3A_306 = arith.constant 0xFF800000 : f32
    %broadcast_in_dim3A_307 = vector.broadcast %jit3A_306 : f32 to vector<16x128xf32>
    %select_n3A_308 = arith.select %eq3A_296, %broadcast_in_dim3A_307, %select_n3A_277 : vector<16x128xi1>, vector<16x128xf32>
    %reduce_max3A_309 = vector.shape_cast %select_n3A_308 : vector<16x128xf32> to vector<1x16x128xf32>
    %reduce_max3A_310 = arith.constant dense<0xFF800000> : vector<1xf32>
    %reduce_max3A_311 = vector.multi_reduction <maximumf>, %reduce_max3A_309, %reduce_max3A_310 [1, 2] : vector<1x16x128xf32> to vector<1xf32>
    %reduce_max3A_312 = vector.shape_cast %reduce_max3A_311 : vector<1xf32> to vector<1x1x1xf32>
    %reduce_max3A_313 = vector.extract %reduce_max3A_312[0, 0, 0] : f32 from vector<1x1x1xf32>
    %broadcast_in_dim3A_314 = vector.broadcast %reduce_max3A_313 : f32 to vector<1x1xf32>
    %ge3A_315 = vector.broadcast %broadcast_in_dim3A_314 : vector<1x1xf32> to vector<16x128xf32>
    %ge3A_316 = arith.cmpf oge, %select_n3A_308, %ge3A_315 : vector<16x128xf32>
    %jit3A_317 = arith.constant 2048 : i32
    %broadcast_in_dim3A_318 = vector.broadcast %jit3A_317 : i32 to vector<16x128xi32>
    %select_n3A_319 = arith.select %ge3A_316, %add3A, %broadcast_in_dim3A_318 : vector<16x128xi1>, vector<16x128xi32>
    %reduce_min3A_320 = vector.shape_cast %select_n3A_319 : vector<16x128xi32> to vector<1x16x128xi32>
    %reduce_min3A_321 = arith.constant dense<2147483647> : vector<1xi32>
    %reduce_min3A_322 = vector.multi_reduction <minsi>, %reduce_min3A_320, %reduce_min3A_321 [1, 2] : vector<1x16x128xi32> to vector<1xi32>
    %reduce_min3A_323 = vector.shape_cast %reduce_min3A_322 : vector<1xi32> to vector<1x1x1xi32>
    %reduce_min3A_324 = vector.extract %reduce_min3A_323[0, 0, 0] : i32 from vector<1x1x1xi32>
    %broadcast_in_dim3A_325 = vector.broadcast %reduce_min3A_324 : i32 to vector<1x1xi32>
    %eq3A_326 = vector.broadcast %broadcast_in_dim3A_325 : vector<1x1xi32> to vector<16x128xi32>
    %eq3A_327 = arith.cmpi eq, %add3A, %eq3A_326 : vector<16x128xi32>
    %convert_element_type3A_328 = arith.extui %eq3A_327 : vector<16x128xi1> to vector<16x128xi32>
    %convert_element_type3A_329 = arith.sitofp %convert_element_type3A_328 : vector<16x128xi32> to vector<16x128xf32>
    %convert_element_type3A_330 = arith.truncf %convert_element_type3A_329 : vector<16x128xf32> to vector<16x128xbf16>
    %swap3A_331 = arith.constant 10 : index
    %swap3A_332 = arith.constant 0 : index
    %swap3A_333 = arith.constant 0 : index
    %swap3A_334 = vector.load %arg7[%swap3A_331, %swap3A_332, %swap3A_333] : memref<64x16x128xbf16, #tpu.memory_space<vmem>>, vector<1x16x128xbf16>
    %swap3A_335 = vector.shape_cast %swap3A_334 : vector<1x16x128xbf16> to vector<16x128xbf16>
    %swap3A_336 = vector.shape_cast %convert_element_type3A_330 : vector<16x128xbf16> to vector<1x16x128xbf16>
    tpu.vector_store %arg7[%swap3A_331, %swap3A_332, %swap3A_333], %swap3A_336 {strides = array<i32>} : memref<64x16x128xbf16, #tpu.memory_space<vmem>>, vector<1x16x128xbf16>,
    %jit3A_337 = arith.constant 0xFF800000 : f32
    %broadcast_in_dim3A_338 = vector.broadcast %jit3A_337 : f32 to vector<16x128xf32>
    %select_n3A_339 = arith.select %eq3A_327, %broadcast_in_dim3A_338, %select_n3A_308 : vector<16x128xi1>, vector<16x128xf32>
    %reduce_max3A_340 = vector.shape_cast %select_n3A_339 : vector<16x128xf32> to vector<1x16x128xf32>
    %reduce_max3A_341 = arith.constant dense<0xFF800000> : vector<1xf32>
    %reduce_max3A_342 = vector.multi_reduction <maximumf>, %reduce_max3A_340, %reduce_max3A_341 [1, 2] : vector<1x16x128xf32> to vector<1xf32>
    %reduce_max3A_343 = vector.shape_cast %reduce_max3A_342 : vector<1xf32> to vector<1x1x1xf32>
    %reduce_max3A_344 = vector.extract %reduce_max3A_343[0, 0, 0] : f32 from vector<1x1x1xf32>
    %broadcast_in_dim3A_345 = vector.broadcast %reduce_max3A_344 : f32 to vector<1x1xf32>
    %ge3A_346 = vector.broadcast %broadcast_in_dim3A_345 : vector<1x1xf32> to vector<16x128xf32>
    %ge3A_347 = arith.cmpf oge, %select_n3A_339, %ge3A_346 : vector<16x128xf32>
    %jit3A_348 = arith.constant 2048 : i32
    %broadcast_in_dim3A_349 = vector.broadcast %jit3A_348 : i32 to vector<16x128xi32>
    %select_n3A_350 = arith.select %ge3A_347, %add3A, %broadcast_in_dim3A_349 : vector<16x128xi1>, vector<16x128xi32>
    %reduce_min3A_351 = vector.shape_cast %select_n3A_350 : vector<16x128xi32> to vector<1x16x128xi32>
    %reduce_min3A_352 = arith.constant dense<2147483647> : vector<1xi32>
    %reduce_min3A_353 = vector.multi_reduction <minsi>, %reduce_min3A_351, %reduce_min3A_352 [1, 2] : vector<1x16x128xi32> to vector<1xi32>
    %reduce_min3A_354 = vector.shape_cast %reduce_min3A_353 : vector<1xi32> to vector<1x1x1xi32>
    %reduce_min3A_355 = vector.extract %reduce_min3A_354[0, 0, 0] : i32 from vector<1x1x1xi32>
    %broadcast_in_dim3A_356 = vector.broadcast %reduce_min3A_355 : i32 to vector<1x1xi32>
    %eq3A_357 = vector.broadcast %broadcast_in_dim3A_356 : vector<1x1xi32> to vector<16x128xi32>
    %eq3A_358 = arith.cmpi eq, %add3A, %eq3A_357 : vector<16x128xi32>
    %convert_element_type3A_359 = arith.extui %eq3A_358 : vector<16x128xi1> to vector<16x128xi32>
    %convert_element_type3A_360 = arith.sitofp %convert_element_type3A_359 : vector<16x128xi32> to vector<16x128xf32>
    %convert_element_type3A_361 = arith.truncf %convert_element_type3A_360 : vector<16x128xf32> to vector<16x128xbf16>
    %swap3A_362 = arith.constant 11 : index
    %swap3A_363 = arith.constant 0 : index
    %swap3A_364 = arith.constant 0 : index
    %swap3A_365 = vector.load %arg7[%swap3A_362, %swap3A_363, %swap3A_364] : memref<64x16x128xbf16, #tpu.memory_space<vmem>>, vector<1x16x128xbf16>
    %swap3A_366 = vector.shape_cast %swap3A_365 : vector<1x16x128xbf16> to vector<16x128xbf16>
    %swap3A_367 = vector.shape_cast %convert_element_type3A_361 : vector<16x128xbf16> to vector<1x16x128xbf16>
    tpu.vector_store %arg7[%swap3A_362, %swap3A_363, %swap3A_364], %swap3A_367 {strides = array<i32>} : memref<64x16x128xbf16, #tpu.memory_space<vmem>>, vector<1x16x128xbf16>,
    %jit3A_368 = arith.constant 0xFF800000 : f32
    %broadcast_in_dim3A_369 = vector.broadcast %jit3A_368 : f32 to vector<16x128xf32>
    %select_n3A_370 = arith.select %eq3A_358, %broadcast_in_dim3A_369, %select_n3A_339 : vector<16x128xi1>, vector<16x128xf32>
    %reduce_max3A_371 = vector.shape_cast %select_n3A_370 : vector<16x128xf32> to vector<1x16x128xf32>
    %reduce_max3A_372 = arith.constant dense<0xFF800000> : vector<1xf32>
    %reduce_max3A_373 = vector.multi_reduction <maximumf>, %reduce_max3A_371, %reduce_max3A_372 [1, 2] : vector<1x16x128xf32> to vector<1xf32>
    %reduce_max3A_374 = vector.shape_cast %reduce_max3A_373 : vector<1xf32> to vector<1x1x1xf32>
    %reduce_max3A_375 = vector.extract %reduce_max3A_374[0, 0, 0] : f32 from vector<1x1x1xf32>
    %broadcast_in_dim3A_376 = vector.broadcast %reduce_max3A_375 : f32 to vector<1x1xf32>
    %ge3A_377 = vector.broadcast %broadcast_in_dim3A_376 : vector<1x1xf32> to vector<16x128xf32>
    %ge3A_378 = arith.cmpf oge, %select_n3A_370, %ge3A_377 : vector<16x128xf32>
    %jit3A_379 = arith.constant 2048 : i32
    %broadcast_in_dim3A_380 = vector.broadcast %jit3A_379 : i32 to vector<16x128xi32>
    %select_n3A_381 = arith.select %ge3A_378, %add3A, %broadcast_in_dim3A_380 : vector<16x128xi1>, vector<16x128xi32>
    %reduce_min3A_382 = vector.shape_cast %select_n3A_381 : vector<16x128xi32> to vector<1x16x128xi32>
    %reduce_min3A_383 = arith.constant dense<2147483647> : vector<1xi32>
    %reduce_min3A_384 = vector.multi_reduction <minsi>, %reduce_min3A_382, %reduce_min3A_383 [1, 2] : vector<1x16x128xi32> to vector<1xi32>
    %reduce_min3A_385 = vector.shape_cast %reduce_min3A_384 : vector<1xi32> to vector<1x1x1xi32>
    %reduce_min3A_386 = vector.extract %reduce_min3A_385[0, 0, 0] : i32 from vector<1x1x1xi32>
    %broadcast_in_dim3A_387 = vector.broadcast %reduce_min3A_386 : i32 to vector<1x1xi32>
    %eq3A_388 = vector.broadcast %broadcast_in_dim3A_387 : vector<1x1xi32> to vector<16x128xi32>
    %eq3A_389 = arith.cmpi eq, %add3A, %eq3A_388 : vector<16x128xi32>
    %convert_element_type3A_390 = arith.extui %eq3A_389 : vector<16x128xi1> to vector<16x128xi32>
    %convert_element_type3A_391 = arith.sitofp %convert_element_type3A_390 : vector<16x128xi32> to vector<16x128xf32>
    %convert_element_type3A_392 = arith.truncf %convert_element_type3A_391 : vector<16x128xf32> to vector<16x128xbf16>
    %swap3A_393 = arith.constant 12 : index
    %swap3A_394 = arith.constant 0 : index
    %swap3A_395 = arith.constant 0 : index
    %swap3A_396 = vector.load %arg7[%swap3A_393, %swap3A_394, %swap3A_395] : memref<64x16x128xbf16, #tpu.memory_space<vmem>>, vector<1x16x128xbf16>
    %swap3A_397 = vector.shape_cast %swap3A_396 : vector<1x16x128xbf16> to vector<16x128xbf16>
    %swap3A_398 = vector.shape_cast %convert_element_type3A_392 : vector<16x128xbf16> to vector<1x16x128xbf16>
    tpu.vector_store %arg7[%swap3A_393, %swap3A_394, %swap3A_395], %swap3A_398 {strides = array<i32>} : memref<64x16x128xbf16, #tpu.memory_space<vmem>>, vector<1x16x128xbf16>,
    %jit3A_399 = arith.constant 0xFF800000 : f32
    %broadcast_in_dim3A_400 = vector.broadcast %jit3A_399 : f32 to vector<16x128xf32>
    %select_n3A_401 = arith.select %eq3A_389, %broadcast_in_dim3A_400, %select_n3A_370 : vector<16x128xi1>, vector<16x128xf32>
    %reduce_max3A_402 = vector.shape_cast %select_n3A_401 : vector<16x128xf32> to vector<1x16x128xf32>
    %reduce_max3A_403 = arith.constant dense<0xFF800000> : vector<1xf32>
    %reduce_max3A_404 = vector.multi_reduction <maximumf>, %reduce_max3A_402, %reduce_max3A_403 [1, 2] : vector<1x16x128xf32> to vector<1xf32>
    %reduce_max3A_405 = vector.shape_cast %reduce_max3A_404 : vector<1xf32> to vector<1x1x1xf32>
    %reduce_max3A_406 = vector.extract %reduce_max3A_405[0, 0, 0] : f32 from vector<1x1x1xf32>
    %broadcast_in_dim3A_407 = vector.broadcast %reduce_max3A_406 : f32 to vector<1x1xf32>
    %ge3A_408 = vector.broadcast %broadcast_in_dim3A_407 : vector<1x1xf32> to vector<16x128xf32>
    %ge3A_409 = arith.cmpf oge, %select_n3A_401, %ge3A_408 : vector<16x128xf32>
    %jit3A_410 = arith.constant 2048 : i32
    %broadcast_in_dim3A_411 = vector.broadcast %jit3A_410 : i32 to vector<16x128xi32>
    %select_n3A_412 = arith.select %ge3A_409, %add3A, %broadcast_in_dim3A_411 : vector<16x128xi1>, vector<16x128xi32>
    %reduce_min3A_413 = vector.shape_cast %select_n3A_412 : vector<16x128xi32> to vector<1x16x128xi32>
    %reduce_min3A_414 = arith.constant dense<2147483647> : vector<1xi32>
    %reduce_min3A_415 = vector.multi_reduction <minsi>, %reduce_min3A_413, %reduce_min3A_414 [1, 2] : vector<1x16x128xi32> to vector<1xi32>
    %reduce_min3A_416 = vector.shape_cast %reduce_min3A_415 : vector<1xi32> to vector<1x1x1xi32>
    %reduce_min3A_417 = vector.extract %reduce_min3A_416[0, 0, 0] : i32 from vector<1x1x1xi32>
    %broadcast_in_dim3A_418 = vector.broadcast %reduce_min3A_417 : i32 to vector<1x1xi32>
    %eq3A_419 = vector.broadcast %broadcast_in_dim3A_418 : vector<1x1xi32> to vector<16x128xi32>
    %eq3A_420 = arith.cmpi eq, %add3A, %eq3A_419 : vector<16x128xi32>
    %convert_element_type3A_421 = arith.extui %eq3A_420 : vector<16x128xi1> to vector<16x128xi32>
    %convert_element_type3A_422 = arith.sitofp %convert_element_type3A_421 : vector<16x128xi32> to vector<16x128xf32>
    %convert_element_type3A_423 = arith.truncf %convert_element_type3A_422 : vector<16x128xf32> to vector<16x128xbf16>
    %swap3A_424 = arith.constant 13 : index
    %swap3A_425 = arith.constant 0 : index
    %swap3A_426 = arith.constant 0 : index
    %swap3A_427 = vector.load %arg7[%swap3A_424, %swap3A_425, %swap3A_426] : memref<64x16x128xbf16, #tpu.memory_space<vmem>>, vector<1x16x128xbf16>
    %swap3A_428 = vector.shape_cast %swap3A_427 : vector<1x16x128xbf16> to vector<16x128xbf16>
    %swap3A_429 = vector.shape_cast %convert_element_type3A_423 : vector<16x128xbf16> to vector<1x16x128xbf16>
    tpu.vector_store %arg7[%swap3A_424, %swap3A_425, %swap3A_426], %swap3A_429 {strides = array<i32>} : memref<64x16x128xbf16, #tpu.memory_space<vmem>>, vector<1x16x128xbf16>,
    %jit3A_430 = arith.constant 0xFF800000 : f32
    %broadcast_in_dim3A_431 = vector.broadcast %jit3A_430 : f32 to vector<16x128xf32>
    %select_n3A_432 = arith.select %eq3A_420, %broadcast_in_dim3A_431, %select_n3A_401 : vector<16x128xi1>, vector<16x128xf32>
    %reduce_max3A_433 = vector.shape_cast %select_n3A_432 : vector<16x128xf32> to vector<1x16x128xf32>
    %reduce_max3A_434 = arith.constant dense<0xFF800000> : vector<1xf32>
    %reduce_max3A_435 = vector.multi_reduction <maximumf>, %reduce_max3A_433, %reduce_max3A_434 [1, 2] : vector<1x16x128xf32> to vector<1xf32>
    %reduce_max3A_436 = vector.shape_cast %reduce_max3A_435 : vector<1xf32> to vector<1x1x1xf32>
    %reduce_max3A_437 = vector.extract %reduce_max3A_436[0, 0, 0] : f32 from vector<1x1x1xf32>
    %broadcast_in_dim3A_438 = vector.broadcast %reduce_max3A_437 : f32 to vector<1x1xf32>
    %ge3A_439 = vector.broadcast %broadcast_in_dim3A_438 : vector<1x1xf32> to vector<16x128xf32>
    %ge3A_440 = arith.cmpf oge, %select_n3A_432, %ge3A_439 : vector<16x128xf32>
    %jit3A_441 = arith.constant 2048 : i32
    %broadcast_in_dim3A_442 = vector.broadcast %jit3A_441 : i32 to vector<16x128xi32>
    %select_n3A_443 = arith.select %ge3A_440, %add3A, %broadcast_in_dim3A_442 : vector<16x128xi1>, vector<16x128xi32>
    %reduce_min3A_444 = vector.shape_cast %select_n3A_443 : vector<16x128xi32> to vector<1x16x128xi32>
    %reduce_min3A_445 = arith.constant dense<2147483647> : vector<1xi32>
    %reduce_min3A_446 = vector.multi_reduction <minsi>, %reduce_min3A_444, %reduce_min3A_445 [1, 2] : vector<1x16x128xi32> to vector<1xi32>
    %reduce_min3A_447 = vector.shape_cast %reduce_min3A_446 : vector<1xi32> to vector<1x1x1xi32>
    %reduce_min3A_448 = vector.extract %reduce_min3A_447[0, 0, 0] : i32 from vector<1x1x1xi32>
    %broadcast_in_dim3A_449 = vector.broadcast %reduce_min3A_448 : i32 to vector<1x1xi32>
    %eq3A_450 = vector.broadcast %broadcast_in_dim3A_449 : vector<1x1xi32> to vector<16x128xi32>
    %eq3A_451 = arith.cmpi eq, %add3A, %eq3A_450 : vector<16x128xi32>
    %convert_element_type3A_452 = arith.extui %eq3A_451 : vector<16x128xi1> to vector<16x128xi32>
    %convert_element_type3A_453 = arith.sitofp %convert_element_type3A_452 : vector<16x128xi32> to vector<16x128xf32>
    %convert_element_type3A_454 = arith.truncf %convert_element_type3A_453 : vector<16x128xf32> to vector<16x128xbf16>
    %swap3A_455 = arith.constant 14 : index
    %swap3A_456 = arith.constant 0 : index
    %swap3A_457 = arith.constant 0 : index
    %swap3A_458 = vector.load %arg7[%swap3A_455, %swap3A_456, %swap3A_457] : memref<64x16x128xbf16, #tpu.memory_space<vmem>>, vector<1x16x128xbf16>
    %swap3A_459 = vector.shape_cast %swap3A_458 : vector<1x16x128xbf16> to vector<16x128xbf16>
    %swap3A_460 = vector.shape_cast %convert_element_type3A_454 : vector<16x128xbf16> to vector<1x16x128xbf16>
    tpu.vector_store %arg7[%swap3A_455, %swap3A_456, %swap3A_457], %swap3A_460 {strides = array<i32>} : memref<64x16x128xbf16, #tpu.memory_space<vmem>>, vector<1x16x128xbf16>,
    %jit3A_461 = arith.constant 0xFF800000 : f32
    %broadcast_in_dim3A_462 = vector.broadcast %jit3A_461 : f32 to vector<16x128xf32>
    %select_n3A_463 = arith.select %eq3A_451, %broadcast_in_dim3A_462, %select_n3A_432 : vector<16x128xi1>, vector<16x128xf32>
    %reduce_max3A_464 = vector.shape_cast %select_n3A_463 : vector<16x128xf32> to vector<1x16x128xf32>
    %reduce_max3A_465 = arith.constant dense<0xFF800000> : vector<1xf32>
    %reduce_max3A_466 = vector.multi_reduction <maximumf>, %reduce_max3A_464, %reduce_max3A_465 [1, 2] : vector<1x16x128xf32> to vector<1xf32>
    %reduce_max3A_467 = vector.shape_cast %reduce_max3A_466 : vector<1xf32> to vector<1x1x1xf32>
    %reduce_max3A_468 = vector.extract %reduce_max3A_467[0, 0, 0] : f32 from vector<1x1x1xf32>
    %broadcast_in_dim3A_469 = vector.broadcast %reduce_max3A_468 : f32 to vector<1x1xf32>
    %ge3A_470 = vector.broadcast %broadcast_in_dim3A_469 : vector<1x1xf32> to vector<16x128xf32>
    %ge3A_471 = arith.cmpf oge, %select_n3A_463, %ge3A_470 : vector<16x128xf32>
    %jit3A_472 = arith.constant 2048 : i32
    %broadcast_in_dim3A_473 = vector.broadcast %jit3A_472 : i32 to vector<16x128xi32>
    %select_n3A_474 = arith.select %ge3A_471, %add3A, %broadcast_in_dim3A_473 : vector<16x128xi1>, vector<16x128xi32>
    %reduce_min3A_475 = vector.shape_cast %select_n3A_474 : vector<16x128xi32> to vector<1x16x128xi32>
    %reduce_min3A_476 = arith.constant dense<2147483647> : vector<1xi32>
    %reduce_min3A_477 = vector.multi_reduction <minsi>, %reduce_min3A_475, %reduce_min3A_476 [1, 2] : vector<1x16x128xi32> to vector<1xi32>
    %reduce_min3A_478 = vector.shape_cast %reduce_min3A_477 : vector<1xi32> to vector<1x1x1xi32>
    %reduce_min3A_479 = vector.extract %reduce_min3A_478[0, 0, 0] : i32 from vector<1x1x1xi32>
    %broadcast_in_dim3A_480 = vector.broadcast %reduce_min3A_479 : i32 to vector<1x1xi32>
    %eq3A_481 = vector.broadcast %broadcast_in_dim3A_480 : vector<1x1xi32> to vector<16x128xi32>
    %eq3A_482 = arith.cmpi eq, %add3A, %eq3A_481 : vector<16x128xi32>
    %convert_element_type3A_483 = arith.extui %eq3A_482 : vector<16x128xi1> to vector<16x128xi32>
    %convert_element_type3A_484 = arith.sitofp %convert_element_type3A_483 : vector<16x128xi32> to vector<16x128xf32>
    %convert_element_type3A_485 = arith.truncf %convert_element_type3A_484 : vector<16x128xf32> to vector<16x128xbf16>
    %swap3A_486 = arith.constant 15 : index
    %swap3A_487 = arith.constant 0 : index
    %swap3A_488 = arith.constant 0 : index
    %swap3A_489 = vector.load %arg7[%swap3A_486, %swap3A_487, %swap3A_488] : memref<64x16x128xbf16, #tpu.memory_space<vmem>>, vector<1x16x128xbf16>
    %swap3A_490 = vector.shape_cast %swap3A_489 : vector<1x16x128xbf16> to vector<16x128xbf16>
    %swap3A_491 = vector.shape_cast %convert_element_type3A_485 : vector<16x128xbf16> to vector<1x16x128xbf16>
    tpu.vector_store %arg7[%swap3A_486, %swap3A_487, %swap3A_488], %swap3A_491 {strides = array<i32>} : memref<64x16x128xbf16, #tpu.memory_space<vmem>>, vector<1x16x128xbf16>,
    %jit3A_492 = arith.constant 0xFF800000 : f32
    %broadcast_in_dim3A_493 = vector.broadcast %jit3A_492 : f32 to vector<16x128xf32>
    %select_n3A_494 = arith.select %eq3A_482, %broadcast_in_dim3A_493, %select_n3A_463 : vector<16x128xi1>, vector<16x128xf32>
    %reduce_max3A_495 = vector.shape_cast %select_n3A_494 : vector<16x128xf32> to vector<1x16x128xf32>
    %reduce_max3A_496 = arith.constant dense<0xFF800000> : vector<1xf32>
    %reduce_max3A_497 = vector.multi_reduction <maximumf>, %reduce_max3A_495, %reduce_max3A_496 [1, 2] : vector<1x16x128xf32> to vector<1xf32>
    %reduce_max3A_498 = vector.shape_cast %reduce_max3A_497 : vector<1xf32> to vector<1x1x1xf32>
    %reduce_max3A_499 = vector.extract %reduce_max3A_498[0, 0, 0] : f32 from vector<1x1x1xf32>
    %broadcast_in_dim3A_500 = vector.broadcast %reduce_max3A_499 : f32 to vector<1x1xf32>
    %ge3A_501 = vector.broadcast %broadcast_in_dim3A_500 : vector<1x1xf32> to vector<16x128xf32>
    %ge3A_502 = arith.cmpf oge, %select_n3A_494, %ge3A_501 : vector<16x128xf32>
    %jit3A_503 = arith.constant 2048 : i32
    %broadcast_in_dim3A_504 = vector.broadcast %jit3A_503 : i32 to vector<16x128xi32>
    %select_n3A_505 = arith.select %ge3A_502, %add3A, %broadcast_in_dim3A_504 : vector<16x128xi1>, vector<16x128xi32>
    %reduce_min3A_506 = vector.shape_cast %select_n3A_505 : vector<16x128xi32> to vector<1x16x128xi32>
    %reduce_min3A_507 = arith.constant dense<2147483647> : vector<1xi32>
    %reduce_min3A_508 = vector.multi_reduction <minsi>, %reduce_min3A_506, %reduce_min3A_507 [1, 2] : vector<1x16x128xi32> to vector<1xi32>
    %reduce_min3A_509 = vector.shape_cast %reduce_min3A_508 : vector<1xi32> to vector<1x1x1xi32>
    %reduce_min3A_510 = vector.extract %reduce_min3A_509[0, 0, 0] : i32 from vector<1x1x1xi32>
    %broadcast_in_dim3A_511 = vector.broadcast %reduce_min3A_510 : i32 to vector<1x1xi32>
    %eq3A_512 = vector.broadcast %broadcast_in_dim3A_511 : vector<1x1xi32> to vector<16x128xi32>
    %eq3A_513 = arith.cmpi eq, %add3A, %eq3A_512 : vector<16x128xi32>
    %convert_element_type3A_514 = arith.extui %eq3A_513 : vector<16x128xi1> to vector<16x128xi32>
    %convert_element_type3A_515 = arith.sitofp %convert_element_type3A_514 : vector<16x128xi32> to vector<16x128xf32>
    %convert_element_type3A_516 = arith.truncf %convert_element_type3A_515 : vector<16x128xf32> to vector<16x128xbf16>
    %swap3A_517 = arith.constant 16 : index
    %swap3A_518 = arith.constant 0 : index
    %swap3A_519 = arith.constant 0 : index
    %swap3A_520 = vector.load %arg7[%swap3A_517, %swap3A_518, %swap3A_519] : memref<64x16x128xbf16, #tpu.memory_space<vmem>>, vector<1x16x128xbf16>
    %swap3A_521 = vector.shape_cast %swap3A_520 : vector<1x16x128xbf16> to vector<16x128xbf16>
    %swap3A_522 = vector.shape_cast %convert_element_type3A_516 : vector<16x128xbf16> to vector<1x16x128xbf16>
    tpu.vector_store %arg7[%swap3A_517, %swap3A_518, %swap3A_519], %swap3A_522 {strides = array<i32>} : memref<64x16x128xbf16, #tpu.memory_space<vmem>>, vector<1x16x128xbf16>,
    %jit3A_523 = arith.constant 0xFF800000 : f32
    %broadcast_in_dim3A_524 = vector.broadcast %jit3A_523 : f32 to vector<16x128xf32>
    %select_n3A_525 = arith.select %eq3A_513, %broadcast_in_dim3A_524, %select_n3A_494 : vector<16x128xi1>, vector<16x128xf32>
    %reduce_max3A_526 = vector.shape_cast %select_n3A_525 : vector<16x128xf32> to vector<1x16x128xf32>
    %reduce_max3A_527 = arith.constant dense<0xFF800000> : vector<1xf32>
    %reduce_max3A_528 = vector.multi_reduction <maximumf>, %reduce_max3A_526, %reduce_max3A_527 [1, 2] : vector<1x16x128xf32> to vector<1xf32>
    %reduce_max3A_529 = vector.shape_cast %reduce_max3A_528 : vector<1xf32> to vector<1x1x1xf32>
    %reduce_max3A_530 = vector.extract %reduce_max3A_529[0, 0, 0] : f32 from vector<1x1x1xf32>
    %broadcast_in_dim3A_531 = vector.broadcast %reduce_max3A_530 : f32 to vector<1x1xf32>
    %ge3A_532 = vector.broadcast %broadcast_in_dim3A_531 : vector<1x1xf32> to vector<16x128xf32>
    %ge3A_533 = arith.cmpf oge, %select_n3A_525, %ge3A_532 : vector<16x128xf32>
    %jit3A_534 = arith.constant 2048 : i32
    %broadcast_in_dim3A_535 = vector.broadcast %jit3A_534 : i32 to vector<16x128xi32>
    %select_n3A_536 = arith.select %ge3A_533, %add3A, %broadcast_in_dim3A_535 : vector<16x128xi1>, vector<16x128xi32>
    %reduce_min3A_537 = vector.shape_cast %select_n3A_536 : vector<16x128xi32> to vector<1x16x128xi32>
    %reduce_min3A_538 = arith.constant dense<2147483647> : vector<1xi32>
    %reduce_min3A_539 = vector.multi_reduction <minsi>, %reduce_min3A_537, %reduce_min3A_538 [1, 2] : vector<1x16x128xi32> to vector<1xi32>
    %reduce_min3A_540 = vector.shape_cast %reduce_min3A_539 : vector<1xi32> to vector<1x1x1xi32>
    %reduce_min3A_541 = vector.extract %reduce_min3A_540[0, 0, 0] : i32 from vector<1x1x1xi32>
    %broadcast_in_dim3A_542 = vector.broadcast %reduce_min3A_541 : i32 to vector<1x1xi32>
    %eq3A_543 = vector.broadcast %broadcast_in_dim3A_542 : vector<1x1xi32> to vector<16x128xi32>
    %eq3A_544 = arith.cmpi eq, %add3A, %eq3A_543 : vector<16x128xi32>
    %convert_element_type3A_545 = arith.extui %eq3A_544 : vector<16x128xi1> to vector<16x128xi32>
    %convert_element_type3A_546 = arith.sitofp %convert_element_type3A_545 : vector<16x128xi32> to vector<16x128xf32>
    %convert_element_type3A_547 = arith.truncf %convert_element_type3A_546 : vector<16x128xf32> to vector<16x128xbf16>
    %swap3A_548 = arith.constant 17 : index
    %swap3A_549 = arith.constant 0 : index
    %swap3A_550 = arith.constant 0 : index
    %swap3A_551 = vector.load %arg7[%swap3A_548, %swap3A_549, %swap3A_550] : memref<64x16x128xbf16, #tpu.memory_space<vmem>>, vector<1x16x128xbf16>
    %swap3A_552 = vector.shape_cast %swap3A_551 : vector<1x16x128xbf16> to vector<16x128xbf16>
    %swap3A_553 = vector.shape_cast %convert_element_type3A_547 : vector<16x128xbf16> to vector<1x16x128xbf16>
    tpu.vector_store %arg7[%swap3A_548, %swap3A_549, %swap3A_550], %swap3A_553 {strides = array<i32>} : memref<64x16x128xbf16, #tpu.memory_space<vmem>>, vector<1x16x128xbf16>,
    %jit3A_554 = arith.constant 0xFF800000 : f32
    %broadcast_in_dim3A_555 = vector.broadcast %jit3A_554 : f32 to vector<16x128xf32>
    %select_n3A_556 = arith.select %eq3A_544, %broadcast_in_dim3A_555, %select_n3A_525 : vector<16x128xi1>, vector<16x128xf32>
    %reduce_max3A_557 = vector.shape_cast %select_n3A_556 : vector<16x128xf32> to vector<1x16x128xf32>
    %reduce_max3A_558 = arith.constant dense<0xFF800000> : vector<1xf32>
    %reduce_max3A_559 = vector.multi_reduction <maximumf>, %reduce_max3A_557, %reduce_max3A_558 [1, 2] : vector<1x16x128xf32> to vector<1xf32>
    %reduce_max3A_560 = vector.shape_cast %reduce_max3A_559 : vector<1xf32> to vector<1x1x1xf32>
    %reduce_max3A_561 = vector.extract %reduce_max3A_560[0, 0, 0] : f32 from vector<1x1x1xf32>
    %broadcast_in_dim3A_562 = vector.broadcast %reduce_max3A_561 : f32 to vector<1x1xf32>
    %ge3A_563 = vector.broadcast %broadcast_in_dim3A_562 : vector<1x1xf32> to vector<16x128xf32>
    %ge3A_564 = arith.cmpf oge, %select_n3A_556, %ge3A_563 : vector<16x128xf32>
    %jit3A_565 = arith.constant 2048 : i32
    %broadcast_in_dim3A_566 = vector.broadcast %jit3A_565 : i32 to vector<16x128xi32>
    %select_n3A_567 = arith.select %ge3A_564, %add3A, %broadcast_in_dim3A_566 : vector<16x128xi1>, vector<16x128xi32>
    %reduce_min3A_568 = vector.shape_cast %select_n3A_567 : vector<16x128xi32> to vector<1x16x128xi32>
    %reduce_min3A_569 = arith.constant dense<2147483647> : vector<1xi32>
    %reduce_min3A_570 = vector.multi_reduction <minsi>, %reduce_min3A_568, %reduce_min3A_569 [1, 2] : vector<1x16x128xi32> to vector<1xi32>
    %reduce_min3A_571 = vector.shape_cast %reduce_min3A_570 : vector<1xi32> to vector<1x1x1xi32>
    %reduce_min3A_572 = vector.extract %reduce_min3A_571[0, 0, 0] : i32 from vector<1x1x1xi32>
    %broadcast_in_dim3A_573 = vector.broadcast %reduce_min3A_572 : i32 to vector<1x1xi32>
    %eq3A_574 = vector.broadcast %broadcast_in_dim3A_573 : vector<1x1xi32> to vector<16x128xi32>
    %eq3A_575 = arith.cmpi eq, %add3A, %eq3A_574 : vector<16x128xi32>
    %convert_element_type3A_576 = arith.extui %eq3A_575 : vector<16x128xi1> to vector<16x128xi32>
    %convert_element_type3A_577 = arith.sitofp %convert_element_type3A_576 : vector<16x128xi32> to vector<16x128xf32>
    %convert_element_type3A_578 = arith.truncf %convert_element_type3A_577 : vector<16x128xf32> to vector<16x128xbf16>
    %swap3A_579 = arith.constant 18 : index
    %swap3A_580 = arith.constant 0 : index
    %swap3A_581 = arith.constant 0 : index
    %swap3A_582 = vector.load %arg7[%swap3A_579, %swap3A_580, %swap3A_581] : memref<64x16x128xbf16, #tpu.memory_space<vmem>>, vector<1x16x128xbf16>
    %swap3A_583 = vector.shape_cast %swap3A_582 : vector<1x16x128xbf16> to vector<16x128xbf16>
    %swap3A_584 = vector.shape_cast %convert_element_type3A_578 : vector<16x128xbf16> to vector<1x16x128xbf16>
    tpu.vector_store %arg7[%swap3A_579, %swap3A_580, %swap3A_581], %swap3A_584 {strides = array<i32>} : memref<64x16x128xbf16, #tpu.memory_space<vmem>>, vector<1x16x128xbf16>,
    %jit3A_585 = arith.constant 0xFF800000 : f32
    %broadcast_in_dim3A_586 = vector.broadcast %jit3A_585 : f32 to vector<16x128xf32>
    %select_n3A_587 = arith.select %eq3A_575, %broadcast_in_dim3A_586, %select_n3A_556 : vector<16x128xi1>, vector<16x128xf32>
    %reduce_max3A_588 = vector.shape_cast %select_n3A_587 : vector<16x128xf32> to vector<1x16x128xf32>
    %reduce_max3A_589 = arith.constant dense<0xFF800000> : vector<1xf32>
    %reduce_max3A_590 = vector.multi_reduction <maximumf>, %reduce_max3A_588, %reduce_max3A_589 [1, 2] : vector<1x16x128xf32> to vector<1xf32>
    %reduce_max3A_591 = vector.shape_cast %reduce_max3A_590 : vector<1xf32> to vector<1x1x1xf32>
    %reduce_max3A_592 = vector.extract %reduce_max3A_591[0, 0, 0] : f32 from vector<1x1x1xf32>
    %broadcast_in_dim3A_593 = vector.broadcast %reduce_max3A_592 : f32 to vector<1x1xf32>
    %ge3A_594 = vector.broadcast %broadcast_in_dim3A_593 : vector<1x1xf32> to vector<16x128xf32>
    %ge3A_595 = arith.cmpf oge, %select_n3A_587, %ge3A_594 : vector<16x128xf32>
    %jit3A_596 = arith.constant 2048 : i32
    %broadcast_in_dim3A_597 = vector.broadcast %jit3A_596 : i32 to vector<16x128xi32>
    %select_n3A_598 = arith.select %ge3A_595, %add3A, %broadcast_in_dim3A_597 : vector<16x128xi1>, vector<16x128xi32>
    %reduce_min3A_599 = vector.shape_cast %select_n3A_598 : vector<16x128xi32> to vector<1x16x128xi32>
    %reduce_min3A_600 = arith.constant dense<2147483647> : vector<1xi32>
    %reduce_min3A_601 = vector.multi_reduction <minsi>, %reduce_min3A_599, %reduce_min3A_600 [1, 2] : vector<1x16x128xi32> to vector<1xi32>
    %reduce_min3A_602 = vector.shape_cast %reduce_min3A_601 : vector<1xi32> to vector<1x1x1xi32>
    %reduce_min3A_603 = vector.extract %reduce_min3A_602[0, 0, 0] : i32 from vector<1x1x1xi32>
    %broadcast_in_dim3A_604 = vector.broadcast %reduce_min3A_603 : i32 to vector<1x1xi32>
    %eq3A_605 = vector.broadcast %broadcast_in_dim3A_604 : vector<1x1xi32> to vector<16x128xi32>
    %eq3A_606 = arith.cmpi eq, %add3A, %eq3A_605 : vector<16x128xi32>
    %convert_element_type3A_607 = arith.extui %eq3A_606 : vector<16x128xi1> to vector<16x128xi32>
    %convert_element_type3A_608 = arith.sitofp %convert_element_type3A_607 : vector<16x128xi32> to vector<16x128xf32>
    %convert_element_type3A_609 = arith.truncf %convert_element_type3A_608 : vector<16x128xf32> to vector<16x128xbf16>
    %swap3A_610 = arith.constant 19 : index
    %swap3A_611 = arith.constant 0 : index
    %swap3A_612 = arith.constant 0 : index
    %swap3A_613 = vector.load %arg7[%swap3A_610, %swap3A_611, %swap3A_612] : memref<64x16x128xbf16, #tpu.memory_space<vmem>>, vector<1x16x128xbf16>
    %swap3A_614 = vector.shape_cast %swap3A_613 : vector<1x16x128xbf16> to vector<16x128xbf16>
    %swap3A_615 = vector.shape_cast %convert_element_type3A_609 : vector<16x128xbf16> to vector<1x16x128xbf16>
    tpu.vector_store %arg7[%swap3A_610, %swap3A_611, %swap3A_612], %swap3A_615 {strides = array<i32>} : memref<64x16x128xbf16, #tpu.memory_space<vmem>>, vector<1x16x128xbf16>,
    %jit3A_616 = arith.constant 0xFF800000 : f32
    %broadcast_in_dim3A_617 = vector.broadcast %jit3A_616 : f32 to vector<16x128xf32>
    %select_n3A_618 = arith.select %eq3A_606, %broadcast_in_dim3A_617, %select_n3A_587 : vector<16x128xi1>, vector<16x128xf32>
    %reduce_max3A_619 = vector.shape_cast %select_n3A_618 : vector<16x128xf32> to vector<1x16x128xf32>
    %reduce_max3A_620 = arith.constant dense<0xFF800000> : vector<1xf32>
    %reduce_max3A_621 = vector.multi_reduction <maximumf>, %reduce_max3A_619, %reduce_max3A_620 [1, 2] : vector<1x16x128xf32> to vector<1xf32>
    %reduce_max3A_622 = vector.shape_cast %reduce_max3A_621 : vector<1xf32> to vector<1x1x1xf32>
    %reduce_max3A_623 = vector.extract %reduce_max3A_622[0, 0, 0] : f32 from vector<1x1x1xf32>
    %broadcast_in_dim3A_624 = vector.broadcast %reduce_max3A_623 : f32 to vector<1x1xf32>
    %ge3A_625 = vector.broadcast %broadcast_in_dim3A_624 : vector<1x1xf32> to vector<16x128xf32>
    %ge3A_626 = arith.cmpf oge, %select_n3A_618, %ge3A_625 : vector<16x128xf32>
    %jit3A_627 = arith.constant 2048 : i32
    %broadcast_in_dim3A_628 = vector.broadcast %jit3A_627 : i32 to vector<16x128xi32>
    %select_n3A_629 = arith.select %ge3A_626, %add3A, %broadcast_in_dim3A_628 : vector<16x128xi1>, vector<16x128xi32>
    %reduce_min3A_630 = vector.shape_cast %select_n3A_629 : vector<16x128xi32> to vector<1x16x128xi32>
    %reduce_min3A_631 = arith.constant dense<2147483647> : vector<1xi32>
    %reduce_min3A_632 = vector.multi_reduction <minsi>, %reduce_min3A_630, %reduce_min3A_631 [1, 2] : vector<1x16x128xi32> to vector<1xi32>
    %reduce_min3A_633 = vector.shape_cast %reduce_min3A_632 : vector<1xi32> to vector<1x1x1xi32>
    %reduce_min3A_634 = vector.extract %reduce_min3A_633[0, 0, 0] : i32 from vector<1x1x1xi32>
    %broadcast_in_dim3A_635 = vector.broadcast %reduce_min3A_634 : i32 to vector<1x1xi32>
    %eq3A_636 = vector.broadcast %broadcast_in_dim3A_635 : vector<1x1xi32> to vector<16x128xi32>
    %eq3A_637 = arith.cmpi eq, %add3A, %eq3A_636 : vector<16x128xi32>
    %convert_element_type3A_638 = arith.extui %eq3A_637 : vector<16x128xi1> to vector<16x128xi32>
    %convert_element_type3A_639 = arith.sitofp %convert_element_type3A_638 : vector<16x128xi32> to vector<16x128xf32>
    %convert_element_type3A_640 = arith.truncf %convert_element_type3A_639 : vector<16x128xf32> to vector<16x128xbf16>
    %swap3A_641 = arith.constant 20 : index
    %swap3A_642 = arith.constant 0 : index
    %swap3A_643 = arith.constant 0 : index
    %swap3A_644 = vector.load %arg7[%swap3A_641, %swap3A_642, %swap3A_643] : memref<64x16x128xbf16, #tpu.memory_space<vmem>>, vector<1x16x128xbf16>
    %swap3A_645 = vector.shape_cast %swap3A_644 : vector<1x16x128xbf16> to vector<16x128xbf16>
    %swap3A_646 = vector.shape_cast %convert_element_type3A_640 : vector<16x128xbf16> to vector<1x16x128xbf16>
    tpu.vector_store %arg7[%swap3A_641, %swap3A_642, %swap3A_643], %swap3A_646 {strides = array<i32>} : memref<64x16x128xbf16, #tpu.memory_space<vmem>>, vector<1x16x128xbf16>,
    %jit3A_647 = arith.constant 0xFF800000 : f32
    %broadcast_in_dim3A_648 = vector.broadcast %jit3A_647 : f32 to vector<16x128xf32>
    %select_n3A_649 = arith.select %eq3A_637, %broadcast_in_dim3A_648, %select_n3A_618 : vector<16x128xi1>, vector<16x128xf32>
    %reduce_max3A_650 = vector.shape_cast %select_n3A_649 : vector<16x128xf32> to vector<1x16x128xf32>
    %reduce_max3A_651 = arith.constant dense<0xFF800000> : vector<1xf32>
    %reduce_max3A_652 = vector.multi_reduction <maximumf>, %reduce_max3A_650, %reduce_max3A_651 [1, 2] : vector<1x16x128xf32> to vector<1xf32>
    %reduce_max3A_653 = vector.shape_cast %reduce_max3A_652 : vector<1xf32> to vector<1x1x1xf32>
    %reduce_max3A_654 = vector.extract %reduce_max3A_653[0, 0, 0] : f32 from vector<1x1x1xf32>
    %broadcast_in_dim3A_655 = vector.broadcast %reduce_max3A_654 : f32 to vector<1x1xf32>
    %ge3A_656 = vector.broadcast %broadcast_in_dim3A_655 : vector<1x1xf32> to vector<16x128xf32>
    %ge3A_657 = arith.cmpf oge, %select_n3A_649, %ge3A_656 : vector<16x128xf32>
    %jit3A_658 = arith.constant 2048 : i32
    %broadcast_in_dim3A_659 = vector.broadcast %jit3A_658 : i32 to vector<16x128xi32>
    %select_n3A_660 = arith.select %ge3A_657, %add3A, %broadcast_in_dim3A_659 : vector<16x128xi1>, vector<16x128xi32>
    %reduce_min3A_661 = vector.shape_cast %select_n3A_660 : vector<16x128xi32> to vector<1x16x128xi32>
    %reduce_min3A_662 = arith.constant dense<2147483647> : vector<1xi32>
    %reduce_min3A_663 = vector.multi_reduction <minsi>, %reduce_min3A_661, %reduce_min3A_662 [1, 2] : vector<1x16x128xi32> to vector<1xi32>
    %reduce_min3A_664 = vector.shape_cast %reduce_min3A_663 : vector<1xi32> to vector<1x1x1xi32>
    %reduce_min3A_665 = vector.extract %reduce_min3A_664[0, 0, 0] : i32 from vector<1x1x1xi32>
    %broadcast_in_dim3A_666 = vector.broadcast %reduce_min3A_665 : i32 to vector<1x1xi32>
    %eq3A_667 = vector.broadcast %broadcast_in_dim3A_666 : vector<1x1xi32> to vector<16x128xi32>
    %eq3A_668 = arith.cmpi eq, %add3A, %eq3A_667 : vector<16x128xi32>
    %convert_element_type3A_669 = arith.extui %eq3A_668 : vector<16x128xi1> to vector<16x128xi32>
    %convert_element_type3A_670 = arith.sitofp %convert_element_type3A_669 : vector<16x128xi32> to vector<16x128xf32>
    %convert_element_type3A_671 = arith.truncf %convert_element_type3A_670 : vector<16x128xf32> to vector<16x128xbf16>
    %swap3A_672 = arith.constant 21 : index
    %swap3A_673 = arith.constant 0 : index
    %swap3A_674 = arith.constant 0 : index
    %swap3A_675 = vector.load %arg7[%swap3A_672, %swap3A_673, %swap3A_674] : memref<64x16x128xbf16, #tpu.memory_space<vmem>>, vector<1x16x128xbf16>
    %swap3A_676 = vector.shape_cast %swap3A_675 : vector<1x16x128xbf16> to vector<16x128xbf16>
    %swap3A_677 = vector.shape_cast %convert_element_type3A_671 : vector<16x128xbf16> to vector<1x16x128xbf16>
    tpu.vector_store %arg7[%swap3A_672, %swap3A_673, %swap3A_674], %swap3A_677 {strides = array<i32>} : memref<64x16x128xbf16, #tpu.memory_space<vmem>>, vector<1x16x128xbf16>,
    %jit3A_678 = arith.constant 0xFF800000 : f32
    %broadcast_in_dim3A_679 = vector.broadcast %jit3A_678 : f32 to vector<16x128xf32>
    %select_n3A_680 = arith.select %eq3A_668, %broadcast_in_dim3A_679, %select_n3A_649 : vector<16x128xi1>, vector<16x128xf32>
    %reduce_max3A_681 = vector.shape_cast %select_n3A_680 : vector<16x128xf32> to vector<1x16x128xf32>
    %reduce_max3A_682 = arith.constant dense<0xFF800000> : vector<1xf32>
    %reduce_max3A_683 = vector.multi_reduction <maximumf>, %reduce_max3A_681, %reduce_max3A_682 [1, 2] : vector<1x16x128xf32> to vector<1xf32>
    %reduce_max3A_684 = vector.shape_cast %reduce_max3A_683 : vector<1xf32> to vector<1x1x1xf32>
    %reduce_max3A_685 = vector.extract %reduce_max3A_684[0, 0, 0] : f32 from vector<1x1x1xf32>
    %broadcast_in_dim3A_686 = vector.broadcast %reduce_max3A_685 : f32 to vector<1x1xf32>
    %ge3A_687 = vector.broadcast %broadcast_in_dim3A_686 : vector<1x1xf32> to vector<16x128xf32>
    %ge3A_688 = arith.cmpf oge, %select_n3A_680, %ge3A_687 : vector<16x128xf32>
    %jit3A_689 = arith.constant 2048 : i32
    %broadcast_in_dim3A_690 = vector.broadcast %jit3A_689 : i32 to vector<16x128xi32>
    %select_n3A_691 = arith.select %ge3A_688, %add3A, %broadcast_in_dim3A_690 : vector<16x128xi1>, vector<16x128xi32>
    %reduce_min3A_692 = vector.shape_cast %select_n3A_691 : vector<16x128xi32> to vector<1x16x128xi32>
    %reduce_min3A_693 = arith.constant dense<2147483647> : vector<1xi32>
    %reduce_min3A_694 = vector.multi_reduction <minsi>, %reduce_min3A_692, %reduce_min3A_693 [1, 2] : vector<1x16x128xi32> to vector<1xi32>
    %reduce_min3A_695 = vector.shape_cast %reduce_min3A_694 : vector<1xi32> to vector<1x1x1xi32>
    %reduce_min3A_696 = vector.extract %reduce_min3A_695[0, 0, 0] : i32 from vector<1x1x1xi32>
    %broadcast_in_dim3A_697 = vector.broadcast %reduce_min3A_696 : i32 to vector<1x1xi32>
    %eq3A_698 = vector.broadcast %broadcast_in_dim3A_697 : vector<1x1xi32> to vector<16x128xi32>
    %eq3A_699 = arith.cmpi eq, %add3A, %eq3A_698 : vector<16x128xi32>
    %convert_element_type3A_700 = arith.extui %eq3A_699 : vector<16x128xi1> to vector<16x128xi32>
    %convert_element_type3A_701 = arith.sitofp %convert_element_type3A_700 : vector<16x128xi32> to vector<16x128xf32>
    %convert_element_type3A_702 = arith.truncf %convert_element_type3A_701 : vector<16x128xf32> to vector<16x128xbf16>
    %swap3A_703 = arith.constant 22 : index
    %swap3A_704 = arith.constant 0 : index
    %swap3A_705 = arith.constant 0 : index
    %swap3A_706 = vector.load %arg7[%swap3A_703, %swap3A_704, %swap3A_705] : memref<64x16x128xbf16, #tpu.memory_space<vmem>>, vector<1x16x128xbf16>
    %swap3A_707 = vector.shape_cast %swap3A_706 : vector<1x16x128xbf16> to vector<16x128xbf16>
    %swap3A_708 = vector.shape_cast %convert_element_type3A_702 : vector<16x128xbf16> to vector<1x16x128xbf16>
    tpu.vector_store %arg7[%swap3A_703, %swap3A_704, %swap3A_705], %swap3A_708 {strides = array<i32>} : memref<64x16x128xbf16, #tpu.memory_space<vmem>>, vector<1x16x128xbf16>,
    %jit3A_709 = arith.constant 0xFF800000 : f32
    %broadcast_in_dim3A_710 = vector.broadcast %jit3A_709 : f32 to vector<16x128xf32>
    %select_n3A_711 = arith.select %eq3A_699, %broadcast_in_dim3A_710, %select_n3A_680 : vector<16x128xi1>, vector<16x128xf32>
    %reduce_max3A_712 = vector.shape_cast %select_n3A_711 : vector<16x128xf32> to vector<1x16x128xf32>
    %reduce_max3A_713 = arith.constant dense<0xFF800000> : vector<1xf32>
    %reduce_max3A_714 = vector.multi_reduction <maximumf>, %reduce_max3A_712, %reduce_max3A_713 [1, 2] : vector<1x16x128xf32> to vector<1xf32>
    %reduce_max3A_715 = vector.shape_cast %reduce_max3A_714 : vector<1xf32> to vector<1x1x1xf32>
    %reduce_max3A_716 = vector.extract %reduce_max3A_715[0, 0, 0] : f32 from vector<1x1x1xf32>
    %broadcast_in_dim3A_717 = vector.broadcast %reduce_max3A_716 : f32 to vector<1x1xf32>
    %ge3A_718 = vector.broadcast %broadcast_in_dim3A_717 : vector<1x1xf32> to vector<16x128xf32>
    %ge3A_719 = arith.cmpf oge, %select_n3A_711, %ge3A_718 : vector<16x128xf32>
    %jit3A_720 = arith.constant 2048 : i32
    %broadcast_in_dim3A_721 = vector.broadcast %jit3A_720 : i32 to vector<16x128xi32>
    %select_n3A_722 = arith.select %ge3A_719, %add3A, %broadcast_in_dim3A_721 : vector<16x128xi1>, vector<16x128xi32>
    %reduce_min3A_723 = vector.shape_cast %select_n3A_722 : vector<16x128xi32> to vector<1x16x128xi32>
    %reduce_min3A_724 = arith.constant dense<2147483647> : vector<1xi32>
    %reduce_min3A_725 = vector.multi_reduction <minsi>, %reduce_min3A_723, %reduce_min3A_724 [1, 2] : vector<1x16x128xi32> to vector<1xi32>
    %reduce_min3A_726 = vector.shape_cast %reduce_min3A_725 : vector<1xi32> to vector<1x1x1xi32>
    %reduce_min3A_727 = vector.extract %reduce_min3A_726[0, 0, 0] : i32 from vector<1x1x1xi32>
    %broadcast_in_dim3A_728 = vector.broadcast %reduce_min3A_727 : i32 to vector<1x1xi32>
    %eq3A_729 = vector.broadcast %broadcast_in_dim3A_728 : vector<1x1xi32> to vector<16x128xi32>
    %eq3A_730 = arith.cmpi eq, %add3A, %eq3A_729 : vector<16x128xi32>
    %convert_element_type3A_731 = arith.extui %eq3A_730 : vector<16x128xi1> to vector<16x128xi32>
    %convert_element_type3A_732 = arith.sitofp %convert_element_type3A_731 : vector<16x128xi32> to vector<16x128xf32>
    %convert_element_type3A_733 = arith.truncf %convert_element_type3A_732 : vector<16x128xf32> to vector<16x128xbf16>
    %swap3A_734 = arith.constant 23 : index
    %swap3A_735 = arith.constant 0 : index
    %swap3A_736 = arith.constant 0 : index
    %swap3A_737 = vector.load %arg7[%swap3A_734, %swap3A_735, %swap3A_736] : memref<64x16x128xbf16, #tpu.memory_space<vmem>>, vector<1x16x128xbf16>
    %swap3A_738 = vector.shape_cast %swap3A_737 : vector<1x16x128xbf16> to vector<16x128xbf16>
    %swap3A_739 = vector.shape_cast %convert_element_type3A_733 : vector<16x128xbf16> to vector<1x16x128xbf16>
    tpu.vector_store %arg7[%swap3A_734, %swap3A_735, %swap3A_736], %swap3A_739 {strides = array<i32>} : memref<64x16x128xbf16, #tpu.memory_space<vmem>>, vector<1x16x128xbf16>,
    %jit3A_740 = arith.constant 0xFF800000 : f32
    %broadcast_in_dim3A_741 = vector.broadcast %jit3A_740 : f32 to vector<16x128xf32>
    %select_n3A_742 = arith.select %eq3A_730, %broadcast_in_dim3A_741, %select_n3A_711 : vector<16x128xi1>, vector<16x128xf32>
    %reduce_max3A_743 = vector.shape_cast %select_n3A_742 : vector<16x128xf32> to vector<1x16x128xf32>
    %reduce_max3A_744 = arith.constant dense<0xFF800000> : vector<1xf32>
    %reduce_max3A_745 = vector.multi_reduction <maximumf>, %reduce_max3A_743, %reduce_max3A_744 [1, 2] : vector<1x16x128xf32> to vector<1xf32>
    %reduce_max3A_746 = vector.shape_cast %reduce_max3A_745 : vector<1xf32> to vector<1x1x1xf32>
    %reduce_max3A_747 = vector.extract %reduce_max3A_746[0, 0, 0] : f32 from vector<1x1x1xf32>
    %broadcast_in_dim3A_748 = vector.broadcast %reduce_max3A_747 : f32 to vector<1x1xf32>
    %ge3A_749 = vector.broadcast %broadcast_in_dim3A_748 : vector<1x1xf32> to vector<16x128xf32>
    %ge3A_750 = arith.cmpf oge, %select_n3A_742, %ge3A_749 : vector<16x128xf32>
    %jit3A_751 = arith.constant 2048 : i32
    %broadcast_in_dim3A_752 = vector.broadcast %jit3A_751 : i32 to vector<16x128xi32>
    %select_n3A_753 = arith.select %ge3A_750, %add3A, %broadcast_in_dim3A_752 : vector<16x128xi1>, vector<16x128xi32>
    %reduce_min3A_754 = vector.shape_cast %select_n3A_753 : vector<16x128xi32> to vector<1x16x128xi32>
    %reduce_min3A_755 = arith.constant dense<2147483647> : vector<1xi32>
    %reduce_min3A_756 = vector.multi_reduction <minsi>, %reduce_min3A_754, %reduce_min3A_755 [1, 2] : vector<1x16x128xi32> to vector<1xi32>
    %reduce_min3A_757 = vector.shape_cast %reduce_min3A_756 : vector<1xi32> to vector<1x1x1xi32>
    %reduce_min3A_758 = vector.extract %reduce_min3A_757[0, 0, 0] : i32 from vector<1x1x1xi32>
    %broadcast_in_dim3A_759 = vector.broadcast %reduce_min3A_758 : i32 to vector<1x1xi32>
    %eq3A_760 = vector.broadcast %broadcast_in_dim3A_759 : vector<1x1xi32> to vector<16x128xi32>
    %eq3A_761 = arith.cmpi eq, %add3A, %eq3A_760 : vector<16x128xi32>
    %convert_element_type3A_762 = arith.extui %eq3A_761 : vector<16x128xi1> to vector<16x128xi32>
    %convert_element_type3A_763 = arith.sitofp %convert_element_type3A_762 : vector<16x128xi32> to vector<16x128xf32>
    %convert_element_type3A_764 = arith.truncf %convert_element_type3A_763 : vector<16x128xf32> to vector<16x128xbf16>
    %swap3A_765 = arith.constant 24 : index
    %swap3A_766 = arith.constant 0 : index
    %swap3A_767 = arith.constant 0 : index
    %swap3A_768 = vector.load %arg7[%swap3A_765, %swap3A_766, %swap3A_767] : memref<64x16x128xbf16, #tpu.memory_space<vmem>>, vector<1x16x128xbf16>
    %swap3A_769 = vector.shape_cast %swap3A_768 : vector<1x16x128xbf16> to vector<16x128xbf16>
    %swap3A_770 = vector.shape_cast %convert_element_type3A_764 : vector<16x128xbf16> to vector<1x16x128xbf16>
    tpu.vector_store %arg7[%swap3A_765, %swap3A_766, %swap3A_767], %swap3A_770 {strides = array<i32>} : memref<64x16x128xbf16, #tpu.memory_space<vmem>>, vector<1x16x128xbf16>,
    %jit3A_771 = arith.constant 0xFF800000 : f32
    %broadcast_in_dim3A_772 = vector.broadcast %jit3A_771 : f32 to vector<16x128xf32>
    %select_n3A_773 = arith.select %eq3A_761, %broadcast_in_dim3A_772, %select_n3A_742 : vector<16x128xi1>, vector<16x128xf32>
    %reduce_max3A_774 = vector.shape_cast %select_n3A_773 : vector<16x128xf32> to vector<1x16x128xf32>
    %reduce_max3A_775 = arith.constant dense<0xFF800000> : vector<1xf32>
    %reduce_max3A_776 = vector.multi_reduction <maximumf>, %reduce_max3A_774, %reduce_max3A_775 [1, 2] : vector<1x16x128xf32> to vector<1xf32>
    %reduce_max3A_777 = vector.shape_cast %reduce_max3A_776 : vector<1xf32> to vector<1x1x1xf32>
    %reduce_max3A_778 = vector.extract %reduce_max3A_777[0, 0, 0] : f32 from vector<1x1x1xf32>
    %broadcast_in_dim3A_779 = vector.broadcast %reduce_max3A_778 : f32 to vector<1x1xf32>
    %ge3A_780 = vector.broadcast %broadcast_in_dim3A_779 : vector<1x1xf32> to vector<16x128xf32>
    %ge3A_781 = arith.cmpf oge, %select_n3A_773, %ge3A_780 : vector<16x128xf32>
    %jit3A_782 = arith.constant 2048 : i32
    %broadcast_in_dim3A_783 = vector.broadcast %jit3A_782 : i32 to vector<16x128xi32>
    %select_n3A_784 = arith.select %ge3A_781, %add3A, %broadcast_in_dim3A_783 : vector<16x128xi1>, vector<16x128xi32>
    %reduce_min3A_785 = vector.shape_cast %select_n3A_784 : vector<16x128xi32> to vector<1x16x128xi32>
    %reduce_min3A_786 = arith.constant dense<2147483647> : vector<1xi32>
    %reduce_min3A_787 = vector.multi_reduction <minsi>, %reduce_min3A_785, %reduce_min3A_786 [1, 2] : vector<1x16x128xi32> to vector<1xi32>
    %reduce_min3A_788 = vector.shape_cast %reduce_min3A_787 : vector<1xi32> to vector<1x1x1xi32>
    %reduce_min3A_789 = vector.extract %reduce_min3A_788[0, 0, 0] : i32 from vector<1x1x1xi32>
    %broadcast_in_dim3A_790 = vector.broadcast %reduce_min3A_789 : i32 to vector<1x1xi32>
    %eq3A_791 = vector.broadcast %broadcast_in_dim3A_790 : vector<1x1xi32> to vector<16x128xi32>
    %eq3A_792 = arith.cmpi eq, %add3A, %eq3A_791 : vector<16x128xi32>
    %convert_element_type3A_793 = arith.extui %eq3A_792 : vector<16x128xi1> to vector<16x128xi32>
    %convert_element_type3A_794 = arith.sitofp %convert_element_type3A_793 : vector<16x128xi32> to vector<16x128xf32>
    %convert_element_type3A_795 = arith.truncf %convert_element_type3A_794 : vector<16x128xf32> to vector<16x128xbf16>
    %swap3A_796 = arith.constant 25 : index
    %swap3A_797 = arith.constant 0 : index
    %swap3A_798 = arith.constant 0 : index
    %swap3A_799 = vector.load %arg7[%swap3A_796, %swap3A_797, %swap3A_798] : memref<64x16x128xbf16, #tpu.memory_space<vmem>>, vector<1x16x128xbf16>
    %swap3A_800 = vector.shape_cast %swap3A_799 : vector<1x16x128xbf16> to vector<16x128xbf16>
    %swap3A_801 = vector.shape_cast %convert_element_type3A_795 : vector<16x128xbf16> to vector<1x16x128xbf16>
    tpu.vector_store %arg7[%swap3A_796, %swap3A_797, %swap3A_798], %swap3A_801 {strides = array<i32>} : memref<64x16x128xbf16, #tpu.memory_space<vmem>>, vector<1x16x128xbf16>,
    %jit3A_802 = arith.constant 0xFF800000 : f32
    %broadcast_in_dim3A_803 = vector.broadcast %jit3A_802 : f32 to vector<16x128xf32>
    %select_n3A_804 = arith.select %eq3A_792, %broadcast_in_dim3A_803, %select_n3A_773 : vector<16x128xi1>, vector<16x128xf32>
    %reduce_max3A_805 = vector.shape_cast %select_n3A_804 : vector<16x128xf32> to vector<1x16x128xf32>
    %reduce_max3A_806 = arith.constant dense<0xFF800000> : vector<1xf32>
    %reduce_max3A_807 = vector.multi_reduction <maximumf>, %reduce_max3A_805, %reduce_max3A_806 [1, 2] : vector<1x16x128xf32> to vector<1xf32>
    %reduce_max3A_808 = vector.shape_cast %reduce_max3A_807 : vector<1xf32> to vector<1x1x1xf32>
    %reduce_max3A_809 = vector.extract %reduce_max3A_808[0, 0, 0] : f32 from vector<1x1x1xf32>
    %broadcast_in_dim3A_810 = vector.broadcast %reduce_max3A_809 : f32 to vector<1x1xf32>
    %ge3A_811 = vector.broadcast %broadcast_in_dim3A_810 : vector<1x1xf32> to vector<16x128xf32>
    %ge3A_812 = arith.cmpf oge, %select_n3A_804, %ge3A_811 : vector<16x128xf32>
    %jit3A_813 = arith.constant 2048 : i32
    %broadcast_in_dim3A_814 = vector.broadcast %jit3A_813 : i32 to vector<16x128xi32>
    %select_n3A_815 = arith.select %ge3A_812, %add3A, %broadcast_in_dim3A_814 : vector<16x128xi1>, vector<16x128xi32>
    %reduce_min3A_816 = vector.shape_cast %select_n3A_815 : vector<16x128xi32> to vector<1x16x128xi32>
    %reduce_min3A_817 = arith.constant dense<2147483647> : vector<1xi32>
    %reduce_min3A_818 = vector.multi_reduction <minsi>, %reduce_min3A_816, %reduce_min3A_817 [1, 2] : vector<1x16x128xi32> to vector<1xi32>
    %reduce_min3A_819 = vector.shape_cast %reduce_min3A_818 : vector<1xi32> to vector<1x1x1xi32>
    %reduce_min3A_820 = vector.extract %reduce_min3A_819[0, 0, 0] : i32 from vector<1x1x1xi32>
    %broadcast_in_dim3A_821 = vector.broadcast %reduce_min3A_820 : i32 to vector<1x1xi32>
    %eq3A_822 = vector.broadcast %broadcast_in_dim3A_821 : vector<1x1xi32> to vector<16x128xi32>
    %eq3A_823 = arith.cmpi eq, %add3A, %eq3A_822 : vector<16x128xi32>
    %convert_element_type3A_824 = arith.extui %eq3A_823 : vector<16x128xi1> to vector<16x128xi32>
    %convert_element_type3A_825 = arith.sitofp %convert_element_type3A_824 : vector<16x128xi32> to vector<16x128xf32>
    %convert_element_type3A_826 = arith.truncf %convert_element_type3A_825 : vector<16x128xf32> to vector<16x128xbf16>
    %swap3A_827 = arith.constant 26 : index
    %swap3A_828 = arith.constant 0 : index
    %swap3A_829 = arith.constant 0 : index
    %swap3A_830 = vector.load %arg7[%swap3A_827, %swap3A_828, %swap3A_829] : memref<64x16x128xbf16, #tpu.memory_space<vmem>>, vector<1x16x128xbf16>
    %swap3A_831 = vector.shape_cast %swap3A_830 : vector<1x16x128xbf16> to vector<16x128xbf16>
    %swap3A_832 = vector.shape_cast %convert_element_type3A_826 : vector<16x128xbf16> to vector<1x16x128xbf16>
    tpu.vector_store %arg7[%swap3A_827, %swap3A_828, %swap3A_829], %swap3A_832 {strides = array<i32>} : memref<64x16x128xbf16, #tpu.memory_space<vmem>>, vector<1x16x128xbf16>,
    %jit3A_833 = arith.constant 0xFF800000 : f32
    %broadcast_in_dim3A_834 = vector.broadcast %jit3A_833 : f32 to vector<16x128xf32>
    %select_n3A_835 = arith.select %eq3A_823, %broadcast_in_dim3A_834, %select_n3A_804 : vector<16x128xi1>, vector<16x128xf32>
    %reduce_max3A_836 = vector.shape_cast %select_n3A_835 : vector<16x128xf32> to vector<1x16x128xf32>
    %reduce_max3A_837 = arith.constant dense<0xFF800000> : vector<1xf32>
    %reduce_max3A_838 = vector.multi_reduction <maximumf>, %reduce_max3A_836, %reduce_max3A_837 [1, 2] : vector<1x16x128xf32> to vector<1xf32>
    %reduce_max3A_839 = vector.shape_cast %reduce_max3A_838 : vector<1xf32> to vector<1x1x1xf32>
    %reduce_max3A_840 = vector.extract %reduce_max3A_839[0, 0, 0] : f32 from vector<1x1x1xf32>
    %broadcast_in_dim3A_841 = vector.broadcast %reduce_max3A_840 : f32 to vector<1x1xf32>
    %ge3A_842 = vector.broadcast %broadcast_in_dim3A_841 : vector<1x1xf32> to vector<16x128xf32>
    %ge3A_843 = arith.cmpf oge, %select_n3A_835, %ge3A_842 : vector<16x128xf32>
    %jit3A_844 = arith.constant 2048 : i32
    %broadcast_in_dim3A_845 = vector.broadcast %jit3A_844 : i32 to vector<16x128xi32>
    %select_n3A_846 = arith.select %ge3A_843, %add3A, %broadcast_in_dim3A_845 : vector<16x128xi1>, vector<16x128xi32>
    %reduce_min3A_847 = vector.shape_cast %select_n3A_846 : vector<16x128xi32> to vector<1x16x128xi32>
    %reduce_min3A_848 = arith.constant dense<2147483647> : vector<1xi32>
    %reduce_min3A_849 = vector.multi_reduction <minsi>, %reduce_min3A_847, %reduce_min3A_848 [1, 2] : vector<1x16x128xi32> to vector<1xi32>
    %reduce_min3A_850 = vector.shape_cast %reduce_min3A_849 : vector<1xi32> to vector<1x1x1xi32>
    %reduce_min3A_851 = vector.extract %reduce_min3A_850[0, 0, 0] : i32 from vector<1x1x1xi32>
    %broadcast_in_dim3A_852 = vector.broadcast %reduce_min3A_851 : i32 to vector<1x1xi32>
    %eq3A_853 = vector.broadcast %broadcast_in_dim3A_852 : vector<1x1xi32> to vector<16x128xi32>
    %eq3A_854 = arith.cmpi eq, %add3A, %eq3A_853 : vector<16x128xi32>
    %convert_element_type3A_855 = arith.extui %eq3A_854 : vector<16x128xi1> to vector<16x128xi32>
    %convert_element_type3A_856 = arith.sitofp %convert_element_type3A_855 : vector<16x128xi32> to vector<16x128xf32>
    %convert_element_type3A_857 = arith.truncf %convert_element_type3A_856 : vector<16x128xf32> to vector<16x128xbf16>
    %swap3A_858 = arith.constant 27 : index
    %swap3A_859 = arith.constant 0 : index
    %swap3A_860 = arith.constant 0 : index
    %swap3A_861 = vector.load %arg7[%swap3A_858, %swap3A_859, %swap3A_860] : memref<64x16x128xbf16, #tpu.memory_space<vmem>>, vector<1x16x128xbf16>
    %swap3A_862 = vector.shape_cast %swap3A_861 : vector<1x16x128xbf16> to vector<16x128xbf16>
    %swap3A_863 = vector.shape_cast %convert_element_type3A_857 : vector<16x128xbf16> to vector<1x16x128xbf16>
    tpu.vector_store %arg7[%swap3A_858, %swap3A_859, %swap3A_860], %swap3A_863 {strides = array<i32>} : memref<64x16x128xbf16, #tpu.memory_space<vmem>>, vector<1x16x128xbf16>,
    %jit3A_864 = arith.constant 0xFF800000 : f32
    %broadcast_in_dim3A_865 = vector.broadcast %jit3A_864 : f32 to vector<16x128xf32>
    %select_n3A_866 = arith.select %eq3A_854, %broadcast_in_dim3A_865, %select_n3A_835 : vector<16x128xi1>, vector<16x128xf32>
    %reduce_max3A_867 = vector.shape_cast %select_n3A_866 : vector<16x128xf32> to vector<1x16x128xf32>
    %reduce_max3A_868 = arith.constant dense<0xFF800000> : vector<1xf32>
    %reduce_max3A_869 = vector.multi_reduction <maximumf>, %reduce_max3A_867, %reduce_max3A_868 [1, 2] : vector<1x16x128xf32> to vector<1xf32>
    %reduce_max3A_870 = vector.shape_cast %reduce_max3A_869 : vector<1xf32> to vector<1x1x1xf32>
    %reduce_max3A_871 = vector.extract %reduce_max3A_870[0, 0, 0] : f32 from vector<1x1x1xf32>
    %broadcast_in_dim3A_872 = vector.broadcast %reduce_max3A_871 : f32 to vector<1x1xf32>
    %ge3A_873 = vector.broadcast %broadcast_in_dim3A_872 : vector<1x1xf32> to vector<16x128xf32>
    %ge3A_874 = arith.cmpf oge, %select_n3A_866, %ge3A_873 : vector<16x128xf32>
    %jit3A_875 = arith.constant 2048 : i32
    %broadcast_in_dim3A_876 = vector.broadcast %jit3A_875 : i32 to vector<16x128xi32>
    %select_n3A_877 = arith.select %ge3A_874, %add3A, %broadcast_in_dim3A_876 : vector<16x128xi1>, vector<16x128xi32>
    %reduce_min3A_878 = vector.shape_cast %select_n3A_877 : vector<16x128xi32> to vector<1x16x128xi32>
    %reduce_min3A_879 = arith.constant dense<2147483647> : vector<1xi32>
    %reduce_min3A_880 = vector.multi_reduction <minsi>, %reduce_min3A_878, %reduce_min3A_879 [1, 2] : vector<1x16x128xi32> to vector<1xi32>
    %reduce_min3A_881 = vector.shape_cast %reduce_min3A_880 : vector<1xi32> to vector<1x1x1xi32>
    %reduce_min3A_882 = vector.extract %reduce_min3A_881[0, 0, 0] : i32 from vector<1x1x1xi32>
    %broadcast_in_dim3A_883 = vector.broadcast %reduce_min3A_882 : i32 to vector<1x1xi32>
    %eq3A_884 = vector.broadcast %broadcast_in_dim3A_883 : vector<1x1xi32> to vector<16x128xi32>
    %eq3A_885 = arith.cmpi eq, %add3A, %eq3A_884 : vector<16x128xi32>
    %convert_element_type3A_886 = arith.extui %eq3A_885 : vector<16x128xi1> to vector<16x128xi32>
    %convert_element_type3A_887 = arith.sitofp %convert_element_type3A_886 : vector<16x128xi32> to vector<16x128xf32>
    %convert_element_type3A_888 = arith.truncf %convert_element_type3A_887 : vector<16x128xf32> to vector<16x128xbf16>
    %swap3A_889 = arith.constant 28 : index
    %swap3A_890 = arith.constant 0 : index
    %swap3A_891 = arith.constant 0 : index
    %swap3A_892 = vector.load %arg7[%swap3A_889, %swap3A_890, %swap3A_891] : memref<64x16x128xbf16, #tpu.memory_space<vmem>>, vector<1x16x128xbf16>
    %swap3A_893 = vector.shape_cast %swap3A_892 : vector<1x16x128xbf16> to vector<16x128xbf16>
    %swap3A_894 = vector.shape_cast %convert_element_type3A_888 : vector<16x128xbf16> to vector<1x16x128xbf16>
    tpu.vector_store %arg7[%swap3A_889, %swap3A_890, %swap3A_891], %swap3A_894 {strides = array<i32>} : memref<64x16x128xbf16, #tpu.memory_space<vmem>>, vector<1x16x128xbf16>,
    %jit3A_895 = arith.constant 0xFF800000 : f32
    %broadcast_in_dim3A_896 = vector.broadcast %jit3A_895 : f32 to vector<16x128xf32>
    %select_n3A_897 = arith.select %eq3A_885, %broadcast_in_dim3A_896, %select_n3A_866 : vector<16x128xi1>, vector<16x128xf32>
    %reduce_max3A_898 = vector.shape_cast %select_n3A_897 : vector<16x128xf32> to vector<1x16x128xf32>
    %reduce_max3A_899 = arith.constant dense<0xFF800000> : vector<1xf32>
    %reduce_max3A_900 = vector.multi_reduction <maximumf>, %reduce_max3A_898, %reduce_max3A_899 [1, 2] : vector<1x16x128xf32> to vector<1xf32>
    %reduce_max3A_901 = vector.shape_cast %reduce_max3A_900 : vector<1xf32> to vector<1x1x1xf32>
    %reduce_max3A_902 = vector.extract %reduce_max3A_901[0, 0, 0] : f32 from vector<1x1x1xf32>
    %broadcast_in_dim3A_903 = vector.broadcast %reduce_max3A_902 : f32 to vector<1x1xf32>
    %ge3A_904 = vector.broadcast %broadcast_in_dim3A_903 : vector<1x1xf32> to vector<16x128xf32>
    %ge3A_905 = arith.cmpf oge, %select_n3A_897, %ge3A_904 : vector<16x128xf32>
    %jit3A_906 = arith.constant 2048 : i32
    %broadcast_in_dim3A_907 = vector.broadcast %jit3A_906 : i32 to vector<16x128xi32>
    %select_n3A_908 = arith.select %ge3A_905, %add3A, %broadcast_in_dim3A_907 : vector<16x128xi1>, vector<16x128xi32>
    %reduce_min3A_909 = vector.shape_cast %select_n3A_908 : vector<16x128xi32> to vector<1x16x128xi32>
    %reduce_min3A_910 = arith.constant dense<2147483647> : vector<1xi32>
    %reduce_min3A_911 = vector.multi_reduction <minsi>, %reduce_min3A_909, %reduce_min3A_910 [1, 2] : vector<1x16x128xi32> to vector<1xi32>
    %reduce_min3A_912 = vector.shape_cast %reduce_min3A_911 : vector<1xi32> to vector<1x1x1xi32>
    %reduce_min3A_913 = vector.extract %reduce_min3A_912[0, 0, 0] : i32 from vector<1x1x1xi32>
    %broadcast_in_dim3A_914 = vector.broadcast %reduce_min3A_913 : i32 to vector<1x1xi32>
    %eq3A_915 = vector.broadcast %broadcast_in_dim3A_914 : vector<1x1xi32> to vector<16x128xi32>
    %eq3A_916 = arith.cmpi eq, %add3A, %eq3A_915 : vector<16x128xi32>
    %convert_element_type3A_917 = arith.extui %eq3A_916 : vector<16x128xi1> to vector<16x128xi32>
    %convert_element_type3A_918 = arith.sitofp %convert_element_type3A_917 : vector<16x128xi32> to vector<16x128xf32>
    %convert_element_type3A_919 = arith.truncf %convert_element_type3A_918 : vector<16x128xf32> to vector<16x128xbf16>
    %swap3A_920 = arith.constant 29 : index
    %swap3A_921 = arith.constant 0 : index
    %swap3A_922 = arith.constant 0 : index
    %swap3A_923 = vector.load %arg7[%swap3A_920, %swap3A_921, %swap3A_922] : memref<64x16x128xbf16, #tpu.memory_space<vmem>>, vector<1x16x128xbf16>
    %swap3A_924 = vector.shape_cast %swap3A_923 : vector<1x16x128xbf16> to vector<16x128xbf16>
    %swap3A_925 = vector.shape_cast %convert_element_type3A_919 : vector<16x128xbf16> to vector<1x16x128xbf16>
    tpu.vector_store %arg7[%swap3A_920, %swap3A_921, %swap3A_922], %swap3A_925 {strides = array<i32>} : memref<64x16x128xbf16, #tpu.memory_space<vmem>>, vector<1x16x128xbf16>,
    %jit3A_926 = arith.constant 0xFF800000 : f32
    %broadcast_in_dim3A_927 = vector.broadcast %jit3A_926 : f32 to vector<16x128xf32>
    %select_n3A_928 = arith.select %eq3A_916, %broadcast_in_dim3A_927, %select_n3A_897 : vector<16x128xi1>, vector<16x128xf32>
    %reduce_max3A_929 = vector.shape_cast %select_n3A_928 : vector<16x128xf32> to vector<1x16x128xf32>
    %reduce_max3A_930 = arith.constant dense<0xFF800000> : vector<1xf32>
    %reduce_max3A_931 = vector.multi_reduction <maximumf>, %reduce_max3A_929, %reduce_max3A_930 [1, 2] : vector<1x16x128xf32> to vector<1xf32>
    %reduce_max3A_932 = vector.shape_cast %reduce_max3A_931 : vector<1xf32> to vector<1x1x1xf32>
    %reduce_max3A_933 = vector.extract %reduce_max3A_932[0, 0, 0] : f32 from vector<1x1x1xf32>
    %broadcast_in_dim3A_934 = vector.broadcast %reduce_max3A_933 : f32 to vector<1x1xf32>
    %ge3A_935 = vector.broadcast %broadcast_in_dim3A_934 : vector<1x1xf32> to vector<16x128xf32>
    %ge3A_936 = arith.cmpf oge, %select_n3A_928, %ge3A_935 : vector<16x128xf32>
    %jit3A_937 = arith.constant 2048 : i32
    %broadcast_in_dim3A_938 = vector.broadcast %jit3A_937 : i32 to vector<16x128xi32>
    %select_n3A_939 = arith.select %ge3A_936, %add3A, %broadcast_in_dim3A_938 : vector<16x128xi1>, vector<16x128xi32>
    %reduce_min3A_940 = vector.shape_cast %select_n3A_939 : vector<16x128xi32> to vector<1x16x128xi32>
    %reduce_min3A_941 = arith.constant dense<2147483647> : vector<1xi32>
    %reduce_min3A_942 = vector.multi_reduction <minsi>, %reduce_min3A_940, %reduce_min3A_941 [1, 2] : vector<1x16x128xi32> to vector<1xi32>
    %reduce_min3A_943 = vector.shape_cast %reduce_min3A_942 : vector<1xi32> to vector<1x1x1xi32>
    %reduce_min3A_944 = vector.extract %reduce_min3A_943[0, 0, 0] : i32 from vector<1x1x1xi32>
    %broadcast_in_dim3A_945 = vector.broadcast %reduce_min3A_944 : i32 to vector<1x1xi32>
    %eq3A_946 = vector.broadcast %broadcast_in_dim3A_945 : vector<1x1xi32> to vector<16x128xi32>
    %eq3A_947 = arith.cmpi eq, %add3A, %eq3A_946 : vector<16x128xi32>
    %convert_element_type3A_948 = arith.extui %eq3A_947 : vector<16x128xi1> to vector<16x128xi32>
    %convert_element_type3A_949 = arith.sitofp %convert_element_type3A_948 : vector<16x128xi32> to vector<16x128xf32>
    %convert_element_type3A_950 = arith.truncf %convert_element_type3A_949 : vector<16x128xf32> to vector<16x128xbf16>
    %swap3A_951 = arith.constant 30 : index
    %swap3A_952 = arith.constant 0 : index
    %swap3A_953 = arith.constant 0 : index
    %swap3A_954 = vector.load %arg7[%swap3A_951, %swap3A_952, %swap3A_953] : memref<64x16x128xbf16, #tpu.memory_space<vmem>>, vector<1x16x128xbf16>
    %swap3A_955 = vector.shape_cast %swap3A_954 : vector<1x16x128xbf16> to vector<16x128xbf16>
    %swap3A_956 = vector.shape_cast %convert_element_type3A_950 : vector<16x128xbf16> to vector<1x16x128xbf16>
    tpu.vector_store %arg7[%swap3A_951, %swap3A_952, %swap3A_953], %swap3A_956 {strides = array<i32>} : memref<64x16x128xbf16, #tpu.memory_space<vmem>>, vector<1x16x128xbf16>,
    %jit3A_957 = arith.constant 0xFF800000 : f32
    %broadcast_in_dim3A_958 = vector.broadcast %jit3A_957 : f32 to vector<16x128xf32>
    %select_n3A_959 = arith.select %eq3A_947, %broadcast_in_dim3A_958, %select_n3A_928 : vector<16x128xi1>, vector<16x128xf32>
    %reduce_max3A_960 = vector.shape_cast %select_n3A_959 : vector<16x128xf32> to vector<1x16x128xf32>
    %reduce_max3A_961 = arith.constant dense<0xFF800000> : vector<1xf32>
    %reduce_max3A_962 = vector.multi_reduction <maximumf>, %reduce_max3A_960, %reduce_max3A_961 [1, 2] : vector<1x16x128xf32> to vector<1xf32>
    %reduce_max3A_963 = vector.shape_cast %reduce_max3A_962 : vector<1xf32> to vector<1x1x1xf32>
    %reduce_max3A_964 = vector.extract %reduce_max3A_963[0, 0, 0] : f32 from vector<1x1x1xf32>
    %broadcast_in_dim3A_965 = vector.broadcast %reduce_max3A_964 : f32 to vector<1x1xf32>
    %ge3A_966 = vector.broadcast %broadcast_in_dim3A_965 : vector<1x1xf32> to vector<16x128xf32>
    %ge3A_967 = arith.cmpf oge, %select_n3A_959, %ge3A_966 : vector<16x128xf32>
    %jit3A_968 = arith.constant 2048 : i32
    %broadcast_in_dim3A_969 = vector.broadcast %jit3A_968 : i32 to vector<16x128xi32>
    %select_n3A_970 = arith.select %ge3A_967, %add3A, %broadcast_in_dim3A_969 : vector<16x128xi1>, vector<16x128xi32>
    %reduce_min3A_971 = vector.shape_cast %select_n3A_970 : vector<16x128xi32> to vector<1x16x128xi32>
    %reduce_min3A_972 = arith.constant dense<2147483647> : vector<1xi32>
    %reduce_min3A_973 = vector.multi_reduction <minsi>, %reduce_min3A_971, %reduce_min3A_972 [1, 2] : vector<1x16x128xi32> to vector<1xi32>
    %reduce_min3A_974 = vector.shape_cast %reduce_min3A_973 : vector<1xi32> to vector<1x1x1xi32>
    %reduce_min3A_975 = vector.extract %reduce_min3A_974[0, 0, 0] : i32 from vector<1x1x1xi32>
    %broadcast_in_dim3A_976 = vector.broadcast %reduce_min3A_975 : i32 to vector<1x1xi32>
    %eq3A_977 = vector.broadcast %broadcast_in_dim3A_976 : vector<1x1xi32> to vector<16x128xi32>
    %eq3A_978 = arith.cmpi eq, %add3A, %eq3A_977 : vector<16x128xi32>
    %convert_element_type3A_979 = arith.extui %eq3A_978 : vector<16x128xi1> to vector<16x128xi32>
    %convert_element_type3A_980 = arith.sitofp %convert_element_type3A_979 : vector<16x128xi32> to vector<16x128xf32>
    %convert_element_type3A_981 = arith.truncf %convert_element_type3A_980 : vector<16x128xf32> to vector<16x128xbf16>
    %swap3A_982 = arith.constant 31 : index
    %swap3A_983 = arith.constant 0 : index
    %swap3A_984 = arith.constant 0 : index
    %swap3A_985 = vector.load %arg7[%swap3A_982, %swap3A_983, %swap3A_984] : memref<64x16x128xbf16, #tpu.memory_space<vmem>>, vector<1x16x128xbf16>
    %swap3A_986 = vector.shape_cast %swap3A_985 : vector<1x16x128xbf16> to vector<16x128xbf16>
    %swap3A_987 = vector.shape_cast %convert_element_type3A_981 : vector<16x128xbf16> to vector<1x16x128xbf16>
    tpu.vector_store %arg7[%swap3A_982, %swap3A_983, %swap3A_984], %swap3A_987 {strides = array<i32>} : memref<64x16x128xbf16, #tpu.memory_space<vmem>>, vector<1x16x128xbf16>,
    %jit3A_988 = arith.constant 0xFF800000 : f32
    %broadcast_in_dim3A_989 = vector.broadcast %jit3A_988 : f32 to vector<16x128xf32>
    %select_n3A_990 = arith.select %eq3A_978, %broadcast_in_dim3A_989, %select_n3A_959 : vector<16x128xi1>, vector<16x128xf32>
    %reduce_max3A_991 = vector.shape_cast %select_n3A_990 : vector<16x128xf32> to vector<1x16x128xf32>
    %reduce_max3A_992 = arith.constant dense<0xFF800000> : vector<1xf32>
    %reduce_max3A_993 = vector.multi_reduction <maximumf>, %reduce_max3A_991, %reduce_max3A_992 [1, 2] : vector<1x16x128xf32> to vector<1xf32>
    %reduce_max3A_994 = vector.shape_cast %reduce_max3A_993 : vector<1xf32> to vector<1x1x1xf32>
    %reduce_max3A_995 = vector.extract %reduce_max3A_994[0, 0, 0] : f32 from vector<1x1x1xf32>
    %broadcast_in_dim3A_996 = vector.broadcast %reduce_max3A_995 : f32 to vector<1x1xf32>
    %ge3A_997 = vector.broadcast %broadcast_in_dim3A_996 : vector<1x1xf32> to vector<16x128xf32>
    %ge3A_998 = arith.cmpf oge, %select_n3A_990, %ge3A_997 : vector<16x128xf32>
    %jit3A_999 = arith.constant 2048 : i32
    %broadcast_in_dim3A_1000 = vector.broadcast %jit3A_999 : i32 to vector<16x128xi32>
    %select_n3A_1001 = arith.select %ge3A_998, %add3A, %broadcast_in_dim3A_1000 : vector<16x128xi1>, vector<16x128xi32>
    %reduce_min3A_1002 = vector.shape_cast %select_n3A_1001 : vector<16x128xi32> to vector<1x16x128xi32>
    %reduce_min3A_1003 = arith.constant dense<2147483647> : vector<1xi32>
    %reduce_min3A_1004 = vector.multi_reduction <minsi>, %reduce_min3A_1002, %reduce_min3A_1003 [1, 2] : vector<1x16x128xi32> to vector<1xi32>
    %reduce_min3A_1005 = vector.shape_cast %reduce_min3A_1004 : vector<1xi32> to vector<1x1x1xi32>
    %reduce_min3A_1006 = vector.extract %reduce_min3A_1005[0, 0, 0] : i32 from vector<1x1x1xi32>
    %broadcast_in_dim3A_1007 = vector.broadcast %reduce_min3A_1006 : i32 to vector<1x1xi32>
    %eq3A_1008 = vector.broadcast %broadcast_in_dim3A_1007 : vector<1x1xi32> to vector<16x128xi32>
    %eq3A_1009 = arith.cmpi eq, %add3A, %eq3A_1008 : vector<16x128xi32>
    %convert_element_type3A_1010 = arith.extui %eq3A_1009 : vector<16x128xi1> to vector<16x128xi32>
    %convert_element_type3A_1011 = arith.sitofp %convert_element_type3A_1010 : vector<16x128xi32> to vector<16x128xf32>
    %convert_element_type3A_1012 = arith.truncf %convert_element_type3A_1011 : vector<16x128xf32> to vector<16x128xbf16>
    %swap3A_1013 = arith.constant 32 : index
    %swap3A_1014 = arith.constant 0 : index
    %swap3A_1015 = arith.constant 0 : index
    %swap3A_1016 = vector.load %arg7[%swap3A_1013, %swap3A_1014, %swap3A_1015] : memref<64x16x128xbf16, #tpu.memory_space<vmem>>, vector<1x16x128xbf16>
    %swap3A_1017 = vector.shape_cast %swap3A_1016 : vector<1x16x128xbf16> to vector<16x128xbf16>
    %swap3A_1018 = vector.shape_cast %convert_element_type3A_1012 : vector<16x128xbf16> to vector<1x16x128xbf16>
    tpu.vector_store %arg7[%swap3A_1013, %swap3A_1014, %swap3A_1015], %swap3A_1018 {strides = array<i32>} : memref<64x16x128xbf16, #tpu.memory_space<vmem>>, vector<1x16x128xbf16>,
    %jit3A_1019 = arith.constant 0xFF800000 : f32
    %broadcast_in_dim3A_1020 = vector.broadcast %jit3A_1019 : f32 to vector<16x128xf32>
    %select_n3A_1021 = arith.select %eq3A_1009, %broadcast_in_dim3A_1020, %select_n3A_990 : vector<16x128xi1>, vector<16x128xf32>
    %reduce_max3A_1022 = vector.shape_cast %select_n3A_1021 : vector<16x128xf32> to vector<1x16x128xf32>
    %reduce_max3A_1023 = arith.constant dense<0xFF800000> : vector<1xf32>
    %reduce_max3A_1024 = vector.multi_reduction <maximumf>, %reduce_max3A_1022, %reduce_max3A_1023 [1, 2] : vector<1x16x128xf32> to vector<1xf32>
    %reduce_max3A_1025 = vector.shape_cast %reduce_max3A_1024 : vector<1xf32> to vector<1x1x1xf32>
    %reduce_max3A_1026 = vector.extract %reduce_max3A_1025[0, 0, 0] : f32 from vector<1x1x1xf32>
    %broadcast_in_dim3A_1027 = vector.broadcast %reduce_max3A_1026 : f32 to vector<1x1xf32>
    %ge3A_1028 = vector.broadcast %broadcast_in_dim3A_1027 : vector<1x1xf32> to vector<16x128xf32>
    %ge3A_1029 = arith.cmpf oge, %select_n3A_1021, %ge3A_1028 : vector<16x128xf32>
    %jit3A_1030 = arith.constant 2048 : i32
    %broadcast_in_dim3A_1031 = vector.broadcast %jit3A_1030 : i32 to vector<16x128xi32>
    %select_n3A_1032 = arith.select %ge3A_1029, %add3A, %broadcast_in_dim3A_1031 : vector<16x128xi1>, vector<16x128xi32>
    %reduce_min3A_1033 = vector.shape_cast %select_n3A_1032 : vector<16x128xi32> to vector<1x16x128xi32>
    %reduce_min3A_1034 = arith.constant dense<2147483647> : vector<1xi32>
    %reduce_min3A_1035 = vector.multi_reduction <minsi>, %reduce_min3A_1033, %reduce_min3A_1034 [1, 2] : vector<1x16x128xi32> to vector<1xi32>
    %reduce_min3A_1036 = vector.shape_cast %reduce_min3A_1035 : vector<1xi32> to vector<1x1x1xi32>
    %reduce_min3A_1037 = vector.extract %reduce_min3A_1036[0, 0, 0] : i32 from vector<1x1x1xi32>
    %broadcast_in_dim3A_1038 = vector.broadcast %reduce_min3A_1037 : i32 to vector<1x1xi32>
    %eq3A_1039 = vector.broadcast %broadcast_in_dim3A_1038 : vector<1x1xi32> to vector<16x128xi32>
    %eq3A_1040 = arith.cmpi eq, %add3A, %eq3A_1039 : vector<16x128xi32>
    %convert_element_type3A_1041 = arith.extui %eq3A_1040 : vector<16x128xi1> to vector<16x128xi32>
    %convert_element_type3A_1042 = arith.sitofp %convert_element_type3A_1041 : vector<16x128xi32> to vector<16x128xf32>
    %convert_element_type3A_1043 = arith.truncf %convert_element_type3A_1042 : vector<16x128xf32> to vector<16x128xbf16>
    %swap3A_1044 = arith.constant 33 : index
    %swap3A_1045 = arith.constant 0 : index
    %swap3A_1046 = arith.constant 0 : index
    %swap3A_1047 = vector.load %arg7[%swap3A_1044, %swap3A_1045, %swap3A_1046] : memref<64x16x128xbf16, #tpu.memory_space<vmem>>, vector<1x16x128xbf16>
    %swap3A_1048 = vector.shape_cast %swap3A_1047 : vector<1x16x128xbf16> to vector<16x128xbf16>
    %swap3A_1049 = vector.shape_cast %convert_element_type3A_1043 : vector<16x128xbf16> to vector<1x16x128xbf16>
    tpu.vector_store %arg7[%swap3A_1044, %swap3A_1045, %swap3A_1046], %swap3A_1049 {strides = array<i32>} : memref<64x16x128xbf16, #tpu.memory_space<vmem>>, vector<1x16x128xbf16>,
    %jit3A_1050 = arith.constant 0xFF800000 : f32
    %broadcast_in_dim3A_1051 = vector.broadcast %jit3A_1050 : f32 to vector<16x128xf32>
    %select_n3A_1052 = arith.select %eq3A_1040, %broadcast_in_dim3A_1051, %select_n3A_1021 : vector<16x128xi1>, vector<16x128xf32>
    %reduce_max3A_1053 = vector.shape_cast %select_n3A_1052 : vector<16x128xf32> to vector<1x16x128xf32>
    %reduce_max3A_1054 = arith.constant dense<0xFF800000> : vector<1xf32>
    %reduce_max3A_1055 = vector.multi_reduction <maximumf>, %reduce_max3A_1053, %reduce_max3A_1054 [1, 2] : vector<1x16x128xf32> to vector<1xf32>
    %reduce_max3A_1056 = vector.shape_cast %reduce_max3A_1055 : vector<1xf32> to vector<1x1x1xf32>
    %reduce_max3A_1057 = vector.extract %reduce_max3A_1056[0, 0, 0] : f32 from vector<1x1x1xf32>
    %broadcast_in_dim3A_1058 = vector.broadcast %reduce_max3A_1057 : f32 to vector<1x1xf32>
    %ge3A_1059 = vector.broadcast %broadcast_in_dim3A_1058 : vector<1x1xf32> to vector<16x128xf32>
    %ge3A_1060 = arith.cmpf oge, %select_n3A_1052, %ge3A_1059 : vector<16x128xf32>
    %jit3A_1061 = arith.constant 2048 : i32
    %broadcast_in_dim3A_1062 = vector.broadcast %jit3A_1061 : i32 to vector<16x128xi32>
    %select_n3A_1063 = arith.select %ge3A_1060, %add3A, %broadcast_in_dim3A_1062 : vector<16x128xi1>, vector<16x128xi32>
    %reduce_min3A_1064 = vector.shape_cast %select_n3A_1063 : vector<16x128xi32> to vector<1x16x128xi32>
    %reduce_min3A_1065 = arith.constant dense<2147483647> : vector<1xi32>
    %reduce_min3A_1066 = vector.multi_reduction <minsi>, %reduce_min3A_1064, %reduce_min3A_1065 [1, 2] : vector<1x16x128xi32> to vector<1xi32>
    %reduce_min3A_1067 = vector.shape_cast %reduce_min3A_1066 : vector<1xi32> to vector<1x1x1xi32>
    %reduce_min3A_1068 = vector.extract %reduce_min3A_1067[0, 0, 0] : i32 from vector<1x1x1xi32>
    %broadcast_in_dim3A_1069 = vector.broadcast %reduce_min3A_1068 : i32 to vector<1x1xi32>
    %eq3A_1070 = vector.broadcast %broadcast_in_dim3A_1069 : vector<1x1xi32> to vector<16x128xi32>
    %eq3A_1071 = arith.cmpi eq, %add3A, %eq3A_1070 : vector<16x128xi32>
    %convert_element_type3A_1072 = arith.extui %eq3A_1071 : vector<16x128xi1> to vector<16x128xi32>
    %convert_element_type3A_1073 = arith.sitofp %convert_element_type3A_1072 : vector<16x128xi32> to vector<16x128xf32>
    %convert_element_type3A_1074 = arith.truncf %convert_element_type3A_1073 : vector<16x128xf32> to vector<16x128xbf16>
    %swap3A_1075 = arith.constant 34 : index
    %swap3A_1076 = arith.constant 0 : index
    %swap3A_1077 = arith.constant 0 : index
    %swap3A_1078 = vector.load %arg7[%swap3A_1075, %swap3A_1076, %swap3A_1077] : memref<64x16x128xbf16, #tpu.memory_space<vmem>>, vector<1x16x128xbf16>
    %swap3A_1079 = vector.shape_cast %swap3A_1078 : vector<1x16x128xbf16> to vector<16x128xbf16>
    %swap3A_1080 = vector.shape_cast %convert_element_type3A_1074 : vector<16x128xbf16> to vector<1x16x128xbf16>
    tpu.vector_store %arg7[%swap3A_1075, %swap3A_1076, %swap3A_1077], %swap3A_1080 {strides = array<i32>} : memref<64x16x128xbf16, #tpu.memory_space<vmem>>, vector<1x16x128xbf16>,
    %jit3A_1081 = arith.constant 0xFF800000 : f32
    %broadcast_in_dim3A_1082 = vector.broadcast %jit3A_1081 : f32 to vector<16x128xf32>
    %select_n3A_1083 = arith.select %eq3A_1071, %broadcast_in_dim3A_1082, %select_n3A_1052 : vector<16x128xi1>, vector<16x128xf32>
    %reduce_max3A_1084 = vector.shape_cast %select_n3A_1083 : vector<16x128xf32> to vector<1x16x128xf32>
    %reduce_max3A_1085 = arith.constant dense<0xFF800000> : vector<1xf32>
    %reduce_max3A_1086 = vector.multi_reduction <maximumf>, %reduce_max3A_1084, %reduce_max3A_1085 [1, 2] : vector<1x16x128xf32> to vector<1xf32>
    %reduce_max3A_1087 = vector.shape_cast %reduce_max3A_1086 : vector<1xf32> to vector<1x1x1xf32>
    %reduce_max3A_1088 = vector.extract %reduce_max3A_1087[0, 0, 0] : f32 from vector<1x1x1xf32>
    %broadcast_in_dim3A_1089 = vector.broadcast %reduce_max3A_1088 : f32 to vector<1x1xf32>
    %ge3A_1090 = vector.broadcast %broadcast_in_dim3A_1089 : vector<1x1xf32> to vector<16x128xf32>
    %ge3A_1091 = arith.cmpf oge, %select_n3A_1083, %ge3A_1090 : vector<16x128xf32>
    %jit3A_1092 = arith.constant 2048 : i32
    %broadcast_in_dim3A_1093 = vector.broadcast %jit3A_1092 : i32 to vector<16x128xi32>
    %select_n3A_1094 = arith.select %ge3A_1091, %add3A, %broadcast_in_dim3A_1093 : vector<16x128xi1>, vector<16x128xi32>
    %reduce_min3A_1095 = vector.shape_cast %select_n3A_1094 : vector<16x128xi32> to vector<1x16x128xi32>
    %reduce_min3A_1096 = arith.constant dense<2147483647> : vector<1xi32>
    %reduce_min3A_1097 = vector.multi_reduction <minsi>, %reduce_min3A_1095, %reduce_min3A_1096 [1, 2] : vector<1x16x128xi32> to vector<1xi32>
    %reduce_min3A_1098 = vector.shape_cast %reduce_min3A_1097 : vector<1xi32> to vector<1x1x1xi32>
    %reduce_min3A_1099 = vector.extract %reduce_min3A_1098[0, 0, 0] : i32 from vector<1x1x1xi32>
    %broadcast_in_dim3A_1100 = vector.broadcast %reduce_min3A_1099 : i32 to vector<1x1xi32>
    %eq3A_1101 = vector.broadcast %broadcast_in_dim3A_1100 : vector<1x1xi32> to vector<16x128xi32>
    %eq3A_1102 = arith.cmpi eq, %add3A, %eq3A_1101 : vector<16x128xi32>
    %convert_element_type3A_1103 = arith.extui %eq3A_1102 : vector<16x128xi1> to vector<16x128xi32>
    %convert_element_type3A_1104 = arith.sitofp %convert_element_type3A_1103 : vector<16x128xi32> to vector<16x128xf32>
    %convert_element_type3A_1105 = arith.truncf %convert_element_type3A_1104 : vector<16x128xf32> to vector<16x128xbf16>
    %swap3A_1106 = arith.constant 35 : index
    %swap3A_1107 = arith.constant 0 : index
    %swap3A_1108 = arith.constant 0 : index
    %swap3A_1109 = vector.load %arg7[%swap3A_1106, %swap3A_1107, %swap3A_1108] : memref<64x16x128xbf16, #tpu.memory_space<vmem>>, vector<1x16x128xbf16>
    %swap3A_1110 = vector.shape_cast %swap3A_1109 : vector<1x16x128xbf16> to vector<16x128xbf16>
    %swap3A_1111 = vector.shape_cast %convert_element_type3A_1105 : vector<16x128xbf16> to vector<1x16x128xbf16>
    tpu.vector_store %arg7[%swap3A_1106, %swap3A_1107, %swap3A_1108], %swap3A_1111 {strides = array<i32>} : memref<64x16x128xbf16, #tpu.memory_space<vmem>>, vector<1x16x128xbf16>,
    %jit3A_1112 = arith.constant 0xFF800000 : f32
    %broadcast_in_dim3A_1113 = vector.broadcast %jit3A_1112 : f32 to vector<16x128xf32>
    %select_n3A_1114 = arith.select %eq3A_1102, %broadcast_in_dim3A_1113, %select_n3A_1083 : vector<16x128xi1>, vector<16x128xf32>
    %reduce_max3A_1115 = vector.shape_cast %select_n3A_1114 : vector<16x128xf32> to vector<1x16x128xf32>
    %reduce_max3A_1116 = arith.constant dense<0xFF800000> : vector<1xf32>
    %reduce_max3A_1117 = vector.multi_reduction <maximumf>, %reduce_max3A_1115, %reduce_max3A_1116 [1, 2] : vector<1x16x128xf32> to vector<1xf32>
    %reduce_max3A_1118 = vector.shape_cast %reduce_max3A_1117 : vector<1xf32> to vector<1x1x1xf32>
    %reduce_max3A_1119 = vector.extract %reduce_max3A_1118[0, 0, 0] : f32 from vector<1x1x1xf32>
    %broadcast_in_dim3A_1120 = vector.broadcast %reduce_max3A_1119 : f32 to vector<1x1xf32>
    %ge3A_1121 = vector.broadcast %broadcast_in_dim3A_1120 : vector<1x1xf32> to vector<16x128xf32>
    %ge3A_1122 = arith.cmpf oge, %select_n3A_1114, %ge3A_1121 : vector<16x128xf32>
    %jit3A_1123 = arith.constant 2048 : i32
    %broadcast_in_dim3A_1124 = vector.broadcast %jit3A_1123 : i32 to vector<16x128xi32>
    %select_n3A_1125 = arith.select %ge3A_1122, %add3A, %broadcast_in_dim3A_1124 : vector<16x128xi1>, vector<16x128xi32>
    %reduce_min3A_1126 = vector.shape_cast %select_n3A_1125 : vector<16x128xi32> to vector<1x16x128xi32>
    %reduce_min3A_1127 = arith.constant dense<2147483647> : vector<1xi32>
    %reduce_min3A_1128 = vector.multi_reduction <minsi>, %reduce_min3A_1126, %reduce_min3A_1127 [1, 2] : vector<1x16x128xi32> to vector<1xi32>
    %reduce_min3A_1129 = vector.shape_cast %reduce_min3A_1128 : vector<1xi32> to vector<1x1x1xi32>
    %reduce_min3A_1130 = vector.extract %reduce_min3A_1129[0, 0, 0] : i32 from vector<1x1x1xi32>
    %broadcast_in_dim3A_1131 = vector.broadcast %reduce_min3A_1130 : i32 to vector<1x1xi32>
    %eq3A_1132 = vector.broadcast %broadcast_in_dim3A_1131 : vector<1x1xi32> to vector<16x128xi32>
    %eq3A_1133 = arith.cmpi eq, %add3A, %eq3A_1132 : vector<16x128xi32>
    %convert_element_type3A_1134 = arith.extui %eq3A_1133 : vector<16x128xi1> to vector<16x128xi32>
    %convert_element_type3A_1135 = arith.sitofp %convert_element_type3A_1134 : vector<16x128xi32> to vector<16x128xf32>
    %convert_element_type3A_1136 = arith.truncf %convert_element_type3A_1135 : vector<16x128xf32> to vector<16x128xbf16>
    %swap3A_1137 = arith.constant 36 : index
    %swap3A_1138 = arith.constant 0 : index
    %swap3A_1139 = arith.constant 0 : index
    %swap3A_1140 = vector.load %arg7[%swap3A_1137, %swap3A_1138, %swap3A_1139] : memref<64x16x128xbf16, #tpu.memory_space<vmem>>, vector<1x16x128xbf16>
    %swap3A_1141 = vector.shape_cast %swap3A_1140 : vector<1x16x128xbf16> to vector<16x128xbf16>
    %swap3A_1142 = vector.shape_cast %convert_element_type3A_1136 : vector<16x128xbf16> to vector<1x16x128xbf16>
    tpu.vector_store %arg7[%swap3A_1137, %swap3A_1138, %swap3A_1139], %swap3A_1142 {strides = array<i32>} : memref<64x16x128xbf16, #tpu.memory_space<vmem>>, vector<1x16x128xbf16>,
    %jit3A_1143 = arith.constant 0xFF800000 : f32
    %broadcast_in_dim3A_1144 = vector.broadcast %jit3A_1143 : f32 to vector<16x128xf32>
    %select_n3A_1145 = arith.select %eq3A_1133, %broadcast_in_dim3A_1144, %select_n3A_1114 : vector<16x128xi1>, vector<16x128xf32>
    %reduce_max3A_1146 = vector.shape_cast %select_n3A_1145 : vector<16x128xf32> to vector<1x16x128xf32>
    %reduce_max3A_1147 = arith.constant dense<0xFF800000> : vector<1xf32>
    %reduce_max3A_1148 = vector.multi_reduction <maximumf>, %reduce_max3A_1146, %reduce_max3A_1147 [1, 2] : vector<1x16x128xf32> to vector<1xf32>
    %reduce_max3A_1149 = vector.shape_cast %reduce_max3A_1148 : vector<1xf32> to vector<1x1x1xf32>
    %reduce_max3A_1150 = vector.extract %reduce_max3A_1149[0, 0, 0] : f32 from vector<1x1x1xf32>
    %broadcast_in_dim3A_1151 = vector.broadcast %reduce_max3A_1150 : f32 to vector<1x1xf32>
    %ge3A_1152 = vector.broadcast %broadcast_in_dim3A_1151 : vector<1x1xf32> to vector<16x128xf32>
    %ge3A_1153 = arith.cmpf oge, %select_n3A_1145, %ge3A_1152 : vector<16x128xf32>
    %jit3A_1154 = arith.constant 2048 : i32
    %broadcast_in_dim3A_1155 = vector.broadcast %jit3A_1154 : i32 to vector<16x128xi32>
    %select_n3A_1156 = arith.select %ge3A_1153, %add3A, %broadcast_in_dim3A_1155 : vector<16x128xi1>, vector<16x128xi32>
    %reduce_min3A_1157 = vector.shape_cast %select_n3A_1156 : vector<16x128xi32> to vector<1x16x128xi32>
    %reduce_min3A_1158 = arith.constant dense<2147483647> : vector<1xi32>
    %reduce_min3A_1159 = vector.multi_reduction <minsi>, %reduce_min3A_1157, %reduce_min3A_1158 [1, 2] : vector<1x16x128xi32> to vector<1xi32>
    %reduce_min3A_1160 = vector.shape_cast %reduce_min3A_1159 : vector<1xi32> to vector<1x1x1xi32>
    %reduce_min3A_1161 = vector.extract %reduce_min3A_1160[0, 0, 0] : i32 from vector<1x1x1xi32>
    %broadcast_in_dim3A_1162 = vector.broadcast %reduce_min3A_1161 : i32 to vector<1x1xi32>
    %eq3A_1163 = vector.broadcast %broadcast_in_dim3A_1162 : vector<1x1xi32> to vector<16x128xi32>
    %eq3A_1164 = arith.cmpi eq, %add3A, %eq3A_1163 : vector<16x128xi32>
    %convert_element_type3A_1165 = arith.extui %eq3A_1164 : vector<16x128xi1> to vector<16x128xi32>
    %convert_element_type3A_1166 = arith.sitofp %convert_element_type3A_1165 : vector<16x128xi32> to vector<16x128xf32>
    %convert_element_type3A_1167 = arith.truncf %convert_element_type3A_1166 : vector<16x128xf32> to vector<16x128xbf16>
    %swap3A_1168 = arith.constant 37 : index
    %swap3A_1169 = arith.constant 0 : index
    %swap3A_1170 = arith.constant 0 : index
    %swap3A_1171 = vector.load %arg7[%swap3A_1168, %swap3A_1169, %swap3A_1170] : memref<64x16x128xbf16, #tpu.memory_space<vmem>>, vector<1x16x128xbf16>
    %swap3A_1172 = vector.shape_cast %swap3A_1171 : vector<1x16x128xbf16> to vector<16x128xbf16>
    %swap3A_1173 = vector.shape_cast %convert_element_type3A_1167 : vector<16x128xbf16> to vector<1x16x128xbf16>
    tpu.vector_store %arg7[%swap3A_1168, %swap3A_1169, %swap3A_1170], %swap3A_1173 {strides = array<i32>} : memref<64x16x128xbf16, #tpu.memory_space<vmem>>, vector<1x16x128xbf16>,
    %jit3A_1174 = arith.constant 0xFF800000 : f32
    %broadcast_in_dim3A_1175 = vector.broadcast %jit3A_1174 : f32 to vector<16x128xf32>
    %select_n3A_1176 = arith.select %eq3A_1164, %broadcast_in_dim3A_1175, %select_n3A_1145 : vector<16x128xi1>, vector<16x128xf32>
    %reduce_max3A_1177 = vector.shape_cast %select_n3A_1176 : vector<16x128xf32> to vector<1x16x128xf32>
    %reduce_max3A_1178 = arith.constant dense<0xFF800000> : vector<1xf32>
    %reduce_max3A_1179 = vector.multi_reduction <maximumf>, %reduce_max3A_1177, %reduce_max3A_1178 [1, 2] : vector<1x16x128xf32> to vector<1xf32>
    %reduce_max3A_1180 = vector.shape_cast %reduce_max3A_1179 : vector<1xf32> to vector<1x1x1xf32>
    %reduce_max3A_1181 = vector.extract %reduce_max3A_1180[0, 0, 0] : f32 from vector<1x1x1xf32>
    %broadcast_in_dim3A_1182 = vector.broadcast %reduce_max3A_1181 : f32 to vector<1x1xf32>
    %ge3A_1183 = vector.broadcast %broadcast_in_dim3A_1182 : vector<1x1xf32> to vector<16x128xf32>
    %ge3A_1184 = arith.cmpf oge, %select_n3A_1176, %ge3A_1183 : vector<16x128xf32>
    %jit3A_1185 = arith.constant 2048 : i32
    %broadcast_in_dim3A_1186 = vector.broadcast %jit3A_1185 : i32 to vector<16x128xi32>
    %select_n3A_1187 = arith.select %ge3A_1184, %add3A, %broadcast_in_dim3A_1186 : vector<16x128xi1>, vector<16x128xi32>
    %reduce_min3A_1188 = vector.shape_cast %select_n3A_1187 : vector<16x128xi32> to vector<1x16x128xi32>
    %reduce_min3A_1189 = arith.constant dense<2147483647> : vector<1xi32>
    %reduce_min3A_1190 = vector.multi_reduction <minsi>, %reduce_min3A_1188, %reduce_min3A_1189 [1, 2] : vector<1x16x128xi32> to vector<1xi32>
    %reduce_min3A_1191 = vector.shape_cast %reduce_min3A_1190 : vector<1xi32> to vector<1x1x1xi32>
    %reduce_min3A_1192 = vector.extract %reduce_min3A_1191[0, 0, 0] : i32 from vector<1x1x1xi32>
    %broadcast_in_dim3A_1193 = vector.broadcast %reduce_min3A_1192 : i32 to vector<1x1xi32>
    %eq3A_1194 = vector.broadcast %broadcast_in_dim3A_1193 : vector<1x1xi32> to vector<16x128xi32>
    %eq3A_1195 = arith.cmpi eq, %add3A, %eq3A_1194 : vector<16x128xi32>
    %convert_element_type3A_1196 = arith.extui %eq3A_1195 : vector<16x128xi1> to vector<16x128xi32>
    %convert_element_type3A_1197 = arith.sitofp %convert_element_type3A_1196 : vector<16x128xi32> to vector<16x128xf32>
    %convert_element_type3A_1198 = arith.truncf %convert_element_type3A_1197 : vector<16x128xf32> to vector<16x128xbf16>
    %swap3A_1199 = arith.constant 38 : index
    %swap3A_1200 = arith.constant 0 : index
    %swap3A_1201 = arith.constant 0 : index
    %swap3A_1202 = vector.load %arg7[%swap3A_1199, %swap3A_1200, %swap3A_1201] : memref<64x16x128xbf16, #tpu.memory_space<vmem>>, vector<1x16x128xbf16>
    %swap3A_1203 = vector.shape_cast %swap3A_1202 : vector<1x16x128xbf16> to vector<16x128xbf16>
    %swap3A_1204 = vector.shape_cast %convert_element_type3A_1198 : vector<16x128xbf16> to vector<1x16x128xbf16>
    tpu.vector_store %arg7[%swap3A_1199, %swap3A_1200, %swap3A_1201], %swap3A_1204 {strides = array<i32>} : memref<64x16x128xbf16, #tpu.memory_space<vmem>>, vector<1x16x128xbf16>,
    %jit3A_1205 = arith.constant 0xFF800000 : f32
    %broadcast_in_dim3A_1206 = vector.broadcast %jit3A_1205 : f32 to vector<16x128xf32>
    %select_n3A_1207 = arith.select %eq3A_1195, %broadcast_in_dim3A_1206, %select_n3A_1176 : vector<16x128xi1>, vector<16x128xf32>
    %reduce_max3A_1208 = vector.shape_cast %select_n3A_1207 : vector<16x128xf32> to vector<1x16x128xf32>
    %reduce_max3A_1209 = arith.constant dense<0xFF800000> : vector<1xf32>
    %reduce_max3A_1210 = vector.multi_reduction <maximumf>, %reduce_max3A_1208, %reduce_max3A_1209 [1, 2] : vector<1x16x128xf32> to vector<1xf32>
    %reduce_max3A_1211 = vector.shape_cast %reduce_max3A_1210 : vector<1xf32> to vector<1x1x1xf32>
    %reduce_max3A_1212 = vector.extract %reduce_max3A_1211[0, 0, 0] : f32 from vector<1x1x1xf32>
    %broadcast_in_dim3A_1213 = vector.broadcast %reduce_max3A_1212 : f32 to vector<1x1xf32>
    %ge3A_1214 = vector.broadcast %broadcast_in_dim3A_1213 : vector<1x1xf32> to vector<16x128xf32>
    %ge3A_1215 = arith.cmpf oge, %select_n3A_1207, %ge3A_1214 : vector<16x128xf32>
    %jit3A_1216 = arith.constant 2048 : i32
    %broadcast_in_dim3A_1217 = vector.broadcast %jit3A_1216 : i32 to vector<16x128xi32>
    %select_n3A_1218 = arith.select %ge3A_1215, %add3A, %broadcast_in_dim3A_1217 : vector<16x128xi1>, vector<16x128xi32>
    %reduce_min3A_1219 = vector.shape_cast %select_n3A_1218 : vector<16x128xi32> to vector<1x16x128xi32>
    %reduce_min3A_1220 = arith.constant dense<2147483647> : vector<1xi32>
    %reduce_min3A_1221 = vector.multi_reduction <minsi>, %reduce_min3A_1219, %reduce_min3A_1220 [1, 2] : vector<1x16x128xi32> to vector<1xi32>
    %reduce_min3A_1222 = vector.shape_cast %reduce_min3A_1221 : vector<1xi32> to vector<1x1x1xi32>
    %reduce_min3A_1223 = vector.extract %reduce_min3A_1222[0, 0, 0] : i32 from vector<1x1x1xi32>
    %broadcast_in_dim3A_1224 = vector.broadcast %reduce_min3A_1223 : i32 to vector<1x1xi32>
    %eq3A_1225 = vector.broadcast %broadcast_in_dim3A_1224 : vector<1x1xi32> to vector<16x128xi32>
    %eq3A_1226 = arith.cmpi eq, %add3A, %eq3A_1225 : vector<16x128xi32>
    %convert_element_type3A_1227 = arith.extui %eq3A_1226 : vector<16x128xi1> to vector<16x128xi32>
    %convert_element_type3A_1228 = arith.sitofp %convert_element_type3A_1227 : vector<16x128xi32> to vector<16x128xf32>
    %convert_element_type3A_1229 = arith.truncf %convert_element_type3A_1228 : vector<16x128xf32> to vector<16x128xbf16>
    %swap3A_1230 = arith.constant 39 : index
    %swap3A_1231 = arith.constant 0 : index
    %swap3A_1232 = arith.constant 0 : index
    %swap3A_1233 = vector.load %arg7[%swap3A_1230, %swap3A_1231, %swap3A_1232] : memref<64x16x128xbf16, #tpu.memory_space<vmem>>, vector<1x16x128xbf16>
    %swap3A_1234 = vector.shape_cast %swap3A_1233 : vector<1x16x128xbf16> to vector<16x128xbf16>
    %swap3A_1235 = vector.shape_cast %convert_element_type3A_1229 : vector<16x128xbf16> to vector<1x16x128xbf16>
    tpu.vector_store %arg7[%swap3A_1230, %swap3A_1231, %swap3A_1232], %swap3A_1235 {strides = array<i32>} : memref<64x16x128xbf16, #tpu.memory_space<vmem>>, vector<1x16x128xbf16>,
    %jit3A_1236 = arith.constant 0xFF800000 : f32
    %broadcast_in_dim3A_1237 = vector.broadcast %jit3A_1236 : f32 to vector<16x128xf32>
    %select_n3A_1238 = arith.select %eq3A_1226, %broadcast_in_dim3A_1237, %select_n3A_1207 : vector<16x128xi1>, vector<16x128xf32>
    %reduce_max3A_1239 = vector.shape_cast %select_n3A_1238 : vector<16x128xf32> to vector<1x16x128xf32>
    %reduce_max3A_1240 = arith.constant dense<0xFF800000> : vector<1xf32>
    %reduce_max3A_1241 = vector.multi_reduction <maximumf>, %reduce_max3A_1239, %reduce_max3A_1240 [1, 2] : vector<1x16x128xf32> to vector<1xf32>
    %reduce_max3A_1242 = vector.shape_cast %reduce_max3A_1241 : vector<1xf32> to vector<1x1x1xf32>
    %reduce_max3A_1243 = vector.extract %reduce_max3A_1242[0, 0, 0] : f32 from vector<1x1x1xf32>
    %broadcast_in_dim3A_1244 = vector.broadcast %reduce_max3A_1243 : f32 to vector<1x1xf32>
    %ge3A_1245 = vector.broadcast %broadcast_in_dim3A_1244 : vector<1x1xf32> to vector<16x128xf32>
    %ge3A_1246 = arith.cmpf oge, %select_n3A_1238, %ge3A_1245 : vector<16x128xf32>
    %jit3A_1247 = arith.constant 2048 : i32
    %broadcast_in_dim3A_1248 = vector.broadcast %jit3A_1247 : i32 to vector<16x128xi32>
    %select_n3A_1249 = arith.select %ge3A_1246, %add3A, %broadcast_in_dim3A_1248 : vector<16x128xi1>, vector<16x128xi32>
    %reduce_min3A_1250 = vector.shape_cast %select_n3A_1249 : vector<16x128xi32> to vector<1x16x128xi32>
    %reduce_min3A_1251 = arith.constant dense<2147483647> : vector<1xi32>
    %reduce_min3A_1252 = vector.multi_reduction <minsi>, %reduce_min3A_1250, %reduce_min3A_1251 [1, 2] : vector<1x16x128xi32> to vector<1xi32>
    %reduce_min3A_1253 = vector.shape_cast %reduce_min3A_1252 : vector<1xi32> to vector<1x1x1xi32>
    %reduce_min3A_1254 = vector.extract %reduce_min3A_1253[0, 0, 0] : i32 from vector<1x1x1xi32>
    %broadcast_in_dim3A_1255 = vector.broadcast %reduce_min3A_1254 : i32 to vector<1x1xi32>
    %eq3A_1256 = vector.broadcast %broadcast_in_dim3A_1255 : vector<1x1xi32> to vector<16x128xi32>
    %eq3A_1257 = arith.cmpi eq, %add3A, %eq3A_1256 : vector<16x128xi32>
    %convert_element_type3A_1258 = arith.extui %eq3A_1257 : vector<16x128xi1> to vector<16x128xi32>
    %convert_element_type3A_1259 = arith.sitofp %convert_element_type3A_1258 : vector<16x128xi32> to vector<16x128xf32>
    %convert_element_type3A_1260 = arith.truncf %convert_element_type3A_1259 : vector<16x128xf32> to vector<16x128xbf16>
    %swap3A_1261 = arith.constant 40 : index
    %swap3A_1262 = arith.constant 0 : index
    %swap3A_1263 = arith.constant 0 : index
    %swap3A_1264 = vector.load %arg7[%swap3A_1261, %swap3A_1262, %swap3A_1263] : memref<64x16x128xbf16, #tpu.memory_space<vmem>>, vector<1x16x128xbf16>
    %swap3A_1265 = vector.shape_cast %swap3A_1264 : vector<1x16x128xbf16> to vector<16x128xbf16>
    %swap3A_1266 = vector.shape_cast %convert_element_type3A_1260 : vector<16x128xbf16> to vector<1x16x128xbf16>
    tpu.vector_store %arg7[%swap3A_1261, %swap3A_1262, %swap3A_1263], %swap3A_1266 {strides = array<i32>} : memref<64x16x128xbf16, #tpu.memory_space<vmem>>, vector<1x16x128xbf16>,
    %jit3A_1267 = arith.constant 0xFF800000 : f32
    %broadcast_in_dim3A_1268 = vector.broadcast %jit3A_1267 : f32 to vector<16x128xf32>
    %select_n3A_1269 = arith.select %eq3A_1257, %broadcast_in_dim3A_1268, %select_n3A_1238 : vector<16x128xi1>, vector<16x128xf32>
    %reduce_max3A_1270 = vector.shape_cast %select_n3A_1269 : vector<16x128xf32> to vector<1x16x128xf32>
    %reduce_max3A_1271 = arith.constant dense<0xFF800000> : vector<1xf32>
    %reduce_max3A_1272 = vector.multi_reduction <maximumf>, %reduce_max3A_1270, %reduce_max3A_1271 [1, 2] : vector<1x16x128xf32> to vector<1xf32>
    %reduce_max3A_1273 = vector.shape_cast %reduce_max3A_1272 : vector<1xf32> to vector<1x1x1xf32>
    %reduce_max3A_1274 = vector.extract %reduce_max3A_1273[0, 0, 0] : f32 from vector<1x1x1xf32>
    %broadcast_in_dim3A_1275 = vector.broadcast %reduce_max3A_1274 : f32 to vector<1x1xf32>
    %ge3A_1276 = vector.broadcast %broadcast_in_dim3A_1275 : vector<1x1xf32> to vector<16x128xf32>
    %ge3A_1277 = arith.cmpf oge, %select_n3A_1269, %ge3A_1276 : vector<16x128xf32>
    %jit3A_1278 = arith.constant 2048 : i32
    %broadcast_in_dim3A_1279 = vector.broadcast %jit3A_1278 : i32 to vector<16x128xi32>
    %select_n3A_1280 = arith.select %ge3A_1277, %add3A, %broadcast_in_dim3A_1279 : vector<16x128xi1>, vector<16x128xi32>
    %reduce_min3A_1281 = vector.shape_cast %select_n3A_1280 : vector<16x128xi32> to vector<1x16x128xi32>
    %reduce_min3A_1282 = arith.constant dense<2147483647> : vector<1xi32>
    %reduce_min3A_1283 = vector.multi_reduction <minsi>, %reduce_min3A_1281, %reduce_min3A_1282 [1, 2] : vector<1x16x128xi32> to vector<1xi32>
    %reduce_min3A_1284 = vector.shape_cast %reduce_min3A_1283 : vector<1xi32> to vector<1x1x1xi32>
    %reduce_min3A_1285 = vector.extract %reduce_min3A_1284[0, 0, 0] : i32 from vector<1x1x1xi32>
    %broadcast_in_dim3A_1286 = vector.broadcast %reduce_min3A_1285 : i32 to vector<1x1xi32>
    %eq3A_1287 = vector.broadcast %broadcast_in_dim3A_1286 : vector<1x1xi32> to vector<16x128xi32>
    %eq3A_1288 = arith.cmpi eq, %add3A, %eq3A_1287 : vector<16x128xi32>
    %convert_element_type3A_1289 = arith.extui %eq3A_1288 : vector<16x128xi1> to vector<16x128xi32>
    %convert_element_type3A_1290 = arith.sitofp %convert_element_type3A_1289 : vector<16x128xi32> to vector<16x128xf32>
    %convert_element_type3A_1291 = arith.truncf %convert_element_type3A_1290 : vector<16x128xf32> to vector<16x128xbf16>
    %swap3A_1292 = arith.constant 41 : index
    %swap3A_1293 = arith.constant 0 : index
    %swap3A_1294 = arith.constant 0 : index
    %swap3A_1295 = vector.load %arg7[%swap3A_1292, %swap3A_1293, %swap3A_1294] : memref<64x16x128xbf16, #tpu.memory_space<vmem>>, vector<1x16x128xbf16>
    %swap3A_1296 = vector.shape_cast %swap3A_1295 : vector<1x16x128xbf16> to vector<16x128xbf16>
    %swap3A_1297 = vector.shape_cast %convert_element_type3A_1291 : vector<16x128xbf16> to vector<1x16x128xbf16>
    tpu.vector_store %arg7[%swap3A_1292, %swap3A_1293, %swap3A_1294], %swap3A_1297 {strides = array<i32>} : memref<64x16x128xbf16, #tpu.memory_space<vmem>>, vector<1x16x128xbf16>,
    %jit3A_1298 = arith.constant 0xFF800000 : f32
    %broadcast_in_dim3A_1299 = vector.broadcast %jit3A_1298 : f32 to vector<16x128xf32>
    %select_n3A_1300 = arith.select %eq3A_1288, %broadcast_in_dim3A_1299, %select_n3A_1269 : vector<16x128xi1>, vector<16x128xf32>
    %reduce_max3A_1301 = vector.shape_cast %select_n3A_1300 : vector<16x128xf32> to vector<1x16x128xf32>
    %reduce_max3A_1302 = arith.constant dense<0xFF800000> : vector<1xf32>
    %reduce_max3A_1303 = vector.multi_reduction <maximumf>, %reduce_max3A_1301, %reduce_max3A_1302 [1, 2] : vector<1x16x128xf32> to vector<1xf32>
    %reduce_max3A_1304 = vector.shape_cast %reduce_max3A_1303 : vector<1xf32> to vector<1x1x1xf32>
    %reduce_max3A_1305 = vector.extract %reduce_max3A_1304[0, 0, 0] : f32 from vector<1x1x1xf32>
    %broadcast_in_dim3A_1306 = vector.broadcast %reduce_max3A_1305 : f32 to vector<1x1xf32>
    %ge3A_1307 = vector.broadcast %broadcast_in_dim3A_1306 : vector<1x1xf32> to vector<16x128xf32>
    %ge3A_1308 = arith.cmpf oge, %select_n3A_1300, %ge3A_1307 : vector<16x128xf32>
    %jit3A_1309 = arith.constant 2048 : i32
    %broadcast_in_dim3A_1310 = vector.broadcast %jit3A_1309 : i32 to vector<16x128xi32>
    %select_n3A_1311 = arith.select %ge3A_1308, %add3A, %broadcast_in_dim3A_1310 : vector<16x128xi1>, vector<16x128xi32>
    %reduce_min3A_1312 = vector.shape_cast %select_n3A_1311 : vector<16x128xi32> to vector<1x16x128xi32>
    %reduce_min3A_1313 = arith.constant dense<2147483647> : vector<1xi32>
    %reduce_min3A_1314 = vector.multi_reduction <minsi>, %reduce_min3A_1312, %reduce_min3A_1313 [1, 2] : vector<1x16x128xi32> to vector<1xi32>
    %reduce_min3A_1315 = vector.shape_cast %reduce_min3A_1314 : vector<1xi32> to vector<1x1x1xi32>
    %reduce_min3A_1316 = vector.extract %reduce_min3A_1315[0, 0, 0] : i32 from vector<1x1x1xi32>
    %broadcast_in_dim3A_1317 = vector.broadcast %reduce_min3A_1316 : i32 to vector<1x1xi32>
    %eq3A_1318 = vector.broadcast %broadcast_in_dim3A_1317 : vector<1x1xi32> to vector<16x128xi32>
    %eq3A_1319 = arith.cmpi eq, %add3A, %eq3A_1318 : vector<16x128xi32>
    %convert_element_type3A_1320 = arith.extui %eq3A_1319 : vector<16x128xi1> to vector<16x128xi32>
    %convert_element_type3A_1321 = arith.sitofp %convert_element_type3A_1320 : vector<16x128xi32> to vector<16x128xf32>
    %convert_element_type3A_1322 = arith.truncf %convert_element_type3A_1321 : vector<16x128xf32> to vector<16x128xbf16>
    %swap3A_1323 = arith.constant 42 : index
    %swap3A_1324 = arith.constant 0 : index
    %swap3A_1325 = arith.constant 0 : index
    %swap3A_1326 = vector.load %arg7[%swap3A_1323, %swap3A_1324, %swap3A_1325] : memref<64x16x128xbf16, #tpu.memory_space<vmem>>, vector<1x16x128xbf16>
    %swap3A_1327 = vector.shape_cast %swap3A_1326 : vector<1x16x128xbf16> to vector<16x128xbf16>
    %swap3A_1328 = vector.shape_cast %convert_element_type3A_1322 : vector<16x128xbf16> to vector<1x16x128xbf16>
    tpu.vector_store %arg7[%swap3A_1323, %swap3A_1324, %swap3A_1325], %swap3A_1328 {strides = array<i32>} : memref<64x16x128xbf16, #tpu.memory_space<vmem>>, vector<1x16x128xbf16>,
    %jit3A_1329 = arith.constant 0xFF800000 : f32
    %broadcast_in_dim3A_1330 = vector.broadcast %jit3A_1329 : f32 to vector<16x128xf32>
    %select_n3A_1331 = arith.select %eq3A_1319, %broadcast_in_dim3A_1330, %select_n3A_1300 : vector<16x128xi1>, vector<16x128xf32>
    %reduce_max3A_1332 = vector.shape_cast %select_n3A_1331 : vector<16x128xf32> to vector<1x16x128xf32>
    %reduce_max3A_1333 = arith.constant dense<0xFF800000> : vector<1xf32>
    %reduce_max3A_1334 = vector.multi_reduction <maximumf>, %reduce_max3A_1332, %reduce_max3A_1333 [1, 2] : vector<1x16x128xf32> to vector<1xf32>
    %reduce_max3A_1335 = vector.shape_cast %reduce_max3A_1334 : vector<1xf32> to vector<1x1x1xf32>
    %reduce_max3A_1336 = vector.extract %reduce_max3A_1335[0, 0, 0] : f32 from vector<1x1x1xf32>
    %broadcast_in_dim3A_1337 = vector.broadcast %reduce_max3A_1336 : f32 to vector<1x1xf32>
    %ge3A_1338 = vector.broadcast %broadcast_in_dim3A_1337 : vector<1x1xf32> to vector<16x128xf32>
    %ge3A_1339 = arith.cmpf oge, %select_n3A_1331, %ge3A_1338 : vector<16x128xf32>
    %jit3A_1340 = arith.constant 2048 : i32
    %broadcast_in_dim3A_1341 = vector.broadcast %jit3A_1340 : i32 to vector<16x128xi32>
    %select_n3A_1342 = arith.select %ge3A_1339, %add3A, %broadcast_in_dim3A_1341 : vector<16x128xi1>, vector<16x128xi32>
    %reduce_min3A_1343 = vector.shape_cast %select_n3A_1342 : vector<16x128xi32> to vector<1x16x128xi32>
    %reduce_min3A_1344 = arith.constant dense<2147483647> : vector<1xi32>
    %reduce_min3A_1345 = vector.multi_reduction <minsi>, %reduce_min3A_1343, %reduce_min3A_1344 [1, 2] : vector<1x16x128xi32> to vector<1xi32>
    %reduce_min3A_1346 = vector.shape_cast %reduce_min3A_1345 : vector<1xi32> to vector<1x1x1xi32>
    %reduce_min3A_1347 = vector.extract %reduce_min3A_1346[0, 0, 0] : i32 from vector<1x1x1xi32>
    %broadcast_in_dim3A_1348 = vector.broadcast %reduce_min3A_1347 : i32 to vector<1x1xi32>
    %eq3A_1349 = vector.broadcast %broadcast_in_dim3A_1348 : vector<1x1xi32> to vector<16x128xi32>
    %eq3A_1350 = arith.cmpi eq, %add3A, %eq3A_1349 : vector<16x128xi32>
    %convert_element_type3A_1351 = arith.extui %eq3A_1350 : vector<16x128xi1> to vector<16x128xi32>
    %convert_element_type3A_1352 = arith.sitofp %convert_element_type3A_1351 : vector<16x128xi32> to vector<16x128xf32>
    %convert_element_type3A_1353 = arith.truncf %convert_element_type3A_1352 : vector<16x128xf32> to vector<16x128xbf16>
    %swap3A_1354 = arith.constant 43 : index
    %swap3A_1355 = arith.constant 0 : index
    %swap3A_1356 = arith.constant 0 : index
    %swap3A_1357 = vector.load %arg7[%swap3A_1354, %swap3A_1355, %swap3A_1356] : memref<64x16x128xbf16, #tpu.memory_space<vmem>>, vector<1x16x128xbf16>
    %swap3A_1358 = vector.shape_cast %swap3A_1357 : vector<1x16x128xbf16> to vector<16x128xbf16>
    %swap3A_1359 = vector.shape_cast %convert_element_type3A_1353 : vector<16x128xbf16> to vector<1x16x128xbf16>
    tpu.vector_store %arg7[%swap3A_1354, %swap3A_1355, %swap3A_1356], %swap3A_1359 {strides = array<i32>} : memref<64x16x128xbf16, #tpu.memory_space<vmem>>, vector<1x16x128xbf16>,
    %jit3A_1360 = arith.constant 0xFF800000 : f32
    %broadcast_in_dim3A_1361 = vector.broadcast %jit3A_1360 : f32 to vector<16x128xf32>
    %select_n3A_1362 = arith.select %eq3A_1350, %broadcast_in_dim3A_1361, %select_n3A_1331 : vector<16x128xi1>, vector<16x128xf32>
    %reduce_max3A_1363 = vector.shape_cast %select_n3A_1362 : vector<16x128xf32> to vector<1x16x128xf32>
    %reduce_max3A_1364 = arith.constant dense<0xFF800000> : vector<1xf32>
    %reduce_max3A_1365 = vector.multi_reduction <maximumf>, %reduce_max3A_1363, %reduce_max3A_1364 [1, 2] : vector<1x16x128xf32> to vector<1xf32>
    %reduce_max3A_1366 = vector.shape_cast %reduce_max3A_1365 : vector<1xf32> to vector<1x1x1xf32>
    %reduce_max3A_1367 = vector.extract %reduce_max3A_1366[0, 0, 0] : f32 from vector<1x1x1xf32>
    %broadcast_in_dim3A_1368 = vector.broadcast %reduce_max3A_1367 : f32 to vector<1x1xf32>
    %ge3A_1369 = vector.broadcast %broadcast_in_dim3A_1368 : vector<1x1xf32> to vector<16x128xf32>
    %ge3A_1370 = arith.cmpf oge, %select_n3A_1362, %ge3A_1369 : vector<16x128xf32>
    %jit3A_1371 = arith.constant 2048 : i32
    %broadcast_in_dim3A_1372 = vector.broadcast %jit3A_1371 : i32 to vector<16x128xi32>
    %select_n3A_1373 = arith.select %ge3A_1370, %add3A, %broadcast_in_dim3A_1372 : vector<16x128xi1>, vector<16x128xi32>
    %reduce_min3A_1374 = vector.shape_cast %select_n3A_1373 : vector<16x128xi32> to vector<1x16x128xi32>
    %reduce_min3A_1375 = arith.constant dense<2147483647> : vector<1xi32>
    %reduce_min3A_1376 = vector.multi_reduction <minsi>, %reduce_min3A_1374, %reduce_min3A_1375 [1, 2] : vector<1x16x128xi32> to vector<1xi32>
    %reduce_min3A_1377 = vector.shape_cast %reduce_min3A_1376 : vector<1xi32> to vector<1x1x1xi32>
    %reduce_min3A_1378 = vector.extract %reduce_min3A_1377[0, 0, 0] : i32 from vector<1x1x1xi32>
    %broadcast_in_dim3A_1379 = vector.broadcast %reduce_min3A_1378 : i32 to vector<1x1xi32>
    %eq3A_1380 = vector.broadcast %broadcast_in_dim3A_1379 : vector<1x1xi32> to vector<16x128xi32>
    %eq3A_1381 = arith.cmpi eq, %add3A, %eq3A_1380 : vector<16x128xi32>
    %convert_element_type3A_1382 = arith.extui %eq3A_1381 : vector<16x128xi1> to vector<16x128xi32>
    %convert_element_type3A_1383 = arith.sitofp %convert_element_type3A_1382 : vector<16x128xi32> to vector<16x128xf32>
    %convert_element_type3A_1384 = arith.truncf %convert_element_type3A_1383 : vector<16x128xf32> to vector<16x128xbf16>
    %swap3A_1385 = arith.constant 44 : index
    %swap3A_1386 = arith.constant 0 : index
    %swap3A_1387 = arith.constant 0 : index
    %swap3A_1388 = vector.load %arg7[%swap3A_1385, %swap3A_1386, %swap3A_1387] : memref<64x16x128xbf16, #tpu.memory_space<vmem>>, vector<1x16x128xbf16>
    %swap3A_1389 = vector.shape_cast %swap3A_1388 : vector<1x16x128xbf16> to vector<16x128xbf16>
    %swap3A_1390 = vector.shape_cast %convert_element_type3A_1384 : vector<16x128xbf16> to vector<1x16x128xbf16>
    tpu.vector_store %arg7[%swap3A_1385, %swap3A_1386, %swap3A_1387], %swap3A_1390 {strides = array<i32>} : memref<64x16x128xbf16, #tpu.memory_space<vmem>>, vector<1x16x128xbf16>,
    %jit3A_1391 = arith.constant 0xFF800000 : f32
    %broadcast_in_dim3A_1392 = vector.broadcast %jit3A_1391 : f32 to vector<16x128xf32>
    %select_n3A_1393 = arith.select %eq3A_1381, %broadcast_in_dim3A_1392, %select_n3A_1362 : vector<16x128xi1>, vector<16x128xf32>
    %reduce_max3A_1394 = vector.shape_cast %select_n3A_1393 : vector<16x128xf32> to vector<1x16x128xf32>
    %reduce_max3A_1395 = arith.constant dense<0xFF800000> : vector<1xf32>
    %reduce_max3A_1396 = vector.multi_reduction <maximumf>, %reduce_max3A_1394, %reduce_max3A_1395 [1, 2] : vector<1x16x128xf32> to vector<1xf32>
    %reduce_max3A_1397 = vector.shape_cast %reduce_max3A_1396 : vector<1xf32> to vector<1x1x1xf32>
    %reduce_max3A_1398 = vector.extract %reduce_max3A_1397[0, 0, 0] : f32 from vector<1x1x1xf32>
    %broadcast_in_dim3A_1399 = vector.broadcast %reduce_max3A_1398 : f32 to vector<1x1xf32>
    %ge3A_1400 = vector.broadcast %broadcast_in_dim3A_1399 : vector<1x1xf32> to vector<16x128xf32>
    %ge3A_1401 = arith.cmpf oge, %select_n3A_1393, %ge3A_1400 : vector<16x128xf32>
    %jit3A_1402 = arith.constant 2048 : i32
    %broadcast_in_dim3A_1403 = vector.broadcast %jit3A_1402 : i32 to vector<16x128xi32>
    %select_n3A_1404 = arith.select %ge3A_1401, %add3A, %broadcast_in_dim3A_1403 : vector<16x128xi1>, vector<16x128xi32>
    %reduce_min3A_1405 = vector.shape_cast %select_n3A_1404 : vector<16x128xi32> to vector<1x16x128xi32>
    %reduce_min3A_1406 = arith.constant dense<2147483647> : vector<1xi32>
    %reduce_min3A_1407 = vector.multi_reduction <minsi>, %reduce_min3A_1405, %reduce_min3A_1406 [1, 2] : vector<1x16x128xi32> to vector<1xi32>
    %reduce_min3A_1408 = vector.shape_cast %reduce_min3A_1407 : vector<1xi32> to vector<1x1x1xi32>
    %reduce_min3A_1409 = vector.extract %reduce_min3A_1408[0, 0, 0] : i32 from vector<1x1x1xi32>
    %broadcast_in_dim3A_1410 = vector.broadcast %reduce_min3A_1409 : i32 to vector<1x1xi32>
    %eq3A_1411 = vector.broadcast %broadcast_in_dim3A_1410 : vector<1x1xi32> to vector<16x128xi32>
    %eq3A_1412 = arith.cmpi eq, %add3A, %eq3A_1411 : vector<16x128xi32>
    %convert_element_type3A_1413 = arith.extui %eq3A_1412 : vector<16x128xi1> to vector<16x128xi32>
    %convert_element_type3A_1414 = arith.sitofp %convert_element_type3A_1413 : vector<16x128xi32> to vector<16x128xf32>
    %convert_element_type3A_1415 = arith.truncf %convert_element_type3A_1414 : vector<16x128xf32> to vector<16x128xbf16>
    %swap3A_1416 = arith.constant 45 : index
    %swap3A_1417 = arith.constant 0 : index
    %swap3A_1418 = arith.constant 0 : index
    %swap3A_1419 = vector.load %arg7[%swap3A_1416, %swap3A_1417, %swap3A_1418] : memref<64x16x128xbf16, #tpu.memory_space<vmem>>, vector<1x16x128xbf16>
    %swap3A_1420 = vector.shape_cast %swap3A_1419 : vector<1x16x128xbf16> to vector<16x128xbf16>
    %swap3A_1421 = vector.shape_cast %convert_element_type3A_1415 : vector<16x128xbf16> to vector<1x16x128xbf16>
    tpu.vector_store %arg7[%swap3A_1416, %swap3A_1417, %swap3A_1418], %swap3A_1421 {strides = array<i32>} : memref<64x16x128xbf16, #tpu.memory_space<vmem>>, vector<1x16x128xbf16>,
    %jit3A_1422 = arith.constant 0xFF800000 : f32
    %broadcast_in_dim3A_1423 = vector.broadcast %jit3A_1422 : f32 to vector<16x128xf32>
    %select_n3A_1424 = arith.select %eq3A_1412, %broadcast_in_dim3A_1423, %select_n3A_1393 : vector<16x128xi1>, vector<16x128xf32>
    %reduce_max3A_1425 = vector.shape_cast %select_n3A_1424 : vector<16x128xf32> to vector<1x16x128xf32>
    %reduce_max3A_1426 = arith.constant dense<0xFF800000> : vector<1xf32>
    %reduce_max3A_1427 = vector.multi_reduction <maximumf>, %reduce_max3A_1425, %reduce_max3A_1426 [1, 2] : vector<1x16x128xf32> to vector<1xf32>
    %reduce_max3A_1428 = vector.shape_cast %reduce_max3A_1427 : vector<1xf32> to vector<1x1x1xf32>
    %reduce_max3A_1429 = vector.extract %reduce_max3A_1428[0, 0, 0] : f32 from vector<1x1x1xf32>
    %broadcast_in_dim3A_1430 = vector.broadcast %reduce_max3A_1429 : f32 to vector<1x1xf32>
    %ge3A_1431 = vector.broadcast %broadcast_in_dim3A_1430 : vector<1x1xf32> to vector<16x128xf32>
    %ge3A_1432 = arith.cmpf oge, %select_n3A_1424, %ge3A_1431 : vector<16x128xf32>
    %jit3A_1433 = arith.constant 2048 : i32
    %broadcast_in_dim3A_1434 = vector.broadcast %jit3A_1433 : i32 to vector<16x128xi32>
    %select_n3A_1435 = arith.select %ge3A_1432, %add3A, %broadcast_in_dim3A_1434 : vector<16x128xi1>, vector<16x128xi32>
    %reduce_min3A_1436 = vector.shape_cast %select_n3A_1435 : vector<16x128xi32> to vector<1x16x128xi32>
    %reduce_min3A_1437 = arith.constant dense<2147483647> : vector<1xi32>
    %reduce_min3A_1438 = vector.multi_reduction <minsi>, %reduce_min3A_1436, %reduce_min3A_1437 [1, 2] : vector<1x16x128xi32> to vector<1xi32>
    %reduce_min3A_1439 = vector.shape_cast %reduce_min3A_1438 : vector<1xi32> to vector<1x1x1xi32>
    %reduce_min3A_1440 = vector.extract %reduce_min3A_1439[0, 0, 0] : i32 from vector<1x1x1xi32>
    %broadcast_in_dim3A_1441 = vector.broadcast %reduce_min3A_1440 : i32 to vector<1x1xi32>
    %eq3A_1442 = vector.broadcast %broadcast_in_dim3A_1441 : vector<1x1xi32> to vector<16x128xi32>
    %eq3A_1443 = arith.cmpi eq, %add3A, %eq3A_1442 : vector<16x128xi32>
    %convert_element_type3A_1444 = arith.extui %eq3A_1443 : vector<16x128xi1> to vector<16x128xi32>
    %convert_element_type3A_1445 = arith.sitofp %convert_element_type3A_1444 : vector<16x128xi32> to vector<16x128xf32>
    %convert_element_type3A_1446 = arith.truncf %convert_element_type3A_1445 : vector<16x128xf32> to vector<16x128xbf16>
    %swap3A_1447 = arith.constant 46 : index
    %swap3A_1448 = arith.constant 0 : index
    %swap3A_1449 = arith.constant 0 : index
    %swap3A_1450 = vector.load %arg7[%swap3A_1447, %swap3A_1448, %swap3A_1449] : memref<64x16x128xbf16, #tpu.memory_space<vmem>>, vector<1x16x128xbf16>
    %swap3A_1451 = vector.shape_cast %swap3A_1450 : vector<1x16x128xbf16> to vector<16x128xbf16>
    %swap3A_1452 = vector.shape_cast %convert_element_type3A_1446 : vector<16x128xbf16> to vector<1x16x128xbf16>
    tpu.vector_store %arg7[%swap3A_1447, %swap3A_1448, %swap3A_1449], %swap3A_1452 {strides = array<i32>} : memref<64x16x128xbf16, #tpu.memory_space<vmem>>, vector<1x16x128xbf16>,
    %jit3A_1453 = arith.constant 0xFF800000 : f32
    %broadcast_in_dim3A_1454 = vector.broadcast %jit3A_1453 : f32 to vector<16x128xf32>
    %select_n3A_1455 = arith.select %eq3A_1443, %broadcast_in_dim3A_1454, %select_n3A_1424 : vector<16x128xi1>, vector<16x128xf32>
    %reduce_max3A_1456 = vector.shape_cast %select_n3A_1455 : vector<16x128xf32> to vector<1x16x128xf32>
    %reduce_max3A_1457 = arith.constant dense<0xFF800000> : vector<1xf32>
    %reduce_max3A_1458 = vector.multi_reduction <maximumf>, %reduce_max3A_1456, %reduce_max3A_1457 [1, 2] : vector<1x16x128xf32> to vector<1xf32>
    %reduce_max3A_1459 = vector.shape_cast %reduce_max3A_1458 : vector<1xf32> to vector<1x1x1xf32>
    %reduce_max3A_1460 = vector.extract %reduce_max3A_1459[0, 0, 0] : f32 from vector<1x1x1xf32>
    %broadcast_in_dim3A_1461 = vector.broadcast %reduce_max3A_1460 : f32 to vector<1x1xf32>
    %ge3A_1462 = vector.broadcast %broadcast_in_dim3A_1461 : vector<1x1xf32> to vector<16x128xf32>
    %ge3A_1463 = arith.cmpf oge, %select_n3A_1455, %ge3A_1462 : vector<16x128xf32>
    %jit3A_1464 = arith.constant 2048 : i32
    %broadcast_in_dim3A_1465 = vector.broadcast %jit3A_1464 : i32 to vector<16x128xi32>
    %select_n3A_1466 = arith.select %ge3A_1463, %add3A, %broadcast_in_dim3A_1465 : vector<16x128xi1>, vector<16x128xi32>
    %reduce_min3A_1467 = vector.shape_cast %select_n3A_1466 : vector<16x128xi32> to vector<1x16x128xi32>
    %reduce_min3A_1468 = arith.constant dense<2147483647> : vector<1xi32>
    %reduce_min3A_1469 = vector.multi_reduction <minsi>, %reduce_min3A_1467, %reduce_min3A_1468 [1, 2] : vector<1x16x128xi32> to vector<1xi32>
    %reduce_min3A_1470 = vector.shape_cast %reduce_min3A_1469 : vector<1xi32> to vector<1x1x1xi32>
    %reduce_min3A_1471 = vector.extract %reduce_min3A_1470[0, 0, 0] : i32 from vector<1x1x1xi32>
    %broadcast_in_dim3A_1472 = vector.broadcast %reduce_min3A_1471 : i32 to vector<1x1xi32>
    %eq3A_1473 = vector.broadcast %broadcast_in_dim3A_1472 : vector<1x1xi32> to vector<16x128xi32>
    %eq3A_1474 = arith.cmpi eq, %add3A, %eq3A_1473 : vector<16x128xi32>
    %convert_element_type3A_1475 = arith.extui %eq3A_1474 : vector<16x128xi1> to vector<16x128xi32>
    %convert_element_type3A_1476 = arith.sitofp %convert_element_type3A_1475 : vector<16x128xi32> to vector<16x128xf32>
    %convert_element_type3A_1477 = arith.truncf %convert_element_type3A_1476 : vector<16x128xf32> to vector<16x128xbf16>
    %swap3A_1478 = arith.constant 47 : index
    %swap3A_1479 = arith.constant 0 : index
    %swap3A_1480 = arith.constant 0 : index
    %swap3A_1481 = vector.load %arg7[%swap3A_1478, %swap3A_1479, %swap3A_1480] : memref<64x16x128xbf16, #tpu.memory_space<vmem>>, vector<1x16x128xbf16>
    %swap3A_1482 = vector.shape_cast %swap3A_1481 : vector<1x16x128xbf16> to vector<16x128xbf16>
    %swap3A_1483 = vector.shape_cast %convert_element_type3A_1477 : vector<16x128xbf16> to vector<1x16x128xbf16>
    tpu.vector_store %arg7[%swap3A_1478, %swap3A_1479, %swap3A_1480], %swap3A_1483 {strides = array<i32>} : memref<64x16x128xbf16, #tpu.memory_space<vmem>>, vector<1x16x128xbf16>,
    %jit3A_1484 = arith.constant 0xFF800000 : f32
    %broadcast_in_dim3A_1485 = vector.broadcast %jit3A_1484 : f32 to vector<16x128xf32>
    %select_n3A_1486 = arith.select %eq3A_1474, %broadcast_in_dim3A_1485, %select_n3A_1455 : vector<16x128xi1>, vector<16x128xf32>
    %reduce_max3A_1487 = vector.shape_cast %select_n3A_1486 : vector<16x128xf32> to vector<1x16x128xf32>
    %reduce_max3A_1488 = arith.constant dense<0xFF800000> : vector<1xf32>
    %reduce_max3A_1489 = vector.multi_reduction <maximumf>, %reduce_max3A_1487, %reduce_max3A_1488 [1, 2] : vector<1x16x128xf32> to vector<1xf32>
    %reduce_max3A_1490 = vector.shape_cast %reduce_max3A_1489 : vector<1xf32> to vector<1x1x1xf32>
    %reduce_max3A_1491 = vector.extract %reduce_max3A_1490[0, 0, 0] : f32 from vector<1x1x1xf32>
    %broadcast_in_dim3A_1492 = vector.broadcast %reduce_max3A_1491 : f32 to vector<1x1xf32>
    %ge3A_1493 = vector.broadcast %broadcast_in_dim3A_1492 : vector<1x1xf32> to vector<16x128xf32>
    %ge3A_1494 = arith.cmpf oge, %select_n3A_1486, %ge3A_1493 : vector<16x128xf32>
    %jit3A_1495 = arith.constant 2048 : i32
    %broadcast_in_dim3A_1496 = vector.broadcast %jit3A_1495 : i32 to vector<16x128xi32>
    %select_n3A_1497 = arith.select %ge3A_1494, %add3A, %broadcast_in_dim3A_1496 : vector<16x128xi1>, vector<16x128xi32>
    %reduce_min3A_1498 = vector.shape_cast %select_n3A_1497 : vector<16x128xi32> to vector<1x16x128xi32>
    %reduce_min3A_1499 = arith.constant dense<2147483647> : vector<1xi32>
    %reduce_min3A_1500 = vector.multi_reduction <minsi>, %reduce_min3A_1498, %reduce_min3A_1499 [1, 2] : vector<1x16x128xi32> to vector<1xi32>
    %reduce_min3A_1501 = vector.shape_cast %reduce_min3A_1500 : vector<1xi32> to vector<1x1x1xi32>
    %reduce_min3A_1502 = vector.extract %reduce_min3A_1501[0, 0, 0] : i32 from vector<1x1x1xi32>
    %broadcast_in_dim3A_1503 = vector.broadcast %reduce_min3A_1502 : i32 to vector<1x1xi32>
    %eq3A_1504 = vector.broadcast %broadcast_in_dim3A_1503 : vector<1x1xi32> to vector<16x128xi32>
    %eq3A_1505 = arith.cmpi eq, %add3A, %eq3A_1504 : vector<16x128xi32>
    %convert_element_type3A_1506 = arith.extui %eq3A_1505 : vector<16x128xi1> to vector<16x128xi32>
    %convert_element_type3A_1507 = arith.sitofp %convert_element_type3A_1506 : vector<16x128xi32> to vector<16x128xf32>
    %convert_element_type3A_1508 = arith.truncf %convert_element_type3A_1507 : vector<16x128xf32> to vector<16x128xbf16>
    %swap3A_1509 = arith.constant 48 : index
    %swap3A_1510 = arith.constant 0 : index
    %swap3A_1511 = arith.constant 0 : index
    %swap3A_1512 = vector.load %arg7[%swap3A_1509, %swap3A_1510, %swap3A_1511] : memref<64x16x128xbf16, #tpu.memory_space<vmem>>, vector<1x16x128xbf16>
    %swap3A_1513 = vector.shape_cast %swap3A_1512 : vector<1x16x128xbf16> to vector<16x128xbf16>
    %swap3A_1514 = vector.shape_cast %convert_element_type3A_1508 : vector<16x128xbf16> to vector<1x16x128xbf16>
    tpu.vector_store %arg7[%swap3A_1509, %swap3A_1510, %swap3A_1511], %swap3A_1514 {strides = array<i32>} : memref<64x16x128xbf16, #tpu.memory_space<vmem>>, vector<1x16x128xbf16>,
    %jit3A_1515 = arith.constant 0xFF800000 : f32
    %broadcast_in_dim3A_1516 = vector.broadcast %jit3A_1515 : f32 to vector<16x128xf32>
    %select_n3A_1517 = arith.select %eq3A_1505, %broadcast_in_dim3A_1516, %select_n3A_1486 : vector<16x128xi1>, vector<16x128xf32>
    %reduce_max3A_1518 = vector.shape_cast %select_n3A_1517 : vector<16x128xf32> to vector<1x16x128xf32>
    %reduce_max3A_1519 = arith.constant dense<0xFF800000> : vector<1xf32>
    %reduce_max3A_1520 = vector.multi_reduction <maximumf>, %reduce_max3A_1518, %reduce_max3A_1519 [1, 2] : vector<1x16x128xf32> to vector<1xf32>
    %reduce_max3A_1521 = vector.shape_cast %reduce_max3A_1520 : vector<1xf32> to vector<1x1x1xf32>
    %reduce_max3A_1522 = vector.extract %reduce_max3A_1521[0, 0, 0] : f32 from vector<1x1x1xf32>
    %broadcast_in_dim3A_1523 = vector.broadcast %reduce_max3A_1522 : f32 to vector<1x1xf32>
    %ge3A_1524 = vector.broadcast %broadcast_in_dim3A_1523 : vector<1x1xf32> to vector<16x128xf32>
    %ge3A_1525 = arith.cmpf oge, %select_n3A_1517, %ge3A_1524 : vector<16x128xf32>
    %jit3A_1526 = arith.constant 2048 : i32
    %broadcast_in_dim3A_1527 = vector.broadcast %jit3A_1526 : i32 to vector<16x128xi32>
    %select_n3A_1528 = arith.select %ge3A_1525, %add3A, %broadcast_in_dim3A_1527 : vector<16x128xi1>, vector<16x128xi32>
    %reduce_min3A_1529 = vector.shape_cast %select_n3A_1528 : vector<16x128xi32> to vector<1x16x128xi32>
    %reduce_min3A_1530 = arith.constant dense<2147483647> : vector<1xi32>
    %reduce_min3A_1531 = vector.multi_reduction <minsi>, %reduce_min3A_1529, %reduce_min3A_1530 [1, 2] : vector<1x16x128xi32> to vector<1xi32>
    %reduce_min3A_1532 = vector.shape_cast %reduce_min3A_1531 : vector<1xi32> to vector<1x1x1xi32>
    %reduce_min3A_1533 = vector.extract %reduce_min3A_1532[0, 0, 0] : i32 from vector<1x1x1xi32>
    %broadcast_in_dim3A_1534 = vector.broadcast %reduce_min3A_1533 : i32 to vector<1x1xi32>
    %eq3A_1535 = vector.broadcast %broadcast_in_dim3A_1534 : vector<1x1xi32> to vector<16x128xi32>
    %eq3A_1536 = arith.cmpi eq, %add3A, %eq3A_1535 : vector<16x128xi32>
    %convert_element_type3A_1537 = arith.extui %eq3A_1536 : vector<16x128xi1> to vector<16x128xi32>
    %convert_element_type3A_1538 = arith.sitofp %convert_element_type3A_1537 : vector<16x128xi32> to vector<16x128xf32>
    %convert_element_type3A_1539 = arith.truncf %convert_element_type3A_1538 : vector<16x128xf32> to vector<16x128xbf16>
    %swap3A_1540 = arith.constant 49 : index
    %swap3A_1541 = arith.constant 0 : index
    %swap3A_1542 = arith.constant 0 : index
    %swap3A_1543 = vector.load %arg7[%swap3A_1540, %swap3A_1541, %swap3A_1542] : memref<64x16x128xbf16, #tpu.memory_space<vmem>>, vector<1x16x128xbf16>
    %swap3A_1544 = vector.shape_cast %swap3A_1543 : vector<1x16x128xbf16> to vector<16x128xbf16>
    %swap3A_1545 = vector.shape_cast %convert_element_type3A_1539 : vector<16x128xbf16> to vector<1x16x128xbf16>
    tpu.vector_store %arg7[%swap3A_1540, %swap3A_1541, %swap3A_1542], %swap3A_1545 {strides = array<i32>} : memref<64x16x128xbf16, #tpu.memory_space<vmem>>, vector<1x16x128xbf16>,
    %jit3A_1546 = arith.constant 0xFF800000 : f32
    %broadcast_in_dim3A_1547 = vector.broadcast %jit3A_1546 : f32 to vector<16x128xf32>
    %select_n3A_1548 = arith.select %eq3A_1536, %broadcast_in_dim3A_1547, %select_n3A_1517 : vector<16x128xi1>, vector<16x128xf32>
    %reduce_max3A_1549 = vector.shape_cast %select_n3A_1548 : vector<16x128xf32> to vector<1x16x128xf32>
    %reduce_max3A_1550 = arith.constant dense<0xFF800000> : vector<1xf32>
    %reduce_max3A_1551 = vector.multi_reduction <maximumf>, %reduce_max3A_1549, %reduce_max3A_1550 [1, 2] : vector<1x16x128xf32> to vector<1xf32>
    %reduce_max3A_1552 = vector.shape_cast %reduce_max3A_1551 : vector<1xf32> to vector<1x1x1xf32>
    %reduce_max3A_1553 = vector.extract %reduce_max3A_1552[0, 0, 0] : f32 from vector<1x1x1xf32>
    %broadcast_in_dim3A_1554 = vector.broadcast %reduce_max3A_1553 : f32 to vector<1x1xf32>
    %ge3A_1555 = vector.broadcast %broadcast_in_dim3A_1554 : vector<1x1xf32> to vector<16x128xf32>
    %ge3A_1556 = arith.cmpf oge, %select_n3A_1548, %ge3A_1555 : vector<16x128xf32>
    %jit3A_1557 = arith.constant 2048 : i32
    %broadcast_in_dim3A_1558 = vector.broadcast %jit3A_1557 : i32 to vector<16x128xi32>
    %select_n3A_1559 = arith.select %ge3A_1556, %add3A, %broadcast_in_dim3A_1558 : vector<16x128xi1>, vector<16x128xi32>
    %reduce_min3A_1560 = vector.shape_cast %select_n3A_1559 : vector<16x128xi32> to vector<1x16x128xi32>
    %reduce_min3A_1561 = arith.constant dense<2147483647> : vector<1xi32>
    %reduce_min3A_1562 = vector.multi_reduction <minsi>, %reduce_min3A_1560, %reduce_min3A_1561 [1, 2] : vector<1x16x128xi32> to vector<1xi32>
    %reduce_min3A_1563 = vector.shape_cast %reduce_min3A_1562 : vector<1xi32> to vector<1x1x1xi32>
    %reduce_min3A_1564 = vector.extract %reduce_min3A_1563[0, 0, 0] : i32 from vector<1x1x1xi32>
    %broadcast_in_dim3A_1565 = vector.broadcast %reduce_min3A_1564 : i32 to vector<1x1xi32>
    %eq3A_1566 = vector.broadcast %broadcast_in_dim3A_1565 : vector<1x1xi32> to vector<16x128xi32>
    %eq3A_1567 = arith.cmpi eq, %add3A, %eq3A_1566 : vector<16x128xi32>
    %convert_element_type3A_1568 = arith.extui %eq3A_1567 : vector<16x128xi1> to vector<16x128xi32>
    %convert_element_type3A_1569 = arith.sitofp %convert_element_type3A_1568 : vector<16x128xi32> to vector<16x128xf32>
    %convert_element_type3A_1570 = arith.truncf %convert_element_type3A_1569 : vector<16x128xf32> to vector<16x128xbf16>
    %swap3A_1571 = arith.constant 50 : index
    %swap3A_1572 = arith.constant 0 : index
    %swap3A_1573 = arith.constant 0 : index
    %swap3A_1574 = vector.load %arg7[%swap3A_1571, %swap3A_1572, %swap3A_1573] : memref<64x16x128xbf16, #tpu.memory_space<vmem>>, vector<1x16x128xbf16>
    %swap3A_1575 = vector.shape_cast %swap3A_1574 : vector<1x16x128xbf16> to vector<16x128xbf16>
    %swap3A_1576 = vector.shape_cast %convert_element_type3A_1570 : vector<16x128xbf16> to vector<1x16x128xbf16>
    tpu.vector_store %arg7[%swap3A_1571, %swap3A_1572, %swap3A_1573], %swap3A_1576 {strides = array<i32>} : memref<64x16x128xbf16, #tpu.memory_space<vmem>>, vector<1x16x128xbf16>,
    %jit3A_1577 = arith.constant 0xFF800000 : f32
    %broadcast_in_dim3A_1578 = vector.broadcast %jit3A_1577 : f32 to vector<16x128xf32>
    %select_n3A_1579 = arith.select %eq3A_1567, %broadcast_in_dim3A_1578, %select_n3A_1548 : vector<16x128xi1>, vector<16x128xf32>
    %reduce_max3A_1580 = vector.shape_cast %select_n3A_1579 : vector<16x128xf32> to vector<1x16x128xf32>
    %reduce_max3A_1581 = arith.constant dense<0xFF800000> : vector<1xf32>
    %reduce_max3A_1582 = vector.multi_reduction <maximumf>, %reduce_max3A_1580, %reduce_max3A_1581 [1, 2] : vector<1x16x128xf32> to vector<1xf32>
    %reduce_max3A_1583 = vector.shape_cast %reduce_max3A_1582 : vector<1xf32> to vector<1x1x1xf32>
    %reduce_max3A_1584 = vector.extract %reduce_max3A_1583[0, 0, 0] : f32 from vector<1x1x1xf32>
    %broadcast_in_dim3A_1585 = vector.broadcast %reduce_max3A_1584 : f32 to vector<1x1xf32>
    %ge3A_1586 = vector.broadcast %broadcast_in_dim3A_1585 : vector<1x1xf32> to vector<16x128xf32>
    %ge3A_1587 = arith.cmpf oge, %select_n3A_1579, %ge3A_1586 : vector<16x128xf32>
    %jit3A_1588 = arith.constant 2048 : i32
    %broadcast_in_dim3A_1589 = vector.broadcast %jit3A_1588 : i32 to vector<16x128xi32>
    %select_n3A_1590 = arith.select %ge3A_1587, %add3A, %broadcast_in_dim3A_1589 : vector<16x128xi1>, vector<16x128xi32>
    %reduce_min3A_1591 = vector.shape_cast %select_n3A_1590 : vector<16x128xi32> to vector<1x16x128xi32>
    %reduce_min3A_1592 = arith.constant dense<2147483647> : vector<1xi32>
    %reduce_min3A_1593 = vector.multi_reduction <minsi>, %reduce_min3A_1591, %reduce_min3A_1592 [1, 2] : vector<1x16x128xi32> to vector<1xi32>
    %reduce_min3A_1594 = vector.shape_cast %reduce_min3A_1593 : vector<1xi32> to vector<1x1x1xi32>
    %reduce_min3A_1595 = vector.extract %reduce_min3A_1594[0, 0, 0] : i32 from vector<1x1x1xi32>
    %broadcast_in_dim3A_1596 = vector.broadcast %reduce_min3A_1595 : i32 to vector<1x1xi32>
    %eq3A_1597 = vector.broadcast %broadcast_in_dim3A_1596 : vector<1x1xi32> to vector<16x128xi32>
    %eq3A_1598 = arith.cmpi eq, %add3A, %eq3A_1597 : vector<16x128xi32>
    %convert_element_type3A_1599 = arith.extui %eq3A_1598 : vector<16x128xi1> to vector<16x128xi32>
    %convert_element_type3A_1600 = arith.sitofp %convert_element_type3A_1599 : vector<16x128xi32> to vector<16x128xf32>
    %convert_element_type3A_1601 = arith.truncf %convert_element_type3A_1600 : vector<16x128xf32> to vector<16x128xbf16>
    %swap3A_1602 = arith.constant 51 : index
    %swap3A_1603 = arith.constant 0 : index
    %swap3A_1604 = arith.constant 0 : index
    %swap3A_1605 = vector.load %arg7[%swap3A_1602, %swap3A_1603, %swap3A_1604] : memref<64x16x128xbf16, #tpu.memory_space<vmem>>, vector<1x16x128xbf16>
    %swap3A_1606 = vector.shape_cast %swap3A_1605 : vector<1x16x128xbf16> to vector<16x128xbf16>
    %swap3A_1607 = vector.shape_cast %convert_element_type3A_1601 : vector<16x128xbf16> to vector<1x16x128xbf16>
    tpu.vector_store %arg7[%swap3A_1602, %swap3A_1603, %swap3A_1604], %swap3A_1607 {strides = array<i32>} : memref<64x16x128xbf16, #tpu.memory_space<vmem>>, vector<1x16x128xbf16>,
    %jit3A_1608 = arith.constant 0xFF800000 : f32
    %broadcast_in_dim3A_1609 = vector.broadcast %jit3A_1608 : f32 to vector<16x128xf32>
    %select_n3A_1610 = arith.select %eq3A_1598, %broadcast_in_dim3A_1609, %select_n3A_1579 : vector<16x128xi1>, vector<16x128xf32>
    %reduce_max3A_1611 = vector.shape_cast %select_n3A_1610 : vector<16x128xf32> to vector<1x16x128xf32>
    %reduce_max3A_1612 = arith.constant dense<0xFF800000> : vector<1xf32>
    %reduce_max3A_1613 = vector.multi_reduction <maximumf>, %reduce_max3A_1611, %reduce_max3A_1612 [1, 2] : vector<1x16x128xf32> to vector<1xf32>
    %reduce_max3A_1614 = vector.shape_cast %reduce_max3A_1613 : vector<1xf32> to vector<1x1x1xf32>
    %reduce_max3A_1615 = vector.extract %reduce_max3A_1614[0, 0, 0] : f32 from vector<1x1x1xf32>
    %broadcast_in_dim3A_1616 = vector.broadcast %reduce_max3A_1615 : f32 to vector<1x1xf32>
    %ge3A_1617 = vector.broadcast %broadcast_in_dim3A_1616 : vector<1x1xf32> to vector<16x128xf32>
    %ge3A_1618 = arith.cmpf oge, %select_n3A_1610, %ge3A_1617 : vector<16x128xf32>
    %jit3A_1619 = arith.constant 2048 : i32
    %broadcast_in_dim3A_1620 = vector.broadcast %jit3A_1619 : i32 to vector<16x128xi32>
    %select_n3A_1621 = arith.select %ge3A_1618, %add3A, %broadcast_in_dim3A_1620 : vector<16x128xi1>, vector<16x128xi32>
    %reduce_min3A_1622 = vector.shape_cast %select_n3A_1621 : vector<16x128xi32> to vector<1x16x128xi32>
    %reduce_min3A_1623 = arith.constant dense<2147483647> : vector<1xi32>
    %reduce_min3A_1624 = vector.multi_reduction <minsi>, %reduce_min3A_1622, %reduce_min3A_1623 [1, 2] : vector<1x16x128xi32> to vector<1xi32>
    %reduce_min3A_1625 = vector.shape_cast %reduce_min3A_1624 : vector<1xi32> to vector<1x1x1xi32>
    %reduce_min3A_1626 = vector.extract %reduce_min3A_1625[0, 0, 0] : i32 from vector<1x1x1xi32>
    %broadcast_in_dim3A_1627 = vector.broadcast %reduce_min3A_1626 : i32 to vector<1x1xi32>
    %eq3A_1628 = vector.broadcast %broadcast_in_dim3A_1627 : vector<1x1xi32> to vector<16x128xi32>
    %eq3A_1629 = arith.cmpi eq, %add3A, %eq3A_1628 : vector<16x128xi32>
    %convert_element_type3A_1630 = arith.extui %eq3A_1629 : vector<16x128xi1> to vector<16x128xi32>
    %convert_element_type3A_1631 = arith.sitofp %convert_element_type3A_1630 : vector<16x128xi32> to vector<16x128xf32>
    %convert_element_type3A_1632 = arith.truncf %convert_element_type3A_1631 : vector<16x128xf32> to vector<16x128xbf16>
    %swap3A_1633 = arith.constant 52 : index
    %swap3A_1634 = arith.constant 0 : index
    %swap3A_1635 = arith.constant 0 : index
    %swap3A_1636 = vector.load %arg7[%swap3A_1633, %swap3A_1634, %swap3A_1635] : memref<64x16x128xbf16, #tpu.memory_space<vmem>>, vector<1x16x128xbf16>
    %swap3A_1637 = vector.shape_cast %swap3A_1636 : vector<1x16x128xbf16> to vector<16x128xbf16>
    %swap3A_1638 = vector.shape_cast %convert_element_type3A_1632 : vector<16x128xbf16> to vector<1x16x128xbf16>
    tpu.vector_store %arg7[%swap3A_1633, %swap3A_1634, %swap3A_1635], %swap3A_1638 {strides = array<i32>} : memref<64x16x128xbf16, #tpu.memory_space<vmem>>, vector<1x16x128xbf16>,
    %jit3A_1639 = arith.constant 0xFF800000 : f32
    %broadcast_in_dim3A_1640 = vector.broadcast %jit3A_1639 : f32 to vector<16x128xf32>
    %select_n3A_1641 = arith.select %eq3A_1629, %broadcast_in_dim3A_1640, %select_n3A_1610 : vector<16x128xi1>, vector<16x128xf32>
    %reduce_max3A_1642 = vector.shape_cast %select_n3A_1641 : vector<16x128xf32> to vector<1x16x128xf32>
    %reduce_max3A_1643 = arith.constant dense<0xFF800000> : vector<1xf32>
    %reduce_max3A_1644 = vector.multi_reduction <maximumf>, %reduce_max3A_1642, %reduce_max3A_1643 [1, 2] : vector<1x16x128xf32> to vector<1xf32>
    %reduce_max3A_1645 = vector.shape_cast %reduce_max3A_1644 : vector<1xf32> to vector<1x1x1xf32>
    %reduce_max3A_1646 = vector.extract %reduce_max3A_1645[0, 0, 0] : f32 from vector<1x1x1xf32>
    %broadcast_in_dim3A_1647 = vector.broadcast %reduce_max3A_1646 : f32 to vector<1x1xf32>
    %ge3A_1648 = vector.broadcast %broadcast_in_dim3A_1647 : vector<1x1xf32> to vector<16x128xf32>
    %ge3A_1649 = arith.cmpf oge, %select_n3A_1641, %ge3A_1648 : vector<16x128xf32>
    %jit3A_1650 = arith.constant 2048 : i32
    %broadcast_in_dim3A_1651 = vector.broadcast %jit3A_1650 : i32 to vector<16x128xi32>
    %select_n3A_1652 = arith.select %ge3A_1649, %add3A, %broadcast_in_dim3A_1651 : vector<16x128xi1>, vector<16x128xi32>
    %reduce_min3A_1653 = vector.shape_cast %select_n3A_1652 : vector<16x128xi32> to vector<1x16x128xi32>
    %reduce_min3A_1654 = arith.constant dense<2147483647> : vector<1xi32>
    %reduce_min3A_1655 = vector.multi_reduction <minsi>, %reduce_min3A_1653, %reduce_min3A_1654 [1, 2] : vector<1x16x128xi32> to vector<1xi32>
    %reduce_min3A_1656 = vector.shape_cast %reduce_min3A_1655 : vector<1xi32> to vector<1x1x1xi32>
    %reduce_min3A_1657 = vector.extract %reduce_min3A_1656[0, 0, 0] : i32 from vector<1x1x1xi32>
    %broadcast_in_dim3A_1658 = vector.broadcast %reduce_min3A_1657 : i32 to vector<1x1xi32>
    %eq3A_1659 = vector.broadcast %broadcast_in_dim3A_1658 : vector<1x1xi32> to vector<16x128xi32>
    %eq3A_1660 = arith.cmpi eq, %add3A, %eq3A_1659 : vector<16x128xi32>
    %convert_element_type3A_1661 = arith.extui %eq3A_1660 : vector<16x128xi1> to vector<16x128xi32>
    %convert_element_type3A_1662 = arith.sitofp %convert_element_type3A_1661 : vector<16x128xi32> to vector<16x128xf32>
    %convert_element_type3A_1663 = arith.truncf %convert_element_type3A_1662 : vector<16x128xf32> to vector<16x128xbf16>
    %swap3A_1664 = arith.constant 53 : index
    %swap3A_1665 = arith.constant 0 : index
    %swap3A_1666 = arith.constant 0 : index
    %swap3A_1667 = vector.load %arg7[%swap3A_1664, %swap3A_1665, %swap3A_1666] : memref<64x16x128xbf16, #tpu.memory_space<vmem>>, vector<1x16x128xbf16>
    %swap3A_1668 = vector.shape_cast %swap3A_1667 : vector<1x16x128xbf16> to vector<16x128xbf16>
    %swap3A_1669 = vector.shape_cast %convert_element_type3A_1663 : vector<16x128xbf16> to vector<1x16x128xbf16>
    tpu.vector_store %arg7[%swap3A_1664, %swap3A_1665, %swap3A_1666], %swap3A_1669 {strides = array<i32>} : memref<64x16x128xbf16, #tpu.memory_space<vmem>>, vector<1x16x128xbf16>,
    %jit3A_1670 = arith.constant 0xFF800000 : f32
    %broadcast_in_dim3A_1671 = vector.broadcast %jit3A_1670 : f32 to vector<16x128xf32>
    %select_n3A_1672 = arith.select %eq3A_1660, %broadcast_in_dim3A_1671, %select_n3A_1641 : vector<16x128xi1>, vector<16x128xf32>
    %reduce_max3A_1673 = vector.shape_cast %select_n3A_1672 : vector<16x128xf32> to vector<1x16x128xf32>
    %reduce_max3A_1674 = arith.constant dense<0xFF800000> : vector<1xf32>
    %reduce_max3A_1675 = vector.multi_reduction <maximumf>, %reduce_max3A_1673, %reduce_max3A_1674 [1, 2] : vector<1x16x128xf32> to vector<1xf32>
    %reduce_max3A_1676 = vector.shape_cast %reduce_max3A_1675 : vector<1xf32> to vector<1x1x1xf32>
    %reduce_max3A_1677 = vector.extract %reduce_max3A_1676[0, 0, 0] : f32 from vector<1x1x1xf32>
    %broadcast_in_dim3A_1678 = vector.broadcast %reduce_max3A_1677 : f32 to vector<1x1xf32>
    %ge3A_1679 = vector.broadcast %broadcast_in_dim3A_1678 : vector<1x1xf32> to vector<16x128xf32>
    %ge3A_1680 = arith.cmpf oge, %select_n3A_1672, %ge3A_1679 : vector<16x128xf32>
    %jit3A_1681 = arith.constant 2048 : i32
    %broadcast_in_dim3A_1682 = vector.broadcast %jit3A_1681 : i32 to vector<16x128xi32>
    %select_n3A_1683 = arith.select %ge3A_1680, %add3A, %broadcast_in_dim3A_1682 : vector<16x128xi1>, vector<16x128xi32>
    %reduce_min3A_1684 = vector.shape_cast %select_n3A_1683 : vector<16x128xi32> to vector<1x16x128xi32>
    %reduce_min3A_1685 = arith.constant dense<2147483647> : vector<1xi32>
    %reduce_min3A_1686 = vector.multi_reduction <minsi>, %reduce_min3A_1684, %reduce_min3A_1685 [1, 2] : vector<1x16x128xi32> to vector<1xi32>
    %reduce_min3A_1687 = vector.shape_cast %reduce_min3A_1686 : vector<1xi32> to vector<1x1x1xi32>
    %reduce_min3A_1688 = vector.extract %reduce_min3A_1687[0, 0, 0] : i32 from vector<1x1x1xi32>
    %broadcast_in_dim3A_1689 = vector.broadcast %reduce_min3A_1688 : i32 to vector<1x1xi32>
    %eq3A_1690 = vector.broadcast %broadcast_in_dim3A_1689 : vector<1x1xi32> to vector<16x128xi32>
    %eq3A_1691 = arith.cmpi eq, %add3A, %eq3A_1690 : vector<16x128xi32>
    %convert_element_type3A_1692 = arith.extui %eq3A_1691 : vector<16x128xi1> to vector<16x128xi32>
    %convert_element_type3A_1693 = arith.sitofp %convert_element_type3A_1692 : vector<16x128xi32> to vector<16x128xf32>
    %convert_element_type3A_1694 = arith.truncf %convert_element_type3A_1693 : vector<16x128xf32> to vector<16x128xbf16>
    %swap3A_1695 = arith.constant 54 : index
    %swap3A_1696 = arith.constant 0 : index
    %swap3A_1697 = arith.constant 0 : index
    %swap3A_1698 = vector.load %arg7[%swap3A_1695, %swap3A_1696, %swap3A_1697] : memref<64x16x128xbf16, #tpu.memory_space<vmem>>, vector<1x16x128xbf16>
    %swap3A_1699 = vector.shape_cast %swap3A_1698 : vector<1x16x128xbf16> to vector<16x128xbf16>
    %swap3A_1700 = vector.shape_cast %convert_element_type3A_1694 : vector<16x128xbf16> to vector<1x16x128xbf16>
    tpu.vector_store %arg7[%swap3A_1695, %swap3A_1696, %swap3A_1697], %swap3A_1700 {strides = array<i32>} : memref<64x16x128xbf16, #tpu.memory_space<vmem>>, vector<1x16x128xbf16>,
    %jit3A_1701 = arith.constant 0xFF800000 : f32
    %broadcast_in_dim3A_1702 = vector.broadcast %jit3A_1701 : f32 to vector<16x128xf32>
    %select_n3A_1703 = arith.select %eq3A_1691, %broadcast_in_dim3A_1702, %select_n3A_1672 : vector<16x128xi1>, vector<16x128xf32>
    %reduce_max3A_1704 = vector.shape_cast %select_n3A_1703 : vector<16x128xf32> to vector<1x16x128xf32>
    %reduce_max3A_1705 = arith.constant dense<0xFF800000> : vector<1xf32>
    %reduce_max3A_1706 = vector.multi_reduction <maximumf>, %reduce_max3A_1704, %reduce_max3A_1705 [1, 2] : vector<1x16x128xf32> to vector<1xf32>
    %reduce_max3A_1707 = vector.shape_cast %reduce_max3A_1706 : vector<1xf32> to vector<1x1x1xf32>
    %reduce_max3A_1708 = vector.extract %reduce_max3A_1707[0, 0, 0] : f32 from vector<1x1x1xf32>
    %broadcast_in_dim3A_1709 = vector.broadcast %reduce_max3A_1708 : f32 to vector<1x1xf32>
    %ge3A_1710 = vector.broadcast %broadcast_in_dim3A_1709 : vector<1x1xf32> to vector<16x128xf32>
    %ge3A_1711 = arith.cmpf oge, %select_n3A_1703, %ge3A_1710 : vector<16x128xf32>
    %jit3A_1712 = arith.constant 2048 : i32
    %broadcast_in_dim3A_1713 = vector.broadcast %jit3A_1712 : i32 to vector<16x128xi32>
    %select_n3A_1714 = arith.select %ge3A_1711, %add3A, %broadcast_in_dim3A_1713 : vector<16x128xi1>, vector<16x128xi32>
    %reduce_min3A_1715 = vector.shape_cast %select_n3A_1714 : vector<16x128xi32> to vector<1x16x128xi32>
    %reduce_min3A_1716 = arith.constant dense<2147483647> : vector<1xi32>
    %reduce_min3A_1717 = vector.multi_reduction <minsi>, %reduce_min3A_1715, %reduce_min3A_1716 [1, 2] : vector<1x16x128xi32> to vector<1xi32>
    %reduce_min3A_1718 = vector.shape_cast %reduce_min3A_1717 : vector<1xi32> to vector<1x1x1xi32>
    %reduce_min3A_1719 = vector.extract %reduce_min3A_1718[0, 0, 0] : i32 from vector<1x1x1xi32>
    %broadcast_in_dim3A_1720 = vector.broadcast %reduce_min3A_1719 : i32 to vector<1x1xi32>
    %eq3A_1721 = vector.broadcast %broadcast_in_dim3A_1720 : vector<1x1xi32> to vector<16x128xi32>
    %eq3A_1722 = arith.cmpi eq, %add3A, %eq3A_1721 : vector<16x128xi32>
    %convert_element_type3A_1723 = arith.extui %eq3A_1722 : vector<16x128xi1> to vector<16x128xi32>
    %convert_element_type3A_1724 = arith.sitofp %convert_element_type3A_1723 : vector<16x128xi32> to vector<16x128xf32>
    %convert_element_type3A_1725 = arith.truncf %convert_element_type3A_1724 : vector<16x128xf32> to vector<16x128xbf16>
    %swap3A_1726 = arith.constant 55 : index
    %swap3A_1727 = arith.constant 0 : index
    %swap3A_1728 = arith.constant 0 : index
    %swap3A_1729 = vector.load %arg7[%swap3A_1726, %swap3A_1727, %swap3A_1728] : memref<64x16x128xbf16, #tpu.memory_space<vmem>>, vector<1x16x128xbf16>
    %swap3A_1730 = vector.shape_cast %swap3A_1729 : vector<1x16x128xbf16> to vector<16x128xbf16>
    %swap3A_1731 = vector.shape_cast %convert_element_type3A_1725 : vector<16x128xbf16> to vector<1x16x128xbf16>
    tpu.vector_store %arg7[%swap3A_1726, %swap3A_1727, %swap3A_1728], %swap3A_1731 {strides = array<i32>} : memref<64x16x128xbf16, #tpu.memory_space<vmem>>, vector<1x16x128xbf16>,
    %jit3A_1732 = arith.constant 0xFF800000 : f32
    %broadcast_in_dim3A_1733 = vector.broadcast %jit3A_1732 : f32 to vector<16x128xf32>
    %select_n3A_1734 = arith.select %eq3A_1722, %broadcast_in_dim3A_1733, %select_n3A_1703 : vector<16x128xi1>, vector<16x128xf32>
    %reduce_max3A_1735 = vector.shape_cast %select_n3A_1734 : vector<16x128xf32> to vector<1x16x128xf32>
    %reduce_max3A_1736 = arith.constant dense<0xFF800000> : vector<1xf32>
    %reduce_max3A_1737 = vector.multi_reduction <maximumf>, %reduce_max3A_1735, %reduce_max3A_1736 [1, 2] : vector<1x16x128xf32> to vector<1xf32>
    %reduce_max3A_1738 = vector.shape_cast %reduce_max3A_1737 : vector<1xf32> to vector<1x1x1xf32>
    %reduce_max3A_1739 = vector.extract %reduce_max3A_1738[0, 0, 0] : f32 from vector<1x1x1xf32>
    %broadcast_in_dim3A_1740 = vector.broadcast %reduce_max3A_1739 : f32 to vector<1x1xf32>
    %ge3A_1741 = vector.broadcast %broadcast_in_dim3A_1740 : vector<1x1xf32> to vector<16x128xf32>
    %ge3A_1742 = arith.cmpf oge, %select_n3A_1734, %ge3A_1741 : vector<16x128xf32>
    %jit3A_1743 = arith.constant 2048 : i32
    %broadcast_in_dim3A_1744 = vector.broadcast %jit3A_1743 : i32 to vector<16x128xi32>
    %select_n3A_1745 = arith.select %ge3A_1742, %add3A, %broadcast_in_dim3A_1744 : vector<16x128xi1>, vector<16x128xi32>
    %reduce_min3A_1746 = vector.shape_cast %select_n3A_1745 : vector<16x128xi32> to vector<1x16x128xi32>
    %reduce_min3A_1747 = arith.constant dense<2147483647> : vector<1xi32>
    %reduce_min3A_1748 = vector.multi_reduction <minsi>, %reduce_min3A_1746, %reduce_min3A_1747 [1, 2] : vector<1x16x128xi32> to vector<1xi32>
    %reduce_min3A_1749 = vector.shape_cast %reduce_min3A_1748 : vector<1xi32> to vector<1x1x1xi32>
    %reduce_min3A_1750 = vector.extract %reduce_min3A_1749[0, 0, 0] : i32 from vector<1x1x1xi32>
    %broadcast_in_dim3A_1751 = vector.broadcast %reduce_min3A_1750 : i32 to vector<1x1xi32>
    %eq3A_1752 = vector.broadcast %broadcast_in_dim3A_1751 : vector<1x1xi32> to vector<16x128xi32>
    %eq3A_1753 = arith.cmpi eq, %add3A, %eq3A_1752 : vector<16x128xi32>
    %convert_element_type3A_1754 = arith.extui %eq3A_1753 : vector<16x128xi1> to vector<16x128xi32>
    %convert_element_type3A_1755 = arith.sitofp %convert_element_type3A_1754 : vector<16x128xi32> to vector<16x128xf32>
    %convert_element_type3A_1756 = arith.truncf %convert_element_type3A_1755 : vector<16x128xf32> to vector<16x128xbf16>
    %swap3A_1757 = arith.constant 56 : index
    %swap3A_1758 = arith.constant 0 : index
    %swap3A_1759 = arith.constant 0 : index
    %swap3A_1760 = vector.load %arg7[%swap3A_1757, %swap3A_1758, %swap3A_1759] : memref<64x16x128xbf16, #tpu.memory_space<vmem>>, vector<1x16x128xbf16>
    %swap3A_1761 = vector.shape_cast %swap3A_1760 : vector<1x16x128xbf16> to vector<16x128xbf16>
    %swap3A_1762 = vector.shape_cast %convert_element_type3A_1756 : vector<16x128xbf16> to vector<1x16x128xbf16>
    tpu.vector_store %arg7[%swap3A_1757, %swap3A_1758, %swap3A_1759], %swap3A_1762 {strides = array<i32>} : memref<64x16x128xbf16, #tpu.memory_space<vmem>>, vector<1x16x128xbf16>,
    %jit3A_1763 = arith.constant 0xFF800000 : f32
    %broadcast_in_dim3A_1764 = vector.broadcast %jit3A_1763 : f32 to vector<16x128xf32>
    %select_n3A_1765 = arith.select %eq3A_1753, %broadcast_in_dim3A_1764, %select_n3A_1734 : vector<16x128xi1>, vector<16x128xf32>
    %reduce_max3A_1766 = vector.shape_cast %select_n3A_1765 : vector<16x128xf32> to vector<1x16x128xf32>
    %reduce_max3A_1767 = arith.constant dense<0xFF800000> : vector<1xf32>
    %reduce_max3A_1768 = vector.multi_reduction <maximumf>, %reduce_max3A_1766, %reduce_max3A_1767 [1, 2] : vector<1x16x128xf32> to vector<1xf32>
    %reduce_max3A_1769 = vector.shape_cast %reduce_max3A_1768 : vector<1xf32> to vector<1x1x1xf32>
    %reduce_max3A_1770 = vector.extract %reduce_max3A_1769[0, 0, 0] : f32 from vector<1x1x1xf32>
    %broadcast_in_dim3A_1771 = vector.broadcast %reduce_max3A_1770 : f32 to vector<1x1xf32>
    %ge3A_1772 = vector.broadcast %broadcast_in_dim3A_1771 : vector<1x1xf32> to vector<16x128xf32>
    %ge3A_1773 = arith.cmpf oge, %select_n3A_1765, %ge3A_1772 : vector<16x128xf32>
    %jit3A_1774 = arith.constant 2048 : i32
    %broadcast_in_dim3A_1775 = vector.broadcast %jit3A_1774 : i32 to vector<16x128xi32>
    %select_n3A_1776 = arith.select %ge3A_1773, %add3A, %broadcast_in_dim3A_1775 : vector<16x128xi1>, vector<16x128xi32>
    %reduce_min3A_1777 = vector.shape_cast %select_n3A_1776 : vector<16x128xi32> to vector<1x16x128xi32>
    %reduce_min3A_1778 = arith.constant dense<2147483647> : vector<1xi32>
    %reduce_min3A_1779 = vector.multi_reduction <minsi>, %reduce_min3A_1777, %reduce_min3A_1778 [1, 2] : vector<1x16x128xi32> to vector<1xi32>
    %reduce_min3A_1780 = vector.shape_cast %reduce_min3A_1779 : vector<1xi32> to vector<1x1x1xi32>
    %reduce_min3A_1781 = vector.extract %reduce_min3A_1780[0, 0, 0] : i32 from vector<1x1x1xi32>
    %broadcast_in_dim3A_1782 = vector.broadcast %reduce_min3A_1781 : i32 to vector<1x1xi32>
    %eq3A_1783 = vector.broadcast %broadcast_in_dim3A_1782 : vector<1x1xi32> to vector<16x128xi32>
    %eq3A_1784 = arith.cmpi eq, %add3A, %eq3A_1783 : vector<16x128xi32>
    %convert_element_type3A_1785 = arith.extui %eq3A_1784 : vector<16x128xi1> to vector<16x128xi32>
    %convert_element_type3A_1786 = arith.sitofp %convert_element_type3A_1785 : vector<16x128xi32> to vector<16x128xf32>
    %convert_element_type3A_1787 = arith.truncf %convert_element_type3A_1786 : vector<16x128xf32> to vector<16x128xbf16>
    %swap3A_1788 = arith.constant 57 : index
    %swap3A_1789 = arith.constant 0 : index
    %swap3A_1790 = arith.constant 0 : index
    %swap3A_1791 = vector.load %arg7[%swap3A_1788, %swap3A_1789, %swap3A_1790] : memref<64x16x128xbf16, #tpu.memory_space<vmem>>, vector<1x16x128xbf16>
    %swap3A_1792 = vector.shape_cast %swap3A_1791 : vector<1x16x128xbf16> to vector<16x128xbf16>
    %swap3A_1793 = vector.shape_cast %convert_element_type3A_1787 : vector<16x128xbf16> to vector<1x16x128xbf16>
    tpu.vector_store %arg7[%swap3A_1788, %swap3A_1789, %swap3A_1790], %swap3A_1793 {strides = array<i32>} : memref<64x16x128xbf16, #tpu.memory_space<vmem>>, vector<1x16x128xbf16>,
    %jit3A_1794 = arith.constant 0xFF800000 : f32
    %broadcast_in_dim3A_1795 = vector.broadcast %jit3A_1794 : f32 to vector<16x128xf32>
    %select_n3A_1796 = arith.select %eq3A_1784, %broadcast_in_dim3A_1795, %select_n3A_1765 : vector<16x128xi1>, vector<16x128xf32>
    %reduce_max3A_1797 = vector.shape_cast %select_n3A_1796 : vector<16x128xf32> to vector<1x16x128xf32>
    %reduce_max3A_1798 = arith.constant dense<0xFF800000> : vector<1xf32>
    %reduce_max3A_1799 = vector.multi_reduction <maximumf>, %reduce_max3A_1797, %reduce_max3A_1798 [1, 2] : vector<1x16x128xf32> to vector<1xf32>
    %reduce_max3A_1800 = vector.shape_cast %reduce_max3A_1799 : vector<1xf32> to vector<1x1x1xf32>
    %reduce_max3A_1801 = vector.extract %reduce_max3A_1800[0, 0, 0] : f32 from vector<1x1x1xf32>
    %broadcast_in_dim3A_1802 = vector.broadcast %reduce_max3A_1801 : f32 to vector<1x1xf32>
    %ge3A_1803 = vector.broadcast %broadcast_in_dim3A_1802 : vector<1x1xf32> to vector<16x128xf32>
    %ge3A_1804 = arith.cmpf oge, %select_n3A_1796, %ge3A_1803 : vector<16x128xf32>
    %jit3A_1805 = arith.constant 2048 : i32
    %broadcast_in_dim3A_1806 = vector.broadcast %jit3A_1805 : i32 to vector<16x128xi32>
    %select_n3A_1807 = arith.select %ge3A_1804, %add3A, %broadcast_in_dim3A_1806 : vector<16x128xi1>, vector<16x128xi32>
    %reduce_min3A_1808 = vector.shape_cast %select_n3A_1807 : vector<16x128xi32> to vector<1x16x128xi32>
    %reduce_min3A_1809 = arith.constant dense<2147483647> : vector<1xi32>
    %reduce_min3A_1810 = vector.multi_reduction <minsi>, %reduce_min3A_1808, %reduce_min3A_1809 [1, 2] : vector<1x16x128xi32> to vector<1xi32>
    %reduce_min3A_1811 = vector.shape_cast %reduce_min3A_1810 : vector<1xi32> to vector<1x1x1xi32>
    %reduce_min3A_1812 = vector.extract %reduce_min3A_1811[0, 0, 0] : i32 from vector<1x1x1xi32>
    %broadcast_in_dim3A_1813 = vector.broadcast %reduce_min3A_1812 : i32 to vector<1x1xi32>
    %eq3A_1814 = vector.broadcast %broadcast_in_dim3A_1813 : vector<1x1xi32> to vector<16x128xi32>
    %eq3A_1815 = arith.cmpi eq, %add3A, %eq3A_1814 : vector<16x128xi32>
    %convert_element_type3A_1816 = arith.extui %eq3A_1815 : vector<16x128xi1> to vector<16x128xi32>
    %convert_element_type3A_1817 = arith.sitofp %convert_element_type3A_1816 : vector<16x128xi32> to vector<16x128xf32>
    %convert_element_type3A_1818 = arith.truncf %convert_element_type3A_1817 : vector<16x128xf32> to vector<16x128xbf16>
    %swap3A_1819 = arith.constant 58 : index
    %swap3A_1820 = arith.constant 0 : index
    %swap3A_1821 = arith.constant 0 : index
    %swap3A_1822 = vector.load %arg7[%swap3A_1819, %swap3A_1820, %swap3A_1821] : memref<64x16x128xbf16, #tpu.memory_space<vmem>>, vector<1x16x128xbf16>
    %swap3A_1823 = vector.shape_cast %swap3A_1822 : vector<1x16x128xbf16> to vector<16x128xbf16>
    %swap3A_1824 = vector.shape_cast %convert_element_type3A_1818 : vector<16x128xbf16> to vector<1x16x128xbf16>
    tpu.vector_store %arg7[%swap3A_1819, %swap3A_1820, %swap3A_1821], %swap3A_1824 {strides = array<i32>} : memref<64x16x128xbf16, #tpu.memory_space<vmem>>, vector<1x16x128xbf16>,
    %jit3A_1825 = arith.constant 0xFF800000 : f32
    %broadcast_in_dim3A_1826 = vector.broadcast %jit3A_1825 : f32 to vector<16x128xf32>
    %select_n3A_1827 = arith.select %eq3A_1815, %broadcast_in_dim3A_1826, %select_n3A_1796 : vector<16x128xi1>, vector<16x128xf32>
    %reduce_max3A_1828 = vector.shape_cast %select_n3A_1827 : vector<16x128xf32> to vector<1x16x128xf32>
    %reduce_max3A_1829 = arith.constant dense<0xFF800000> : vector<1xf32>
    %reduce_max3A_1830 = vector.multi_reduction <maximumf>, %reduce_max3A_1828, %reduce_max3A_1829 [1, 2] : vector<1x16x128xf32> to vector<1xf32>
    %reduce_max3A_1831 = vector.shape_cast %reduce_max3A_1830 : vector<1xf32> to vector<1x1x1xf32>
    %reduce_max3A_1832 = vector.extract %reduce_max3A_1831[0, 0, 0] : f32 from vector<1x1x1xf32>
    %broadcast_in_dim3A_1833 = vector.broadcast %reduce_max3A_1832 : f32 to vector<1x1xf32>
    %ge3A_1834 = vector.broadcast %broadcast_in_dim3A_1833 : vector<1x1xf32> to vector<16x128xf32>
    %ge3A_1835 = arith.cmpf oge, %select_n3A_1827, %ge3A_1834 : vector<16x128xf32>
    %jit3A_1836 = arith.constant 2048 : i32
    %broadcast_in_dim3A_1837 = vector.broadcast %jit3A_1836 : i32 to vector<16x128xi32>
    %select_n3A_1838 = arith.select %ge3A_1835, %add3A, %broadcast_in_dim3A_1837 : vector<16x128xi1>, vector<16x128xi32>
    %reduce_min3A_1839 = vector.shape_cast %select_n3A_1838 : vector<16x128xi32> to vector<1x16x128xi32>
    %reduce_min3A_1840 = arith.constant dense<2147483647> : vector<1xi32>
    %reduce_min3A_1841 = vector.multi_reduction <minsi>, %reduce_min3A_1839, %reduce_min3A_1840 [1, 2] : vector<1x16x128xi32> to vector<1xi32>
    %reduce_min3A_1842 = vector.shape_cast %reduce_min3A_1841 : vector<1xi32> to vector<1x1x1xi32>
    %reduce_min3A_1843 = vector.extract %reduce_min3A_1842[0, 0, 0] : i32 from vector<1x1x1xi32>
    %broadcast_in_dim3A_1844 = vector.broadcast %reduce_min3A_1843 : i32 to vector<1x1xi32>
    %eq3A_1845 = vector.broadcast %broadcast_in_dim3A_1844 : vector<1x1xi32> to vector<16x128xi32>
    %eq3A_1846 = arith.cmpi eq, %add3A, %eq3A_1845 : vector<16x128xi32>
    %convert_element_type3A_1847 = arith.extui %eq3A_1846 : vector<16x128xi1> to vector<16x128xi32>
    %convert_element_type3A_1848 = arith.sitofp %convert_element_type3A_1847 : vector<16x128xi32> to vector<16x128xf32>
    %convert_element_type3A_1849 = arith.truncf %convert_element_type3A_1848 : vector<16x128xf32> to vector<16x128xbf16>
    %swap3A_1850 = arith.constant 59 : index
    %swap3A_1851 = arith.constant 0 : index
    %swap3A_1852 = arith.constant 0 : index
    %swap3A_1853 = vector.load %arg7[%swap3A_1850, %swap3A_1851, %swap3A_1852] : memref<64x16x128xbf16, #tpu.memory_space<vmem>>, vector<1x16x128xbf16>
    %swap3A_1854 = vector.shape_cast %swap3A_1853 : vector<1x16x128xbf16> to vector<16x128xbf16>
    %swap3A_1855 = vector.shape_cast %convert_element_type3A_1849 : vector<16x128xbf16> to vector<1x16x128xbf16>
    tpu.vector_store %arg7[%swap3A_1850, %swap3A_1851, %swap3A_1852], %swap3A_1855 {strides = array<i32>} : memref<64x16x128xbf16, #tpu.memory_space<vmem>>, vector<1x16x128xbf16>,
    %jit3A_1856 = arith.constant 0xFF800000 : f32
    %broadcast_in_dim3A_1857 = vector.broadcast %jit3A_1856 : f32 to vector<16x128xf32>
    %select_n3A_1858 = arith.select %eq3A_1846, %broadcast_in_dim3A_1857, %select_n3A_1827 : vector<16x128xi1>, vector<16x128xf32>
    %reduce_max3A_1859 = vector.shape_cast %select_n3A_1858 : vector<16x128xf32> to vector<1x16x128xf32>
    %reduce_max3A_1860 = arith.constant dense<0xFF800000> : vector<1xf32>
    %reduce_max3A_1861 = vector.multi_reduction <maximumf>, %reduce_max3A_1859, %reduce_max3A_1860 [1, 2] : vector<1x16x128xf32> to vector<1xf32>
    %reduce_max3A_1862 = vector.shape_cast %reduce_max3A_1861 : vector<1xf32> to vector<1x1x1xf32>
    %reduce_max3A_1863 = vector.extract %reduce_max3A_1862[0, 0, 0] : f32 from vector<1x1x1xf32>
    %broadcast_in_dim3A_1864 = vector.broadcast %reduce_max3A_1863 : f32 to vector<1x1xf32>
    %ge3A_1865 = vector.broadcast %broadcast_in_dim3A_1864 : vector<1x1xf32> to vector<16x128xf32>
    %ge3A_1866 = arith.cmpf oge, %select_n3A_1858, %ge3A_1865 : vector<16x128xf32>
    %jit3A_1867 = arith.constant 2048 : i32
    %broadcast_in_dim3A_1868 = vector.broadcast %jit3A_1867 : i32 to vector<16x128xi32>
    %select_n3A_1869 = arith.select %ge3A_1866, %add3A, %broadcast_in_dim3A_1868 : vector<16x128xi1>, vector<16x128xi32>
    %reduce_min3A_1870 = vector.shape_cast %select_n3A_1869 : vector<16x128xi32> to vector<1x16x128xi32>
    %reduce_min3A_1871 = arith.constant dense<2147483647> : vector<1xi32>
    %reduce_min3A_1872 = vector.multi_reduction <minsi>, %reduce_min3A_1870, %reduce_min3A_1871 [1, 2] : vector<1x16x128xi32> to vector<1xi32>
    %reduce_min3A_1873 = vector.shape_cast %reduce_min3A_1872 : vector<1xi32> to vector<1x1x1xi32>
    %reduce_min3A_1874 = vector.extract %reduce_min3A_1873[0, 0, 0] : i32 from vector<1x1x1xi32>
    %broadcast_in_dim3A_1875 = vector.broadcast %reduce_min3A_1874 : i32 to vector<1x1xi32>
    %eq3A_1876 = vector.broadcast %broadcast_in_dim3A_1875 : vector<1x1xi32> to vector<16x128xi32>
    %eq3A_1877 = arith.cmpi eq, %add3A, %eq3A_1876 : vector<16x128xi32>
    %convert_element_type3A_1878 = arith.extui %eq3A_1877 : vector<16x128xi1> to vector<16x128xi32>
    %convert_element_type3A_1879 = arith.sitofp %convert_element_type3A_1878 : vector<16x128xi32> to vector<16x128xf32>
    %convert_element_type3A_1880 = arith.truncf %convert_element_type3A_1879 : vector<16x128xf32> to vector<16x128xbf16>
    %swap3A_1881 = arith.constant 60 : index
    %swap3A_1882 = arith.constant 0 : index
    %swap3A_1883 = arith.constant 0 : index
    %swap3A_1884 = vector.load %arg7[%swap3A_1881, %swap3A_1882, %swap3A_1883] : memref<64x16x128xbf16, #tpu.memory_space<vmem>>, vector<1x16x128xbf16>
    %swap3A_1885 = vector.shape_cast %swap3A_1884 : vector<1x16x128xbf16> to vector<16x128xbf16>
    %swap3A_1886 = vector.shape_cast %convert_element_type3A_1880 : vector<16x128xbf16> to vector<1x16x128xbf16>
    tpu.vector_store %arg7[%swap3A_1881, %swap3A_1882, %swap3A_1883], %swap3A_1886 {strides = array<i32>} : memref<64x16x128xbf16, #tpu.memory_space<vmem>>, vector<1x16x128xbf16>,
    %jit3A_1887 = arith.constant 0xFF800000 : f32
    %broadcast_in_dim3A_1888 = vector.broadcast %jit3A_1887 : f32 to vector<16x128xf32>
    %select_n3A_1889 = arith.select %eq3A_1877, %broadcast_in_dim3A_1888, %select_n3A_1858 : vector<16x128xi1>, vector<16x128xf32>
    %reduce_max3A_1890 = vector.shape_cast %select_n3A_1889 : vector<16x128xf32> to vector<1x16x128xf32>
    %reduce_max3A_1891 = arith.constant dense<0xFF800000> : vector<1xf32>
    %reduce_max3A_1892 = vector.multi_reduction <maximumf>, %reduce_max3A_1890, %reduce_max3A_1891 [1, 2] : vector<1x16x128xf32> to vector<1xf32>
    %reduce_max3A_1893 = vector.shape_cast %reduce_max3A_1892 : vector<1xf32> to vector<1x1x1xf32>
    %reduce_max3A_1894 = vector.extract %reduce_max3A_1893[0, 0, 0] : f32 from vector<1x1x1xf32>
    %broadcast_in_dim3A_1895 = vector.broadcast %reduce_max3A_1894 : f32 to vector<1x1xf32>
    %ge3A_1896 = vector.broadcast %broadcast_in_dim3A_1895 : vector<1x1xf32> to vector<16x128xf32>
    %ge3A_1897 = arith.cmpf oge, %select_n3A_1889, %ge3A_1896 : vector<16x128xf32>
    %jit3A_1898 = arith.constant 2048 : i32
    %broadcast_in_dim3A_1899 = vector.broadcast %jit3A_1898 : i32 to vector<16x128xi32>
    %select_n3A_1900 = arith.select %ge3A_1897, %add3A, %broadcast_in_dim3A_1899 : vector<16x128xi1>, vector<16x128xi32>
    %reduce_min3A_1901 = vector.shape_cast %select_n3A_1900 : vector<16x128xi32> to vector<1x16x128xi32>
    %reduce_min3A_1902 = arith.constant dense<2147483647> : vector<1xi32>
    %reduce_min3A_1903 = vector.multi_reduction <minsi>, %reduce_min3A_1901, %reduce_min3A_1902 [1, 2] : vector<1x16x128xi32> to vector<1xi32>
    %reduce_min3A_1904 = vector.shape_cast %reduce_min3A_1903 : vector<1xi32> to vector<1x1x1xi32>
    %reduce_min3A_1905 = vector.extract %reduce_min3A_1904[0, 0, 0] : i32 from vector<1x1x1xi32>
    %broadcast_in_dim3A_1906 = vector.broadcast %reduce_min3A_1905 : i32 to vector<1x1xi32>
    %eq3A_1907 = vector.broadcast %broadcast_in_dim3A_1906 : vector<1x1xi32> to vector<16x128xi32>
    %eq3A_1908 = arith.cmpi eq, %add3A, %eq3A_1907 : vector<16x128xi32>
    %convert_element_type3A_1909 = arith.extui %eq3A_1908 : vector<16x128xi1> to vector<16x128xi32>
    %convert_element_type3A_1910 = arith.sitofp %convert_element_type3A_1909 : vector<16x128xi32> to vector<16x128xf32>
    %convert_element_type3A_1911 = arith.truncf %convert_element_type3A_1910 : vector<16x128xf32> to vector<16x128xbf16>
    %swap3A_1912 = arith.constant 61 : index
    %swap3A_1913 = arith.constant 0 : index
    %swap3A_1914 = arith.constant 0 : index
    %swap3A_1915 = vector.load %arg7[%swap3A_1912, %swap3A_1913, %swap3A_1914] : memref<64x16x128xbf16, #tpu.memory_space<vmem>>, vector<1x16x128xbf16>
    %swap3A_1916 = vector.shape_cast %swap3A_1915 : vector<1x16x128xbf16> to vector<16x128xbf16>
    %swap3A_1917 = vector.shape_cast %convert_element_type3A_1911 : vector<16x128xbf16> to vector<1x16x128xbf16>
    tpu.vector_store %arg7[%swap3A_1912, %swap3A_1913, %swap3A_1914], %swap3A_1917 {strides = array<i32>} : memref<64x16x128xbf16, #tpu.memory_space<vmem>>, vector<1x16x128xbf16>,
    %jit3A_1918 = arith.constant 0xFF800000 : f32
    %broadcast_in_dim3A_1919 = vector.broadcast %jit3A_1918 : f32 to vector<16x128xf32>
    %select_n3A_1920 = arith.select %eq3A_1908, %broadcast_in_dim3A_1919, %select_n3A_1889 : vector<16x128xi1>, vector<16x128xf32>
    %reduce_max3A_1921 = vector.shape_cast %select_n3A_1920 : vector<16x128xf32> to vector<1x16x128xf32>
    %reduce_max3A_1922 = arith.constant dense<0xFF800000> : vector<1xf32>
    %reduce_max3A_1923 = vector.multi_reduction <maximumf>, %reduce_max3A_1921, %reduce_max3A_1922 [1, 2] : vector<1x16x128xf32> to vector<1xf32>
    %reduce_max3A_1924 = vector.shape_cast %reduce_max3A_1923 : vector<1xf32> to vector<1x1x1xf32>
    %reduce_max3A_1925 = vector.extract %reduce_max3A_1924[0, 0, 0] : f32 from vector<1x1x1xf32>
    %broadcast_in_dim3A_1926 = vector.broadcast %reduce_max3A_1925 : f32 to vector<1x1xf32>
    %ge3A_1927 = vector.broadcast %broadcast_in_dim3A_1926 : vector<1x1xf32> to vector<16x128xf32>
    %ge3A_1928 = arith.cmpf oge, %select_n3A_1920, %ge3A_1927 : vector<16x128xf32>
    %jit3A_1929 = arith.constant 2048 : i32
    %broadcast_in_dim3A_1930 = vector.broadcast %jit3A_1929 : i32 to vector<16x128xi32>
    %select_n3A_1931 = arith.select %ge3A_1928, %add3A, %broadcast_in_dim3A_1930 : vector<16x128xi1>, vector<16x128xi32>
    %reduce_min3A_1932 = vector.shape_cast %select_n3A_1931 : vector<16x128xi32> to vector<1x16x128xi32>
    %reduce_min3A_1933 = arith.constant dense<2147483647> : vector<1xi32>
    %reduce_min3A_1934 = vector.multi_reduction <minsi>, %reduce_min3A_1932, %reduce_min3A_1933 [1, 2] : vector<1x16x128xi32> to vector<1xi32>
    %reduce_min3A_1935 = vector.shape_cast %reduce_min3A_1934 : vector<1xi32> to vector<1x1x1xi32>
    %reduce_min3A_1936 = vector.extract %reduce_min3A_1935[0, 0, 0] : i32 from vector<1x1x1xi32>
    %broadcast_in_dim3A_1937 = vector.broadcast %reduce_min3A_1936 : i32 to vector<1x1xi32>
    %eq3A_1938 = vector.broadcast %broadcast_in_dim3A_1937 : vector<1x1xi32> to vector<16x128xi32>
    %eq3A_1939 = arith.cmpi eq, %add3A, %eq3A_1938 : vector<16x128xi32>
    %convert_element_type3A_1940 = arith.extui %eq3A_1939 : vector<16x128xi1> to vector<16x128xi32>
    %convert_element_type3A_1941 = arith.sitofp %convert_element_type3A_1940 : vector<16x128xi32> to vector<16x128xf32>
    %convert_element_type3A_1942 = arith.truncf %convert_element_type3A_1941 : vector<16x128xf32> to vector<16x128xbf16>
    %swap3A_1943 = arith.constant 62 : index
    %swap3A_1944 = arith.constant 0 : index
    %swap3A_1945 = arith.constant 0 : index
    %swap3A_1946 = vector.load %arg7[%swap3A_1943, %swap3A_1944, %swap3A_1945] : memref<64x16x128xbf16, #tpu.memory_space<vmem>>, vector<1x16x128xbf16>
    %swap3A_1947 = vector.shape_cast %swap3A_1946 : vector<1x16x128xbf16> to vector<16x128xbf16>
    %swap3A_1948 = vector.shape_cast %convert_element_type3A_1942 : vector<16x128xbf16> to vector<1x16x128xbf16>
    tpu.vector_store %arg7[%swap3A_1943, %swap3A_1944, %swap3A_1945], %swap3A_1948 {strides = array<i32>} : memref<64x16x128xbf16, #tpu.memory_space<vmem>>, vector<1x16x128xbf16>,
    %jit3A_1949 = arith.constant 0xFF800000 : f32
    %broadcast_in_dim3A_1950 = vector.broadcast %jit3A_1949 : f32 to vector<16x128xf32>
    %select_n3A_1951 = arith.select %eq3A_1939, %broadcast_in_dim3A_1950, %select_n3A_1920 : vector<16x128xi1>, vector<16x128xf32>
    %reduce_max3A_1952 = vector.shape_cast %select_n3A_1951 : vector<16x128xf32> to vector<1x16x128xf32>
    %reduce_max3A_1953 = arith.constant dense<0xFF800000> : vector<1xf32>
    %reduce_max3A_1954 = vector.multi_reduction <maximumf>, %reduce_max3A_1952, %reduce_max3A_1953 [1, 2] : vector<1x16x128xf32> to vector<1xf32>
    %reduce_max3A_1955 = vector.shape_cast %reduce_max3A_1954 : vector<1xf32> to vector<1x1x1xf32>
    %reduce_max3A_1956 = vector.extract %reduce_max3A_1955[0, 0, 0] : f32 from vector<1x1x1xf32>
    %broadcast_in_dim3A_1957 = vector.broadcast %reduce_max3A_1956 : f32 to vector<1x1xf32>
    %ge3A_1958 = vector.broadcast %broadcast_in_dim3A_1957 : vector<1x1xf32> to vector<16x128xf32>
    %ge3A_1959 = arith.cmpf oge, %select_n3A_1951, %ge3A_1958 : vector<16x128xf32>
    %jit3A_1960 = arith.constant 2048 : i32
    %broadcast_in_dim3A_1961 = vector.broadcast %jit3A_1960 : i32 to vector<16x128xi32>
    %select_n3A_1962 = arith.select %ge3A_1959, %add3A, %broadcast_in_dim3A_1961 : vector<16x128xi1>, vector<16x128xi32>
    %reduce_min3A_1963 = vector.shape_cast %select_n3A_1962 : vector<16x128xi32> to vector<1x16x128xi32>
    %reduce_min3A_1964 = arith.constant dense<2147483647> : vector<1xi32>
    %reduce_min3A_1965 = vector.multi_reduction <minsi>, %reduce_min3A_1963, %reduce_min3A_1964 [1, 2] : vector<1x16x128xi32> to vector<1xi32>
    %reduce_min3A_1966 = vector.shape_cast %reduce_min3A_1965 : vector<1xi32> to vector<1x1x1xi32>
    %reduce_min3A_1967 = vector.extract %reduce_min3A_1966[0, 0, 0] : i32 from vector<1x1x1xi32>
    %broadcast_in_dim3A_1968 = vector.broadcast %reduce_min3A_1967 : i32 to vector<1x1xi32>
    %eq3A_1969 = vector.broadcast %broadcast_in_dim3A_1968 : vector<1x1xi32> to vector<16x128xi32>
    %eq3A_1970 = arith.cmpi eq, %add3A, %eq3A_1969 : vector<16x128xi32>
    %convert_element_type3A_1971 = arith.extui %eq3A_1970 : vector<16x128xi1> to vector<16x128xi32>
    %convert_element_type3A_1972 = arith.sitofp %convert_element_type3A_1971 : vector<16x128xi32> to vector<16x128xf32>
    %convert_element_type3A_1973 = arith.truncf %convert_element_type3A_1972 : vector<16x128xf32> to vector<16x128xbf16>
    %swap3A_1974 = arith.constant 63 : index
    %swap3A_1975 = arith.constant 0 : index
    %swap3A_1976 = arith.constant 0 : index
    %swap3A_1977 = vector.load %arg7[%swap3A_1974, %swap3A_1975, %swap3A_1976] : memref<64x16x128xbf16, #tpu.memory_space<vmem>>, vector<1x16x128xbf16>
    %swap3A_1978 = vector.shape_cast %swap3A_1977 : vector<1x16x128xbf16> to vector<16x128xbf16>
    %swap3A_1979 = vector.shape_cast %convert_element_type3A_1973 : vector<16x128xbf16> to vector<1x16x128xbf16>
    tpu.vector_store %arg7[%swap3A_1974, %swap3A_1975, %swap3A_1976], %swap3A_1979 {strides = array<i32>} : memref<64x16x128xbf16, #tpu.memory_space<vmem>>, vector<1x16x128xbf16>,
    %convert_element_type3A_1980 = arith.truncf %get3A_2 : vector<16x128x1024xf32> to vector<16x128x1024xbf16>
    %broadcast_in_dim3A_1981 = arith.constant 0.000000e+00 : f32
    %broadcast_in_dim3A_1982 = vector.broadcast %broadcast_in_dim3A_1981 : f32 to vector<64x1024xf32>
    %get3A_1983 = arith.constant 0 : index
    %get3A_1984 = arith.constant 0 : index
    %get3A_1985 = arith.constant 0 : index
    %get3A_1986 = vector.load %arg7[%get3A_1983, %get3A_1984, %get3A_1985] : memref<64x16x128xbf16, #tpu.memory_space<vmem>>, vector<64x1x128xbf16>
    %get3A_1987 = vector.shape_cast %get3A_1986 : vector<64x1x128xbf16> to vector<64x128xbf16>
    %slice3A = vector.extract_strided_slice %convert_element_type3A_1980 {offsets = [0, 0, 0], sizes = [1, 128, 1024], strides = [1, 1, 1]} : vector<16x128x1024xbf16> to vector<1x128x1024xbf16>
    %squeeze3A = vector.shape_cast %slice3A : vector<1x128x1024xbf16> to vector<128x1024xbf16>
    %dot_general3A = arith.constant dense<0.000000e+00> : vector<64x1024xf32>
    %dot_general3A_1988 = tpu.matmul %get3A_1987, %squeeze3A, %dot_general3A {dimension_numbers = #tpu.dot_dimension_numbers<[1], [0], [0], [1], [0, 0, 1, 1], [], []>, transpose_lhs_hint = false} : vector<64x128xbf16>, vector<128x1024xbf16>, vector<64x1024xf32> -> vector<64x1024xf32>
    %add3A_1989 = arith.addf %broadcast_in_dim3A_1982, %dot_general3A_1988 : vector<64x1024xf32>
    %get3A_1990 = arith.constant 0 : index
    %get3A_1991 = arith.constant 1 : index
    %get3A_1992 = arith.constant 0 : index
    %get3A_1993 = vector.load %arg7[%get3A_1990, %get3A_1991, %get3A_1992] : memref<64x16x128xbf16, #tpu.memory_space<vmem>>, vector<64x1x128xbf16>
    %get3A_1994 = vector.shape_cast %get3A_1993 : vector<64x1x128xbf16> to vector<64x128xbf16>
    %slice3A_1995 = vector.extract_strided_slice %convert_element_type3A_1980 {offsets = [1, 0, 0], sizes = [1, 128, 1024], strides = [1, 1, 1]} : vector<16x128x1024xbf16> to vector<1x128x1024xbf16>
    %squeeze3A_1996 = vector.shape_cast %slice3A_1995 : vector<1x128x1024xbf16> to vector<128x1024xbf16>
    %dot_general3A_1997 = arith.constant dense<0.000000e+00> : vector<64x1024xf32>
    %dot_general3A_1998 = tpu.matmul %get3A_1994, %squeeze3A_1996, %dot_general3A_1997 {dimension_numbers = #tpu.dot_dimension_numbers<[1], [0], [0], [1], [0, 0, 1, 1], [], []>, transpose_lhs_hint = false} : vector<64x128xbf16>, vector<128x1024xbf16>, vector<64x1024xf32> -> vector<64x1024xf32>
    %add3A_1999 = arith.addf %add3A_1989, %dot_general3A_1998 : vector<64x1024xf32>
    %get3A_2000 = arith.constant 0 : index
    %get3A_2001 = arith.constant 2 : index
    %get3A_2002 = arith.constant 0 : index
    %get3A_2003 = vector.load %arg7[%get3A_2000, %get3A_2001, %get3A_2002] : memref<64x16x128xbf16, #tpu.memory_space<vmem>>, vector<64x1x128xbf16>
    %get3A_2004 = vector.shape_cast %get3A_2003 : vector<64x1x128xbf16> to vector<64x128xbf16>
    %slice3A_2005 = vector.extract_strided_slice %convert_element_type3A_1980 {offsets = [2, 0, 0], sizes = [1, 128, 1024], strides = [1, 1, 1]} : vector<16x128x1024xbf16> to vector<1x128x1024xbf16>
    %squeeze3A_2006 = vector.shape_cast %slice3A_2005 : vector<1x128x1024xbf16> to vector<128x1024xbf16>
    %dot_general3A_2007 = arith.constant dense<0.000000e+00> : vector<64x1024xf32>
    %dot_general3A_2008 = tpu.matmul %get3A_2004, %squeeze3A_2006, %dot_general3A_2007 {dimension_numbers = #tpu.dot_dimension_numbers<[1], [0], [0], [1], [0, 0, 1, 1], [], []>, transpose_lhs_hint = false} : vector<64x128xbf16>, vector<128x1024xbf16>, vector<64x1024xf32> -> vector<64x1024xf32>
    %add3A_2009 = arith.addf %add3A_1999, %dot_general3A_2008 : vector<64x1024xf32>
    %get3A_2010 = arith.constant 0 : index
    %get3A_2011 = arith.constant 3 : index
    %get3A_2012 = arith.constant 0 : index
    %get3A_2013 = vector.load %arg7[%get3A_2010, %get3A_2011, %get3A_2012] : memref<64x16x128xbf16, #tpu.memory_space<vmem>>, vector<64x1x128xbf16>
    %get3A_2014 = vector.shape_cast %get3A_2013 : vector<64x1x128xbf16> to vector<64x128xbf16>
    %slice3A_2015 = vector.extract_strided_slice %convert_element_type3A_1980 {offsets = [3, 0, 0], sizes = [1, 128, 1024], strides = [1, 1, 1]} : vector<16x128x1024xbf16> to vector<1x128x1024xbf16>
    %squeeze3A_2016 = vector.shape_cast %slice3A_2015 : vector<1x128x1024xbf16> to vector<128x1024xbf16>
    %dot_general3A_2017 = arith.constant dense<0.000000e+00> : vector<64x1024xf32>
    %dot_general3A_2018 = tpu.matmul %get3A_2014, %squeeze3A_2016, %dot_general3A_2017 {dimension_numbers = #tpu.dot_dimension_numbers<[1], [0], [0], [1], [0, 0, 1, 1], [], []>, transpose_lhs_hint = false} : vector<64x128xbf16>, vector<128x1024xbf16>, vector<64x1024xf32> -> vector<64x1024xf32>
    %add3A_2019 = arith.addf %add3A_2009, %dot_general3A_2018 : vector<64x1024xf32>
    %get3A_2020 = arith.constant 0 : index
    %get3A_2021 = arith.constant 4 : index
    %get3A_2022 = arith.constant 0 : index
    %get3A_2023 = vector.load %arg7[%get3A_2020, %get3A_2021, %get3A_2022] : memref<64x16x128xbf16, #tpu.memory_space<vmem>>, vector<64x1x128xbf16>
    %get3A_2024 = vector.shape_cast %get3A_2023 : vector<64x1x128xbf16> to vector<64x128xbf16>
    %slice3A_2025 = vector.extract_strided_slice %convert_element_type3A_1980 {offsets = [4, 0, 0], sizes = [1, 128, 1024], strides = [1, 1, 1]} : vector<16x128x1024xbf16> to vector<1x128x1024xbf16>
    %squeeze3A_2026 = vector.shape_cast %slice3A_2025 : vector<1x128x1024xbf16> to vector<128x1024xbf16>
    %dot_general3A_2027 = arith.constant dense<0.000000e+00> : vector<64x1024xf32>
    %dot_general3A_2028 = tpu.matmul %get3A_2024, %squeeze3A_2026, %dot_general3A_2027 {dimension_numbers = #tpu.dot_dimension_numbers<[1], [0], [0], [1], [0, 0, 1, 1], [], []>, transpose_lhs_hint = false} : vector<64x128xbf16>, vector<128x1024xbf16>, vector<64x1024xf32> -> vector<64x1024xf32>
    %add3A_2029 = arith.addf %add3A_2019, %dot_general3A_2028 : vector<64x1024xf32>
    %get3A_2030 = arith.constant 0 : index
    %get3A_2031 = arith.constant 5 : index
    %get3A_2032 = arith.constant 0 : index
    %get3A_2033 = vector.load %arg7[%get3A_2030, %get3A_2031, %get3A_2032] : memref<64x16x128xbf16, #tpu.memory_space<vmem>>, vector<64x1x128xbf16>
    %get3A_2034 = vector.shape_cast %get3A_2033 : vector<64x1x128xbf16> to vector<64x128xbf16>
    %slice3A_2035 = vector.extract_strided_slice %convert_element_type3A_1980 {offsets = [5, 0, 0], sizes = [1, 128, 1024], strides = [1, 1, 1]} : vector<16x128x1024xbf16> to vector<1x128x1024xbf16>
    %squeeze3A_2036 = vector.shape_cast %slice3A_2035 : vector<1x128x1024xbf16> to vector<128x1024xbf16>
    %dot_general3A_2037 = arith.constant dense<0.000000e+00> : vector<64x1024xf32>
    %dot_general3A_2038 = tpu.matmul %get3A_2034, %squeeze3A_2036, %dot_general3A_2037 {dimension_numbers = #tpu.dot_dimension_numbers<[1], [0], [0], [1], [0, 0, 1, 1], [], []>, transpose_lhs_hint = false} : vector<64x128xbf16>, vector<128x1024xbf16>, vector<64x1024xf32> -> vector<64x1024xf32>
    %add3A_2039 = arith.addf %add3A_2029, %dot_general3A_2038 : vector<64x1024xf32>
    %get3A_2040 = arith.constant 0 : index
    %get3A_2041 = arith.constant 6 : index
    %get3A_2042 = arith.constant 0 : index
    %get3A_2043 = vector.load %arg7[%get3A_2040, %get3A_2041, %get3A_2042] : memref<64x16x128xbf16, #tpu.memory_space<vmem>>, vector<64x1x128xbf16>
    %get3A_2044 = vector.shape_cast %get3A_2043 : vector<64x1x128xbf16> to vector<64x128xbf16>
    %slice3A_2045 = vector.extract_strided_slice %convert_element_type3A_1980 {offsets = [6, 0, 0], sizes = [1, 128, 1024], strides = [1, 1, 1]} : vector<16x128x1024xbf16> to vector<1x128x1024xbf16>
    %squeeze3A_2046 = vector.shape_cast %slice3A_2045 : vector<1x128x1024xbf16> to vector<128x1024xbf16>
    %dot_general3A_2047 = arith.constant dense<0.000000e+00> : vector<64x1024xf32>
    %dot_general3A_2048 = tpu.matmul %get3A_2044, %squeeze3A_2046, %dot_general3A_2047 {dimension_numbers = #tpu.dot_dimension_numbers<[1], [0], [0], [1], [0, 0, 1, 1], [], []>, transpose_lhs_hint = false} : vector<64x128xbf16>, vector<128x1024xbf16>, vector<64x1024xf32> -> vector<64x1024xf32>
    %add3A_2049 = arith.addf %add3A_2039, %dot_general3A_2048 : vector<64x1024xf32>
    %get3A_2050 = arith.constant 0 : index
    %get3A_2051 = arith.constant 7 : index
    %get3A_2052 = arith.constant 0 : index
    %get3A_2053 = vector.load %arg7[%get3A_2050, %get3A_2051, %get3A_2052] : memref<64x16x128xbf16, #tpu.memory_space<vmem>>, vector<64x1x128xbf16>
    %get3A_2054 = vector.shape_cast %get3A_2053 : vector<64x1x128xbf16> to vector<64x128xbf16>
    %slice3A_2055 = vector.extract_strided_slice %convert_element_type3A_1980 {offsets = [7, 0, 0], sizes = [1, 128, 1024], strides = [1, 1, 1]} : vector<16x128x1024xbf16> to vector<1x128x1024xbf16>
    %squeeze3A_2056 = vector.shape_cast %slice3A_2055 : vector<1x128x1024xbf16> to vector<128x1024xbf16>
    %dot_general3A_2057 = arith.constant dense<0.000000e+00> : vector<64x1024xf32>
    %dot_general3A_2058 = tpu.matmul %get3A_2054, %squeeze3A_2056, %dot_general3A_2057 {dimension_numbers = #tpu.dot_dimension_numbers<[1], [0], [0], [1], [0, 0, 1, 1], [], []>, transpose_lhs_hint = false} : vector<64x128xbf16>, vector<128x1024xbf16>, vector<64x1024xf32> -> vector<64x1024xf32>
    %add3A_2059 = arith.addf %add3A_2049, %dot_general3A_2058 : vector<64x1024xf32>
    %get3A_2060 = arith.constant 0 : index
    %get3A_2061 = arith.constant 8 : index
    %get3A_2062 = arith.constant 0 : index
    %get3A_2063 = vector.load %arg7[%get3A_2060, %get3A_2061, %get3A_2062] : memref<64x16x128xbf16, #tpu.memory_space<vmem>>, vector<64x1x128xbf16>
    %get3A_2064 = vector.shape_cast %get3A_2063 : vector<64x1x128xbf16> to vector<64x128xbf16>
    %slice3A_2065 = vector.extract_strided_slice %convert_element_type3A_1980 {offsets = [8, 0, 0], sizes = [1, 128, 1024], strides = [1, 1, 1]} : vector<16x128x1024xbf16> to vector<1x128x1024xbf16>
    %squeeze3A_2066 = vector.shape_cast %slice3A_2065 : vector<1x128x1024xbf16> to vector<128x1024xbf16>
    %dot_general3A_2067 = arith.constant dense<0.000000e+00> : vector<64x1024xf32>
    %dot_general3A_2068 = tpu.matmul %get3A_2064, %squeeze3A_2066, %dot_general3A_2067 {dimension_numbers = #tpu.dot_dimension_numbers<[1], [0], [0], [1], [0, 0, 1, 1], [], []>, transpose_lhs_hint = false} : vector<64x128xbf16>, vector<128x1024xbf16>, vector<64x1024xf32> -> vector<64x1024xf32>
    %add3A_2069 = arith.addf %add3A_2059, %dot_general3A_2068 : vector<64x1024xf32>
    %get3A_2070 = arith.constant 0 : index
    %get3A_2071 = arith.constant 9 : index
    %get3A_2072 = arith.constant 0 : index
    %get3A_2073 = vector.load %arg7[%get3A_2070, %get3A_2071, %get3A_2072] : memref<64x16x128xbf16, #tpu.memory_space<vmem>>, vector<64x1x128xbf16>
    %get3A_2074 = vector.shape_cast %get3A_2073 : vector<64x1x128xbf16> to vector<64x128xbf16>
    %slice3A_2075 = vector.extract_strided_slice %convert_element_type3A_1980 {offsets = [9, 0, 0], sizes = [1, 128, 1024], strides = [1, 1, 1]} : vector<16x128x1024xbf16> to vector<1x128x1024xbf16>
    %squeeze3A_2076 = vector.shape_cast %slice3A_2075 : vector<1x128x1024xbf16> to vector<128x1024xbf16>
    %dot_general3A_2077 = arith.constant dense<0.000000e+00> : vector<64x1024xf32>
    %dot_general3A_2078 = tpu.matmul %get3A_2074, %squeeze3A_2076, %dot_general3A_2077 {dimension_numbers = #tpu.dot_dimension_numbers<[1], [0], [0], [1], [0, 0, 1, 1], [], []>, transpose_lhs_hint = false} : vector<64x128xbf16>, vector<128x1024xbf16>, vector<64x1024xf32> -> vector<64x1024xf32>
    %add3A_2079 = arith.addf %add3A_2069, %dot_general3A_2078 : vector<64x1024xf32>
    %get3A_2080 = arith.constant 0 : index
    %get3A_2081 = arith.constant 10 : index
    %get3A_2082 = arith.constant 0 : index
    %get3A_2083 = vector.load %arg7[%get3A_2080, %get3A_2081, %get3A_2082] : memref<64x16x128xbf16, #tpu.memory_space<vmem>>, vector<64x1x128xbf16>
    %get3A_2084 = vector.shape_cast %get3A_2083 : vector<64x1x128xbf16> to vector<64x128xbf16>
    %slice3A_2085 = vector.extract_strided_slice %convert_element_type3A_1980 {offsets = [10, 0, 0], sizes = [1, 128, 1024], strides = [1, 1, 1]} : vector<16x128x1024xbf16> to vector<1x128x1024xbf16>
    %squeeze3A_2086 = vector.shape_cast %slice3A_2085 : vector<1x128x1024xbf16> to vector<128x1024xbf16>
    %dot_general3A_2087 = arith.constant dense<0.000000e+00> : vector<64x1024xf32>
    %dot_general3A_2088 = tpu.matmul %get3A_2084, %squeeze3A_2086, %dot_general3A_2087 {dimension_numbers = #tpu.dot_dimension_numbers<[1], [0], [0], [1], [0, 0, 1, 1], [], []>, transpose_lhs_hint = false} : vector<64x128xbf16>, vector<128x1024xbf16>, vector<64x1024xf32> -> vector<64x1024xf32>
    %add3A_2089 = arith.addf %add3A_2079, %dot_general3A_2088 : vector<64x1024xf32>
    %get3A_2090 = arith.constant 0 : index
    %get3A_2091 = arith.constant 11 : index
    %get3A_2092 = arith.constant 0 : index
    %get3A_2093 = vector.load %arg7[%get3A_2090, %get3A_2091, %get3A_2092] : memref<64x16x128xbf16, #tpu.memory_space<vmem>>, vector<64x1x128xbf16>
    %get3A_2094 = vector.shape_cast %get3A_2093 : vector<64x1x128xbf16> to vector<64x128xbf16>
    %slice3A_2095 = vector.extract_strided_slice %convert_element_type3A_1980 {offsets = [11, 0, 0], sizes = [1, 128, 1024], strides = [1, 1, 1]} : vector<16x128x1024xbf16> to vector<1x128x1024xbf16>
    %squeeze3A_2096 = vector.shape_cast %slice3A_2095 : vector<1x128x1024xbf16> to vector<128x1024xbf16>
    %dot_general3A_2097 = arith.constant dense<0.000000e+00> : vector<64x1024xf32>
    %dot_general3A_2098 = tpu.matmul %get3A_2094, %squeeze3A_2096, %dot_general3A_2097 {dimension_numbers = #tpu.dot_dimension_numbers<[1], [0], [0], [1], [0, 0, 1, 1], [], []>, transpose_lhs_hint = false} : vector<64x128xbf16>, vector<128x1024xbf16>, vector<64x1024xf32> -> vector<64x1024xf32>
    %add3A_2099 = arith.addf %add3A_2089, %dot_general3A_2098 : vector<64x1024xf32>
    %get3A_2100 = arith.constant 0 : index
    %get3A_2101 = arith.constant 12 : index
    %get3A_2102 = arith.constant 0 : index
    %get3A_2103 = vector.load %arg7[%get3A_2100, %get3A_2101, %get3A_2102] : memref<64x16x128xbf16, #tpu.memory_space<vmem>>, vector<64x1x128xbf16>
    %get3A_2104 = vector.shape_cast %get3A_2103 : vector<64x1x128xbf16> to vector<64x128xbf16>
    %slice3A_2105 = vector.extract_strided_slice %convert_element_type3A_1980 {offsets = [12, 0, 0], sizes = [1, 128, 1024], strides = [1, 1, 1]} : vector<16x128x1024xbf16> to vector<1x128x1024xbf16>
    %squeeze3A_2106 = vector.shape_cast %slice3A_2105 : vector<1x128x1024xbf16> to vector<128x1024xbf16>
    %dot_general3A_2107 = arith.constant dense<0.000000e+00> : vector<64x1024xf32>
    %dot_general3A_2108 = tpu.matmul %get3A_2104, %squeeze3A_2106, %dot_general3A_2107 {dimension_numbers = #tpu.dot_dimension_numbers<[1], [0], [0], [1], [0, 0, 1, 1], [], []>, transpose_lhs_hint = false} : vector<64x128xbf16>, vector<128x1024xbf16>, vector<64x1024xf32> -> vector<64x1024xf32>
    %add3A_2109 = arith.addf %add3A_2099, %dot_general3A_2108 : vector<64x1024xf32>
    %get3A_2110 = arith.constant 0 : index
    %get3A_2111 = arith.constant 13 : index
    %get3A_2112 = arith.constant 0 : index
    %get3A_2113 = vector.load %arg7[%get3A_2110, %get3A_2111, %get3A_2112] : memref<64x16x128xbf16, #tpu.memory_space<vmem>>, vector<64x1x128xbf16>
    %get3A_2114 = vector.shape_cast %get3A_2113 : vector<64x1x128xbf16> to vector<64x128xbf16>
    %slice3A_2115 = vector.extract_strided_slice %convert_element_type3A_1980 {offsets = [13, 0, 0], sizes = [1, 128, 1024], strides = [1, 1, 1]} : vector<16x128x1024xbf16> to vector<1x128x1024xbf16>
    %squeeze3A_2116 = vector.shape_cast %slice3A_2115 : vector<1x128x1024xbf16> to vector<128x1024xbf16>
    %dot_general3A_2117 = arith.constant dense<0.000000e+00> : vector<64x1024xf32>
    %dot_general3A_2118 = tpu.matmul %get3A_2114, %squeeze3A_2116, %dot_general3A_2117 {dimension_numbers = #tpu.dot_dimension_numbers<[1], [0], [0], [1], [0, 0, 1, 1], [], []>, transpose_lhs_hint = false} : vector<64x128xbf16>, vector<128x1024xbf16>, vector<64x1024xf32> -> vector<64x1024xf32>
    %add3A_2119 = arith.addf %add3A_2109, %dot_general3A_2118 : vector<64x1024xf32>
    %get3A_2120 = arith.constant 0 : index
    %get3A_2121 = arith.constant 14 : index
    %get3A_2122 = arith.constant 0 : index
    %get3A_2123 = vector.load %arg7[%get3A_2120, %get3A_2121, %get3A_2122] : memref<64x16x128xbf16, #tpu.memory_space<vmem>>, vector<64x1x128xbf16>
    %get3A_2124 = vector.shape_cast %get3A_2123 : vector<64x1x128xbf16> to vector<64x128xbf16>
    %slice3A_2125 = vector.extract_strided_slice %convert_element_type3A_1980 {offsets = [14, 0, 0], sizes = [1, 128, 1024], strides = [1, 1, 1]} : vector<16x128x1024xbf16> to vector<1x128x1024xbf16>
    %squeeze3A_2126 = vector.shape_cast %slice3A_2125 : vector<1x128x1024xbf16> to vector<128x1024xbf16>
    %dot_general3A_2127 = arith.constant dense<0.000000e+00> : vector<64x1024xf32>
    %dot_general3A_2128 = tpu.matmul %get3A_2124, %squeeze3A_2126, %dot_general3A_2127 {dimension_numbers = #tpu.dot_dimension_numbers<[1], [0], [0], [1], [0, 0, 1, 1], [], []>, transpose_lhs_hint = false} : vector<64x128xbf16>, vector<128x1024xbf16>, vector<64x1024xf32> -> vector<64x1024xf32>
    %add3A_2129 = arith.addf %add3A_2119, %dot_general3A_2128 : vector<64x1024xf32>
    %get3A_2130 = arith.constant 0 : index
    %get3A_2131 = arith.constant 15 : index
    %get3A_2132 = arith.constant 0 : index
    %get3A_2133 = vector.load %arg7[%get3A_2130, %get3A_2131, %get3A_2132] : memref<64x16x128xbf16, #tpu.memory_space<vmem>>, vector<64x1x128xbf16>
    %get3A_2134 = vector.shape_cast %get3A_2133 : vector<64x1x128xbf16> to vector<64x128xbf16>
    %slice3A_2135 = vector.extract_strided_slice %convert_element_type3A_1980 {offsets = [15, 0, 0], sizes = [1, 128, 1024], strides = [1, 1, 1]} : vector<16x128x1024xbf16> to vector<1x128x1024xbf16>
    %squeeze3A_2136 = vector.shape_cast %slice3A_2135 : vector<1x128x1024xbf16> to vector<128x1024xbf16>
    %dot_general3A_2137 = arith.constant dense<0.000000e+00> : vector<64x1024xf32>
    %dot_general3A_2138 = tpu.matmul %get3A_2134, %squeeze3A_2136, %dot_general3A_2137 {dimension_numbers = #tpu.dot_dimension_numbers<[1], [0], [0], [1], [0, 0, 1, 1], [], []>, transpose_lhs_hint = false} : vector<64x128xbf16>, vector<128x1024xbf16>, vector<64x1024xf32> -> vector<64x1024xf32>
    %add3A_2139 = arith.addf %add3A_2129, %dot_general3A_2138 : vector<64x1024xf32>
    %convert_element_type3A_2140 = arith.truncf %add3A_2139 : vector<64x1024xf32> to vector<64x1024xbf16>
    %get3A_2141 = arith.constant 0 : index
    %get3A_2142 = arith.constant 0 : index
    %get3A_2143 = vector.load %arg1[%get3A_2141, %get3A_2142] : memref<1024x1024xbf16, #tpu.memory_space<vmem>>, vector<1024x1024xbf16>
    %transpose3A = tpu.transpose %get3A_2143, [1, 0] : vector<1024x1024xbf16> -> vector<1024x1024xbf16>
    %dot_general3A_2144 = arith.constant dense<0.000000e+00> : vector<64x1024xf32>
    %dot_general3A_2145 = tpu.matmul %convert_element_type3A_2140, %transpose3A, %dot_general3A_2144 {dimension_numbers = #tpu.dot_dimension_numbers<[1], [0], [0], [1], [0, 0, 1, 1], [], []>, transpose_lhs_hint = false} : vector<64x1024xbf16>, vector<1024x1024xbf16>, vector<64x1024xf32> -> vector<64x1024xf32>
    %get3A_2146 = arith.constant 0 : index
    %get3A_2147 = arith.constant 0 : index
    %get3A_2148 = vector.load %arg2[%get3A_2146, %get3A_2147] : memref<1x1024xf32, #tpu.memory_space<vmem>>, vector<1x1024xf32>
    %add3A_2149 = vector.broadcast %get3A_2148 : vector<1x1024xf32> to vector<64x1024xf32>
    %add3A_2150 = arith.addf %dot_general3A_2145, %add3A_2149 : vector<64x1024xf32>
    %swap3A_2151 = arith.constant 0 : index
    %swap3A_2152 = arith.constant 0 : index
    %swap3A_2153 = vector.load %arg5[%swap3A_2151, %swap3A_2152] : memref<64x1024xf32, #tpu.memory_space<vmem>>, vector<64x1024xf32>
    tpu.vector_store %arg5[%swap3A_2151, %swap3A_2152], %add3A_2150 {strides = array<i32>} : memref<64x1024xf32, #tpu.memory_space<vmem>>, vector<64x1024xf32>,
    %get3A_2154 = arith.constant 0 : index
    %get3A_2155 = arith.constant 0 : index
    %get3A_2156 = vector.load %arg3[%get3A_2154, %get3A_2155] : memref<1024x1024xbf16, #tpu.memory_space<vmem>>, vector<1024x1024xbf16>
    %transpose3A_2157 = tpu.transpose %get3A_2156, [1, 0] : vector<1024x1024xbf16> -> vector<1024x1024xbf16>
    %dot_general3A_2158 = arith.constant dense<0.000000e+00> : vector<64x1024xf32>
    %dot_general3A_2159 = tpu.matmul %convert_element_type3A_2140, %transpose3A_2157, %dot_general3A_2158 {dimension_numbers = #tpu.dot_dimension_numbers<[1], [0], [0], [1], [0, 0, 1, 1], [], []>, transpose_lhs_hint = false} : vector<64x1024xbf16>, vector<1024x1024xbf16>, vector<64x1024xf32> -> vector<64x1024xf32>
    %get3A_2160 = arith.constant 0 : index
    %get3A_2161 = arith.constant 0 : index
    %get3A_2162 = vector.load %arg4[%get3A_2160, %get3A_2161] : memref<1x1024xf32, #tpu.memory_space<vmem>>, vector<1x1024xf32>
    %add3A_2163 = vector.broadcast %get3A_2162 : vector<1x1024xf32> to vector<64x1024xf32>
    %add3A_2164 = arith.addf %dot_general3A_2159, %add3A_2163 : vector<64x1024xf32>
    %swap3A_2165 = arith.constant 0 : index
    %swap3A_2166 = arith.constant 0 : index
    %swap3A_2167 = vector.load %arg6[%swap3A_2165, %swap3A_2166] : memref<64x1024xf32, #tpu.memory_space<vmem>>, vector<64x1024xf32>
    tpu.vector_store %arg6[%swap3A_2165, %swap3A_2166], %add3A_2164 {strides = array<i32>} : memref<64x1024xf32, #tpu.memory_space<vmem>>, vector<64x1024xf32>,
    return
  }
}

module attributes {stable_mosaic.version = 14 : i64} {
  func.func @_attn_ms_body(%arg0: i32, %arg1: memref<512x1024xf32, #tpu.memory_space<vmem>>, %arg2: memref<1024x1024xbf16, #tpu.memory_space<vmem>>, %arg3: memref<1x1024xf32, #tpu.memory_space<vmem>>, %arg4: memref<1024x1024xbf16, #tpu.memory_space<vmem>>, %arg5: memref<1x1024xf32, #tpu.memory_space<vmem>>, %arg6: memref<512x1024xbf16, #tpu.memory_space<vmem>>, %arg7: memref<1x1024xf32, #tpu.memory_space<vmem>>, %arg8: memref<1x1xf32, #tpu.memory_space<vmem>>, %arg9: memref<64x1024xf32, #tpu.memory_space<vmem>>, %arg10: memref<64x1024xf32, #tpu.memory_space<vmem>>, %arg11: memref<512x1024xf32, #tpu.memory_space<vmem>>, %arg12: memref<512x1xf32, #tpu.memory_space<vmem>>, %arg13: memref<512x512xf32, #tpu.memory_space<vmem>>) attributes {dimension_semantics = [#tpu.dimension_semantics<arbitrary>], iteration_bounds = array<i64: 4>, scalar_prefetch = 0 : i64, scratch_operands = 0 : i64, tpu.core_type = #tpu.core_type<tc>, window_params = [{transform_indices = @transform_0, window_bounds = array<i64: 512, 1024>}, {pipeline_mode = #tpu.pipeline_mode<synchronous>, transform_indices = @transform_1, window_bounds = array<i64: 1024, 1024>}, {pipeline_mode = #tpu.pipeline_mode<synchronous>, transform_indices = @transform_2, window_bounds = array<i64: 1, 1024>}, {pipeline_mode = #tpu.pipeline_mode<synchronous>, transform_indices = @transform_3, window_bounds = array<i64: 1024, 1024>}, {pipeline_mode = #tpu.pipeline_mode<synchronous>, transform_indices = @transform_4, window_bounds = array<i64: 1, 1024>}, {pipeline_mode = #tpu.pipeline_mode<synchronous>, transform_indices = @transform_5, window_bounds = array<i64: 512, 1024>}, {pipeline_mode = #tpu.pipeline_mode<synchronous>, transform_indices = @transform_6, window_bounds = array<i64: 1, 1024>}, {pipeline_mode = #tpu.pipeline_mode<synchronous>, transform_indices = @transform_7, window_bounds = array<i64: 1, 1>}, {pipeline_mode = #tpu.pipeline_mode<synchronous>, transform_indices = @transform_8, window_bounds = array<i64: 64, 1024>}, {pipeline_mode = #tpu.pipeline_mode<synchronous>, transform_indices = @transform_9, window_bounds = array<i64: 64, 1024>}, {transform_indices = @transform_10, window_bounds = array<i64: 512, 1024>}, {transform_indices = @transform_11, window_bounds = array<i64: 512, 1>}, {transform_indices = @transform_12, window_bounds = array<i64: 512, 512>}]} {
    %get3A = arith.constant 0 : index
    %get3A_0 = arith.constant 0 : index
    %get3A_1 = vector.load %arg1[%get3A, %get3A_0] : memref<512x1024xf32, #tpu.memory_space<vmem>>, vector<512x1024xf32>
    %convert_element_type3A = arith.truncf %get3A_1 : vector<512x1024xf32> to vector<512x1024xbf16>
    %get3A_2 = arith.constant 0 : index
    %get3A_3 = arith.constant 0 : index
    %get3A_4 = vector.load %arg2[%get3A_2, %get3A_3] : memref<1024x1024xbf16, #tpu.memory_space<vmem>>, vector<1024x1024xbf16>
    %transpose3A = tpu.transpose %get3A_4, [1, 0] : vector<1024x1024xbf16> -> vector<1024x1024xbf16>
    %dot_general3A = arith.constant dense<0.000000e+00> : vector<512x1024xf32>
    %dot_general3A_5 = tpu.matmul %convert_element_type3A, %transpose3A, %dot_general3A {dimension_numbers = #tpu.dot_dimension_numbers<[1], [0], [0], [1], [0, 0, 1, 1], [], []>, transpose_lhs_hint = false} : vector<512x1024xbf16>, vector<1024x1024xbf16>, vector<512x1024xf32> -> vector<512x1024xf32>
    %get3A_6 = arith.constant 0 : index
    %get3A_7 = arith.constant 0 : index
    %get3A_8 = vector.load %arg3[%get3A_6, %get3A_7] : memref<1x1024xf32, #tpu.memory_space<vmem>>, vector<1x1024xf32>
    %add3A = vector.broadcast %get3A_8 : vector<1x1024xf32> to vector<512x1024xf32>
    %add3A_9 = arith.addf %dot_general3A_5, %add3A : vector<512x1024xf32>
    %get3A_10 = arith.constant 0 : index
    %get3A_11 = arith.constant 0 : index
    %get3A_12 = vector.load %arg9[%get3A_10, %get3A_11] : memref<64x1024xf32, #tpu.memory_space<vmem>>, vector<64x1024xf32>
    %convert_element_type3A_13 = arith.truncf %get3A_12 : vector<64x1024xf32> to vector<64x1024xbf16>
    %get3A_14 = arith.constant 0 : index
    %get3A_15 = arith.constant 0 : index
    %get3A_16 = vector.load %arg10[%get3A_14, %get3A_15] : memref<64x1024xf32, #tpu.memory_space<vmem>>, vector<64x1024xf32>
    %convert_element_type3A_17 = arith.truncf %get3A_16 : vector<64x1024xf32> to vector<64x1024xbf16>
    %slice3A = vector.extract_strided_slice %add3A_9 {offsets = [0, 0], sizes = [512, 64], strides = [1, 1]} : vector<512x1024xf32> to vector<512x64xf32>
    %convert_element_type3A_18 = arith.truncf %slice3A : vector<512x64xf32> to vector<512x64xbf16>
    %slice3A_19 = vector.extract_strided_slice %convert_element_type3A_13 {offsets = [0, 0], sizes = [64, 64], strides = [1, 1]} : vector<64x1024xbf16> to vector<64x64xbf16>
    %transpose3A_20 = tpu.transpose %slice3A_19, [1, 0] : vector<64x64xbf16> -> vector<64x64xbf16>
    %dot_general3A_21 = arith.constant dense<0.000000e+00> : vector<512x64xf32>
    %dot_general3A_22 = tpu.matmul %convert_element_type3A_18, %transpose3A_20, %dot_general3A_21 {dimension_numbers = #tpu.dot_dimension_numbers<[1], [0], [0], [1], [0, 0, 1, 1], [], []>, transpose_lhs_hint = false} : vector<512x64xbf16>, vector<64x64xbf16>, vector<512x64xf32> -> vector<512x64xf32>
    %mul3A = arith.constant 1.250000e-01 : f32
    %mul3A_23 = vector.broadcast %mul3A : f32 to vector<512x64xf32>
    %mul3A_24 = arith.mulf %dot_general3A_22, %mul3A_23 : vector<512x64xf32>
    %reduce_max3A = arith.constant dense<0xFF800000> : vector<512xf32>
    %reduce_max3A_25 = vector.multi_reduction <maximumf>, %mul3A_24, %reduce_max3A [1] : vector<512x64xf32> to vector<512xf32>
    %broadcast_in_dim3A = vector.shape_cast %reduce_max3A_25 : vector<512xf32> to vector<512x1xf32>
    %sub3A = vector.broadcast %broadcast_in_dim3A : vector<512x1xf32> to vector<512x64xf32>
    %sub3A_26 = arith.subf %mul3A_24, %sub3A : vector<512x64xf32>
    %exp3A = math.exp %sub3A_26 : vector<512x64xf32>
    %reduce_sum3A = arith.constant dense<0.000000e+00> : vector<512xf32>
    %reduce_sum3A_27 = vector.multi_reduction <add>, %exp3A, %reduce_sum3A [1] : vector<512x64xf32> to vector<512xf32>
    %broadcast_in_dim3A_28 = vector.shape_cast %reduce_sum3A_27 : vector<512xf32> to vector<512x1xf32>
    %div3A = vector.broadcast %broadcast_in_dim3A_28 : vector<512x1xf32> to vector<512x64xf32>
    %div3A_29 = arith.divf %exp3A, %div3A : vector<512x64xf32>
    %convert_element_type3A_30 = arith.truncf %div3A_29 : vector<512x64xf32> to vector<512x64xbf16>
    %slice3A_31 = vector.extract_strided_slice %convert_element_type3A_17 {offsets = [0, 0], sizes = [64, 64], strides = [1, 1]} : vector<64x1024xbf16> to vector<64x64xbf16>
    %dot_general3A_32 = arith.constant dense<0.000000e+00> : vector<512x64xf32>
    %dot_general3A_33 = tpu.matmul %convert_element_type3A_30, %slice3A_31, %dot_general3A_32 {dimension_numbers = #tpu.dot_dimension_numbers<[1], [0], [0], [1], [0, 0, 1, 1], [], []>, transpose_lhs_hint = false} : vector<512x64xbf16>, vector<64x64xbf16>, vector<512x64xf32> -> vector<512x64xf32>
    %slice3A_34 = vector.extract_strided_slice %add3A_9 {offsets = [0, 64], sizes = [512, 64], strides = [1, 1]} : vector<512x1024xf32> to vector<512x64xf32>
    %convert_element_type3A_35 = arith.truncf %slice3A_34 : vector<512x64xf32> to vector<512x64xbf16>
    %slice3A_36 = vector.extract_strided_slice %convert_element_type3A_13 {offsets = [0, 64], sizes = [64, 64], strides = [1, 1]} : vector<64x1024xbf16> to vector<64x64xbf16>
    %transpose3A_37 = tpu.transpose %slice3A_36, [1, 0] : vector<64x64xbf16> -> vector<64x64xbf16>
    %dot_general3A_38 = arith.constant dense<0.000000e+00> : vector<512x64xf32>
    %dot_general3A_39 = tpu.matmul %convert_element_type3A_35, %transpose3A_37, %dot_general3A_38 {dimension_numbers = #tpu.dot_dimension_numbers<[1], [0], [0], [1], [0, 0, 1, 1], [], []>, transpose_lhs_hint = false} : vector<512x64xbf16>, vector<64x64xbf16>, vector<512x64xf32> -> vector<512x64xf32>
    %mul3A_40 = arith.constant 1.250000e-01 : f32
    %mul3A_41 = vector.broadcast %mul3A_40 : f32 to vector<512x64xf32>
    %mul3A_42 = arith.mulf %dot_general3A_39, %mul3A_41 : vector<512x64xf32>
    %reduce_max3A_43 = arith.constant dense<0xFF800000> : vector<512xf32>
    %reduce_max3A_44 = vector.multi_reduction <maximumf>, %mul3A_42, %reduce_max3A_43 [1] : vector<512x64xf32> to vector<512xf32>
    %broadcast_in_dim3A_45 = vector.shape_cast %reduce_max3A_44 : vector<512xf32> to vector<512x1xf32>
    %sub3A_46 = vector.broadcast %broadcast_in_dim3A_45 : vector<512x1xf32> to vector<512x64xf32>
    %sub3A_47 = arith.subf %mul3A_42, %sub3A_46 : vector<512x64xf32>
    %exp3A_48 = math.exp %sub3A_47 : vector<512x64xf32>
    %reduce_sum3A_49 = arith.constant dense<0.000000e+00> : vector<512xf32>
    %reduce_sum3A_50 = vector.multi_reduction <add>, %exp3A_48, %reduce_sum3A_49 [1] : vector<512x64xf32> to vector<512xf32>
    %broadcast_in_dim3A_51 = vector.shape_cast %reduce_sum3A_50 : vector<512xf32> to vector<512x1xf32>
    %div3A_52 = vector.broadcast %broadcast_in_dim3A_51 : vector<512x1xf32> to vector<512x64xf32>
    %div3A_53 = arith.divf %exp3A_48, %div3A_52 : vector<512x64xf32>
    %convert_element_type3A_54 = arith.truncf %div3A_53 : vector<512x64xf32> to vector<512x64xbf16>
    %slice3A_55 = vector.extract_strided_slice %convert_element_type3A_17 {offsets = [0, 64], sizes = [64, 64], strides = [1, 1]} : vector<64x1024xbf16> to vector<64x64xbf16>
    %dot_general3A_56 = arith.constant dense<0.000000e+00> : vector<512x64xf32>
    %dot_general3A_57 = tpu.matmul %convert_element_type3A_54, %slice3A_55, %dot_general3A_56 {dimension_numbers = #tpu.dot_dimension_numbers<[1], [0], [0], [1], [0, 0, 1, 1], [], []>, transpose_lhs_hint = false} : vector<512x64xbf16>, vector<64x64xbf16>, vector<512x64xf32> -> vector<512x64xf32>
    %slice3A_58 = vector.extract_strided_slice %add3A_9 {offsets = [0, 128], sizes = [512, 64], strides = [1, 1]} : vector<512x1024xf32> to vector<512x64xf32>
    %convert_element_type3A_59 = arith.truncf %slice3A_58 : vector<512x64xf32> to vector<512x64xbf16>
    %slice3A_60 = vector.extract_strided_slice %convert_element_type3A_13 {offsets = [0, 128], sizes = [64, 64], strides = [1, 1]} : vector<64x1024xbf16> to vector<64x64xbf16>
    %transpose3A_61 = tpu.transpose %slice3A_60, [1, 0] : vector<64x64xbf16> -> vector<64x64xbf16>
    %dot_general3A_62 = arith.constant dense<0.000000e+00> : vector<512x64xf32>
    %dot_general3A_63 = tpu.matmul %convert_element_type3A_59, %transpose3A_61, %dot_general3A_62 {dimension_numbers = #tpu.dot_dimension_numbers<[1], [0], [0], [1], [0, 0, 1, 1], [], []>, transpose_lhs_hint = false} : vector<512x64xbf16>, vector<64x64xbf16>, vector<512x64xf32> -> vector<512x64xf32>
    %mul3A_64 = arith.constant 1.250000e-01 : f32
    %mul3A_65 = vector.broadcast %mul3A_64 : f32 to vector<512x64xf32>
    %mul3A_66 = arith.mulf %dot_general3A_63, %mul3A_65 : vector<512x64xf32>
    %reduce_max3A_67 = arith.constant dense<0xFF800000> : vector<512xf32>
    %reduce_max3A_68 = vector.multi_reduction <maximumf>, %mul3A_66, %reduce_max3A_67 [1] : vector<512x64xf32> to vector<512xf32>
    %broadcast_in_dim3A_69 = vector.shape_cast %reduce_max3A_68 : vector<512xf32> to vector<512x1xf32>
    %sub3A_70 = vector.broadcast %broadcast_in_dim3A_69 : vector<512x1xf32> to vector<512x64xf32>
    %sub3A_71 = arith.subf %mul3A_66, %sub3A_70 : vector<512x64xf32>
    %exp3A_72 = math.exp %sub3A_71 : vector<512x64xf32>
    %reduce_sum3A_73 = arith.constant dense<0.000000e+00> : vector<512xf32>
    %reduce_sum3A_74 = vector.multi_reduction <add>, %exp3A_72, %reduce_sum3A_73 [1] : vector<512x64xf32> to vector<512xf32>
    %broadcast_in_dim3A_75 = vector.shape_cast %reduce_sum3A_74 : vector<512xf32> to vector<512x1xf32>
    %div3A_76 = vector.broadcast %broadcast_in_dim3A_75 : vector<512x1xf32> to vector<512x64xf32>
    %div3A_77 = arith.divf %exp3A_72, %div3A_76 : vector<512x64xf32>
    %convert_element_type3A_78 = arith.truncf %div3A_77 : vector<512x64xf32> to vector<512x64xbf16>
    %slice3A_79 = vector.extract_strided_slice %convert_element_type3A_17 {offsets = [0, 128], sizes = [64, 64], strides = [1, 1]} : vector<64x1024xbf16> to vector<64x64xbf16>
    %dot_general3A_80 = arith.constant dense<0.000000e+00> : vector<512x64xf32>
    %dot_general3A_81 = tpu.matmul %convert_element_type3A_78, %slice3A_79, %dot_general3A_80 {dimension_numbers = #tpu.dot_dimension_numbers<[1], [0], [0], [1], [0, 0, 1, 1], [], []>, transpose_lhs_hint = false} : vector<512x64xbf16>, vector<64x64xbf16>, vector<512x64xf32> -> vector<512x64xf32>
    %slice3A_82 = vector.extract_strided_slice %add3A_9 {offsets = [0, 192], sizes = [512, 64], strides = [1, 1]} : vector<512x1024xf32> to vector<512x64xf32>
    %convert_element_type3A_83 = arith.truncf %slice3A_82 : vector<512x64xf32> to vector<512x64xbf16>
    %slice3A_84 = vector.extract_strided_slice %convert_element_type3A_13 {offsets = [0, 192], sizes = [64, 64], strides = [1, 1]} : vector<64x1024xbf16> to vector<64x64xbf16>
    %transpose3A_85 = tpu.transpose %slice3A_84, [1, 0] : vector<64x64xbf16> -> vector<64x64xbf16>
    %dot_general3A_86 = arith.constant dense<0.000000e+00> : vector<512x64xf32>
    %dot_general3A_87 = tpu.matmul %convert_element_type3A_83, %transpose3A_85, %dot_general3A_86 {dimension_numbers = #tpu.dot_dimension_numbers<[1], [0], [0], [1], [0, 0, 1, 1], [], []>, transpose_lhs_hint = false} : vector<512x64xbf16>, vector<64x64xbf16>, vector<512x64xf32> -> vector<512x64xf32>
    %mul3A_88 = arith.constant 1.250000e-01 : f32
    %mul3A_89 = vector.broadcast %mul3A_88 : f32 to vector<512x64xf32>
    %mul3A_90 = arith.mulf %dot_general3A_87, %mul3A_89 : vector<512x64xf32>
    %reduce_max3A_91 = arith.constant dense<0xFF800000> : vector<512xf32>
    %reduce_max3A_92 = vector.multi_reduction <maximumf>, %mul3A_90, %reduce_max3A_91 [1] : vector<512x64xf32> to vector<512xf32>
    %broadcast_in_dim3A_93 = vector.shape_cast %reduce_max3A_92 : vector<512xf32> to vector<512x1xf32>
    %sub3A_94 = vector.broadcast %broadcast_in_dim3A_93 : vector<512x1xf32> to vector<512x64xf32>
    %sub3A_95 = arith.subf %mul3A_90, %sub3A_94 : vector<512x64xf32>
    %exp3A_96 = math.exp %sub3A_95 : vector<512x64xf32>
    %reduce_sum3A_97 = arith.constant dense<0.000000e+00> : vector<512xf32>
    %reduce_sum3A_98 = vector.multi_reduction <add>, %exp3A_96, %reduce_sum3A_97 [1] : vector<512x64xf32> to vector<512xf32>
    %broadcast_in_dim3A_99 = vector.shape_cast %reduce_sum3A_98 : vector<512xf32> to vector<512x1xf32>
    %div3A_100 = vector.broadcast %broadcast_in_dim3A_99 : vector<512x1xf32> to vector<512x64xf32>
    %div3A_101 = arith.divf %exp3A_96, %div3A_100 : vector<512x64xf32>
    %convert_element_type3A_102 = arith.truncf %div3A_101 : vector<512x64xf32> to vector<512x64xbf16>
    %slice3A_103 = vector.extract_strided_slice %convert_element_type3A_17 {offsets = [0, 192], sizes = [64, 64], strides = [1, 1]} : vector<64x1024xbf16> to vector<64x64xbf16>
    %dot_general3A_104 = arith.constant dense<0.000000e+00> : vector<512x64xf32>
    %dot_general3A_105 = tpu.matmul %convert_element_type3A_102, %slice3A_103, %dot_general3A_104 {dimension_numbers = #tpu.dot_dimension_numbers<[1], [0], [0], [1], [0, 0, 1, 1], [], []>, transpose_lhs_hint = false} : vector<512x64xbf16>, vector<64x64xbf16>, vector<512x64xf32> -> vector<512x64xf32>
    %slice3A_106 = vector.extract_strided_slice %add3A_9 {offsets = [0, 256], sizes = [512, 64], strides = [1, 1]} : vector<512x1024xf32> to vector<512x64xf32>
    %convert_element_type3A_107 = arith.truncf %slice3A_106 : vector<512x64xf32> to vector<512x64xbf16>
    %slice3A_108 = vector.extract_strided_slice %convert_element_type3A_13 {offsets = [0, 256], sizes = [64, 64], strides = [1, 1]} : vector<64x1024xbf16> to vector<64x64xbf16>
    %transpose3A_109 = tpu.transpose %slice3A_108, [1, 0] : vector<64x64xbf16> -> vector<64x64xbf16>
    %dot_general3A_110 = arith.constant dense<0.000000e+00> : vector<512x64xf32>
    %dot_general3A_111 = tpu.matmul %convert_element_type3A_107, %transpose3A_109, %dot_general3A_110 {dimension_numbers = #tpu.dot_dimension_numbers<[1], [0], [0], [1], [0, 0, 1, 1], [], []>, transpose_lhs_hint = false} : vector<512x64xbf16>, vector<64x64xbf16>, vector<512x64xf32> -> vector<512x64xf32>
    %mul3A_112 = arith.constant 1.250000e-01 : f32
    %mul3A_113 = vector.broadcast %mul3A_112 : f32 to vector<512x64xf32>
    %mul3A_114 = arith.mulf %dot_general3A_111, %mul3A_113 : vector<512x64xf32>
    %reduce_max3A_115 = arith.constant dense<0xFF800000> : vector<512xf32>
    %reduce_max3A_116 = vector.multi_reduction <maximumf>, %mul3A_114, %reduce_max3A_115 [1] : vector<512x64xf32> to vector<512xf32>
    %broadcast_in_dim3A_117 = vector.shape_cast %reduce_max3A_116 : vector<512xf32> to vector<512x1xf32>
    %sub3A_118 = vector.broadcast %broadcast_in_dim3A_117 : vector<512x1xf32> to vector<512x64xf32>
    %sub3A_119 = arith.subf %mul3A_114, %sub3A_118 : vector<512x64xf32>
    %exp3A_120 = math.exp %sub3A_119 : vector<512x64xf32>
    %reduce_sum3A_121 = arith.constant dense<0.000000e+00> : vector<512xf32>
    %reduce_sum3A_122 = vector.multi_reduction <add>, %exp3A_120, %reduce_sum3A_121 [1] : vector<512x64xf32> to vector<512xf32>
    %broadcast_in_dim3A_123 = vector.shape_cast %reduce_sum3A_122 : vector<512xf32> to vector<512x1xf32>
    %div3A_124 = vector.broadcast %broadcast_in_dim3A_123 : vector<512x1xf32> to vector<512x64xf32>
    %div3A_125 = arith.divf %exp3A_120, %div3A_124 : vector<512x64xf32>
    %convert_element_type3A_126 = arith.truncf %div3A_125 : vector<512x64xf32> to vector<512x64xbf16>
    %slice3A_127 = vector.extract_strided_slice %convert_element_type3A_17 {offsets = [0, 256], sizes = [64, 64], strides = [1, 1]} : vector<64x1024xbf16> to vector<64x64xbf16>
    %dot_general3A_128 = arith.constant dense<0.000000e+00> : vector<512x64xf32>
    %dot_general3A_129 = tpu.matmul %convert_element_type3A_126, %slice3A_127, %dot_general3A_128 {dimension_numbers = #tpu.dot_dimension_numbers<[1], [0], [0], [1], [0, 0, 1, 1], [], []>, transpose_lhs_hint = false} : vector<512x64xbf16>, vector<64x64xbf16>, vector<512x64xf32> -> vector<512x64xf32>
    %slice3A_130 = vector.extract_strided_slice %add3A_9 {offsets = [0, 320], sizes = [512, 64], strides = [1, 1]} : vector<512x1024xf32> to vector<512x64xf32>
    %convert_element_type3A_131 = arith.truncf %slice3A_130 : vector<512x64xf32> to vector<512x64xbf16>
    %slice3A_132 = vector.extract_strided_slice %convert_element_type3A_13 {offsets = [0, 320], sizes = [64, 64], strides = [1, 1]} : vector<64x1024xbf16> to vector<64x64xbf16>
    %transpose3A_133 = tpu.transpose %slice3A_132, [1, 0] : vector<64x64xbf16> -> vector<64x64xbf16>
    %dot_general3A_134 = arith.constant dense<0.000000e+00> : vector<512x64xf32>
    %dot_general3A_135 = tpu.matmul %convert_element_type3A_131, %transpose3A_133, %dot_general3A_134 {dimension_numbers = #tpu.dot_dimension_numbers<[1], [0], [0], [1], [0, 0, 1, 1], [], []>, transpose_lhs_hint = false} : vector<512x64xbf16>, vector<64x64xbf16>, vector<512x64xf32> -> vector<512x64xf32>
    %mul3A_136 = arith.constant 1.250000e-01 : f32
    %mul3A_137 = vector.broadcast %mul3A_136 : f32 to vector<512x64xf32>
    %mul3A_138 = arith.mulf %dot_general3A_135, %mul3A_137 : vector<512x64xf32>
    %reduce_max3A_139 = arith.constant dense<0xFF800000> : vector<512xf32>
    %reduce_max3A_140 = vector.multi_reduction <maximumf>, %mul3A_138, %reduce_max3A_139 [1] : vector<512x64xf32> to vector<512xf32>
    %broadcast_in_dim3A_141 = vector.shape_cast %reduce_max3A_140 : vector<512xf32> to vector<512x1xf32>
    %sub3A_142 = vector.broadcast %broadcast_in_dim3A_141 : vector<512x1xf32> to vector<512x64xf32>
    %sub3A_143 = arith.subf %mul3A_138, %sub3A_142 : vector<512x64xf32>
    %exp3A_144 = math.exp %sub3A_143 : vector<512x64xf32>
    %reduce_sum3A_145 = arith.constant dense<0.000000e+00> : vector<512xf32>
    %reduce_sum3A_146 = vector.multi_reduction <add>, %exp3A_144, %reduce_sum3A_145 [1] : vector<512x64xf32> to vector<512xf32>
    %broadcast_in_dim3A_147 = vector.shape_cast %reduce_sum3A_146 : vector<512xf32> to vector<512x1xf32>
    %div3A_148 = vector.broadcast %broadcast_in_dim3A_147 : vector<512x1xf32> to vector<512x64xf32>
    %div3A_149 = arith.divf %exp3A_144, %div3A_148 : vector<512x64xf32>
    %convert_element_type3A_150 = arith.truncf %div3A_149 : vector<512x64xf32> to vector<512x64xbf16>
    %slice3A_151 = vector.extract_strided_slice %convert_element_type3A_17 {offsets = [0, 320], sizes = [64, 64], strides = [1, 1]} : vector<64x1024xbf16> to vector<64x64xbf16>
    %dot_general3A_152 = arith.constant dense<0.000000e+00> : vector<512x64xf32>
    %dot_general3A_153 = tpu.matmul %convert_element_type3A_150, %slice3A_151, %dot_general3A_152 {dimension_numbers = #tpu.dot_dimension_numbers<[1], [0], [0], [1], [0, 0, 1, 1], [], []>, transpose_lhs_hint = false} : vector<512x64xbf16>, vector<64x64xbf16>, vector<512x64xf32> -> vector<512x64xf32>
    %slice3A_154 = vector.extract_strided_slice %add3A_9 {offsets = [0, 384], sizes = [512, 64], strides = [1, 1]} : vector<512x1024xf32> to vector<512x64xf32>
    %convert_element_type3A_155 = arith.truncf %slice3A_154 : vector<512x64xf32> to vector<512x64xbf16>
    %slice3A_156 = vector.extract_strided_slice %convert_element_type3A_13 {offsets = [0, 384], sizes = [64, 64], strides = [1, 1]} : vector<64x1024xbf16> to vector<64x64xbf16>
    %transpose3A_157 = tpu.transpose %slice3A_156, [1, 0] : vector<64x64xbf16> -> vector<64x64xbf16>
    %dot_general3A_158 = arith.constant dense<0.000000e+00> : vector<512x64xf32>
    %dot_general3A_159 = tpu.matmul %convert_element_type3A_155, %transpose3A_157, %dot_general3A_158 {dimension_numbers = #tpu.dot_dimension_numbers<[1], [0], [0], [1], [0, 0, 1, 1], [], []>, transpose_lhs_hint = false} : vector<512x64xbf16>, vector<64x64xbf16>, vector<512x64xf32> -> vector<512x64xf32>
    %mul3A_160 = arith.constant 1.250000e-01 : f32
    %mul3A_161 = vector.broadcast %mul3A_160 : f32 to vector<512x64xf32>
    %mul3A_162 = arith.mulf %dot_general3A_159, %mul3A_161 : vector<512x64xf32>
    %reduce_max3A_163 = arith.constant dense<0xFF800000> : vector<512xf32>
    %reduce_max3A_164 = vector.multi_reduction <maximumf>, %mul3A_162, %reduce_max3A_163 [1] : vector<512x64xf32> to vector<512xf32>
    %broadcast_in_dim3A_165 = vector.shape_cast %reduce_max3A_164 : vector<512xf32> to vector<512x1xf32>
    %sub3A_166 = vector.broadcast %broadcast_in_dim3A_165 : vector<512x1xf32> to vector<512x64xf32>
    %sub3A_167 = arith.subf %mul3A_162, %sub3A_166 : vector<512x64xf32>
    %exp3A_168 = math.exp %sub3A_167 : vector<512x64xf32>
    %reduce_sum3A_169 = arith.constant dense<0.000000e+00> : vector<512xf32>
    %reduce_sum3A_170 = vector.multi_reduction <add>, %exp3A_168, %reduce_sum3A_169 [1] : vector<512x64xf32> to vector<512xf32>
    %broadcast_in_dim3A_171 = vector.shape_cast %reduce_sum3A_170 : vector<512xf32> to vector<512x1xf32>
    %div3A_172 = vector.broadcast %broadcast_in_dim3A_171 : vector<512x1xf32> to vector<512x64xf32>
    %div3A_173 = arith.divf %exp3A_168, %div3A_172 : vector<512x64xf32>
    %convert_element_type3A_174 = arith.truncf %div3A_173 : vector<512x64xf32> to vector<512x64xbf16>
    %slice3A_175 = vector.extract_strided_slice %convert_element_type3A_17 {offsets = [0, 384], sizes = [64, 64], strides = [1, 1]} : vector<64x1024xbf16> to vector<64x64xbf16>
    %dot_general3A_176 = arith.constant dense<0.000000e+00> : vector<512x64xf32>
    %dot_general3A_177 = tpu.matmul %convert_element_type3A_174, %slice3A_175, %dot_general3A_176 {dimension_numbers = #tpu.dot_dimension_numbers<[1], [0], [0], [1], [0, 0, 1, 1], [], []>, transpose_lhs_hint = false} : vector<512x64xbf16>, vector<64x64xbf16>, vector<512x64xf32> -> vector<512x64xf32>
    %slice3A_178 = vector.extract_strided_slice %add3A_9 {offsets = [0, 448], sizes = [512, 64], strides = [1, 1]} : vector<512x1024xf32> to vector<512x64xf32>
    %convert_element_type3A_179 = arith.truncf %slice3A_178 : vector<512x64xf32> to vector<512x64xbf16>
    %slice3A_180 = vector.extract_strided_slice %convert_element_type3A_13 {offsets = [0, 448], sizes = [64, 64], strides = [1, 1]} : vector<64x1024xbf16> to vector<64x64xbf16>
    %transpose3A_181 = tpu.transpose %slice3A_180, [1, 0] : vector<64x64xbf16> -> vector<64x64xbf16>
    %dot_general3A_182 = arith.constant dense<0.000000e+00> : vector<512x64xf32>
    %dot_general3A_183 = tpu.matmul %convert_element_type3A_179, %transpose3A_181, %dot_general3A_182 {dimension_numbers = #tpu.dot_dimension_numbers<[1], [0], [0], [1], [0, 0, 1, 1], [], []>, transpose_lhs_hint = false} : vector<512x64xbf16>, vector<64x64xbf16>, vector<512x64xf32> -> vector<512x64xf32>
    %mul3A_184 = arith.constant 1.250000e-01 : f32
    %mul3A_185 = vector.broadcast %mul3A_184 : f32 to vector<512x64xf32>
    %mul3A_186 = arith.mulf %dot_general3A_183, %mul3A_185 : vector<512x64xf32>
    %reduce_max3A_187 = arith.constant dense<0xFF800000> : vector<512xf32>
    %reduce_max3A_188 = vector.multi_reduction <maximumf>, %mul3A_186, %reduce_max3A_187 [1] : vector<512x64xf32> to vector<512xf32>
    %broadcast_in_dim3A_189 = vector.shape_cast %reduce_max3A_188 : vector<512xf32> to vector<512x1xf32>
    %sub3A_190 = vector.broadcast %broadcast_in_dim3A_189 : vector<512x1xf32> to vector<512x64xf32>
    %sub3A_191 = arith.subf %mul3A_186, %sub3A_190 : vector<512x64xf32>
    %exp3A_192 = math.exp %sub3A_191 : vector<512x64xf32>
    %reduce_sum3A_193 = arith.constant dense<0.000000e+00> : vector<512xf32>
    %reduce_sum3A_194 = vector.multi_reduction <add>, %exp3A_192, %reduce_sum3A_193 [1] : vector<512x64xf32> to vector<512xf32>
    %broadcast_in_dim3A_195 = vector.shape_cast %reduce_sum3A_194 : vector<512xf32> to vector<512x1xf32>
    %div3A_196 = vector.broadcast %broadcast_in_dim3A_195 : vector<512x1xf32> to vector<512x64xf32>
    %div3A_197 = arith.divf %exp3A_192, %div3A_196 : vector<512x64xf32>
    %convert_element_type3A_198 = arith.truncf %div3A_197 : vector<512x64xf32> to vector<512x64xbf16>
    %slice3A_199 = vector.extract_strided_slice %convert_element_type3A_17 {offsets = [0, 448], sizes = [64, 64], strides = [1, 1]} : vector<64x1024xbf16> to vector<64x64xbf16>
    %dot_general3A_200 = arith.constant dense<0.000000e+00> : vector<512x64xf32>
    %dot_general3A_201 = tpu.matmul %convert_element_type3A_198, %slice3A_199, %dot_general3A_200 {dimension_numbers = #tpu.dot_dimension_numbers<[1], [0], [0], [1], [0, 0, 1, 1], [], []>, transpose_lhs_hint = false} : vector<512x64xbf16>, vector<64x64xbf16>, vector<512x64xf32> -> vector<512x64xf32>
    %slice3A_202 = vector.extract_strided_slice %add3A_9 {offsets = [0, 512], sizes = [512, 64], strides = [1, 1]} : vector<512x1024xf32> to vector<512x64xf32>
    %convert_element_type3A_203 = arith.truncf %slice3A_202 : vector<512x64xf32> to vector<512x64xbf16>
    %slice3A_204 = vector.extract_strided_slice %convert_element_type3A_13 {offsets = [0, 512], sizes = [64, 64], strides = [1, 1]} : vector<64x1024xbf16> to vector<64x64xbf16>
    %transpose3A_205 = tpu.transpose %slice3A_204, [1, 0] : vector<64x64xbf16> -> vector<64x64xbf16>
    %dot_general3A_206 = arith.constant dense<0.000000e+00> : vector<512x64xf32>
    %dot_general3A_207 = tpu.matmul %convert_element_type3A_203, %transpose3A_205, %dot_general3A_206 {dimension_numbers = #tpu.dot_dimension_numbers<[1], [0], [0], [1], [0, 0, 1, 1], [], []>, transpose_lhs_hint = false} : vector<512x64xbf16>, vector<64x64xbf16>, vector<512x64xf32> -> vector<512x64xf32>
    %mul3A_208 = arith.constant 1.250000e-01 : f32
    %mul3A_209 = vector.broadcast %mul3A_208 : f32 to vector<512x64xf32>
    %mul3A_210 = arith.mulf %dot_general3A_207, %mul3A_209 : vector<512x64xf32>
    %reduce_max3A_211 = arith.constant dense<0xFF800000> : vector<512xf32>
    %reduce_max3A_212 = vector.multi_reduction <maximumf>, %mul3A_210, %reduce_max3A_211 [1] : vector<512x64xf32> to vector<512xf32>
    %broadcast_in_dim3A_213 = vector.shape_cast %reduce_max3A_212 : vector<512xf32> to vector<512x1xf32>
    %sub3A_214 = vector.broadcast %broadcast_in_dim3A_213 : vector<512x1xf32> to vector<512x64xf32>
    %sub3A_215 = arith.subf %mul3A_210, %sub3A_214 : vector<512x64xf32>
    %exp3A_216 = math.exp %sub3A_215 : vector<512x64xf32>
    %reduce_sum3A_217 = arith.constant dense<0.000000e+00> : vector<512xf32>
    %reduce_sum3A_218 = vector.multi_reduction <add>, %exp3A_216, %reduce_sum3A_217 [1] : vector<512x64xf32> to vector<512xf32>
    %broadcast_in_dim3A_219 = vector.shape_cast %reduce_sum3A_218 : vector<512xf32> to vector<512x1xf32>
    %div3A_220 = vector.broadcast %broadcast_in_dim3A_219 : vector<512x1xf32> to vector<512x64xf32>
    %div3A_221 = arith.divf %exp3A_216, %div3A_220 : vector<512x64xf32>
    %convert_element_type3A_222 = arith.truncf %div3A_221 : vector<512x64xf32> to vector<512x64xbf16>
    %slice3A_223 = vector.extract_strided_slice %convert_element_type3A_17 {offsets = [0, 512], sizes = [64, 64], strides = [1, 1]} : vector<64x1024xbf16> to vector<64x64xbf16>
    %dot_general3A_224 = arith.constant dense<0.000000e+00> : vector<512x64xf32>
    %dot_general3A_225 = tpu.matmul %convert_element_type3A_222, %slice3A_223, %dot_general3A_224 {dimension_numbers = #tpu.dot_dimension_numbers<[1], [0], [0], [1], [0, 0, 1, 1], [], []>, transpose_lhs_hint = false} : vector<512x64xbf16>, vector<64x64xbf16>, vector<512x64xf32> -> vector<512x64xf32>
    %slice3A_226 = vector.extract_strided_slice %add3A_9 {offsets = [0, 576], sizes = [512, 64], strides = [1, 1]} : vector<512x1024xf32> to vector<512x64xf32>
    %convert_element_type3A_227 = arith.truncf %slice3A_226 : vector<512x64xf32> to vector<512x64xbf16>
    %slice3A_228 = vector.extract_strided_slice %convert_element_type3A_13 {offsets = [0, 576], sizes = [64, 64], strides = [1, 1]} : vector<64x1024xbf16> to vector<64x64xbf16>
    %transpose3A_229 = tpu.transpose %slice3A_228, [1, 0] : vector<64x64xbf16> -> vector<64x64xbf16>
    %dot_general3A_230 = arith.constant dense<0.000000e+00> : vector<512x64xf32>
    %dot_general3A_231 = tpu.matmul %convert_element_type3A_227, %transpose3A_229, %dot_general3A_230 {dimension_numbers = #tpu.dot_dimension_numbers<[1], [0], [0], [1], [0, 0, 1, 1], [], []>, transpose_lhs_hint = false} : vector<512x64xbf16>, vector<64x64xbf16>, vector<512x64xf32> -> vector<512x64xf32>
    %mul3A_232 = arith.constant 1.250000e-01 : f32
    %mul3A_233 = vector.broadcast %mul3A_232 : f32 to vector<512x64xf32>
    %mul3A_234 = arith.mulf %dot_general3A_231, %mul3A_233 : vector<512x64xf32>
    %reduce_max3A_235 = arith.constant dense<0xFF800000> : vector<512xf32>
    %reduce_max3A_236 = vector.multi_reduction <maximumf>, %mul3A_234, %reduce_max3A_235 [1] : vector<512x64xf32> to vector<512xf32>
    %broadcast_in_dim3A_237 = vector.shape_cast %reduce_max3A_236 : vector<512xf32> to vector<512x1xf32>
    %sub3A_238 = vector.broadcast %broadcast_in_dim3A_237 : vector<512x1xf32> to vector<512x64xf32>
    %sub3A_239 = arith.subf %mul3A_234, %sub3A_238 : vector<512x64xf32>
    %exp3A_240 = math.exp %sub3A_239 : vector<512x64xf32>
    %reduce_sum3A_241 = arith.constant dense<0.000000e+00> : vector<512xf32>
    %reduce_sum3A_242 = vector.multi_reduction <add>, %exp3A_240, %reduce_sum3A_241 [1] : vector<512x64xf32> to vector<512xf32>
    %broadcast_in_dim3A_243 = vector.shape_cast %reduce_sum3A_242 : vector<512xf32> to vector<512x1xf32>
    %div3A_244 = vector.broadcast %broadcast_in_dim3A_243 : vector<512x1xf32> to vector<512x64xf32>
    %div3A_245 = arith.divf %exp3A_240, %div3A_244 : vector<512x64xf32>
    %convert_element_type3A_246 = arith.truncf %div3A_245 : vector<512x64xf32> to vector<512x64xbf16>
    %slice3A_247 = vector.extract_strided_slice %convert_element_type3A_17 {offsets = [0, 576], sizes = [64, 64], strides = [1, 1]} : vector<64x1024xbf16> to vector<64x64xbf16>
    %dot_general3A_248 = arith.constant dense<0.000000e+00> : vector<512x64xf32>
    %dot_general3A_249 = tpu.matmul %convert_element_type3A_246, %slice3A_247, %dot_general3A_248 {dimension_numbers = #tpu.dot_dimension_numbers<[1], [0], [0], [1], [0, 0, 1, 1], [], []>, transpose_lhs_hint = false} : vector<512x64xbf16>, vector<64x64xbf16>, vector<512x64xf32> -> vector<512x64xf32>
    %slice3A_250 = vector.extract_strided_slice %add3A_9 {offsets = [0, 640], sizes = [512, 64], strides = [1, 1]} : vector<512x1024xf32> to vector<512x64xf32>
    %convert_element_type3A_251 = arith.truncf %slice3A_250 : vector<512x64xf32> to vector<512x64xbf16>
    %slice3A_252 = vector.extract_strided_slice %convert_element_type3A_13 {offsets = [0, 640], sizes = [64, 64], strides = [1, 1]} : vector<64x1024xbf16> to vector<64x64xbf16>
    %transpose3A_253 = tpu.transpose %slice3A_252, [1, 0] : vector<64x64xbf16> -> vector<64x64xbf16>
    %dot_general3A_254 = arith.constant dense<0.000000e+00> : vector<512x64xf32>
    %dot_general3A_255 = tpu.matmul %convert_element_type3A_251, %transpose3A_253, %dot_general3A_254 {dimension_numbers = #tpu.dot_dimension_numbers<[1], [0], [0], [1], [0, 0, 1, 1], [], []>, transpose_lhs_hint = false} : vector<512x64xbf16>, vector<64x64xbf16>, vector<512x64xf32> -> vector<512x64xf32>
    %mul3A_256 = arith.constant 1.250000e-01 : f32
    %mul3A_257 = vector.broadcast %mul3A_256 : f32 to vector<512x64xf32>
    %mul3A_258 = arith.mulf %dot_general3A_255, %mul3A_257 : vector<512x64xf32>
    %reduce_max3A_259 = arith.constant dense<0xFF800000> : vector<512xf32>
    %reduce_max3A_260 = vector.multi_reduction <maximumf>, %mul3A_258, %reduce_max3A_259 [1] : vector<512x64xf32> to vector<512xf32>
    %broadcast_in_dim3A_261 = vector.shape_cast %reduce_max3A_260 : vector<512xf32> to vector<512x1xf32>
    %sub3A_262 = vector.broadcast %broadcast_in_dim3A_261 : vector<512x1xf32> to vector<512x64xf32>
    %sub3A_263 = arith.subf %mul3A_258, %sub3A_262 : vector<512x64xf32>
    %exp3A_264 = math.exp %sub3A_263 : vector<512x64xf32>
    %reduce_sum3A_265 = arith.constant dense<0.000000e+00> : vector<512xf32>
    %reduce_sum3A_266 = vector.multi_reduction <add>, %exp3A_264, %reduce_sum3A_265 [1] : vector<512x64xf32> to vector<512xf32>
    %broadcast_in_dim3A_267 = vector.shape_cast %reduce_sum3A_266 : vector<512xf32> to vector<512x1xf32>
    %div3A_268 = vector.broadcast %broadcast_in_dim3A_267 : vector<512x1xf32> to vector<512x64xf32>
    %div3A_269 = arith.divf %exp3A_264, %div3A_268 : vector<512x64xf32>
    %convert_element_type3A_270 = arith.truncf %div3A_269 : vector<512x64xf32> to vector<512x64xbf16>
    %slice3A_271 = vector.extract_strided_slice %convert_element_type3A_17 {offsets = [0, 640], sizes = [64, 64], strides = [1, 1]} : vector<64x1024xbf16> to vector<64x64xbf16>
    %dot_general3A_272 = arith.constant dense<0.000000e+00> : vector<512x64xf32>
    %dot_general3A_273 = tpu.matmul %convert_element_type3A_270, %slice3A_271, %dot_general3A_272 {dimension_numbers = #tpu.dot_dimension_numbers<[1], [0], [0], [1], [0, 0, 1, 1], [], []>, transpose_lhs_hint = false} : vector<512x64xbf16>, vector<64x64xbf16>, vector<512x64xf32> -> vector<512x64xf32>
    %slice3A_274 = vector.extract_strided_slice %add3A_9 {offsets = [0, 704], sizes = [512, 64], strides = [1, 1]} : vector<512x1024xf32> to vector<512x64xf32>
    %convert_element_type3A_275 = arith.truncf %slice3A_274 : vector<512x64xf32> to vector<512x64xbf16>
    %slice3A_276 = vector.extract_strided_slice %convert_element_type3A_13 {offsets = [0, 704], sizes = [64, 64], strides = [1, 1]} : vector<64x1024xbf16> to vector<64x64xbf16>
    %transpose3A_277 = tpu.transpose %slice3A_276, [1, 0] : vector<64x64xbf16> -> vector<64x64xbf16>
    %dot_general3A_278 = arith.constant dense<0.000000e+00> : vector<512x64xf32>
    %dot_general3A_279 = tpu.matmul %convert_element_type3A_275, %transpose3A_277, %dot_general3A_278 {dimension_numbers = #tpu.dot_dimension_numbers<[1], [0], [0], [1], [0, 0, 1, 1], [], []>, transpose_lhs_hint = false} : vector<512x64xbf16>, vector<64x64xbf16>, vector<512x64xf32> -> vector<512x64xf32>
    %mul3A_280 = arith.constant 1.250000e-01 : f32
    %mul3A_281 = vector.broadcast %mul3A_280 : f32 to vector<512x64xf32>
    %mul3A_282 = arith.mulf %dot_general3A_279, %mul3A_281 : vector<512x64xf32>
    %reduce_max3A_283 = arith.constant dense<0xFF800000> : vector<512xf32>
    %reduce_max3A_284 = vector.multi_reduction <maximumf>, %mul3A_282, %reduce_max3A_283 [1] : vector<512x64xf32> to vector<512xf32>
    %broadcast_in_dim3A_285 = vector.shape_cast %reduce_max3A_284 : vector<512xf32> to vector<512x1xf32>
    %sub3A_286 = vector.broadcast %broadcast_in_dim3A_285 : vector<512x1xf32> to vector<512x64xf32>
    %sub3A_287 = arith.subf %mul3A_282, %sub3A_286 : vector<512x64xf32>
    %exp3A_288 = math.exp %sub3A_287 : vector<512x64xf32>
    %reduce_sum3A_289 = arith.constant dense<0.000000e+00> : vector<512xf32>
    %reduce_sum3A_290 = vector.multi_reduction <add>, %exp3A_288, %reduce_sum3A_289 [1] : vector<512x64xf32> to vector<512xf32>
    %broadcast_in_dim3A_291 = vector.shape_cast %reduce_sum3A_290 : vector<512xf32> to vector<512x1xf32>
    %div3A_292 = vector.broadcast %broadcast_in_dim3A_291 : vector<512x1xf32> to vector<512x64xf32>
    %div3A_293 = arith.divf %exp3A_288, %div3A_292 : vector<512x64xf32>
    %convert_element_type3A_294 = arith.truncf %div3A_293 : vector<512x64xf32> to vector<512x64xbf16>
    %slice3A_295 = vector.extract_strided_slice %convert_element_type3A_17 {offsets = [0, 704], sizes = [64, 64], strides = [1, 1]} : vector<64x1024xbf16> to vector<64x64xbf16>
    %dot_general3A_296 = arith.constant dense<0.000000e+00> : vector<512x64xf32>
    %dot_general3A_297 = tpu.matmul %convert_element_type3A_294, %slice3A_295, %dot_general3A_296 {dimension_numbers = #tpu.dot_dimension_numbers<[1], [0], [0], [1], [0, 0, 1, 1], [], []>, transpose_lhs_hint = false} : vector<512x64xbf16>, vector<64x64xbf16>, vector<512x64xf32> -> vector<512x64xf32>
    %slice3A_298 = vector.extract_strided_slice %add3A_9 {offsets = [0, 768], sizes = [512, 64], strides = [1, 1]} : vector<512x1024xf32> to vector<512x64xf32>
    %convert_element_type3A_299 = arith.truncf %slice3A_298 : vector<512x64xf32> to vector<512x64xbf16>
    %slice3A_300 = vector.extract_strided_slice %convert_element_type3A_13 {offsets = [0, 768], sizes = [64, 64], strides = [1, 1]} : vector<64x1024xbf16> to vector<64x64xbf16>
    %transpose3A_301 = tpu.transpose %slice3A_300, [1, 0] : vector<64x64xbf16> -> vector<64x64xbf16>
    %dot_general3A_302 = arith.constant dense<0.000000e+00> : vector<512x64xf32>
    %dot_general3A_303 = tpu.matmul %convert_element_type3A_299, %transpose3A_301, %dot_general3A_302 {dimension_numbers = #tpu.dot_dimension_numbers<[1], [0], [0], [1], [0, 0, 1, 1], [], []>, transpose_lhs_hint = false} : vector<512x64xbf16>, vector<64x64xbf16>, vector<512x64xf32> -> vector<512x64xf32>
    %mul3A_304 = arith.constant 1.250000e-01 : f32
    %mul3A_305 = vector.broadcast %mul3A_304 : f32 to vector<512x64xf32>
    %mul3A_306 = arith.mulf %dot_general3A_303, %mul3A_305 : vector<512x64xf32>
    %reduce_max3A_307 = arith.constant dense<0xFF800000> : vector<512xf32>
    %reduce_max3A_308 = vector.multi_reduction <maximumf>, %mul3A_306, %reduce_max3A_307 [1] : vector<512x64xf32> to vector<512xf32>
    %broadcast_in_dim3A_309 = vector.shape_cast %reduce_max3A_308 : vector<512xf32> to vector<512x1xf32>
    %sub3A_310 = vector.broadcast %broadcast_in_dim3A_309 : vector<512x1xf32> to vector<512x64xf32>
    %sub3A_311 = arith.subf %mul3A_306, %sub3A_310 : vector<512x64xf32>
    %exp3A_312 = math.exp %sub3A_311 : vector<512x64xf32>
    %reduce_sum3A_313 = arith.constant dense<0.000000e+00> : vector<512xf32>
    %reduce_sum3A_314 = vector.multi_reduction <add>, %exp3A_312, %reduce_sum3A_313 [1] : vector<512x64xf32> to vector<512xf32>
    %broadcast_in_dim3A_315 = vector.shape_cast %reduce_sum3A_314 : vector<512xf32> to vector<512x1xf32>
    %div3A_316 = vector.broadcast %broadcast_in_dim3A_315 : vector<512x1xf32> to vector<512x64xf32>
    %div3A_317 = arith.divf %exp3A_312, %div3A_316 : vector<512x64xf32>
    %convert_element_type3A_318 = arith.truncf %div3A_317 : vector<512x64xf32> to vector<512x64xbf16>
    %slice3A_319 = vector.extract_strided_slice %convert_element_type3A_17 {offsets = [0, 768], sizes = [64, 64], strides = [1, 1]} : vector<64x1024xbf16> to vector<64x64xbf16>
    %dot_general3A_320 = arith.constant dense<0.000000e+00> : vector<512x64xf32>
    %dot_general3A_321 = tpu.matmul %convert_element_type3A_318, %slice3A_319, %dot_general3A_320 {dimension_numbers = #tpu.dot_dimension_numbers<[1], [0], [0], [1], [0, 0, 1, 1], [], []>, transpose_lhs_hint = false} : vector<512x64xbf16>, vector<64x64xbf16>, vector<512x64xf32> -> vector<512x64xf32>
    %slice3A_322 = vector.extract_strided_slice %add3A_9 {offsets = [0, 832], sizes = [512, 64], strides = [1, 1]} : vector<512x1024xf32> to vector<512x64xf32>
    %convert_element_type3A_323 = arith.truncf %slice3A_322 : vector<512x64xf32> to vector<512x64xbf16>
    %slice3A_324 = vector.extract_strided_slice %convert_element_type3A_13 {offsets = [0, 832], sizes = [64, 64], strides = [1, 1]} : vector<64x1024xbf16> to vector<64x64xbf16>
    %transpose3A_325 = tpu.transpose %slice3A_324, [1, 0] : vector<64x64xbf16> -> vector<64x64xbf16>
    %dot_general3A_326 = arith.constant dense<0.000000e+00> : vector<512x64xf32>
    %dot_general3A_327 = tpu.matmul %convert_element_type3A_323, %transpose3A_325, %dot_general3A_326 {dimension_numbers = #tpu.dot_dimension_numbers<[1], [0], [0], [1], [0, 0, 1, 1], [], []>, transpose_lhs_hint = false} : vector<512x64xbf16>, vector<64x64xbf16>, vector<512x64xf32> -> vector<512x64xf32>
    %mul3A_328 = arith.constant 1.250000e-01 : f32
    %mul3A_329 = vector.broadcast %mul3A_328 : f32 to vector<512x64xf32>
    %mul3A_330 = arith.mulf %dot_general3A_327, %mul3A_329 : vector<512x64xf32>
    %reduce_max3A_331 = arith.constant dense<0xFF800000> : vector<512xf32>
    %reduce_max3A_332 = vector.multi_reduction <maximumf>, %mul3A_330, %reduce_max3A_331 [1] : vector<512x64xf32> to vector<512xf32>
    %broadcast_in_dim3A_333 = vector.shape_cast %reduce_max3A_332 : vector<512xf32> to vector<512x1xf32>
    %sub3A_334 = vector.broadcast %broadcast_in_dim3A_333 : vector<512x1xf32> to vector<512x64xf32>
    %sub3A_335 = arith.subf %mul3A_330, %sub3A_334 : vector<512x64xf32>
    %exp3A_336 = math.exp %sub3A_335 : vector<512x64xf32>
    %reduce_sum3A_337 = arith.constant dense<0.000000e+00> : vector<512xf32>
    %reduce_sum3A_338 = vector.multi_reduction <add>, %exp3A_336, %reduce_sum3A_337 [1] : vector<512x64xf32> to vector<512xf32>
    %broadcast_in_dim3A_339 = vector.shape_cast %reduce_sum3A_338 : vector<512xf32> to vector<512x1xf32>
    %div3A_340 = vector.broadcast %broadcast_in_dim3A_339 : vector<512x1xf32> to vector<512x64xf32>
    %div3A_341 = arith.divf %exp3A_336, %div3A_340 : vector<512x64xf32>
    %convert_element_type3A_342 = arith.truncf %div3A_341 : vector<512x64xf32> to vector<512x64xbf16>
    %slice3A_343 = vector.extract_strided_slice %convert_element_type3A_17 {offsets = [0, 832], sizes = [64, 64], strides = [1, 1]} : vector<64x1024xbf16> to vector<64x64xbf16>
    %dot_general3A_344 = arith.constant dense<0.000000e+00> : vector<512x64xf32>
    %dot_general3A_345 = tpu.matmul %convert_element_type3A_342, %slice3A_343, %dot_general3A_344 {dimension_numbers = #tpu.dot_dimension_numbers<[1], [0], [0], [1], [0, 0, 1, 1], [], []>, transpose_lhs_hint = false} : vector<512x64xbf16>, vector<64x64xbf16>, vector<512x64xf32> -> vector<512x64xf32>
    %slice3A_346 = vector.extract_strided_slice %add3A_9 {offsets = [0, 896], sizes = [512, 64], strides = [1, 1]} : vector<512x1024xf32> to vector<512x64xf32>
    %convert_element_type3A_347 = arith.truncf %slice3A_346 : vector<512x64xf32> to vector<512x64xbf16>
    %slice3A_348 = vector.extract_strided_slice %convert_element_type3A_13 {offsets = [0, 896], sizes = [64, 64], strides = [1, 1]} : vector<64x1024xbf16> to vector<64x64xbf16>
    %transpose3A_349 = tpu.transpose %slice3A_348, [1, 0] : vector<64x64xbf16> -> vector<64x64xbf16>
    %dot_general3A_350 = arith.constant dense<0.000000e+00> : vector<512x64xf32>
    %dot_general3A_351 = tpu.matmul %convert_element_type3A_347, %transpose3A_349, %dot_general3A_350 {dimension_numbers = #tpu.dot_dimension_numbers<[1], [0], [0], [1], [0, 0, 1, 1], [], []>, transpose_lhs_hint = false} : vector<512x64xbf16>, vector<64x64xbf16>, vector<512x64xf32> -> vector<512x64xf32>
    %mul3A_352 = arith.constant 1.250000e-01 : f32
    %mul3A_353 = vector.broadcast %mul3A_352 : f32 to vector<512x64xf32>
    %mul3A_354 = arith.mulf %dot_general3A_351, %mul3A_353 : vector<512x64xf32>
    %reduce_max3A_355 = arith.constant dense<0xFF800000> : vector<512xf32>
    %reduce_max3A_356 = vector.multi_reduction <maximumf>, %mul3A_354, %reduce_max3A_355 [1] : vector<512x64xf32> to vector<512xf32>
    %broadcast_in_dim3A_357 = vector.shape_cast %reduce_max3A_356 : vector<512xf32> to vector<512x1xf32>
    %sub3A_358 = vector.broadcast %broadcast_in_dim3A_357 : vector<512x1xf32> to vector<512x64xf32>
    %sub3A_359 = arith.subf %mul3A_354, %sub3A_358 : vector<512x64xf32>
    %exp3A_360 = math.exp %sub3A_359 : vector<512x64xf32>
    %reduce_sum3A_361 = arith.constant dense<0.000000e+00> : vector<512xf32>
    %reduce_sum3A_362 = vector.multi_reduction <add>, %exp3A_360, %reduce_sum3A_361 [1] : vector<512x64xf32> to vector<512xf32>
    %broadcast_in_dim3A_363 = vector.shape_cast %reduce_sum3A_362 : vector<512xf32> to vector<512x1xf32>
    %div3A_364 = vector.broadcast %broadcast_in_dim3A_363 : vector<512x1xf32> to vector<512x64xf32>
    %div3A_365 = arith.divf %exp3A_360, %div3A_364 : vector<512x64xf32>
    %convert_element_type3A_366 = arith.truncf %div3A_365 : vector<512x64xf32> to vector<512x64xbf16>
    %slice3A_367 = vector.extract_strided_slice %convert_element_type3A_17 {offsets = [0, 896], sizes = [64, 64], strides = [1, 1]} : vector<64x1024xbf16> to vector<64x64xbf16>
    %dot_general3A_368 = arith.constant dense<0.000000e+00> : vector<512x64xf32>
    %dot_general3A_369 = tpu.matmul %convert_element_type3A_366, %slice3A_367, %dot_general3A_368 {dimension_numbers = #tpu.dot_dimension_numbers<[1], [0], [0], [1], [0, 0, 1, 1], [], []>, transpose_lhs_hint = false} : vector<512x64xbf16>, vector<64x64xbf16>, vector<512x64xf32> -> vector<512x64xf32>
    %slice3A_370 = vector.extract_strided_slice %add3A_9 {offsets = [0, 960], sizes = [512, 64], strides = [1, 1]} : vector<512x1024xf32> to vector<512x64xf32>
    %convert_element_type3A_371 = arith.truncf %slice3A_370 : vector<512x64xf32> to vector<512x64xbf16>
    %slice3A_372 = vector.extract_strided_slice %convert_element_type3A_13 {offsets = [0, 960], sizes = [64, 64], strides = [1, 1]} : vector<64x1024xbf16> to vector<64x64xbf16>
    %transpose3A_373 = tpu.transpose %slice3A_372, [1, 0] : vector<64x64xbf16> -> vector<64x64xbf16>
    %dot_general3A_374 = arith.constant dense<0.000000e+00> : vector<512x64xf32>
    %dot_general3A_375 = tpu.matmul %convert_element_type3A_371, %transpose3A_373, %dot_general3A_374 {dimension_numbers = #tpu.dot_dimension_numbers<[1], [0], [0], [1], [0, 0, 1, 1], [], []>, transpose_lhs_hint = false} : vector<512x64xbf16>, vector<64x64xbf16>, vector<512x64xf32> -> vector<512x64xf32>
    %mul3A_376 = arith.constant 1.250000e-01 : f32
    %mul3A_377 = vector.broadcast %mul3A_376 : f32 to vector<512x64xf32>
    %mul3A_378 = arith.mulf %dot_general3A_375, %mul3A_377 : vector<512x64xf32>
    %reduce_max3A_379 = arith.constant dense<0xFF800000> : vector<512xf32>
    %reduce_max3A_380 = vector.multi_reduction <maximumf>, %mul3A_378, %reduce_max3A_379 [1] : vector<512x64xf32> to vector<512xf32>
    %broadcast_in_dim3A_381 = vector.shape_cast %reduce_max3A_380 : vector<512xf32> to vector<512x1xf32>
    %sub3A_382 = vector.broadcast %broadcast_in_dim3A_381 : vector<512x1xf32> to vector<512x64xf32>
    %sub3A_383 = arith.subf %mul3A_378, %sub3A_382 : vector<512x64xf32>
    %exp3A_384 = math.exp %sub3A_383 : vector<512x64xf32>
    %reduce_sum3A_385 = arith.constant dense<0.000000e+00> : vector<512xf32>
    %reduce_sum3A_386 = vector.multi_reduction <add>, %exp3A_384, %reduce_sum3A_385 [1] : vector<512x64xf32> to vector<512xf32>
    %broadcast_in_dim3A_387 = vector.shape_cast %reduce_sum3A_386 : vector<512xf32> to vector<512x1xf32>
    %div3A_388 = vector.broadcast %broadcast_in_dim3A_387 : vector<512x1xf32> to vector<512x64xf32>
    %div3A_389 = arith.divf %exp3A_384, %div3A_388 : vector<512x64xf32>
    %convert_element_type3A_390 = arith.truncf %div3A_389 : vector<512x64xf32> to vector<512x64xbf16>
    %slice3A_391 = vector.extract_strided_slice %convert_element_type3A_17 {offsets = [0, 960], sizes = [64, 64], strides = [1, 1]} : vector<64x1024xbf16> to vector<64x64xbf16>
    %dot_general3A_392 = arith.constant dense<0.000000e+00> : vector<512x64xf32>
    %dot_general3A_393 = tpu.matmul %convert_element_type3A_390, %slice3A_391, %dot_general3A_392 {dimension_numbers = #tpu.dot_dimension_numbers<[1], [0], [0], [1], [0, 0, 1, 1], [], []>, transpose_lhs_hint = false} : vector<512x64xbf16>, vector<64x64xbf16>, vector<512x64xf32> -> vector<512x64xf32>
    %concatenate3A = tpu.concatenate %dot_general3A_33, %dot_general3A_57, %dot_general3A_81, %dot_general3A_105, %dot_general3A_129, %dot_general3A_153, %dot_general3A_177, %dot_general3A_201, %dot_general3A_225, %dot_general3A_249, %dot_general3A_273, %dot_general3A_297, %dot_general3A_321, %dot_general3A_345, %dot_general3A_369, %dot_general3A_393 in 1 : vector<512x64xf32>, vector<512x64xf32>, vector<512x64xf32>, vector<512x64xf32>, vector<512x64xf32>, vector<512x64xf32>, vector<512x64xf32>, vector<512x64xf32>, vector<512x64xf32>, vector<512x64xf32>, vector<512x64xf32>, vector<512x64xf32>, vector<512x64xf32>, vector<512x64xf32>, vector<512x64xf32>, vector<512x64xf32> -> vector<512x1024xf32>
    %convert_element_type3A_394 = arith.truncf %concatenate3A : vector<512x1024xf32> to vector<512x1024xbf16>
    %get3A_395 = arith.constant 0 : index
    %get3A_396 = arith.constant 0 : index
    %get3A_397 = vector.load %arg4[%get3A_395, %get3A_396] : memref<1024x1024xbf16, #tpu.memory_space<vmem>>, vector<1024x1024xbf16>
    %transpose3A_398 = tpu.transpose %get3A_397, [1, 0] : vector<1024x1024xbf16> -> vector<1024x1024xbf16>
    %dot_general3A_399 = arith.constant dense<0.000000e+00> : vector<512x1024xf32>
    %dot_general3A_400 = tpu.matmul %convert_element_type3A_394, %transpose3A_398, %dot_general3A_399 {dimension_numbers = #tpu.dot_dimension_numbers<[1], [0], [0], [1], [0, 0, 1, 1], [], []>, transpose_lhs_hint = false} : vector<512x1024xbf16>, vector<1024x1024xbf16>, vector<512x1024xf32> -> vector<512x1024xf32>
    %get3A_401 = arith.constant 0 : index
    %get3A_402 = arith.constant 0 : index
    %get3A_403 = vector.load %arg5[%get3A_401, %get3A_402] : memref<1x1024xf32, #tpu.memory_space<vmem>>, vector<1x1024xf32>
    %add3A_404 = vector.broadcast %get3A_403 : vector<1x1024xf32> to vector<512x1024xf32>
    %add3A_405 = arith.addf %dot_general3A_400, %add3A_404 : vector<512x1024xf32>
    %add3A_406 = arith.addf %get3A_1, %add3A_405 : vector<512x1024xf32>
    %swap3A = arith.constant 0 : index
    %swap3A_407 = arith.constant 0 : index
    %swap3A_408 = vector.load %arg11[%swap3A, %swap3A_407] : memref<512x1024xf32, #tpu.memory_space<vmem>>, vector<512x1024xf32>
    tpu.vector_store %arg11[%swap3A, %swap3A_407], %add3A_406 {strides = array<i32>} : memref<512x1024xf32, #tpu.memory_space<vmem>>, vector<512x1024xf32>,
    %get3A_409 = arith.constant 0 : index
    %get3A_410 = arith.constant 0 : index
    %get3A_411 = vector.load %arg7[%get3A_409, %get3A_410] : memref<1x1024xf32, #tpu.memory_space<vmem>>, vector<1x1024xf32>
    %mul3A_412 = vector.broadcast %get3A_411 : vector<1x1024xf32> to vector<512x1024xf32>
    %mul3A_413 = arith.mulf %add3A_405, %mul3A_412 : vector<512x1024xf32>
    %reduce_sum3A_414 = arith.constant dense<0.000000e+00> : vector<512xf32>
    %reduce_sum3A_415 = vector.multi_reduction <add>, %mul3A_413, %reduce_sum3A_414 [1] : vector<512x1024xf32> to vector<512xf32>
    %broadcast_in_dim3A_416 = vector.shape_cast %reduce_sum3A_415 : vector<512xf32> to vector<512x1xf32>
    %get3A_417 = arith.constant 0 : index
    %get3A_418 = arith.constant 0 : index
    %get3A_419 = vector.load %arg8[%get3A_417, %get3A_418] : memref<1x1xf32, #tpu.memory_space<vmem>>, vector<1x1xf32>
    %get3A_420 = vector.extract %get3A_419[0, 0] : f32 from vector<1x1xf32>
    %add3A_421 = vector.broadcast %get3A_420 : f32 to vector<512x1xf32>
    %add3A_422 = arith.addf %broadcast_in_dim3A_416, %add3A_421 : vector<512x1xf32>
    %logistic3A = arith.negf %add3A_422 : vector<512x1xf32>
    %logistic3A_423 = math.exp %logistic3A : vector<512x1xf32>
    %logistic3A_424 = arith.constant 1.000000e+00 : f32
    %logistic3A_425 = vector.broadcast %logistic3A_424 : f32 to vector<512x1xf32>
    %logistic3A_426 = arith.addf %logistic3A_425, %logistic3A_423 : vector<512x1xf32>
    %logistic3A_427 = arith.divf %logistic3A_425, %logistic3A_426 : vector<512x1xf32>
    %swap3A_428 = arith.constant 0 : index
    %swap3A_429 = arith.constant 0 : index
    %swap3A_430 = vector.load %arg12[%swap3A_428, %swap3A_429] : memref<512x1xf32, #tpu.memory_space<vmem>>, vector<512x1xf32>
    tpu.vector_store %arg12[%swap3A_428, %swap3A_429], %logistic3A_427 {strides = array<i32>} : memref<512x1xf32, #tpu.memory_space<vmem>>, vector<512x1xf32>,
    %convert_element_type3A_431 = arith.truncf %add3A_405 : vector<512x1024xf32> to vector<512x1024xbf16>
    %get3A_432 = arith.constant 0 : index
    %get3A_433 = arith.constant 0 : index
    %get3A_434 = vector.load %arg6[%get3A_432, %get3A_433] : memref<512x1024xbf16, #tpu.memory_space<vmem>>, vector<512x1024xbf16>
    %transpose3A_435 = tpu.transpose %get3A_434, [1, 0] : vector<512x1024xbf16> -> vector<1024x512xbf16>
    %dot_general3A_436 = arith.constant dense<0.000000e+00> : vector<512x512xf32>
    %dot_general3A_437 = tpu.matmul %convert_element_type3A_431, %transpose3A_435, %dot_general3A_436 {dimension_numbers = #tpu.dot_dimension_numbers<[1], [0], [0], [1], [0, 0, 1, 1], [], []>, transpose_lhs_hint = false} : vector<512x1024xbf16>, vector<1024x512xbf16>, vector<512x512xf32> -> vector<512x512xf32>
    %mul3A_438 = arith.constant 3.125000e-02 : f32
    %mul3A_439 = vector.broadcast %mul3A_438 : f32 to vector<512x512xf32>
    %mul3A_440 = arith.mulf %dot_general3A_437, %mul3A_439 : vector<512x512xf32>
    %swap3A_441 = arith.constant 0 : index
    %swap3A_442 = arith.constant 0 : index
    %swap3A_443 = vector.load %arg13[%swap3A_441, %swap3A_442] : memref<512x512xf32, #tpu.memory_space<vmem>>, vector<512x512xf32>
    tpu.vector_store %arg13[%swap3A_441, %swap3A_442], %mul3A_440 {strides = array<i32>} : memref<512x512xf32, #tpu.memory_space<vmem>>, vector<512x512xf32>,
    return
  }
  func.func @transform_0(%arg0: i32) -> (i32, i32) {
    %c0_i32 = arith.constant 0 : i32
    %c0_i32_0 = arith.constant 0 : i32
    return %arg0, %c0_i32 : i32, i32
  }
  func.func @transform_1(%arg0: i32) -> (i32, i32) {
    %c0_i32 = arith.constant 0 : i32
    %c0_i32_0 = arith.constant 0 : i32
    %c0_i32_1 = arith.constant 0 : i32
    return %c0_i32, %c0_i32_0 : i32, i32
  }
  func.func @transform_2(%arg0: i32) -> (i32, i32) {
    %c0_i32 = arith.constant 0 : i32
    %c0_i32_0 = arith.constant 0 : i32
    %c0_i32_1 = arith.constant 0 : i32
    return %c0_i32, %c0_i32_0 : i32, i32
  }
  func.func @transform_3(%arg0: i32) -> (i32, i32) {
    %c0_i32 = arith.constant 0 : i32
    %c0_i32_0 = arith.constant 0 : i32
    %c0_i32_1 = arith.constant 0 : i32
    return %c0_i32, %c0_i32_0 : i32, i32
  }
  func.func @transform_4(%arg0: i32) -> (i32, i32) {
    %c0_i32 = arith.constant 0 : i32
    %c0_i32_0 = arith.constant 0 : i32
    %c0_i32_1 = arith.constant 0 : i32
    return %c0_i32, %c0_i32_0 : i32, i32
  }
  func.func @transform_5(%arg0: i32) -> (i32, i32) {
    %c0_i32 = arith.constant 0 : i32
    %c0_i32_0 = arith.constant 0 : i32
    %c0_i32_1 = arith.constant 0 : i32
    return %c0_i32, %c0_i32_0 : i32, i32
  }
  func.func @transform_6(%arg0: i32) -> (i32, i32) {
    %c0_i32 = arith.constant 0 : i32
    %c0_i32_0 = arith.constant 0 : i32
    %c0_i32_1 = arith.constant 0 : i32
    return %c0_i32, %c0_i32_0 : i32, i32
  }
  func.func @transform_7(%arg0: i32) -> (i32, i32) {
    %c0_i32 = arith.constant 0 : i32
    %c0_i32_0 = arith.constant 0 : i32
    %c0_i32_1 = arith.constant 0 : i32
    return %c0_i32, %c0_i32_0 : i32, i32
  }
  func.func @transform_8(%arg0: i32) -> (i32, i32) {
    %c0_i32 = arith.constant 0 : i32
    %c0_i32_0 = arith.constant 0 : i32
    %c0_i32_1 = arith.constant 0 : i32
    return %c0_i32, %c0_i32_0 : i32, i32
  }
  func.func @transform_9(%arg0: i32) -> (i32, i32) {
    %c0_i32 = arith.constant 0 : i32
    %c0_i32_0 = arith.constant 0 : i32
    %c0_i32_1 = arith.constant 0 : i32
    return %c0_i32, %c0_i32_0 : i32, i32
  }
  func.func @transform_10(%arg0: i32) -> (i32, i32) {
    %c0_i32 = arith.constant 0 : i32
    %c0_i32_0 = arith.constant 0 : i32
    return %arg0, %c0_i32 : i32, i32
  }
  func.func @transform_11(%arg0: i32) -> (i32, i32) {
    %c0_i32 = arith.constant 0 : i32
    %c0_i32_0 = arith.constant 0 : i32
    return %arg0, %c0_i32 : i32, i32
  }
  func.func @transform_12(%arg0: i32) -> (i32, i32) {
    %c0_i32 = arith.constant 0 : i32
    %c0_i32_0 = arith.constant 0 : i32
    return %arg0, %c0_i32 : i32, i32
  }
}

module attributes {stable_mosaic.version = 14 : i64} {
  func.func @_finish_body(%arg0: i32, %arg1: memref<512x1024xf32, #tpu.memory_space<vmem>>, %arg2: memref<512x1xf32, #tpu.memory_space<vmem>>, %arg3: memref<512x512xf32, #tpu.memory_space<vmem>>, %arg4: memref<1x512x1xf32, #tpu.memory_space<vmem>>, %arg5: memref<512x1024xbf16, #tpu.memory_space<vmem>>, %arg6: memref<512x1024xf32, #tpu.memory_space<vmem>>) attributes {dimension_semantics = [#tpu.dimension_semantics<arbitrary>], iteration_bounds = array<i64: 4>, scalar_prefetch = 0 : i64, scratch_operands = 0 : i64, tpu.core_type = #tpu.core_type<tc>, window_params = [{transform_indices = @transform_0, window_bounds = array<i64: 512, 1024>}, {transform_indices = @transform_1, window_bounds = array<i64: 512, 1>}, {transform_indices = @transform_2, window_bounds = array<i64: 512, 512>}, {transform_indices = @transform_3, window_bounds = array<i64: 1, 512, 1>}, {pipeline_mode = #tpu.pipeline_mode<synchronous>, transform_indices = @transform_4, window_bounds = array<i64: 512, 1024>}, {transform_indices = @transform_5, window_bounds = array<i64: 512, 1024>}]} {
    %get3A = arith.constant 0 : index
    %get3A_0 = arith.constant 0 : index
    %get3A_1 = vector.load %arg3[%get3A, %get3A_0] : memref<512x512xf32, #tpu.memory_space<vmem>>, vector<512x512xf32>
    %get3A_2 = arith.constant 0 : index
    %get3A_3 = arith.constant 0 : index
    %get3A_4 = arith.constant 0 : index
    %get3A_5 = vector.load %arg4[%get3A_2, %get3A_3, %get3A_4] : memref<1x512x1xf32, #tpu.memory_space<vmem>>, vector<1x512x1xf32>
    %get3A_6 = vector.shape_cast %get3A_5 : vector<1x512x1xf32> to vector<512x1xf32>
    %ge3A = vector.broadcast %get3A_6 : vector<512x1xf32> to vector<512x512xf32>
    %ge3A_7 = arith.cmpf oge, %get3A_1, %ge3A : vector<512x512xf32>
    %jit3A = arith.constant 0xFF800000 : f32
    %broadcast_in_dim3A = vector.broadcast %jit3A : f32 to vector<512x512xf32>
    %select_n3A = arith.select %ge3A_7, %get3A_1, %broadcast_in_dim3A : vector<512x512xi1>, vector<512x512xf32>
    %reduce_max3A = arith.constant dense<0xFF800000> : vector<512xf32>
    %reduce_max3A_8 = vector.multi_reduction <maximumf>, %select_n3A, %reduce_max3A [1] : vector<512x512xf32> to vector<512xf32>
    %broadcast_in_dim3A_9 = vector.shape_cast %reduce_max3A_8 : vector<512xf32> to vector<512x1xf32>
    %sub3A = vector.broadcast %broadcast_in_dim3A_9 : vector<512x1xf32> to vector<512x512xf32>
    %sub3A_10 = arith.subf %select_n3A, %sub3A : vector<512x512xf32>
    %exp3A = math.exp %sub3A_10 : vector<512x512xf32>
    %reduce_sum3A = arith.constant dense<0.000000e+00> : vector<512xf32>
    %reduce_sum3A_11 = vector.multi_reduction <add>, %exp3A, %reduce_sum3A [1] : vector<512x512xf32> to vector<512xf32>
    %broadcast_in_dim3A_12 = vector.shape_cast %reduce_sum3A_11 : vector<512xf32> to vector<512x1xf32>
    %div3A = vector.broadcast %broadcast_in_dim3A_12 : vector<512x1xf32> to vector<512x512xf32>
    %div3A_13 = arith.divf %exp3A, %div3A : vector<512x512xf32>
    %convert_element_type3A = arith.truncf %div3A_13 : vector<512x512xf32> to vector<512x512xbf16>
    %get3A_14 = arith.constant 0 : index
    %get3A_15 = arith.constant 0 : index
    %get3A_16 = vector.load %arg5[%get3A_14, %get3A_15] : memref<512x1024xbf16, #tpu.memory_space<vmem>>, vector<512x1024xbf16>
    %dot_general3A = arith.constant dense<0.000000e+00> : vector<512x1024xf32>
    %dot_general3A_17 = tpu.matmul %convert_element_type3A, %get3A_16, %dot_general3A {dimension_numbers = #tpu.dot_dimension_numbers<[1], [0], [0], [1], [0, 0, 1, 1], [], []>, transpose_lhs_hint = false} : vector<512x512xbf16>, vector<512x1024xbf16>, vector<512x1024xf32> -> vector<512x1024xf32>
    %get3A_18 = arith.constant 0 : index
    %get3A_19 = arith.constant 0 : index
    %get3A_20 = vector.load %arg1[%get3A_18, %get3A_19] : memref<512x1024xf32, #tpu.memory_space<vmem>>, vector<512x1024xf32>
    %get3A_21 = arith.constant 0 : index
    %get3A_22 = arith.constant 0 : index
    %get3A_23 = vector.load %arg2[%get3A_21, %get3A_22] : memref<512x1xf32, #tpu.memory_space<vmem>>, vector<512x1xf32>
    %mul3A = vector.broadcast %get3A_23 : vector<512x1xf32> to vector<512x1024xf32>
    %mul3A_24 = arith.mulf %mul3A, %dot_general3A_17 : vector<512x1024xf32>
    %add3A = arith.addf %get3A_20, %mul3A_24 : vector<512x1024xf32>
    %swap3A = arith.constant 0 : index
    %swap3A_25 = arith.constant 0 : index
    %swap3A_26 = vector.load %arg6[%swap3A, %swap3A_25] : memref<512x1024xf32, #tpu.memory_space<vmem>>, vector<512x1024xf32>
    tpu.vector_store %arg6[%swap3A, %swap3A_25], %add3A {strides = array<i32>} : memref<512x1024xf32, #tpu.memory_space<vmem>>, vector<512x1024xf32>,
    return
  }
  func.func @transform_0(%arg0: i32) -> (i32, i32) {
    %c0_i32 = arith.constant 0 : i32
    %c0_i32_0 = arith.constant 0 : i32
    return %arg0, %c0_i32 : i32, i32
  }
  func.func @transform_1(%arg0: i32) -> (i32, i32) {
    %c0_i32 = arith.constant 0 : i32
    %c0_i32_0 = arith.constant 0 : i32
    return %arg0, %c0_i32 : i32, i32
  }
  func.func @transform_2(%arg0: i32) -> (i32, i32) {
    %c0_i32 = arith.constant 0 : i32
    %c0_i32_0 = arith.constant 0 : i32
    return %arg0, %c0_i32 : i32, i32
  }
  func.func @transform_3(%arg0: i32) -> (i32, i32, i32) {
    %c0_i32 = arith.constant 0 : i32
    %c0_i32_0 = arith.constant 0 : i32
    %c0_i32_1 = arith.constant 0 : i32
    return %arg0, %c0_i32, %c0_i32_0 : i32, i32, i32
  }
  func.func @transform_4(%arg0: i32) -> (i32, i32) {
    %c0_i32 = arith.constant 0 : i32
    %c0_i32_0 = arith.constant 0 : i32
    %c0_i32_1 = arith.constant 0 : i32
    return %c0_i32, %c0_i32_0 : i32, i32
  }
  func.func @transform_5(%arg0: i32) -> (i32, i32) {
    %c0_i32 = arith.constant 0 : i32
    %c0_i32_0 = arith.constant 0 : i32
    return %arg0, %c0_i32 : i32, i32
  }
}

</mosaic_0001>

<sc_bundles>
// kernel: kernel.6.cloned.1.call-start
scs
__scs_entry_jumppad:
0x0: {  	(pc) =	sbr.rel $0x88, $3  }
0x1: {  	(tag) =	ssettag $0x0;
	lr =	simm.s32 $0x1  }
0x2: {  	[smem:$0x3F94] =	sst lr;
	_ =	strace $0xD0000000  }
0x3: {  	_ = 	snop  }
0x4: {  	_ = 	snop  }
0x5: {  	_ = 	snop  }
0x6: {  	_ = 	snop  }
0x7: {  	_ = 	snop  }
__scs_overlays_trampoline_lowered:
0x8: {  	[smem:$0x3FA3] =	sst s0  }
0x9: {  	[smem:$0x3FA4] =	sst s1  }
0xa: {  	[smem:$0x3FA5] =	sst s2  }
0xb: {  	[smem:$0x3FA6] =	sst s3  }
0xc: {  	[smem:$0x3FA7] =	sst s4  }
0xd: {  	[smem:$0x3FA8] =	sst s5  }
0xe: {  	[smem:$0x3FA9] =	sst s6  }
0xf: {  	[smem:$0x3FAA] =	sst s7  }
0x10: {  	[smem:$0x3FAB] =	sst s8  }
0x11: {  	[smem:$0x3FAC] =	sst s9;
	s0 =	simm.s32 @!p0 $0x0  }
0x12: {  	s1 =	sld [smem:$0x3F92];
	s0 =	simm.s32 @p0 $0x1  }
0x13: {  	[smem:$0x3FAD] =	sst s0;
	s0 =	simm.s32 @!p1 $0x0  }
0x14: {  	s2 =	sld [smem:$0x3F91];
	s0 =	simm.s32 @p1 $0x1  }
0x15: {  	[smem:$0x3FAE] =	sst s0;
	s0 =	simm.s32 @!p2 $0x0  }
0x16: {  	s3 =	sld [smem:$0x3FDB];
	s0 =	simm.s32 @p2 $0x1  }
0x17: {  	s4 =	simm.s32 $0x1BF5;
	[smem:$0x3FB0] =	sst s0  }
0x18: {  	s0 =	sld [smem:$0x3F93];
	_ =	swait.ge [sflag:s4], $0x0  }
0x19: {  	s7 =	sld [smem:$0x3F94]  }
0x1a: {  	s8 =	sadd.s32 $0xFFFFE003, lr  }
0x1b: {  	s9 =	sadd.s32 $0xFFFFFEF7, lr;
	s5 =	simm.s32 $0xFFFFFFFF;
	p2 =	slt.u32 s8, $0xFFFFF086  }
0x1c: {  	p1 =	slt.u32 s9, $0xF7A;
	s5 =	simm.s32 @!p2 $0x0  }
0x1d: {  	s5 =	simm.s32 @p1 $0x1;
	p0 =	seq.s32 s7, s2  }
0x1e: {  	s7 =	smul.u32 @!p0 $0xF7A, s2;
	p2 =	seq.s32 @!p0 s5, $0x0  }
0x1f: {  	s9 =	smul.u32 $0xF7A, s1;
	s8 =	simm.s32 @!p0 $0x1BF5;
	p2 =	por !p2, p0  }
0x20: {  	[sflag:s8] =	ssyncset.s32 @!p0 $0xFFFFF086;
	s6 =	sadd.s32 @!p0 s3, s7;
	s7 =	simm.s32 @!p0 $0x108  }
0x21: {  	s3 =	sadd.s32 s3, s9;
	s6 =	sadd.s32 @!p0 $0x88, s6;
	s7 =	simm.s32 @p2 $0x1082  }
0x22: {  	[simem:s7], [sflag:s8] =	dma.local @!p0 [hbm:s6], $0xF7A  }
0x23: {  	s9 =	sor.u32 $0xD0000000, s2;
	s6 =	simm.s32 $0x108;
	_ =	swait.ge @!p0 [sflag:s8], $0x0  }
0x24: {  	s3 =	sadd.s32 $0x88, s3;
	s6 =	simm.s32 @!p1 $0x1082;
	[sflag:s4] =	ssyncset.s32 $0xFFFFF086  }
0x25: {  	[simem:s6], [sflag:s4] =	dma.local [hbm:s3], $0xF7A  }
0x26: {  	[smem:$0x3F94] =	sst s1;
	(tag) =	ssettag s2;
	_ =	strace s9  }
0x27: {  	s1 =	sld [smem:$0x3FA4]  }
0x28: {  	s2 =	sld [smem:$0x3FA5]  }
0x29: {  	s4 =	sld [smem:$0x3FA7]  }
0x2a: {  	p0 =	seq.s32 s5, $0x0;
	s5 =	sld [smem:$0x3FA8]  }
0x2b: {  	s6 =	sld [smem:$0x3FA9]  }
0x2c: {  	s7 =	sld [smem:$0x3FAA]  }
0x2d: {  	s3 =	simm.s32 $0x108;
	s8 =	sld [smem:$0x3FAB]  }
0x2e: {  	s3 =	simm.s32 @!p0 $0x1082;
	s9 =	sld [smem:$0x3FAC]  }
0x2f: {  	lr =	sadd.s32 s0, s3;
	s0 =	sld [smem:$0x3FA3]  }
0x30: {  	s3 =	sld [smem:$0x3FA6]  }
0x31: {  	[smem:$0x3FAF] =	sst s10  }
0x32: {  	s10 =	sld [smem:$0x3FAD];
	_ =	sdelay $0x3  }
0x33: {  	p0 =	seq.s32 s10, $0x1;
	s10 =	sld [smem:$0x3FAF];
	_ =	sdelay $0x3  }
0x34: {  	[smem:$0x3FAF] =	sst s10  }
0x35: {  	s10 =	sld [smem:$0x3FAE];
	_ =	sdelay $0x3  }
0x36: {  	p1 =	seq.s32 s10, $0x1;
	s10 =	sld [smem:$0x3FAF];
	_ =	sdelay $0x3  }
0x37: {  	[smem:$0x3FAF] =	sst s10  }
0x38: {  	s10 =	sld [smem:$0x3FB0]  }
0x39: {  	_ = 	snop;
	(pc) =	sbr.ind lr, $3  }
0x3a: {  	_ = 	snop  }
0x3b: {  	_ = 	snop  }
0x3c: {  	p2 =	seq.s32 s10, $0x1;
	s10 =	sld [smem:$0x3FAF]  }
0x3d: {  	_ =	shalt  }
0x3e: {  	_ =	shalt  }
0x3f: {  	_ =	shalt  }
0x40: {  	_ =	shalt  }
0x41: {  	_ =	shalt  }
0x42: {  	_ =	shalt  }
0x43: {  	_ =	shalt  }
0x44: {  	_ =	shalt  }
0x45: {  	_ =	shalt  }
0x46: {  	_ =	shalt  }
0x47: {  	_ =	shalt  }
0x48: {  	_ =	shalt  }
0x49: {  	_ =	shalt  }
0x4a: {  	_ =	shalt  }
0x4b: {  	_ =	shalt  }
0x4c: {  	_ =	shalt  }
0x4d: {  	_ =	shalt  }
0x4e: {  	_ =	shalt  }
0x4f: {  	_ =	shalt  }
0x50: {  	_ =	shalt  }
0x51: {  	_ =	shalt  }
0x52: {  	_ =	shalt  }
0x53: {  	_ =	shalt  }
0x54: {  	_ =	shalt  }
0x55: {  	_ =	shalt  }
0x56: {  	_ =	shalt  }
0x57: {  	_ =	shalt  }
0x58: {  	_ =	shalt  }
0x59: {  	_ =	shalt  }
0x5a: {  	_ =	shalt  }
0x5b: {  	_ =	shalt  }
0x5c: {  	_ =	shalt  }
0x5d: {  	_ =	shalt  }
0x5e: {  	_ =	shalt  }
0x5f: {  	_ =	shalt  }
0x60: {  	_ =	shalt  }
0x61: {  	_ =	shalt  }
0x62: {  	_ =	shalt  }
0x63: {  	_ =	shalt  }
0x64: {  	_ =	shalt  }
0x65: {  	_ =	shalt  }
0x66: {  	_ =	shalt  }
0x67: {  	_ =	shalt  }
0x68: {  	_ =	shalt  }
0x69: {  	_ =	shalt  }
0x6a: {  	_ =	shalt  }
0x6b: {  	_ =	shalt  }
0x6c: {  	_ =	shalt  }
0x6d: {  	_ =	shalt  }
0x6e: {  	_ =	shalt  }
0x6f: {  	_ =	shalt  }
0x70: {  	_ =	shalt  }
0x71: {  	_ =	shalt  }
0x72: {  	_ =	shalt  }
0x73: {  	_ =	shalt  }
0x74: {  	_ =	shalt  }
0x75: {  	_ =	shalt  }
0x76: {  	_ =	shalt  }
0x77: {  	_ =	shalt  }
0x78: {  	_ =	shalt  }
0x79: {  	_ =	shalt  }
0x7a: {  	_ =	shalt  }
0x7b: {  	_ =	shalt  }
0x7c: {  	_ =	shalt  }
0x7d: {  	_ =	shalt  }
0x7e: {  	_ =	shalt  }
0x7f: {  	_ =	shalt  }
0x80: {  	_ =	shalt  }
0x81: {  	_ =	shalt  }
0x82: {  	_ =	shalt  }
0x83: {  	_ =	shalt  }
0x84: {  	_ =	shalt  }
0x85: {  	_ =	shalt  }
0x86: {  	_ =	shalt  }
0x87: {  	_ =	shalt  }
.Lfunc_end0:
.L_simem_size_0:
called_computation_lowered:
.L_overlay_start_0:
0x88: {  	s2 =	sld [smem:$0x3FD9]  }
0x89: {  	s3 =	sld [smem:$0x3FFE];
	_ =	sdelay $0x1  }
0x8a: {  	s1 =	srdreg.scid  }
0x8b: {  	s0 =	sand.u32 $0x1, s1  }
0x8c: {  	s17 =	sshll.u32 s0, $0xA;
	s2 =	sadd.s32 s3, s2  }
0x8d: {  	s2 =	sadd.s32 s2, s17  }
0x8e: {  	[smem:$0x3FBB] =	sst s2  }
0x8f: {  	_ = 	snop  }
0x90: {  	s2 =	sld [smem:$0x3FD0];
	(tm) =	ssettm $0x1  }
0x91: {  	s18 =	sld [smem:$0x3FFB];
	_ =	sdelay $0x3  }
0x92: {  	_ =	strace s18  }
0x93: {  	s3 =	sld [smem:$0x3FFC];
	_ =	sdelay $0x3  }
0x94: {  	_ =	strace s3  }
0x95: {  	s3 =	sld [smem:$0x3FFD];
	_ =	sdelay $0x3  }
0x96: {  	_ =	strace s3  }
0x97: {  	_ =	strace $0x8FFFFFFF  }
0x98: {  	s19 =	sld [smem:$0x3FDB];
	_ =	sdelay $0x1  }
0x99: {  	s4 =	simm.s32 $_scs_section_size  }
0x9a: {  	s5 =	simm.s32 $_size__tile_overlayer_lowered;
	s6 =	simm.s32 $_tile_overlayer_lowered  }
0x9b: {  	s22 =	simm.s32 $0x1BFF;
	s21 =	sshll.u32 s6, $0x1;
	s3 =	sadd.s32 s4, s19  }
0x9c: {  	s7 =	simm.s32 $0x0;
	s20 =	sshll.u32 s5, $0x1;
	s5 =	sadd.s32 s21, s3  }
0x9d: {  	[timem:s7], [sflag:s22] =	dma.local [hbm:s5], s20  }
0x9e: {  	_ =	swait.ge [sflag:s22], s20  }
0x9f: {  	s4 =	ssub.s32 $0x0, s20;
	[sflag:s22] =	ssyncset.done $0x0  }
0xa0: {  	[sflag:s22] =	ssyncadd.s32 s4;
	_ =	sdelay $0x1  }
0xa1: {  	s23 =	simm.s32 $0x1B8B  }
0xa2: {  	_ =	swait.ge [sflag:s23], $0x1  }
0xa3: {  	[sflag:s23] =	ssyncset.done $0x0  }
0xa4: {  	s25 =	simm.s32 $0x1B8E;
	s24 =	sld [smem:$0x3FFE];
	[sflag:s23] =	ssyncadd.s32 $0xFFFFFFFF  }
0xa5: {  	s26 =	simm.s32 $execute0_lowered;
	[smem:$0x3FD2] =	sst s25  }
0xa6: {  	s5 =	sshll.u32 s26, $0x1;
	_ =	strace $0x80000046;
	[dreg:$0x1] =	wrdreg $0xFFFFFFFF  }
0xa7: {  	s28 =	simm.s32 $_size_execute0_lowered;
	s3 =	sadd.s32 s3, s5;
	[dreg:$0x0] =	wrdreg $0x0  }
0xa8: {  	s5 =	sshll.u32 s28, $0x1;
	[dreg:$0x2] =	wrdreg s3  }
0xa9: {  	[dreg:$0x3] =	wrdreg s5  }
0xaa: {  	[dreg:$0x4] =	wrdreg $0xC0  }
0xab: {  	_ =	task [dreg:s7], $0x5FFFF  }
0xac: {  	[dreg:$0x1] =	wrdreg $0xFFFFFFFF  }
0xad: {  	[dreg:$0x0] =	wrdreg $0x60  }
0xae: {  	[dreg:$0x2] =	wrdreg s2  }
0xaf: {  	[dreg:$0x3] =	wrdreg s24  }
0xb0: {  	[dreg:$0x4] =	wrdreg $0x9  }
0xb1: {  	_ =	task.clear_ibuf [dreg:s7], $0x5FFFF;
	_ =	strace $0x90000046  }
0xb2: {  	s29 =	simm.s32 $0x9;
	_ =	strace $0x80000048  }
0xb3: {  	_ =	swait.ge [sflag:s29], $0x1  }
0xb4: {  	[sflag:s29] =	ssyncadd.s32 $0xFFFFFFFF  }
0xb5: {  	_ =	strace $0x90000048  }
0xb6: {  	_ =	sfence  }
0xb7: {  	s30 =	sld [smem:$0x0];
	_ =	sdelay $0x2  }
0xb8: {  	s31 =	sshll.u32 s1, $0xD;
	s1 =	sshrl.u32 s1, $0x2  }
0xb9: {  	s3 =	sand.u32 $0x4000, s31;
	s1 =	sadd.s32 s1, s30  }
0xba: {  	s0 =	sor.u32 s3, s0;
	s1 =	sshll.u32 s1, $0x11  }
0xbb: {  	s0 =	sor.u32 s1, s0  }
0xbc: {  	s0 =	sadd.s32 $0x8F2B, s0  }
0xbd: {  	[sflag:s0] =	ssyncadd.remote.s32 $0x1  }
0xbe: {  	_ =	sfence.sel $0xFFFF  }
0xbf: {  	[dreg:$0x0] =	wrdreg $0xFFFFFFFF;
	(pc) =	sbr.abs _section_cstart, $3  }
0xc0: {  	[dreg:$0x1] =	wrdreg $0xFFFFFFFF  }
0xc1: {  	_ =	task.clear_ibuf [dreg:s7], $0x2FFFF;
	_ =	strace $0x9FFFFFFF  }
0xc2: {  	(tm) =	ssettm $0x7FFFFFFF  }
0xc3: {  	_ =	shalt  }
tec
execute0_lowered:
.L_overlay_start_1:
0x0: {  	(tag) =	ssettag $0x1  }
0x1: {  	s3 =	rddreg [dreg:$0x0]  }
0x2: {  	s4 =	rddreg [dreg:$0x1];
	s2 =	srdreg.scid  }
0x3: {  	s0 =	rddreg [dreg:$0x2];
	s1 =	stileid.u32;
	s5 =	sand.u32 $0x1, s2  }
0x4: {  	s2 =	simm.s32 $0x0;
	s6 =	sshll.u32 s1, $0x7;
	s7 =	sshll.u32 s5, $0x6  }
0x5: {  	[smem:$0x7FF] =	sst s2;
	s5 =	ssub.s32 $0x2, s5;
	s6 =	sor.u32 s7, s6  }
0x6: {  	v0 =	vlaneseq.u32;
	_ =	strace $0x80000047;
	s8 =	sshrl.u32 s5, $0x1;
	s7 =	sshrl.u32 s6, $0x3  }
0x7: {  	v1 =	vmul.u32 $0xFFFFFFFF, v0;
	s5 =	ssub.s32 s5, s8;
	s6 =	sshll.u32 s6, $0x6;
	s8 =	simm.s32 $0x0  }
0x8: {  	s4 =	sadd.s32 s7, s4;
	s3 =	sadd.s32 s3, s6;
	s5 =	smax.u32 s5, $0x1  }
0x9: {  	vm0 =	vmxor vm0, vm0;
	v1 =	vadd.s32 $0xF, v1;
	s6 =	simm.s32 $0x1;
	s7 =	simm.s32 $0x8000;
	s4 =	sadd.s32 $0x2600, s4  }
.LBB2_1:
0xa: {  	[tilespmem:s2], [sflag:$0x1] =	stream.linear.gather [hbm4b:s3+s2], $0x8000, $0x38;
	[tilespmem:$0x8080] =	vst v63  }
0xb: {  	_ =	swait.ge [sflag:s6], $0x8000  }
0xc: {  	s9 =	sand.u32 $0x7000, s2;
	s10 =	sand.u32 $0x380, s2;
	[sflag:s6] =	ssyncset.done $0x0  }
0xd: {  	s9 =	sor.u32 s10, s9;
	[sflag:s6] =	ssyncadd.s32 $0xFFFF8000  }
0xe: {  	v2 =	vld [tilespmem:s9+$0x0]  }
0xf: {  	v3 =	vld [tilespmem:s9+$0x10]  }
0x10: {  	v4 =	vld [tilespmem:s9+$0x20]  }
0x11: {  	v5 =	vld [tilespmem:s9+$0x40]  }
0x12: {  	v6 =	vld [tilespmem:s9+$0x400]  }
0x13: {  	v7 =	vld [tilespmem:s9+$0x800];
	(xrf1) =	vsort.ascd.msk.f32 $0xffff, v2, v2  }
0x14: {  	v2 =	vld [tilespmem:s9+$0x30];
	(xrf1) =	vsort.ascd.msk.f32 $0xffff, v3, v3  }
0x15: {  	v3 =	vld [tilespmem:s9+$0x50];
	(xrf1) =	vsort.ascd.msk.f32 $0xffff, v4, v4  }
0x16: {  	v4 =	vld [tilespmem:s9+$0x60];
	(xrf1) =	vsort.ascd.msk.f32 $0xffff, v5, v5  }
0x17: {  	v5 =	vld [tilespmem:s9+$0x410];
	(xrf1) =	vsort.ascd.msk.f32 $0xffff, v6, v6  }
0x18: {  	v6 =	vld [tilespmem:s9+$0x420];
	(xrf1) =	vsort.ascd.msk.f32 $0xffff, v7, v7  }
0x19: {  	(xrf1) =	vsort.ascd.msk.f32 $0xffff, v2, v2;
	v2 =	vld [tilespmem:s9+$0x440]  }
0x1a: {  	(xrf1) =	vsort.ascd.msk.f32 $0xffff, v3, v3;
	v3 =	vld [tilespmem:s9+$0x810]  }
0x1b: {  	v7 =	vld [tilespmem:s9+$0x820];
	(xrf1) =	vsort.ascd.msk.f32 $0xffff, v4, v4  }
0x1c: {  	v4 =	vld [tilespmem:s9+$0x840];
	(xrf1) =	vsort.ascd.msk.f32 $0xffff, v5, v5  }
0x1d: {  	v5 =	vld [tilespmem:s9+$0xC00];
	(xrf1) =	vsort.ascd.msk.f32 $0xffff, v6, v6  }
0x1e: {  	v6 =	vld [tilespmem:s9+$0x70];
	(xrf1) =	vsort.ascd.msk.f32 $0xffff, v2, v2  }
0x1f: {  	v8 =	vld [tilespmem:s9+$0x430];
	(xrf1) =	vsort.ascd.msk.f32 $0xffff, v3, v3  }
0x20: {  	v3 =	vld [tilespmem:s9+$0x450];
	(xrf1) =	vsort.ascd.msk.f32 $0xffff, v7, v7  }
0x21: {  	v7 =	vld [tilespmem:s9+$0x460];
	v2, _, _ =	vpop (xrf1);
	(xrf1) =	vsort.ascd.msk.f32 $0xffff, v4, v4  }
0x22: {  	v4, _, _ =	vpop (xrf1);
	(xrf1) =	vsort.ascd.msk.f32 $0xffff, v5, v5;
	v5 =	vld [tilespmem:s9+$0x830]  }
0x23: {  	v9, _, _ =	vpop (xrf1);
	(xrf1) =	vsort.ascd.msk.f32 $0xffff, v6, v6;
	v6 =	vld [tilespmem:s9+$0x850]  }
0x24: {  	v10, _, _ =	vpop (xrf1);
	(xrf1) =	vsort.ascd.msk.f32 $0xffff, v8, v8;
	v8 =	vld [tilespmem:s9+$0x860]  }
0x25: {  	v11, _, _ =	vpop (xrf1);
	(xrf1) =	vsort.ascd.msk.f32 $0xffff, v3, v3;
	v3 =	vld [tilespmem:s9+$0xC10]  }
0x26: {  	v12, _, _ =	vpop (xrf1);
	(xrf1) =	vsort.ascd.msk.f32 $0xffff, v7, v7;
	v7 =	vld [tilespmem:s9+$0xC20]  }
0x27: {  	v13, _, _ =	vpop (xrf1);
	(xrf1) =	vsort.ascd.msk.f32 $0xffff, v5, v5;
	v5 =	vld [tilespmem:s9+$0xC40]  }
0x28: {  	v15 =	vld [tilespmem:s9+$0x470];
	v14, _, _ =	vpop (xrf1);
	(xrf1) =	vsort.ascd.msk.f32 $0xffff, v6, v6  }
0x29: {  	v16 =	vld [tilespmem:s9+$0x870];
	v6, _, _ =	vpop (xrf1);
	(xrf1) =	vsort.ascd.msk.f32 $0xffff, v8, v8  }
0x2a: {  	v17 =	vld [tilespmem:s9+$0xC30];
	v8, _, _ =	vpop (xrf1);
	(xrf1) =	vsort.ascd.msk.f32 $0xffff, v3, v3  }
0x2b: {  	v18 =	vld [tilespmem:s9+$0xC50];
	v3, _, _ =	vpop (xrf1);
	(xrf1) =	vsort.ascd.msk.f32 $0xffff, v7, v7  }
0x2c: {  	v19 =	vld [tilespmem:s9+$0xC60];
	v7, _, _ =	vpop (xrf1);
	(xrf1) =	vsort.ascd.msk.f32 $0xffff, v5, v5  }
0x2d: {  	v20 =	vld [tilespmem:s9+$0xC70];
	v5, _, _ =	vpop (xrf1);
	(xrf1) =	vsort.ascd.msk.f32 $0xffff, v15, v15  }
0x2e: {  	v15, _, _ =	vpop (xrf1);
	(xrf1) =	vsort.ascd.msk.f32 $0xffff, v16, v16  }
0x2f: {  	v16, _, _ =	vpop (xrf1);
	(xrf1) =	vsort.ascd.msk.f32 $0xffff, v17, v17  }
0x30: {  	v13 =	vperm.xlane v13, v1;
	v17, _, _ =	vpop (xrf1);
	(xrf1) =	vsort.ascd.msk.f32 $0xffff, v18, v18  }
0x31: {  	v14 =	vperm.xlane v14, v1;
	v18, _, _ =	vpop (xrf1);
	(xrf1) =	vsort.ascd.msk.f32 $0xffff, v19, v19  }
0x32: {  	v21 =	vmin.f32 v9, v13;
	v9 =	vmax.f32 v9, v13;
	v19, _, _ =	vpop (xrf1);
	(xrf1) =	vsort.ascd.msk.f32 $0xffff, v20, v20  }
0x33: {  	v8 =	vperm.xlane v8, v1;
	v20, _, _ =	vpop (xrf1);
	(xrf1) =	vsort.ascd.msk.f32 $0xffff, v21, v21;
	v21 =	vmin.f32 v10, v14  }
0x34: {  	v13, _, _ =	vpop (xrf1);
	(xrf1) =	vsort.ascd.msk.f32 $0xffff, v9, v9  }
0x35: {  	v10 =	vmax.f32 v10, v14;
	v14 =	vmin.f32 v11, v8;
	v9, _, _ =	vpop (xrf1);
	(xrf1) =	vsort.ascd.msk.f32 $0xffff, v21, v21  }
0x36: {  	v8 =	vmax.f32 v11, v8;
	v21, _, _ =	vpop (xrf1);
	(xrf1) =	vsort.ascd.msk.f32 $0xffff, v10, v10;
	v10 =	vperm.xlane v18, v1  }
0x37: {  	v19 =	vperm.xlane v19, v1;
	v18, _, _ =	vpop (xrf1);
	(xrf1) =	vsort.ascd.msk.f32 $0xffff, v14, v14  }
0x38: {  	v11, _, _ =	vpop (xrf1);
	v14 =	vmin.f32 v6, v10;
	(xrf1) =	vsort.ascd.msk.f32 $0xffff, v8, v8;
	v6 =	vmax.f32 v6, v10  }
0x39: {  	v9 =	vperm.xlane v9, v1;
	v8, _, _ =	vpop (xrf1);
	(xrf1) =	vsort.ascd.msk.f32 $0xffff, v14, v14;
	v14 =	vmin.f32 v3, v19  }
0x3a: {  	v10, _, _ =	vpop (xrf1);
	(xrf1) =	vsort.ascd.msk.f32 $0xffff, v6, v6  }
0x3b: {  	v3 =	vmax.f32 v3, v19;
	v19 =	vmin.f32 v15, v9;
	v6, _, _ =	vpop (xrf1);
	(xrf1) =	vsort.ascd.msk.f32 $0xffff, v14, v14  }
0x3c: {  	v9 =	vmax.f32 v15, v9;
	v14, _, _ =	vpop (xrf1);
	(xrf1) =	vsort.ascd.msk.f32 $0xffff, v3, v3;
	v3 =	vperm.xlane v6, v1  }
0x3d: {  	v6, _, _ =	vpop (xrf1);
	(xrf1) =	vsort.ascd.msk.f32 $0xffff, v19, v19;
	v14 =	vperm.xlane v14, v1  }
0x3e: {  	v15, _, _ =	vpop (xrf1);
	v19 =	vmin.f32 v13, v3;
	(xrf1) =	vsort.ascd.msk.f32 $0xffff, v9, v9;
	v3 =	vmax.f32 v13, v3  }
0x3f: {  	v9, _, _ =	vpop (xrf1);
	(xrf1) =	vsort.ascd.msk.f32 $0xffff, v19, v19  }
0x40: {  	v19 =	vmin.f32 v18, v14;
	v14 =	vmax.f32 v18, v14;
	v13, _, _ =	vpop (xrf1);
	(xrf1) =	vsort.ascd.msk.f32 $0xffff, v3, v3  }
0x41: {  	v6 =	vperm.xlane v6, v1;
	v3, _, _ =	vpop (xrf1);
	(xrf1) =	vsort.ascd.msk.f32 $0xffff, v19, v19  }
0x42: {  	v4 =	vperm.xlane v4, v1;
	v13 =	vperm.xlane v13, v1;
	v18, _, _ =	vpop (xrf1)  }
0x43: {  	v19 =	vmin.f32 v8, v6;
	v6 =	vmax.f32 v8, v6;
	(xrf1) =	vsort.ascd.msk.f32 $0xffff, v14, v14;
	v14, _, _ =	vpop (xrf1)  }
0x44: {  	(xrf1) =	vsort.ascd.msk.f32 $0xffff, v19, v19;
	v19 =	vmax.f32 v9, v13;
	v9 =	vmin.f32 v9, v13;
	v8, _, _ =	vpop (xrf1)  }
0x45: {  	v5 =	vperm.xlane v5, v1;
	(xrf1) =	vsort.ascd.msk.f32 $0xffff, v6, v6;
	v6 =	vperm.xlane v20, v1;
	v20, _, _ =	vpop (xrf1)  }
0x46: {  	v11 =	vperm.xlane v11, v1;
	(xrf1) =	vsort.ascd.msk.f32 $0xffff, v19, v19;
	v19 =	vperm.xlane v21, v1;
	v13, _, _ =	vpop (xrf1)  }
0x47: {  	v21 =	vmin.f32 v7, v6;
	(xrf1) =	vsort.ascd.msk.f32 $0xffff, v9, v9;
	v6 =	vmax.f32 v7, v6;
	v9, _, _ =	vpop (xrf1)  }
0x48: {  	v7 =	vperm.xlane v15, v1;
	v22 =	vmin.f32 v16, v19;
	v15, _, _ =	vpop (xrf1);
	(xrf1) =	vsort.ascd.msk.f32 $0xffff, v21, v21  }
0x49: {  	v21 =	vmin.f32 v2, v4;
	v2 =	vmax.f32 v2, v4;
	v23, _, _ =	vpop (xrf1);
	(xrf1) =	vsort.ascd.msk.f32 $0xffff, v6, v6  }
0x4a: {  	v4 =	vmax.f32 v16, v19;
	v16 =	vmin.f32 v12, v5;
	v6, _, _ =	vpop (xrf1);
	(xrf1) =	vsort.ascd.msk.f32 $0xffff, v22, v22  }
0x4b: {  	v19 =	vmin.f32 v10, v7;
	v22, _, _ =	vpop (xrf1);
	(xrf1) =	vsort.ascd.msk.f32 $0xffff, v4, v4;
	v4 =	vmax.f32 v12, v5  }
0x4c: {  	v5 =	vmax.f32 v10, v7;
	v10 =	vmin.f32 v17, v11;
	v7, _, _ =	vpop (xrf1);
	(xrf1) =	vsort.ascd.msk.f32 $0xffff, v19, v19  }
0x4d: {  	v9 =	vperm.xlane v9, v1;
	v12, _, _ =	vpop (xrf1);
	(xrf1) =	vsort.ascd.msk.f32 $0xffff, v5, v5  }
0x4e: {  	v15 =	vperm.xlane v15, v1;
	v11 =	vmax.f32 v17, v11;
	v17, _, _ =	vpop (xrf1);
	(xrf1) =	vsort.ascd.msk.f32 $0xffff, v10, v10  }
0x4f: {  	v10, _, _ =	vpop (xrf1);
	(xrf1) =	vsort.ascd.msk.f32 $0xffff, v11, v11  }
0x50: {  	v8 =	vmax.f32 v8, v9;
	v6 =	vperm.xlane v6, v1;
	v14 =	vmax.f32 v14, v15  }
0x51: {  	v15 =	vmin.f32 v14, v8;
	v8 =	vmax.f32 v14, v8;
	v11, _, _ =	vpop (xrf1);
	(xrf1) =	vsort.ascd.msk.f32 $0xffff, v16, v16  }
0x52: {  	v5 =	vperm.xlane v18, v1;
	v18 =	vperm.xlane v23, v1;
	v16, _, _ =	vpop (xrf1);
	(xrf1) =	vsort.ascd.msk.f32 $0xffff, v4, v4  }
0x53: {  	v6 =	vmax.f32 v20, v6;
	v12 =	vperm.xlane v12, v1;
	v4, _, _ =	vpop (xrf1);
	(xrf1) =	vsort.ascd.msk.f32 $0xffff, v21, v21  }
0x54: {  	v17 =	vperm.xlane v17, v1;
	v10 =	vperm.xlane v10, v1;
	(xrf1) =	vsort.ascd.msk.f32 $0xffff, v2, v2;
	v2, _, _ =	vpop (xrf1)  }
0x55: {  	v13 =	vmax.f32 v13, v18;
	v11 =	vperm.xlane v11, v1;
	v16 =	vperm.xlane v16, v1;
	v9, _, _ =	vpop (xrf1)  }
0x56: {  	v4 =	vperm.xlane v4, v1;
	v2 =	vperm.xlane v2, v1;
	(xrf1) =	vsort.ascd.msk.f32 $0xffff, v15, v15;
	v20, _, _ =	vpop (xrf1)  }
0x57: {  	v15 =	vmin.f32 v6, v13;
	v6 =	vmax.f32 v6, v13;
	v9 =	vperm.xlane v9, v1;
	v14, _, _ =	vpop (xrf1)  }
0x58: {  	(xrf1) =	vsort.ascd.msk.f32 $0xffff, v8, v8;
	v17 =	vmax.f32 v20, v17;
	v8, _, _ =	vpop (xrf1);
	v12 =	vmax.f32 v14, v12  }
0x59: {  	(xrf1) =	vsort.ascd.msk.f32 $0xffff, v15, v15;
	v13, _, _ =	vpop (xrf1);
	v14 =	vmin.f32 v17, v12;
	v8 =	vmax.f32 v8, v11  }
0x5a: {  	(xrf1) =	vsort.ascd.msk.f32 $0xffff, v6, v6;
	v11 =	vmax.f32 v17, v12;
	v6, _, _ =	vpop (xrf1);
	v10 =	vmax.f32 v13, v10  }
0x5b: {  	(xrf1) =	vsort.ascd.msk.f32 $0xffff, v14, v14;
	v12, _, _ =	vpop (xrf1);
	v13 =	vmin.f32 v8, v10;
	v2 =	vmax.f32 v6, v2  }
0x5c: {  	(xrf1) =	vsort.ascd.msk.f32 $0xffff, v11, v11;
	v6 =	vmax.f32 v8, v10;
	v8 =	vmax.f32 v12, v9;
	v9, _, _ =	vpop (xrf1)  }
0x5d: {  	(xrf1) =	vsort.ascd.msk.f32 $0xffff, v13, v13;
	v4 =	vmax.f32 v9, v4;
	v9 =	vmax.f32 v2, v8;
	v10, _, _ =	vpop (xrf1)  }
0x5e: {  	v7 =	vperm.xlane v7, v1;
	(xrf1) =	vsort.ascd.msk.f32 $0xffff, v6, v6;
	v6 =	vmax.f32 v10, v16  }
0x5f: {  	v19 =	vperm.xlane v22, v1;
	v2 =	vmin.f32 v2, v8;
	(xrf1) =	vsort.ascd.msk.f32 $0xffff, v9, v9;
	v8, _, _ =	vpop (xrf1)  }
0x60: {  	s11 =	simm.s32 $0x80;
	s12 =	simm.s32 $0x200;
	v3 =	vperm.xlane v3, v1;
	(xrf1) =	vsort.ascd.msk.f32 $0xffff, v2, v2;
	v7 =	vmax.f32 v8, v7;
	v9, _, _ =	vpop (xrf1)  }
0x61: {  	s30 =	sand.u32 $0x7000, s12;
	s31 =	sand.u32 $0x380, s11;
	v8 =	vmin.f32 v4, v6;
	v4 =	vmax.f32 v4, v6;
	v2 =	vmax.f32 v9, v19;
	v6, _, _ =	vpop (xrf1)  }
0x62: {  	s9 =	sor.u32 s31, s30;
	(xrf1) =	vsort.ascd.msk.f32 $0xffff, v8, v8;
	v5 =	vmax.f32 v6, v5;
	v6 =	vmin.f32 v7, v2;
	v9, _, _ =	vpop (xrf1)  }
0x63: {  	v8 =	vld [tilespmem:s9+$0x0];
	(xrf1) =	vsort.ascd.msk.f32 $0xffff, v4, v4;
	v2 =	vmax.f32 v7, v2;
	v3 =	vmax.f32 v9, v3  }
0x64: {  	v4 =	vld [tilespmem:s9+$0x10];
	(xrf1) =	vsort.ascd.msk.f32 $0xffff, v6, v6;
	v7 =	vmin.f32 v5, v3;
	v3 =	vmax.f32 v5, v3  }
0x65: {  	v6 =	vld [tilespmem:s9+$0x20];
	(xrf1) =	vsort.ascd.msk.f32 $0xffff, v2, v2  }
0x66: {  	v2 =	vld [tilespmem:s9+$0x40];
	(xrf1) =	vsort.ascd.msk.f32 $0xffff, v7, v7;
	v5, _, _ =	vpop (xrf1)  }
0x67: {  	v7 =	vld [tilespmem:s9+$0x400];
	(xrf1) =	vsort.ascd.msk.f32 $0xffff, v3, v3;
	v3, _, _ =	vpop (xrf1)  }
0x68: {  	v9 =	vld [tilespmem:s9+$0x800];
	(xrf1) =	vsort.ascd.msk.f32 $0xffff, v8, v8;
	v8, _, _ =	vpop (xrf1)  }
0x69: {  	v10 =	vld [tilespmem:s9+$0x30];
	(xrf1) =	vsort.ascd.msk.f32 $0xffff, v4, v4;
	v4, _, _ =	vpop (xrf1)  }
0x6a: {  	v11 =	vld [tilespmem:s9+$0x50];
	(xrf1) =	vsort.ascd.msk.f32 $0xffff, v6, v6;
	v6, _, _ =	vpop (xrf1)  }
0x6b: {  	(xrf1) =	vsort.ascd.msk.f32 $0xffff, v2, v2;
	v2, _, _ =	vpop (xrf1)  }
0x6c: {  	(xrf1) =	vsort.ascd.msk.f32 $0xffff, v7, v7;
	v7, _, _ =	vpop (xrf1)  }
0x6d: {  	(xrf1) =	vsort.ascd.msk.f32 $0xffff, v9, v9;
	v9, _, _ =	vpop (xrf1)  }
0x6e: {  	v6 =	vperm.xlane v6, v1;
	(xrf1) =	vsort.ascd.msk.f32 $0xffff, v10, v10;
	v10, _, _ =	vpop (xrf1)  }
0x6f: {  	(xrf1) =	vsort.ascd.msk.f32 $0xffff, v11, v11;
	v10 =	vperm.xlane v10, v1;
	v11, _, _ =	vpop (xrf1)  }
0x70: {  	v2 =	vperm.xlane v2, v1;
	v4 =	vmax.f32 v4, v6;
	v6 =	vperm.xlane v11, v1;
	_ =	sdelay $0x1  }
0x71: {  	v7 =	vperm.xlane v7, v1;
	v2 =	vmax.f32 v8, v2;
	v8, _, _ =	vpop (xrf1)  }
0x72: {  	v9 =	vperm.xlane v9, v1;
	v11 =	vmin.f32 v2, v4;
	v8 =	vmax.f32 v8, v10;
	v10, _, _ =	vpop (xrf1)  }
0x73: {  	v2 =	vmax.f32 v2, v4;
	(xrf1) =	vsort.ascd.msk.f32 $0xffff, v11, v11;
	v4 =	vmax.f32 v10, v6;
	v6, _, _ =	vpop (xrf1)  }
0x74: {  	v5 =	vperm.xlane v5, v1;
	v3 =	vperm.xlane v3, v1;
	(xrf1) =	vsort.ascd.msk.f32 $0xffff, v2, v2;
	v10, _, _ =	vpop (xrf1)  }
0x75: {  	v6 =	vmax.f32 v6, v9;
	v9 =	vmin.f32 v8, v4;
	v2 =	vmax.f32 v10, v7;
	v7, _, _ =	vpop (xrf1)  }
0x76: {  	v4 =	vmax.f32 v8, v4;
	(xrf1) =	vsort.ascd.msk.f32 $0xffff, v9, v9;
	v3 =	vmax.f32 v7, v3;
	v8, _, _ =	vpop (xrf1)  }
0x77: {  	v9 =	vld [tilespmem:s9+$0x60];
	v7 =	vmin.f32 v6, v2;
	(xrf1) =	vsort.ascd.msk.f32 $0xffff, v4, v4;
	v5 =	vmax.f32 v8, v5  }
0x78: {  	v4 =	vld [tilespmem:s9+$0x410];
	v2 =	vmax.f32 v6, v2;
	(xrf1) =	vsort.ascd.msk.f32 $0xffff, v7, v7;
	v8 =	vmin.f32 v3, v5  }
0x79: {  	v7 =	vld [tilespmem:s9+$0x420];
	(xrf1) =	vsort.ascd.msk.f32 $0xffff, v2, v2;
	v3 =	vmax.f32 v3, v5  }
0x7a: {  	v6, _, _ =	vpop (xrf1);
	v2 =	vld [tilespmem:s9+$0x440];
	(xrf1) =	vsort.ascd.msk.f32 $0xffff, v8, v8  }
0x7b: {  	v5 =	vld [tilespmem:s9+$0x810];
	v8, _, _ =	vpop (xrf1);
	(xrf1) =	vsort.ascd.msk.f32 $0xffff, v3, v3  }
0x7c: {  	v10 =	vld [tilespmem:s9+$0x820];
	v3, _, _ =	vpop (xrf1);
	(xrf1) =	vsort.ascd.msk.f32 $0xffff, v9, v9  }
0x7d: {  	v9 =	vld [tilespmem:s9+$0x840];
	v17, _, _ =	vpop (xrf1);
	(xrf1) =	vsort.ascd.msk.f32 $0xffff, v4, v4  }
0x7e: {  	v11 =	vld [tilespmem:s9+$0xC00];
	v4, _, _ =	vpop (xrf1);
	(xrf1) =	vsort.ascd.msk.f32 $0xffff, v7, v7  }
0x7f: {  	v12 =	vld [tilespmem:s9+$0x70];
	v7, _, _ =	vpop (xrf1);
	(xrf1) =	vsort.ascd.msk.f32 $0xffff, v2, v2  }
0x80: {  	v2, _, _ =	vpop (xrf1);
	(xrf1) =	vsort.ascd.msk.f32 $0xffff, v5, v5  }
0x81: {  	v13 =	vld [tilespmem:s9+$0x430];
	v5, _, _ =	vpop (xrf1);
	(xrf1) =	vsort.ascd.msk.f32 $0xffff, v10, v10  }
0x82: {  	v14 =	vld [tilespmem:s9+$0x450];
	(xrf1) =	vsort.ascd.msk.f32 $0xffff, v9, v9;
	v9, _, _ =	vpop (xrf1)  }
0x83: {  	v10 =	vld [tilespmem:s9+$0x460];
	(xrf1) =	vsort.ascd.msk.f32 $0xffff, v11, v11;
	v11, _, _ =	vpop (xrf1)  }
0x84: {  	(xrf1) =	vsort.ascd.msk.f32 $0xffff, v12, v12;
	v12, _, _ =	vpop (xrf1)  }
0x85: {  	v15 =	vld [tilespmem:s9+$0x830];
	v12 =	vperm.xlane v12, v1  }
0x86: {  	(xrf1) =	vsort.ascd.msk.f32 $0xffff, v13, v13;
	v13, _, _ =	vpop (xrf1)  }
0x87: {  	(xrf1) =	vsort.ascd.msk.f32 $0xffff, v14, v14;
	v13 =	vperm.xlane v13, v1;
	v14, _, _ =	vpop (xrf1)  }
0x88: {  	(xrf1) =	vsort.ascd.msk.f32 $0xffff, v10, v10;
	v10 =	vperm.xlane v11, v1;
	v11, _, _ =	vpop (xrf1)  }
0x89: {  	v9 =	vperm.xlane v9, v1;
	v13 =	vmax.f32 v14, v13;
	v11 =	vmax.f32 v11, v12;
	v12, _, _ =	vpop (xrf1)  }
0x8a: {  	v16 =	vld [tilespmem:s9+$0x850];
	(xrf1) =	vsort.ascd.msk.f32 $0xffff, v15, v15;
	v10 =	vmax.f32 v12, v10;
	v12 =	vmin.f32 v13, v11;
	v14, _, _ =	vpop (xrf1)  }
0x8b: {  	v18 =	vld [tilespmem:s9+$0x860];
	v11 =	vmax.f32 v13, v11;
	v9 =	vmax.f32 v14, v9;
	(xrf1) =	vsort.ascd.msk.f32 $0xffff, v12, v12  }
0x8c: {  	v13 =	vld [tilespmem:s9+$0xC10];
	v14, _, _ =	vpop (xrf1);
	v12 =	vmin.f32 v10, v9;
	(xrf1) =	vsort.ascd.msk.f32 $0xffff, v11, v11  }
0x8d: {  	v20 =	vld [tilespmem:s9+$0xC20];
	v19, _, _ =	vpop (xrf1);
	v9 =	vmax.f32 v10, v9;
	(xrf1) =	vsort.ascd.msk.f32 $0xffff, v12, v12  }
0x8e: {  	v21 =	vld [tilespmem:s9+$0xC40];
	v15, _, _ =	vpop (xrf1);
	(xrf1) =	vsort.ascd.msk.f32 $0xffff, v9, v9  }
0x8f: {  	v22 =	vld [tilespmem:s9+$0x470];
	v11, _, _ =	vpop (xrf1);
	(xrf1) =	vsort.ascd.msk.f32 $0xffff, v16, v16  }
0x90: {  	v23 =	vld [tilespmem:s9+$0x870];
	v12, _, _ =	vpop (xrf1);
	(xrf1) =	vsort.ascd.msk.f32 $0xffff, v18, v18  }
0x91: {  	v16, _, _ =	vpop (xrf1);
	v18 =	vld [tilespmem:s9+$0xC30];
	(xrf1) =	vsort.ascd.msk.f32 $0xffff, v13, v13  }
0x92: {  	v24 =	vld [tilespmem:s9+$0xC50];
	(xrf1) =	vsort.ascd.msk.f32 $0xffff, v20, v20  }
0x93: {  	v25 =	vld [tilespmem:s9+$0xC60];
	v10, _, _ =	vpop (xrf1);
	(xrf1) =	vsort.ascd.msk.f32 $0xffff, v21, v21  }
0x94: {  	v26 =	vld [tilespmem:s9+$0xC70];
	v9, _, _ =	vpop (xrf1);
	(xrf1) =	vsort.ascd.msk.f32 $0xffff, v22, v22  }
0x95: {  	v21, _, _ =	vpop (xrf1);
	(xrf1) =	vsort.ascd.msk.f32 $0xffff, v23, v23  }
0x96: {  	v20, _, _ =	vpop (xrf1);
	(xrf1) =	vsort.ascd.msk.f32 $0xffff, v18, v18  }
0x97: {  	v2 =	vperm.xlane v2, v1;
	v13, _, _ =	vpop (xrf1);
	(xrf1) =	vsort.ascd.msk.f32 $0xffff, v24, v24  }
0x98: {  	v5 =	vperm.xlane v5, v1;
	v18, _, _ =	vpop (xrf1);
	(xrf1) =	vsort.ascd.msk.f32 $0xffff, v25, v25  }
0x99: {  	v23 =	vmin.f32 v3, v2;
	v22, _, _ =	vpop (xrf1);
	(xrf1) =	vsort.ascd.msk.f32 $0xffff, v26, v26  }
0x9a: {  	v2 =	vmax.f32 v3, v2;
	v24, _, _ =	vpop (xrf1);
	(xrf1) =	vsort.ascd.msk.f32 $0xffff, v23, v23;
	v23 =	vmin.f32 v17, v5  }
0x9b: {  	v19 =	vperm.xlane v19, v1;
	v3, _, _ =	vpop (xrf1);
	v5 =	vmax.f32 v17, v5;
	(xrf1) =	vsort.ascd.msk.f32 $0xffff, v2, v2  }
0x9c: {  	v2 =	vperm.xlane v3, v1;
	v3 =	vperm.xlane v24, v1;
	v24, _, _ =	vpop (xrf1);
	(xrf1) =	vsort.ascd.msk.f32 $0xffff, v23, v23  }
0x9d: {  	v25 =	vmin.f32 v4, v19;
	v23, _, _ =	vpop (xrf1);
	(xrf1) =	vsort.ascd.msk.f32 $0xffff, v5, v5  }
0x9e: {  	v5 =	vmax.f32 v24, v2;
	v24 =	vmax.f32 v4, v19;
	v17, _, _ =	vpop (xrf1);
	v3 =	vmax.f32 v23, v3  }
0x9f: {  	v2 =	vimm.f32 $0.0e+00;
	v23 =	vperm.xlane v21, v1;
	(xrf1) =	vsort.ascd.msk.f32 $0xffff, v25, v25;
	v21, _, _ =	vpop (xrf1);
	v3 =	vmin.f32 v5, v3  }
0xa0: {  	s13 =	simm.s32 $0x2;
	s10 =	simm.s32 $0x0;
	s9 =	simm.s32 $0x1;
	v4 =	vimm.f32 $0.0e+00;
	v5 =	vimm.f32 $0.0e+00;
	v19, _, _ =	vpop (xrf1);
	(xrf1) =	vsort.ascd.msk.f32 $0xffff, v3, v3;
	v3 =	vimm.f32 $0.0e+00  }
.LBB2_2:
0xa1: {  	p0 =	sne.s32 s13, $0x3F;
	v27 =	vmin.f32 v14, v23;
	v20 =	vperm.xlane v20, v1;
	v26, _, _ =	vpop (xrf1);
	(xrf1) =	vsort.ascd.msk.f32 $0xffff, v24, v24  }
0xa2: {  	v14 =	vmax.f32 v14, v23;
	v23, _, _ =	vpop (xrf1);
	(xrf1) =	vsort.ascd.msk.f32 $0xffff, v27, v27  }
0xa3: {  	v22 =	vperm.xlane v22, v1;
	v27 =	vmin.f32 v15, v20;
	v25, _, _ =	vpop (xrf1);
	(xrf1) =	vsort.ascd.msk.f32 $0xffff, v14, v14  }
0xa4: {  	v14 =	vmax.f32 v15, v20;
	v15, _, _ =	vpop (xrf1);
	(xrf1) =	vsort.ascd.msk.f32 $0xffff, v27, v27  }
0xa5: {  	v27 =	vmin.f32 v16, v22;
	v24, _, _ =	vpop (xrf1);
	(xrf1) =	vsort.ascd.msk.f32 $0xffff, v14, v14  }
0xa6: {  	v14 =	vperm.xlane v25, v1;
	v25, _, _ =	vpop (xrf1);
	(xrf1) =	vsort.ascd.msk.f32 $0xffff, v27, v27  }
0xa7: {  	v28 =	vmax.f32 v16, v22;
	v20, _, _ =	vpop (xrf1)  }
0xa8: {  	v29 =	vperm.xlane v15, v1;
	v22 =	vmin.f32 v18, v14;
	v27, _, _ =	vpop (xrf1);
	(xrf1) =	vsort.ascd.msk.f32 $0xffff, v28, v28  }
0xa9: {  	v14 =	vmax.f32 v18, v14;
	v16, _, _ =	vpop (xrf1);
	(xrf1) =	vsort.ascd.msk.f32 $0xffff, v22, v22  }
0xaa: {  	v18 =	vmin.f32 v21, v29;
	v22 =	vperm.xlane v24, v1;
	v24, _, _ =	vpop (xrf1);
	(xrf1) =	vsort.ascd.msk.f32 $0xffff, v14, v14  }
0xab: {  	v14 =	vmax.f32 v21, v29;
	v15, _, _ =	vpop (xrf1);
	(xrf1) =	vsort.ascd.msk.f32 $0xffff, v18, v18  }
0xac: {  	s14 =	sand.u32 $0xF, s10;
	v8 =	vperm.xlane v8, v1;
	v18 =	vmin.f32 v26, v22;
	v21, _, _ =	vpop (xrf1);
	(xrf1) =	vsort.ascd.msk.f32 $0xffff, v14, v14  }
0xad: {  	v28 =	vmax.f32 v26, v22;
	v22 =	vperm.xlane v27, v1;
	v26, _, _ =	vpop (xrf1);
	(xrf1) =	vsort.ascd.msk.f32 $0xffff, v18, v18;
	v18 =	vmov s14  }
0xae: {  	v13 =	vperm.xlane v13, v1;
	(xrf1) =	vsort.ascd.msk.f32 $0xffff, v28, v28;
	vm1 =	veq.s32 v18, v0;
	v14, _, _ =	vpop (xrf1)  }
0xaf: {  	v12 =	vperm.xlane v12, v1;
	v19 =	vperm.xlane v19, v1;
	v18 =	vmax.f32 v20, v22;
	v27, _, _ =	vpop (xrf1);
	(xrf0) =	vmin.scan.msk.f32 $0xffff, v14  }
0xb0: {  	v28 =	vmin.f32 v20, v22;
	v14 =	vperm.xlane v17, v1;
	v20, _, _ =	vpop (xrf1);
	(xrf1) =	vsort.ascd.msk.f32 $0xffff, v18, v18  }
0xb1: {  	v16 =	vperm.xlane v16, v1;
	v18 =	vmin.f32 v11, v13;
	v22, _, _ =	vpop (xrf1);
	(xrf1) =	vsort.ascd.msk.f32 $0xffff, v28, v28  }
0xb2: {  	vm2 =	vmmov vm0;
	v11 =	vmax.f32 v11, v13;
	v13 =	vperm.xlane v25, v1;
	v17, _, _ =	vpop (xrf1);
	(xrf1) =	vsort.ascd.msk.f32 $0xffff, v18, v18  }
0xb3: {  	vm4 =	vmmov vm0;
	s14 =	sshrl.u32 s10, $0x4;
	s10 =	smov.u32 s9;
	s9 =	smov.u32 s13;
	v25 =	vmin.f32 v10, v14;
	v18 =	vmin.f32 v6, v8;
	v28, _, _ =	vpop (xrf1);
	(xrf1) =	vsort.ascd.msk.f32 $0xffff, v11, v11  }
0xb4: {  	vm5 =	vmmov vm0;
	p3 =	seq.s32 s14, $0x0;
	p2 =	seq.s32 s14, $0x1;
	p4 =	seq.s32 s14, $0x3;
	v29 =	vmax.f32 v10, v14;
	v8 =	vmax.f32 v6, v8;
	v10, _, _ =	vpop (xrf1);
	(xrf1) =	vsort.ascd.msk.f32 $0xffff, v25, v25  }
0xb5: {  	p1 =	seq.s32 s14, $0x2;
	vm2 =	vmneg @p4 vm2;
	v14 =	vmin.f32 v23, v13;
	v11 =	vmin.f32 v7, v12;
	(xrf1) =	vsort.ascd.msk.f32 $0xffff, v29, v29;
	v6, _, _ =	vpop (xrf0)  }
0xb6: {  	v7 =	vmax.f32 v7, v12;
	v12 =	vmax.f32 v23, v13;
	v13, _, _ =	vpop (xrf1);
	(xrf1) =	vsort.ascd.msk.f32 $0xffff, v14, v14;
	v6 =	vbroadcast v6, $0xF  }
0xb7: {  	vm2 =	vmand vm2, vm1;
	v14 =	vmin.f32 v9, v19;
	v9 =	vmax.f32 v9, v19;
	v19, _, _ =	vpop (xrf1);
	(xrf1) =	vsort.ascd.msk.f32 $0xffff, v12, v12  }
0xb8: {  	v12 =	vperm.xlane v24, v1;
	v23, _, _ =	vpop (xrf1);
	v2 =	vsel vm2, v6, v2;
	vm2 =	vmmov vm0  }
0xb9: {  	v20 =	vperm.xlane v20, v1;
	v22 =	vperm.xlane v22, v1;
	v24, _, _ =	vpop (xrf1);
	(xrf1) =	vsort.ascd.msk.f32 $0xffff, v14, v14;
	vm2 =	vmneg @p3 vm2  }
0xba: {  	vm4 =	vmneg @p2 vm4;
	v17 =	vperm.xlane v17, v1;
	v14 =	vperm.xlane v28, v1;
	v25, _, _ =	vpop (xrf1);
	(xrf1) =	vsort.ascd.msk.f32 $0xffff, v9, v9  }
0xbb: {  	vm5 =	vmneg @p1 vm5;
	v10 =	vperm.xlane v10, v1;
	v9 =	vperm.xlane v13, v1;
	(xrf1) =	vsort.ascd.msk.f32 $0xffff, v11, v11;
	v11, _, _ =	vpop (xrf1)  }
0xbc: {  	v19 =	vperm.xlane v19, v1;
	v13 =	vperm.xlane v23, v1;
	vm3 =	vmand vm2, vm1;
	(xrf1) =	vsort.ascd.msk.f32 $0xffff, v7, v7;
	v7, _, _ =	vpop (xrf1)  }
0xbd: {  	v24 =	vperm.xlane v24, v1;
	vm2 =	vmand vm4, vm1;
	v23 =	vperm.xlane v25, v1;
	(xrf1) =	vsort.ascd.msk.f32 $0xffff, v18, v18  }
0xbe: {  	vm1 =	vmand vm5, vm1;
	v11 =	vperm.xlane v11, v1;
	v7 =	vperm.xlane v7, v1;
	(xrf1) =	vsort.ascd.msk.f32 $0xffff, v8, v8;
	v8, _, _ =	vpop (xrf1)  }
0xbf: {  	v15 =	vmax.f32 v15, v22;
	v25 =	vmax.f32 v21, v20;
	v8 =	vperm.xlane v8, v1;
	v20, _, _ =	vpop (xrf1)  }
0xc0: {  	v14 =	vmax.f32 v26, v14;
	v21 =	vmin.f32 v15, v25;
	v20 =	vperm.xlane v20, v1;
	v22, _, _ =	vpop (xrf1)  }
0xc1: {  	v15 =	vmax.f32 v15, v25;
	v25 =	vmax.f32 v27, v17;
	v18, _, _ =	vpop (xrf1);
	(xrf1) =	vsort.ascd.msk.f32 $0xffff, v21, v21  }
0xc2: {  	v26 =	vmin.f32 v14, v25;
	v13 =	vmax.f32 v22, v13;
	v22, _, _ =	vpop (xrf1);
	(xrf1) =	vsort.ascd.msk.f32 $0xffff, v15, v15  }
0xc3: {  	v14 =	vmax.f32 v14, v25;
	v25 =	vmax.f32 v18, v19;
	v17, _, _ =	vpop (xrf1);
	(xrf1) =	vsort.ascd.msk.f32 $0xffff, v26, v26  }
0xc4: {  	v18 =	vmin.f32 v13, v25;
	v19 =	vmax.f32 v22, v23;
	v21, _, _ =	vpop (xrf1);
	(xrf1) =	vsort.ascd.msk.f32 $0xffff, v14, v14  }
0xc5: {  	v13 =	vmax.f32 v13, v25;
	v14 =	vmax.f32 v17, v24;
	v15, _, _ =	vpop (xrf1);
	(xrf1) =	vsort.ascd.msk.f32 $0xffff, v18, v18  }
0xc6: {  	v18 =	vmin.f32 v19, v14;
	v8 =	vmax.f32 v21, v8;
	(xrf1) =	vsort.ascd.msk.f32 $0xffff, v13, v13  }
0xc7: {  	v19 =	vmax.f32 v19, v14;
	v14 =	vmax.f32 v15, v20;
	v15, _, _ =	vpop (xrf1);
	(xrf1) =	vsort.ascd.msk.f32 $0xffff, v18, v18  }
0xc8: {  	v7 =	vmax.f32 v15, v7;
	v15 =	vmax.f32 v8, v14;
	v17, _, _ =	vpop (xrf1);
	(xrf1) =	vsort.ascd.msk.f32 $0xffff, v19, v19  }
0xc9: {  	s11 =	sadd.s32 $0x80, s11;
	s12 =	sadd.s32 $0x200, s12;
	v8 =	vmin.f32 v8, v14;
	v11 =	vmax.f32 v17, v11;
	v13, _, _ =	vpop (xrf1);
	(xrf1) =	vsort.ascd.msk.f32 $0xffff, v15, v15  }
0xca: {  	s15 =	sand.u32 $0x380, s11;
	s14 =	sand.u32 $0x7000, s12;
	v9 =	vmax.f32 v13, v9;
	v15 =	vmin.f32 v7, v11;
	v14, _, _ =	vpop (xrf1);
	(xrf1) =	vsort.ascd.msk.f32 $0xffff, v8, v8  }
0xcb: {  	s14 =	sor.u32 s15, s14;
	v7 =	vmax.f32 v7, v11;
	v8 =	vmax.f32 v14, v10;
	v10, _, _ =	vpop (xrf1);
	(xrf1) =	vsort.ascd.msk.f32 $0xffff, v15, v15  }
0xcc: {  	v11 =	vld [tilespmem:s14+$0x0];
	v10 =	vmax.f32 v10, v12;
	v12 =	vmin.f32 v9, v8;
	v13, _, _ =	vpop (xrf1);
	(xrf1) =	vsort.ascd.msk.f32 $0xffff, v7, v7  }
0xcd: {  	v8 =	vmax.f32 v9, v8;
	v7 =	vld [tilespmem:s14+$0x10];
	v13 =	vmax.f32 v13, v16;
	(xrf1) =	vsort.ascd.msk.f32 $0xffff, v12, v12  }
0xce: {  	v4 =	vsel vm3, v6, v4;
	v9 =	vld [tilespmem:s14+$0x20];
	v14 =	vmin.f32 v10, v13;
	(xrf1) =	vsort.ascd.msk.f32 $0xffff, v8, v8  }
0xcf: {  	v5 =	vsel vm2, v6, v5;
	v15 =	vmax.f32 v10, v13;
	v8 =	vld [tilespmem:s14+$0x40];
	(xrf1) =	vsort.ascd.msk.f32 $0xffff, v14, v14;
	v12, _, _ =	vpop (xrf1)  }
0xd0: {  	v3 =	vsel vm1, v6, v3;
	v13 =	vld [tilespmem:s14+$0x400];
	(xrf1) =	vsort.ascd.msk.f32 $0xffff, v15, v15;
	v10, _, _ =	vpop (xrf1)  }
0xd1: {  	v6 =	vld [tilespmem:s14+$0x800];
	(xrf1) =	vsort.ascd.msk.f32 $0xffff, v11, v11;
	v11, _, _ =	vpop (xrf1)  }
0xd2: {  	v14 =	vld [tilespmem:s14+$0x30];
	(xrf1) =	vsort.ascd.msk.f32 $0xffff, v7, v7;
	v7, _, _ =	vpop (xrf1)  }
0xd3: {  	v15 =	vld [tilespmem:s14+$0x50];
	(xrf1) =	vsort.ascd.msk.f32 $0xffff, v9, v9;
	v9, _, _ =	vpop (xrf1)  }
0xd4: {  	(xrf1) =	vsort.ascd.msk.f32 $0xffff, v8, v8;
	v8, _, _ =	vpop (xrf1)  }
0xd5: {  	(xrf1) =	vsort.ascd.msk.f32 $0xffff, v13, v13;
	v13, _, _ =	vpop (xrf1)  }
0xd6: {  	(xrf1) =	vsort.ascd.msk.f32 $0xffff, v6, v6;
	v6 =	vperm.xlane v10, v1;
	v10 =	vperm.xlane v12, v1;
	v12, _, _ =	vpop (xrf1)  }
0xd7: {  	v9 =	vperm.xlane v9, v1;
	v8 =	vperm.xlane v8, v1;
	(xrf1) =	vsort.ascd.msk.f32 $0xffff, v14, v14;
	v14, _, _ =	vpop (xrf1)  }
0xd8: {  	v12 =	vperm.xlane v12, v1;
	(xrf1) =	vsort.ascd.msk.f32 $0xffff, v15, v15;
	v16 =	vperm.xlane v14, v1;
	v15, _, _ =	vpop (xrf1)  }
0xd9: {  	v7 =	vmax.f32 v7, v9;
	v8 =	vmax.f32 v11, v8;
	v17 =	vperm.xlane v15, v1;
	v11, _, _ =	vpop (xrf1)  }
0xda: {  	v13 =	vperm.xlane v13, v1;
	v15 =	vmin.f32 v8, v7;
	v11 =	vmax.f32 v11, v16;
	v14, _, _ =	vpop (xrf1)  }
0xdb: {  	v7 =	vmax.f32 v8, v7;
	v8 =	vmax.f32 v14, v17;
	v9, _, _ =	vpop (xrf1);
	(xrf1) =	vsort.ascd.msk.f32 $0xffff, v15, v15  }
0xdc: {  	v9 =	vmax.f32 v9, v12;
	v12 =	vmin.f32 v11, v8;
	v14, _, _ =	vpop (xrf1);
	(xrf1) =	vsort.ascd.msk.f32 $0xffff, v7, v7  }
0xdd: {  	v8 =	vmax.f32 v11, v8;
	v7 =	vmax.f32 v14, v13;
	v11, _, _ =	vpop (xrf1);
	(xrf1) =	vsort.ascd.msk.f32 $0xffff, v12, v12  }
0xde: {  	v12 =	vld [tilespmem:s14+$0x60];
	v11 =	vmax.f32 v11, v6;
	v13 =	vmin.f32 v9, v7;
	v14, _, _ =	vpop (xrf1);
	(xrf1) =	vsort.ascd.msk.f32 $0xffff, v8, v8  }
0xdf: {  	v7 =	vmax.f32 v9, v7;
	v15 =	vld [tilespmem:s14+$0x410];
	v6, _, _ =	vpop (xrf1);
	v10 =	vmax.f32 v14, v10;
	(xrf1) =	vsort.ascd.msk.f32 $0xffff, v13, v13  }
0xe0: {  	v9 =	vld [tilespmem:s14+$0x420];
	v8, _, _ =	vpop (xrf1);
	v13 =	vmin.f32 v11, v10;
	(xrf1) =	vsort.ascd.msk.f32 $0xffff, v7, v7  }
0xe1: {  	v7 =	vmax.f32 v11, v10;
	v14 =	vld [tilespmem:s14+$0x440];
	v21, _, _ =	vpop (xrf1);
	(xrf1) =	vsort.ascd.msk.f32 $0xffff, v13, v13  }
0xe2: {  	v10 =	vld [tilespmem:s14+$0x810];
	v17, _, _ =	vpop (xrf1);
	(xrf1) =	vsort.ascd.msk.f32 $0xffff, v7, v7  }
0xe3: {  	v11 =	vld [tilespmem:s14+$0x820];
	(xrf1) =	vsort.ascd.msk.f32 $0xffff, v12, v12;
	v19, _, _ =	vpop (xrf1)  }
0xe4: {  	v12 =	vld [tilespmem:s14+$0x840];
	(xrf1) =	vsort.ascd.msk.f32 $0xffff, v15, v15;
	v7, _, _ =	vpop (xrf1)  }
0xe5: {  	v13 =	vld [tilespmem:s14+$0xC00];
	v22, _, _ =	vpop (xrf1);
	(xrf1) =	vsort.ascd.msk.f32 $0xffff, v9, v9  }
0xe6: {  	v9 =	vld [tilespmem:s14+$0x70];
	v23, _, _ =	vpop (xrf1);
	(xrf1) =	vsort.ascd.msk.f32 $0xffff, v14, v14  }
0xe7: {  	v14 =	vld [tilespmem:s14+$0x430];
	(xrf1) =	vsort.ascd.msk.f32 $0xffff, v10, v10  }
0xe8: {  	v10 =	vld [tilespmem:s14+$0x450];
	(xrf1) =	vsort.ascd.msk.f32 $0xffff, v11, v11  }
0xe9: {  	v11 =	vld [tilespmem:s14+$0x460];
	(xrf1) =	vsort.ascd.msk.f32 $0xffff, v12, v12;
	v12, _, _ =	vpop (xrf1)  }
0xea: {  	(xrf1) =	vsort.ascd.msk.f32 $0xffff, v13, v13;
	v13, _, _ =	vpop (xrf1)  }
0xeb: {  	v15 =	vld [tilespmem:s14+$0x830];
	(xrf1) =	vsort.ascd.msk.f32 $0xffff, v9, v9;
	v9, _, _ =	vpop (xrf1)  }
0xec: {  	(xrf1) =	vsort.ascd.msk.f32 $0xffff, v14, v14;
	v14, _, _ =	vpop (xrf1)  }
0xed: {  	v9 =	vperm.xlane v9, v1;
	(xrf1) =	vsort.ascd.msk.f32 $0xffff, v10, v10;
	v10 =	vperm.xlane v14, v1;
	v14, _, _ =	vpop (xrf1)  }
0xee: {  	(xrf1) =	vsort.ascd.msk.f32 $0xffff, v11, v11;
	v11 =	vperm.xlane v13, v1;
	v13, _, _ =	vpop (xrf1)  }
0xef: {  	v12 =	vperm.xlane v12, v1;
	v10 =	vmax.f32 v14, v10;
	v9 =	vmax.f32 v13, v9;
	v13, _, _ =	vpop (xrf1)  }
0xf0: {  	v16 =	vld [tilespmem:s14+$0x850];
	(xrf1) =	vsort.ascd.msk.f32 $0xffff, v15, v15;
	v11 =	vmax.f32 v13, v11;
	v13 =	vmin.f32 v10, v9;
	v15, _, _ =	vpop (xrf1)  }
0xf1: {  	v9 =	vmax.f32 v10, v9;
	v18 =	vld [tilespmem:s14+$0x860];
	v14, _, _ =	vpop (xrf1);
	v12 =	vmax.f32 v15, v12;
	(xrf1) =	vsort.ascd.msk.f32 $0xffff, v13, v13  }
0xf2: {  	v13 =	vld [tilespmem:s14+$0xC10];
	v24, _, _ =	vpop (xrf1);
	v10 =	vmin.f32 v11, v12;
	(xrf1) =	vsort.ascd.msk.f32 $0xffff, v9, v9  }
0xf3: {  	v9 =	vmax.f32 v11, v12;
	v20 =	vld [tilespmem:s14+$0xC20];
	v15, _, _ =	vpop (xrf1);
	(xrf1) =	vsort.ascd.msk.f32 $0xffff, v10, v10  }
0xf4: {  	v25 =	vld [tilespmem:s14+$0xC40];
	v11, _, _ =	vpop (xrf1);
	(xrf1) =	vsort.ascd.msk.f32 $0xffff, v9, v9  }
0xf5: {  	v26 =	vld [tilespmem:s14+$0x470];
	v12, _, _ =	vpop (xrf1);
	(xrf1) =	vsort.ascd.msk.f32 $0xffff, v16, v16  }
0xf6: {  	v27 =	vld [tilespmem:s14+$0x870];
	v16, _, _ =	vpop (xrf1);
	(xrf1) =	vsort.ascd.msk.f32 $0xffff, v18, v18  }
0xf7: {  	v28 =	vld [tilespmem:s14+$0xC30];
	v10, _, _ =	vpop (xrf1);
	(xrf1) =	vsort.ascd.msk.f32 $0xffff, v13, v13  }
0xf8: {  	v29 =	vld [tilespmem:s14+$0xC50];
	v9, _, _ =	vpop (xrf1);
	(xrf1) =	vsort.ascd.msk.f32 $0xffff, v20, v20  }
0xf9: {  	v30 =	vld [tilespmem:s14+$0xC60];
	v31, _, _ =	vpop (xrf1);
	(xrf1) =	vsort.ascd.msk.f32 $0xffff, v25, v25  }
0xfa: {  	v25 =	vld [tilespmem:s14+$0xC70];
	v20, _, _ =	vpop (xrf1);
	(xrf1) =	vsort.ascd.msk.f32 $0xffff, v26, v26  }
0xfb: {  	v13, _, _ =	vpop (xrf1);
	(xrf1) =	vsort.ascd.msk.f32 $0xffff, v27, v27  }
0xfc: {  	v18, _, _ =	vpop (xrf1);
	(xrf1) =	vsort.ascd.msk.f32 $0xffff, v28, v28  }
0xfd: {  	v26 =	vperm.xlane v22, v1;
	(xrf1) =	vsort.ascd.msk.f32 $0xffff, v29, v29  }
0xfe: {  	v23 =	vperm.xlane v23, v1;
	v22, _, _ =	vpop (xrf1);
	(xrf1) =	vsort.ascd.msk.f32 $0xffff, v30, v30  }
0xff: {  	v24 =	vperm.xlane v24, v1;
	v28 =	vmin.f32 v21, v26;
	(xrf1) =	vsort.ascd.msk.f32 $0xffff, v25, v25;
	v25, _, _ =	vpop (xrf1)  }
0x100: {  	v21 =	vmax.f32 v21, v26;
	v29 =	vmin.f32 v17, v23;
	(xrf1) =	vsort.ascd.msk.f32 $0xffff, v28, v28;
	v27, _, _ =	vpop (xrf1)  }
.Ltmp0:
0x101: {  	v25 =	vperm.xlane v25, v1;
	(xrf1) =	vsort.ascd.msk.f32 $0xffff, v21, v21;
	v30 =	vperm.xlane v27, v1;
	v27, _, _ =	vpop (xrf1);
	(pc) =	sbr.rel @p0 .LBB2_2-.Ltmp0, $4  }
0x102: {  	v23 =	vmax.f32 v17, v23;
	v28 =	vmin.f32 v19, v24;
	(xrf1) =	vsort.ascd.msk.f32 $0xffff, v29, v29;
	v26, _, _ =	vpop (xrf1)  }
0x103: {  	v17, _, _ =	vpop (xrf1);
	(xrf1) =	vsort.ascd.msk.f32 $0xffff, v23, v23;
	v27 =	vmax.f32 v27, v30;
	v25 =	vmax.f32 v26, v25  }
0x104: {  	v23 =	vperm.xlane v31, v1;
	v21, _, _ =	vpop (xrf1);
	(xrf1) =	vsort.ascd.msk.f32 $0xffff, v28, v28;
	v25 =	vmin.f32 v27, v25  }
0x105: {  	s13 =	sadd.s32 $0x1, s13;
	v24 =	vmax.f32 v19, v24;
	v19, _, _ =	vpop (xrf1);
	(xrf1) =	vsort.ascd.msk.f32 $0xffff, v25, v25  }
0x106: {  	v25 =	vmin.f32 v14, v23;
	v20 =	vperm.xlane v20, v1;
	v26, _, _ =	vpop (xrf1);
	(xrf1) =	vsort.ascd.msk.f32 $0xffff, v24, v24  }
0x107: {  	v28 =	vmax.f32 v14, v23;
	v23, _, _ =	vpop (xrf1);
	(xrf1) =	vsort.ascd.msk.f32 $0xffff, v25, v25  }
0x108: {  	v22 =	vperm.xlane v22, v1;
	v29 =	vmin.f32 v15, v20;
	v30, _, _ =	vpop (xrf1);
	(xrf1) =	vsort.ascd.msk.f32 $0xffff, v28, v28  }
0x109: {  	v31 =	vmax.f32 v15, v20;
	v32, _, _ =	vpop (xrf1);
	(xrf1) =	vsort.ascd.msk.f32 $0xffff, v29, v29  }
0x10a: {  	v33 =	vmin.f32 v16, v22;
	v35 =	vperm.xlane v30, v1;
	v34, _, _ =	vpop (xrf1);
	(xrf1) =	vsort.ascd.msk.f32 $0xffff, v31, v31  }
0x10b: {  	v37 =	vmax.f32 v16, v22;
	v36, _, _ =	vpop (xrf1);
	(xrf1) =	vsort.ascd.msk.f32 $0xffff, v33, v33  }
0x10c: {  	v15 =	vperm.xlane v32, v1;
	v39 =	vmin.f32 v18, v35;
	v38, _, _ =	vpop (xrf1);
	(xrf1) =	vsort.ascd.msk.f32 $0xffff, v37, v37  }
0x10d: {  	v14 =	vmax.f32 v18, v35;
	v40, _, _ =	vpop (xrf1);
	(xrf1) =	vsort.ascd.msk.f32 $0xffff, v39, v39  }
0x10e: {  	v24 =	vperm.xlane v34, v1;
	v42 =	vmin.f32 v21, v15;
	v41, _, _ =	vpop (xrf1);
	(xrf1) =	vsort.ascd.msk.f32 $0xffff, v14, v14  }
0x10f: {  	v15 =	vmax.f32 v21, v15;
	v43, _, _ =	vpop (xrf1);
	(xrf1) =	vsort.ascd.msk.f32 $0xffff, v42, v42  }
0x110: {  	v47 =	vperm.xlane v8, v1;
	v44 =	vmin.f32 v26, v24;
	v21, _, _ =	vpop (xrf1);
	(xrf1) =	vsort.ascd.msk.f32 $0xffff, v15, v15  }
0x111: {  	v13 =	vperm.xlane v13, v1;
	v45 =	vperm.xlane v40, v1;
	v46, _, _ =	vpop (xrf1);
	(xrf1) =	vsort.ascd.msk.f32 $0xffff, v44, v44  }
0x112: {  	v12 =	vperm.xlane v12, v1;
	v17 =	vperm.xlane v17, v1;
	v24 =	vmax.f32 v26, v24;
	v48, _, _ =	vpop (xrf1)  }
0x113: {  	v19 =	vperm.xlane v19, v1;
	v49 =	vmax.f32 v38, v45;
	(xrf1) =	vsort.ascd.msk.f32 $0xffff, v24, v24;
	v8, _, _ =	vpop (xrf1)  }
0x114: {  	v51 =	vmin.f32 v11, v13;
	v15 =	vmin.f32 v38, v45;
	(xrf1) =	vsort.ascd.msk.f32 $0xffff, v49, v49;
	v50, _, _ =	vpop (xrf1)  }
0x115: {  	v53 =	vmax.f32 v11, v13;
	v56 =	vmin.f32 v6, v47;
	(xrf1) =	vsort.ascd.msk.f32 $0xffff, v15, v15;
	v52, _, _ =	vpop (xrf1)  }
0x116: {  	v27 =	vmin.f32 v10, v17;
	v57 =	vmax.f32 v6, v47;
	v55, _, _ =	vpop (xrf1);
	(xrf1) =	vsort.ascd.msk.f32 $0xffff, v51, v51  }
0x117: {  	v58 =	vmax.f32 v10, v17;
	v54 =	vperm.xlane v36, v1;
	v28, _, _ =	vpop (xrf1);
	(xrf1) =	vsort.ascd.msk.f32 $0xffff, v53, v53  }
0x118: {  	v60 =	vmin.f32 v7, v12;
	v63 =	vmax.f32 v7, v12;
	v59, _, _ =	vpop (xrf1);
	(xrf1) =	vsort.ascd.msk.f32 $0xffff, v27, v27  }
0x119: {  	v31 =	vmin.f32 v9, v19;
	v61 =	vmin.f32 v23, v54;
	v62, _, _ =	vpop (xrf1);
	(xrf1) =	vsort.ascd.msk.f32 $0xffff, v58, v58  }
0x11a: {  	v32 =	vmax.f32 v9, v19;
	v29 =	vmax.f32 v23, v54;
	v30, _, _ =	vpop (xrf1);
	(xrf1) =	vsort.ascd.msk.f32 $0xffff, v61, v61  }
0x11b: {  	v35 =	vperm.xlane v41, v1;
	v15 =	vperm.xlane v52, v1;
	v33, _, _ =	vpop (xrf1);
	(xrf1) =	vsort.ascd.msk.f32 $0xffff, v29, v29  }
0x11c: {  	v34 =	vperm.xlane v43, v1;
	v37 =	vperm.xlane v55, v1;
	v36, _, _ =	vpop (xrf1);
	(xrf1) =	vsort.ascd.msk.f32 $0xffff, v31, v31  }
0x11d: {  	v39 =	vperm.xlane v28, v1;
	v15 =	vmax.f32 v46, v15;
	v38, _, _ =	vpop (xrf1);
	(xrf1) =	vsort.ascd.msk.f32 $0xffff, v32, v32  }
0x11e: {  	v11 =	vperm.xlane v59, v1;
	v21 =	vmax.f32 v21, v37;
	v40, _, _ =	vpop (xrf1);
	(xrf1) =	vsort.ascd.msk.f32 $0xffff, v60, v60  }
0x11f: {  	v41 =	vperm.xlane v62, v1;
	v22 =	vmin.f32 v21, v15;
	v42, _, _ =	vpop (xrf1);
	(xrf1) =	vsort.ascd.msk.f32 $0xffff, v63, v63  }
0x120: {  	v15 =	vmax.f32 v21, v15;
	v20 =	vmax.f32 v50, v39;
	(xrf1) =	vsort.ascd.msk.f32 $0xffff, v56, v56  }
0x121: {  	v12 =	vperm.xlane v30, v1;
	v11 =	vmax.f32 v48, v11;
	v43, _, _ =	vpop (xrf1);
	(xrf1) =	vsort.ascd.msk.f32 $0xffff, v57, v57  }
0x122: {  	v19 =	vperm.xlane v33, v1;
	v48 =	vmin.f32 v11, v20;
	v18 =	vperm.xlane v36, v1;
	v44, _, _ =	vpop (xrf1)  }
0x123: {  	v11 =	vmax.f32 v11, v20;
	v13 =	vperm.xlane v38, v1;
	v9 =	vperm.xlane v40, v1;
	v45, _, _ =	vpop (xrf1)  }
0x124: {  	v17 =	vperm.xlane v42, v1;
	v7 =	vperm.xlane v43, v1;
	v46, _, _ =	vpop (xrf1);
	(xrf1) =	vsort.ascd.msk.f32 $0xffff, v22, v22  }
0x125: {  	v6 =	vperm.xlane v44, v1;
	v16 =	vperm.xlane v45, v1;
	v47, _, _ =	vpop (xrf1);
	(xrf1) =	vsort.ascd.msk.f32 $0xffff, v15, v15  }
0x126: {  	v18 =	vmax.f32 v46, v18;
	v49, _, _ =	vpop (xrf1);
	v19 =	vmax.f32 v47, v19;
	(xrf1) =	vsort.ascd.msk.f32 $0xffff, v48, v48  }
0x127: {  	v50, _, _ =	vpop (xrf1);
	v21 =	vmin.f32 v18, v19;
	v9 =	vmax.f32 v49, v9;
	(xrf1) =	vsort.ascd.msk.f32 $0xffff, v11, v11  }
0x128: {  	v52 =	vmax.f32 v18, v19;
	v51, _, _ =	vpop (xrf1);
	v13 =	vmax.f32 v50, v13;
	(xrf1) =	vsort.ascd.msk.f32 $0xffff, v21, v21  }
0x129: {  	v53, _, _ =	vpop (xrf1);
	v54 =	vmin.f32 v9, v13;
	v6 =	vmax.f32 v51, v6;
	(xrf1) =	vsort.ascd.msk.f32 $0xffff, v52, v52  }
0x12a: {  	v9 =	vmax.f32 v9, v13;
	v55 =	vmax.f32 v53, v16;
	v56, _, _ =	vpop (xrf1);
	(xrf1) =	vsort.ascd.msk.f32 $0xffff, v54, v54  }
0x12b: {  	v7 =	vmax.f32 v56, v7;
	v57 =	vmax.f32 v6, v55;
	v58, _, _ =	vpop (xrf1);
	(xrf1) =	vsort.ascd.msk.f32 $0xffff, v9, v9  }
0x12c: {  	v6 =	vmin.f32 v6, v55;
	v59 =	vmax.f32 v58, v17;
	v60, _, _ =	vpop (xrf1);
	(xrf1) =	vsort.ascd.msk.f32 $0xffff, v57, v57  }
0x12d: {  	v11 =	vmax.f32 v60, v12;
	v61 =	vmin.f32 v7, v59;
	v62, _, _ =	vpop (xrf1);
	(xrf1) =	vsort.ascd.msk.f32 $0xffff, v6, v6  }
0x12e: {  	v7 =	vmax.f32 v7, v59;
	v63 =	vmax.f32 v62, v41;
	v15, _, _ =	vpop (xrf1);
	(xrf1) =	vsort.ascd.msk.f32 $0xffff, v61, v61  }
0x12f: {  	v9 =	vmax.f32 v15, v34;
	v16 =	vmin.f32 v11, v63;
	v17, _, _ =	vpop (xrf1);
	(xrf1) =	vsort.ascd.msk.f32 $0xffff, v7, v7  }
0x130: {  	v6 =	vmax.f32 v11, v63;
	v18 =	vmax.f32 v17, v35;
	(xrf1) =	vsort.ascd.msk.f32 $0xffff, v16, v16  }
0x131: {  	v19 =	vmin.f32 v9, v18;
	(xrf1) =	vsort.ascd.msk.f32 $0xffff, v6, v6  }
0x132: {  	v20 =	vmax.f32 v9, v18;
	(xrf1) =	vsort.ascd.msk.f32 $0xffff, v19, v19;
	v21, _, _ =	vpop (xrf1)  }
0x133: {  	(xrf1) =	vsort.ascd.msk.f32 $0xffff, v20, v20;
	v22, _, _ =	vpop (xrf1)  }
0x134: {  	v23, _, _ =	vpop (xrf1)  }
0x135: {  	v24, _, _ =	vpop (xrf1)  }
0x136: {  	v25, _, _ =	vpop (xrf1)  }
0x137: {  	v26, _, _ =	vpop (xrf1)  }
0x138: {  	v27, _, _ =	vpop (xrf1)  }
0x139: {  	v11 =	vperm.xlane v25, v1;
	v28, _, _ =	vpop (xrf1)  }
0x13a: {  	v7 =	vperm.xlane v21, v1;
	v12 =	vperm.xlane v26, v1;
	v29, _, _ =	vpop (xrf1)  }
0x13b: {  	v6 =	vperm.xlane v22, v1;
	v10 =	vmax.f32 v24, v11;
	v13 =	vperm.xlane v27, v1;
	v30, _, _ =	vpop (xrf1)  }
0x13c: {  	v9 =	vmax.f32 v23, v12;
	v15 =	vperm.xlane v29, v1;
	v31 =	vperm.xlane v30, v1;
	v32, _, _ =	vpop (xrf1)  }
0x13d: {  	v14 =	vperm.xlane v28, v1;
	v33 =	vmin.f32 v9, v10;
	v9 =	vmax.f32 v9, v10;
	v34, _, _ =	vpop (xrf1)  }
0x13e: {  	(xrf1) =	vsort.ascd.msk.f32 $0xffff, v33, v33;
	v12 =	vmax.f32 v32, v15;
	v35 =	vmax.f32 v34, v31;
	v36, _, _ =	vpop (xrf1)  }
0x13f: {  	(xrf1) =	vsort.ascd.msk.f32 $0xffff, v9, v9;
	v11 =	vmax.f32 v36, v14;
	v37 =	vmin.f32 v12, v35;
	v38, _, _ =	vpop (xrf1)  }
0x140: {  	v10 =	vmax.f32 v12, v35;
	v39 =	vmax.f32 v38, v13;
	v40, _, _ =	vpop (xrf1);
	(xrf1) =	vsort.ascd.msk.f32 $0xffff, v37, v37  }
0x141: {  	v6 =	vmax.f32 v40, v6;
	v41 =	vmin.f32 v11, v39;
	v42, _, _ =	vpop (xrf1);
	(xrf1) =	vsort.ascd.msk.f32 $0xffff, v10, v10  }
0x142: {  	v9 =	vmax.f32 v11, v39;
	v7 =	vmax.f32 v42, v7;
	(xrf1) =	vsort.ascd.msk.f32 $0xffff, v41, v41  }
0x143: {  	v43 =	vmin.f32 v6, v7;
	(xrf1) =	vsort.ascd.msk.f32 $0xffff, v9, v9  }
0x144: {  	v6 =	vmax.f32 v6, v7;
	(xrf1) =	vsort.ascd.msk.f32 $0xffff, v43, v43  }
0x145: {  	(xrf1) =	vsort.ascd.msk.f32 $0xffff, v6, v6;
	_ =	sdelay $0x6  }
0x146: {  	v44, _, _ =	vpop (xrf1)  }
0x147: {  	v45, _, _ =	vpop (xrf1)  }
0x148: {  	v46, _, _ =	vpop (xrf1)  }
0x149: {  	v47, _, _ =	vpop (xrf1)  }
0x14a: {  	v9 =	vperm.xlane v46, v1;
	v10 =	vperm.xlane v47, v1;
	v48, _, _ =	vpop (xrf1)  }
0x14b: {  	v7 =	vperm.xlane v45, v1;
	v49, _, _ =	vpop (xrf1)  }
0x14c: {  	v6 =	vperm.xlane v44, v1;
	v10 =	vmax.f32 v48, v10;
	v9 =	vmax.f32 v49, v9;
	v50, _, _ =	vpop (xrf1)  }
0x14d: {  	v7 =	vmax.f32 v50, v7;
	v51 =	vmin.f32 v10, v9;
	v52, _, _ =	vpop (xrf1)  }
0x14e: {  	v9 =	vmax.f32 v10, v9;
	v6 =	vmax.f32 v52, v6;
	(xrf1) =	vsort.ascd.msk.f32 $0xffff, v51, v51  }
0x14f: {  	v53 =	vmin.f32 v7, v6;
	(xrf1) =	vsort.ascd.msk.f32 $0xffff, v9, v9  }
0x150: {  	v6 =	vmax.f32 v7, v6;
	(xrf1) =	vsort.ascd.msk.f32 $0xffff, v53, v53  }
0x151: {  	(xrf1) =	vsort.ascd.msk.f32 $0xffff, v6, v6;
	_ =	sdelay $0xa  }
0x152: {  	v54, _, _ =	vpop (xrf1)  }
0x153: {  	v55, _, _ =	vpop (xrf1)  }
0x154: {  	v6 =	vperm.xlane v54, v1;
	v7 =	vperm.xlane v55, v1;
	v56, _, _ =	vpop (xrf1)  }
0x155: {  	v57, _, _ =	vpop (xrf1)  }
0x156: {  	v7 =	vmax.f32 v56, v7;
	v6 =	vmax.f32 v57, v6  }
0x157: {  	v6 =	vmin.f32 v7, v6  }
0x158: {  	(xrf1) =	vsort.ascd.msk.f32 $0xffff, v6, v6;
	_ =	sdelay $0xb  }
0x159: {  	(xrf0) =	vmin.scan.msk.f32 $0xffff, v8;
	_ =	sdelay $0x1  }
0x15a: {  	s11 =	sand.u32 $0xF, s10;
	s29 =	sshrl.u32 s10, $0x4;
	vm1 =	vmmov vm0;
	vm3 =	vmmov vm0;
	v6, _, _ =	vpop (xrf1)  }
0x15b: {  	vm4 =	vmmov vm0;
	vm5 =	vmmov vm0;
	p0 =	seq.s32 s29, $0x3;
	p1 =	seq.s32 s29, $0x1;
	v58 =	vmov s11;
	(xrf0) =	vmin.scan.msk.f32 $0xffff, v6  }
0x15c: {  	p2 =	seq.s32 s29, $0x2;
	vm1 =	vmneg @p0 vm1;
	p0 =	seq.s32 s29, $0x0;
	vm4 =	vmneg @p1 vm4;
	vm2 =	veq.s32 v58, v0  }
0x15d: {  	vm5 =	vmneg @p2 vm5;
	vm3 =	vmneg @p0 vm3;
	vm1 =	vmand vm1, vm2  }
0x15e: {  	s30 =	sand.u32 $0xF, s9;
	s31 =	sshrl.u32 s9, $0x4;
	vm3 =	vmand vm3, vm2;
	vm4 =	vmand vm4, vm2;
	vm2 =	vmand vm5, vm2;
	v59, _, _ =	vpop (xrf0)  }
0x15f: {  	p1 =	seq.s32 s31, $0x1;
	v61 =	vmov s30;
	vm5 =	vmmov vm0;
	v60 =	vbroadcast v59, $0xF  }
0x160: {  	vm15 =	veq.s32 v61, v0;
	vm5 =	vmneg @p1 vm5  }
0x161: {  	p0 =	seq.s32 s31, $0x0;
	vm5 =	vmand vm5, vm15;
	v4 =	vsel vm3, v60, v4;
	vm3 =	vmmov vm0;
	v62, _, _ =	vpop (xrf0)  }
0x162: {  	v5 =	vsel vm4, v60, v5;
	vm3 =	vmneg @p0 vm3;
	v63 =	vbroadcast v62, $0xF  }
0x163: {  	v3 =	vsel vm2, v60, v3;
	vm2 =	vmmov vm0;
	p0 =	seq.s32 s31, $0x2;
	vm3 =	vmand vm3, vm15  }
0x164: {  	p1 =	seq.s32 s31, $0x3;
	vm2 =	vmneg @p0 vm2;
	v4 =	vsel vm3, v63, v4;
	vm3 =	vmmov vm0  }
0x165: {  	vm2 =	vmand vm2, vm15;
	v5 =	vsel vm5, v63, v5;
	vm3 =	vmneg @p1 vm3;
	[tilespmem:$0x8000] =	vst v4  }
0x166: {  	s8 =	sadd.s32 $0x1, s8;
	v2 =	vsel vm1, v60, v2;
	v3 =	vsel vm2, v63, v3;
	[tilespmem:$0x8010] =	vst v5;
	vm1 =	vmand vm3, vm15  }
0x167: {  	p0 =	sne.s32 s8, s5;
	[tilespmem:$0x8020] =	vst v3;
	v2 =	vsel vm1, v63, v2  }
.Ltmp1:
0x168: {  	[tilespmem:$0x8030] =	vst v2;
	(pc) =	sbr.rel @p0 .LBB2_1-.Ltmp1, $4  }
0x169: {  	[hbm4b:s4+s2] =	stream.linear.scatter [tilespmem:s7], [sflag:$0x1], $0x40, $0x38;
	[tilespmem:$0x8080] =	vst v63  }
0x16a: {  	_ =	swait.ge [sflag:s6], $0x40  }
0x16b: {  	[sflag:s6] =	ssyncset.done $0x0  }
0x16c: {  	[sflag:s6] =	ssyncadd.s32 $0xFFFFFFC0  }
0x16d: {  	_ =	sfence.sel $0x180000  }
0x16e: {  	[bflag:$0x0] =	sbarrier.arrive $0xFFFF  }
0x16f: {  	p0 =	sne.s32 s1, $0x0;
	_ =	strace $0x90000047  }
0x170: {  	s0 =	sadd.s32 @!p0 $0x100000, s0;
	[bflag:$0x2] =	sbarrier.arrive $0xFFFF  }
0x171: {  	[sflag:s0] =	ssyncadd.tile.s32 @!p0 $0x1;
	_ =	shalt  }
.Lfunc_end2:
_tile_overlayer_lowered:
.L_overlay_start_2:
0x172: {  	(tag) =	ssettag $0x2  }
0x173: {  	s0 =	rddreg [dreg:$0x0];
	s2 =	stileid.u32  }
0x174: {  	s1 =	rddreg [dreg:$0x1];
	p0 =	sne.s32 s2, $0x0  }
0x175: {  	s3 =	rddreg [dreg:$0x2];
	[bflag:$0x3] =	sbarrier.arrive $0xFFFF;
	s2 =	simm.s32 @!p0 $0x1C01  }
0x176: {  	[timem:s3], [sflag:s2] =	dma.local @!p0 [hbm:s0], s1  }
0x177: {  	s0 =	simm.s32 @!p0 $0x1  }
0x178: {  	_ =	swait.ge @!p0 [sflag:s0], s1  }
0x179: {  	s1 =	ssub.s32 @!p0 $0x0, s1;
	[sflag:s0] =	ssyncset.done @!p0 $0x0  }
0x17a: {  	[sflag:s0] =	ssyncadd.s32 @!p0 s1  }
0x17b: {  	[bflag:$0x3] =	sbarrier.arrive $0xFFFF  }
0x17c: {  	_ =	shalt  }

</sc_bundles>
